<compile_context>
chip_gen: v7x
topology: tpu7x:2x2x1
jax: 0.10.2.dev20260603
libtpu: 0.0.44.dev20260713+nightly
codegen_flags: <defaults>
</compile_context>

<pallas_src>
import functools

import jax
import jax.numpy as jnp
from jax import lax
from jax.experimental import pallas as pl
from jax.experimental.pallas import tpu as pltpu
from jax.experimental.pallas import tpu_sc as plsc

N = 10000
E = 320000
IN_CH = 128
OUT_CH = 128
H = 8
B = 4
A = 3
DH = 16
F = B * DH
FAN = H * B * A

BLK = 1000
NBLK = N // BLK

CHUNK = 4000
NCH = E // CHUNK
VPC = CHUNK // 16
EPT = E // 32
CCH = 2000
NEG = -3.4e38



def _prep_body(wf_ref, x_ref, o_ref):
    o_ref[...] = lax.dot_general(
        wf_ref[...], x_ref[...], (((0,), (1,)), ((), ())),
        preferred_element_type=jnp.float32)


def _prep(W_flat, x):
    return pl.pallas_call(
        _prep_body,
        out_shape=jax.ShapeDtypeStruct((F, N), jnp.float32),
    )(W_flat, x)



def _agg_body(flatT, srcv, dstv, outA, outM, outC,
              row0, row1, aA0, aA1, aM0, aM1, cntb, tmpi, tmpf, scr,
              spillS, spillD, scr2, spill2S, spill2D,
              sAs, sAd, sBs, sBd, semA, semB):
    wid = lax.axis_index("s") * 2 + lax.axis_index("c")
    f0 = wid * 2
    pltpu.sync_copy(flatT.at[f0], row0)
    pltpu.sync_copy(flatT.at[f0 + 1], row1)

    z16 = jnp.zeros((16,), jnp.float32)
    neg16 = jnp.full((16,), NEG, jnp.float32)

    def zbody(i, c):
        s = pl.ds(i * 16, 16)
        aA0[s] = z16
        aA1[s] = z16
        aM0[s] = neg16
        aM1[s] = neg16
        cntb[s] = z16
        return c
    lax.fori_loop(0, (N + 16) // 16, zbody, 0)

    iota16 = lax.iota(jnp.int32, 16)
    ones16 = jnp.ones((16,), jnp.bool_)
    onesf = jnp.ones((16,), jnp.float32)
    shifts = (1, 2, 4, 8)
    cdown = [jnp.maximum(iota16 - sh, 0) for sh in shifts]
    cge = [iota16 >= sh for sh in shifts]
    cup = jnp.minimum(iota16 + 1, 15)
    is15 = iota16 == 15

    def start(c, bs, bd, sem):
        pltpu.async_copy(srcv.at[pl.ds(c * CHUNK, CHUNK)], bs, sem)
        pltpu.async_copy(dstv.at[pl.ds(c * CHUNK, CHUNK)], bd, sem)

    def wait(c, bs, bd, sem):
        pltpu.make_async_copy(srcv.at[pl.ds(c * CHUNK, CHUNK)], bs, sem).wait()
        pltpu.make_async_copy(dstv.at[pl.ds(c * CHUNK, CHUNK)], bd, sem).wait()

    def group(bs, bd, base, ti, tf):
        src16 = bs[pl.ds(base, 16)]
        dst16 = bd[pl.ds(base, 16)]
        dst_s, order = plsc.sort_key_val(dst16, iota16)
        ti[...] = src16
        src_s = plsc.load_gather(ti, [order])
        ti[...] = dst_s
        masks = []
        for k in range(4):
            d_sh = plsc.load_gather(ti, [cdown[k]])
            masks.append((dst_s == d_sh) & cge[k])
        d_n = plsc.load_gather(ti, [cup])
        m_last = (dst_s != d_n) | is15
        idx_last = jnp.where(m_last, dst_s, N)
        for row, aA, aM in ((row0, aA0, aM0), (row1, aA1, aM1)):
            msg = plsc.load_gather(row, [src_s])
            w = msg
            u = msg
            for k in range(4):
                tf[...] = w
                t = plsc.load_gather(tf, [cdown[k]])
                w = jnp.where(masks[k], jnp.maximum(w, t), w)
                tf[...] = u
                t2 = plsc.load_gather(tf, [cdown[k]])
                u = u + jnp.where(masks[k], t2, 0.0)
            aa = plsc.load_gather(aA, [idx_last])
            plsc.store_scatter(aA, [idx_last], aa + u)
            old = plsc.load_gather(aM, [idx_last])
            plsc.store_scatter(aM, [idx_last], jnp.maximum(old, w))

    def phase1(bs, bd, base, sc, spS, spD, ptr):
        s = pl.ds(base, 16)
        src16 = bs[s]
        dst16 = bd[s]
        plsc.store_scatter(sc, [dst16], iota16)
        back = plsc.load_gather(sc, [dst16])
        win = back == iota16
        idx_w = jnp.where(win, dst16, N)
        for row, aA, aM in ((row0, aA0, aM0), (row1, aA1, aM1)):
            msg = plsc.load_gather(row, [src16])
            aa = plsc.load_gather(aA, [idx_w])
            plsc.store_scatter(aA, [idx_w], aa + msg)
            old = plsc.load_gather(aM, [idx_w])
            plsc.store_scatter(aM, [idx_w], jnp.maximum(old, msg))
        spill = jnp.logical_not(win)
        plsc.store_compressed(spS.at[pl.ds(ptr, 16)], src16, mask=spill)
        plsc.store_compressed(spD.at[pl.ds(ptr, 16)], dst16, mask=spill)
        return ptr + jnp.sum(jnp.where(spill, 1, 0))

    def process(bs, bd, c):
        def vbody(v, ptrs):
            pa = phase1(bs, bd, v * 32, scr, spillS, spillD, ptrs[0])
            pb = phase1(bs, bd, v * 32 + 16, scr2, spill2S, spill2D, ptrs[1])
            return (pa, pb)
        ptrA, ptrB = lax.fori_loop(0, VPC // 2, vbody, (0, 0))
        for spS, spD, ptr in ((spillS, spillD, ptrA),
                              (spill2S, spill2D, ptrB)):
            spS[pl.ds(ptr, 16)] = jnp.zeros((16,), jnp.int32)
            spD[pl.ds(ptr, 16)] = jnp.full((16,), N, jnp.int32)

            def sbody(g, carry):
                group(spS, spD, g * 16, tmpi, tmpf)
                return carry
            lax.fori_loop(0, (ptr + 15) // 16, sbody, 0)

    start(0, sAs, sAd, semA)

    def pbody(p, carry):
        c0 = 2 * p
        c1 = c0 + 1
        start(c1, sBs, sBd, semB)
        wait(c0, sAs, sAd, semA)
        process(sAs, sAd, c0)

        @pl.when(p < NCH // 2 - 1)
        def _():
            start(c0 + 2, sAs, sAd, semA)

        wait(c1, sBs, sBd, semB)
        process(sBs, sBd, c1)
        return carry
    lax.fori_loop(0, NCH // 2, pbody, 0)

    def cbody(i, carry):
        pltpu.sync_copy(dstv.at[pl.ds(wid * EPT + i * CCH, CCH)],
                        sAd.at[pl.ds(0, CCH)])

        def cvbody(v, c2):
            dst16 = sAd[pl.ds(v * 16, 16)]
            dst_s, _ = plsc.sort_key_val(dst16, iota16)
            tmpi[...] = dst_s
            masks = []
            for k in range(4):
                d_sh = plsc.load_gather(tmpi, [cdown[k]])
                masks.append((dst_s == d_sh) & cge[k])
            d_n = plsc.load_gather(tmpi, [cup])
            m_last = (dst_s != d_n) | is15
            idx_last = jnp.where(m_last, dst_s, N)
            u = onesf
            for k in range(4):
                tmpf[...] = u
                t2 = plsc.load_gather(tmpf, [cdown[k]])
                u = u + jnp.where(masks[k], t2, 0.0)
            cc = plsc.load_gather(cntb, [idx_last])
            plsc.store_scatter(cntb, [idx_last], cc + u)
            return c2
        lax.fori_loop(0, CCH // 16, cvbody, 0)
        return carry
    lax.fori_loop(0, EPT // CCH, cbody, 0)

    pltpu.sync_copy(aA0.at[pl.ds(0, N)], outA.at[f0])
    pltpu.sync_copy(aA1.at[pl.ds(0, N)], outA.at[f0 + 1])
    pltpu.sync_copy(aM0.at[pl.ds(0, N)], outM.at[f0])
    pltpu.sync_copy(aM1.at[pl.ds(0, N)], outM.at[f0 + 1])
    pltpu.sync_copy(cntb.at[pl.ds(0, N)], outC.at[wid])


def _make_agg():
    mesh = plsc.VectorSubcoreMesh(core_axis_name="c", subcore_axis_name="s")
    return pl.kernel(
        _agg_body,
        mesh=mesh,
        compiler_params=pltpu.CompilerParams(needs_layout_passes=False,
                                             use_tc_tiling_on_sc=False),
        out_type=(
            jax.ShapeDtypeStruct((F, N), jnp.float32),
            jax.ShapeDtypeStruct((F, N), jnp.float32),
            jax.ShapeDtypeStruct((32, N), jnp.float32),
        ),
        scratch_types=[
            pltpu.VMEM((N,), jnp.float32),
            pltpu.VMEM((N,), jnp.float32),
            pltpu.VMEM((N + 16,), jnp.float32),
            pltpu.VMEM((N + 16,), jnp.float32),
            pltpu.VMEM((N + 16,), jnp.float32),
            pltpu.VMEM((N + 16,), jnp.float32),
            pltpu.VMEM((N + 16,), jnp.float32),
            pltpu.VMEM((16,), jnp.int32),
            pltpu.VMEM((16,), jnp.float32),
            pltpu.VMEM((N,), jnp.int32),
            pltpu.VMEM((CHUNK + 16,), jnp.int32),
            pltpu.VMEM((CHUNK + 16,), jnp.int32),
            pltpu.VMEM((N,), jnp.int32),
            pltpu.VMEM((CHUNK + 16,), jnp.int32),
            pltpu.VMEM((CHUNK + 16,), jnp.int32),
            pltpu.VMEM((CHUNK,), jnp.int32),
            pltpu.VMEM((CHUNK,), jnp.int32),
            pltpu.VMEM((CHUNK,), jnp.int32),
            pltpu.VMEM((CHUNK,), jnp.int32),
            pltpu.SemaphoreType.DMA,
            pltpu.SemaphoreType.DMA,
        ],
    )



def _tx_body(addT_ref, maxT_ref, cntP_ref, add_ref, mx_ref, cnt_ref):
    r = lax.broadcasted_iota(jnp.int32, (F, F), 0)
    c = lax.broadcasted_iota(jnp.int32, (F, F), 1)
    eye = (r == c).astype(jnp.float32)
    dn = (((0,), (0,)), ((), ()))
    add_ref[...] = lax.dot_general(addT_ref[...], eye, dn,
                                   preferred_element_type=jnp.float32)
    mx_ref[...] = lax.dot_general(maxT_ref[...], eye, dn,
                                  preferred_element_type=jnp.float32)
    cnt_ref[...] = lax.dot_general(cntP_ref[...],
                                   jnp.ones((32, 1), jnp.float32), dn,
                                   preferred_element_type=jnp.float32)


def _tx(addT, maxT, cntP):
    return pl.pallas_call(
        _tx_body,
        out_shape=(
            jax.ShapeDtypeStruct((N, F), jnp.float32),
            jax.ShapeDtypeStruct((N, F), jnp.float32),
            jax.ShapeDtypeStruct((N, 1), jnp.float32),
        ),
    )(addT, maxT, cntP)



def _combine_body(x_ref, add_ref, max_ref, cnt_ref, cwT_ref, cb_ref,
                  bias_ref, o_ref):
    x = x_ref[...]
    logits = jnp.dot(x, cwT_ref[...], preferred_element_type=jnp.float32)
    logits = logits + cb_ref[...]
    m = jnp.max(logits, axis=1, keepdims=True)
    s = jnp.exp(logits - m)
    cnt = cnt_ref[...]
    add = add_ref[...]
    mean = add / jnp.maximum(cnt, 1.0)
    mx = jnp.where(cnt > 0.0, max_ref[...], 0.0)
    aggs = (add, mean, mx)

    def split(v):
        hi = v.astype(jnp.bfloat16)
        lo = (v - hi.astype(jnp.float32)).astype(jnp.bfloat16)
        return hi, lo

    def mm(hilo, m):
        hi, lo = hilo
        mb = m.astype(jnp.bfloat16)
        return (jnp.dot(hi, mb, preferred_element_type=jnp.float32)
                + jnp.dot(lo, mb, preferred_element_type=jnp.float32))

    jj = lax.broadcasted_iota(jnp.int32, (FAN, OUT_CH), 0)
    hd = lax.broadcasted_iota(jnp.int32, (FAN, OUT_CH), 1)
    fd = lax.broadcasted_iota(jnp.int32, (F, OUT_CH), 0)
    hd2 = lax.broadcasted_iota(jnp.int32, (F, OUT_CH), 1)
    sS = split(s)
    aS = [split(a) for a in aggs]
    den = mm(sS, ((jj // (B * A)) == (hd // DH)).astype(jnp.float32))
    z = jnp.zeros((BLK, OUT_CH), jnp.float32)
    for b in range(B):
        rb = ((fd == b * DH + hd2 % DH)).astype(jnp.float32)
        for a in range(A):
            pba = (jj == (hd // DH) * (B * A) + b * A + a)
            z = z + mm(sS, pba.astype(jnp.float32)) * mm(aS[a], rb)
    o_ref[...] = z / den + bias_ref[...]


def _combine(x, add, mx, cnt, cwT, cb, bias):
    return pl.pallas_call(
        _combine_body,
        grid=(NBLK,),
        in_specs=[
            pl.BlockSpec((BLK, IN_CH), lambda i: (i, 0)),
            pl.BlockSpec((BLK, F), lambda i: (i, 0)),
            pl.BlockSpec((BLK, F), lambda i: (i, 0)),
            pl.BlockSpec((BLK, 1), lambda i: (i, 0)),
            pl.BlockSpec((IN_CH, FAN), lambda i: (0, 0)),
            pl.BlockSpec((1, FAN), lambda i: (0, 0)),
            pl.BlockSpec((1, OUT_CH), lambda i: (0, 0)),
        ],
        out_specs=pl.BlockSpec((BLK, OUT_CH), lambda i: (i, 0)),
        out_shape=jax.ShapeDtypeStruct((N, OUT_CH), jnp.float32),
    )(x, add, mx, cnt, cwT, cb, bias)


def kernel(x, edge_index, W_bases, comb_W, comb_b, bias):
    ei = edge_index.astype(jnp.int32)
    src = ei[0]
    dst = ei[1]
    W_flat = jnp.transpose(W_bases, (1, 0, 2)).reshape(IN_CH, F)
    flatT = _prep(W_flat, x)
    aggAT, aggMT, cntP = _make_agg()(flatT, src, dst)
    add, mx, cnt = _tx(aggAT, aggMT, cntP)
    return _combine(x, add, mx, cnt, comb_W.T,
                    comb_b[None, :], bias[None, :])

# --- scband reference (transcript-rebuilt; emitter-appended) ---
"""Pipeline reference for scband-efficient-graph-conv-4398046511507 (READ-ONLY COPY).

The authoritative reference and input builder live on the scoring server;
editing this copy changes nothing except your own understanding.
"""

import jax, jax.numpy as jnp
import numpy as np

N_NODES = 10000
N_EDGES = 320000
IN_CH = 128
OUT_CH = 128
NUM_HEADS = 8
NUM_BASES = 4
NUM_AGGS = 3  # ['add', 'mean', 'max']
D_HEAD = OUT_CH // NUM_HEADS  # 16


def setup_inputs(seed: int = 0) -> dict:
    key = jax.random.key(seed)
    k_x, k_ei, k_wb, k_cw, k_cb = jax.random.split(key, 5)
    x = jax.random.normal(k_x, (N_NODES, IN_CH), dtype=jnp.float32)
    edge_index = jax.random.randint(k_ei, (2, N_EDGES), 0, N_NODES, dtype=jnp.int64)
    # glorot for bases weights [num_bases, in, out//heads]
    limit = np.sqrt(6.0 / (IN_CH + D_HEAD))
    W_bases = jax.random.uniform(k_wb, (NUM_BASES, IN_CH, D_HEAD), dtype=jnp.float32, minval=-limit, maxval=limit)
    # comb_weights: nn.Linear(in_channels, H*B*A)
    fan = NUM_HEADS * NUM_BASES * NUM_AGGS
    lim2 = np.sqrt(1.0 / IN_CH)
    comb_W = jax.random.uniform(k_cw, (fan, IN_CH), dtype=jnp.float32, minval=-lim2, maxval=lim2)
    comb_b = jax.random.uniform(k_cb, (fan,), dtype=jnp.float32, minval=-lim2, maxval=lim2)
    bias = jnp.zeros((OUT_CH,), dtype=jnp.float32)
    return {"x": x, "edge_index": edge_index, "W_bases": W_bases, "comb_W": comb_W, "comb_b": comb_b, "bias": bias}


def reference(x, edge_index, W_bases, comb_W, comb_b, bias):
    N = x.shape[0]
    src = edge_index[0]
    dst = edge_index[1]
    # bases: per-basis projection, [N, B, d_head] -> flattened [N, B*d_head]
    bases = jnp.einsum('ni,bio->nbo', x, W_bases)
    flat = bases.reshape(N, NUM_BASES * D_HEAD)
    # messages gathered at source nodes
    msgs = jnp.take(flat, src, axis=0)
    ones = jnp.ones((src.shape[0],), dtype=flat.dtype)
    cnt = jax.ops.segment_sum(ones, dst, num_segments=N)
    # aggregator: add
    agg_add = jax.ops.segment_sum(msgs, dst, num_segments=N)
    # aggregator: mean (PyG divides by count, clamp >=1)
    agg_mean = agg_add / jnp.maximum(cnt, 1.0)[:, None]
    # aggregator: max (empty segments -> 0, matching PyG fill)
    agg_max = jax.ops.segment_max(msgs, dst, num_segments=N)
    agg_max = jnp.where(cnt[:, None] > 0, agg_max, 0.0)
    # y: [N, num_bases, num_aggs, d_head]
    y = jnp.stack([a.reshape(N, NUM_BASES, D_HEAD) for a in (agg_add, agg_mean, agg_max)], axis=2)
    # combination weights with softmax over (num_bases * num_aggs)
    w = x @ comb_W.T + comb_b
    w = w.reshape(N, NUM_HEADS, NUM_BASES * NUM_AGGS)
    w = jax.nn.softmax(w, axis=-1)
    w = w.reshape(N, NUM_HEADS, NUM_BASES, NUM_AGGS, 1)
    z = (w * y[:, None, :, :, :]).sum(axis=(2, 3))  # [N, H, d_head]
    z = z.reshape(N, OUT_CH) + bias
    return z

if __name__ == "__main__":
    import jax
    _d = setup_inputs()
    print(jax.jit(kernel)(*tuple(_d.values())))

</pallas_src>

<mosaic_0001>
#map = affine_map<(d0, d1) -> (0, 0)>
#map1 = affine_map<(d0, d1) -> (0)>
module attributes {stable_mosaic.version = 14 : i64} {
  func.func @_agg_body(%arg0: i32, %arg1: i32, %arg2: memref<64x10000xf32, #tpu.memory_space<hbm>>, %arg3: memref<320000xi32, #tpu.memory_space<hbm>>, %arg4: memref<320000xi32, #tpu.memory_space<hbm>>, %arg5: memref<64x10000xf32, #tpu.memory_space<hbm>>, %arg6: memref<64x10000xf32, #tpu.memory_space<hbm>>, %arg7: memref<32x10000xf32, #tpu.memory_space<hbm>>, %arg8: memref<10000xf32, #tpu.memory_space<vmem>>, %arg9: memref<10000xf32, #tpu.memory_space<vmem>>, %arg10: memref<10016xf32, #tpu.memory_space<vmem>>, %arg11: memref<10016xf32, #tpu.memory_space<vmem>>, %arg12: memref<10016xf32, #tpu.memory_space<vmem>>, %arg13: memref<10016xf32, #tpu.memory_space<vmem>>, %arg14: memref<10016xf32, #tpu.memory_space<vmem>>, %arg15: memref<16xi32, #tpu.memory_space<vmem>>, %arg16: memref<16xf32, #tpu.memory_space<vmem>>, %arg17: memref<10000xi32, #tpu.memory_space<vmem>>, %arg18: memref<4016xi32, #tpu.memory_space<vmem>>, %arg19: memref<4016xi32, #tpu.memory_space<vmem>>, %arg20: memref<10000xi32, #tpu.memory_space<vmem>>, %arg21: memref<4016xi32, #tpu.memory_space<vmem>>, %arg22: memref<4016xi32, #tpu.memory_space<vmem>>, %arg23: memref<4000xi32, #tpu.memory_space<vmem>>, %arg24: memref<4000xi32, #tpu.memory_space<vmem>>, %arg25: memref<4000xi32, #tpu.memory_space<vmem>>, %arg26: memref<4000xi32, #tpu.memory_space<vmem>>, %arg27: memref<!tpu.dma_semaphore, #tpu.memory_space<semaphore_mem>>, %arg28: memref<!tpu.dma_semaphore, #tpu.memory_space<semaphore_mem>>) attributes {dimension_semantics = [#tpu.dimension_semantics<core_parallel>, #tpu.dimension_semantics<subcore_parallel>], iteration_bounds = array<i64: 2, 16>, scalar_prefetch = 0 : i64, scratch_operands = 21 : i64, tpu.core_type = #tpu.core_type<sc_vector_subcore>, window_params = [{transform_indices = #map}, {transform_indices = #map1}, {transform_indices = #map1}, {transform_indices = #map}, {transform_indices = #map}, {transform_indices = #map}]} {
    %mul3A = arith.constant 2 : i32
    %mul3A_0 = arith.muli %arg1, %mul3A : i32
    %add3A = arith.addi %mul3A_0, %arg0 : i32
    %mul3A_1 = arith.constant 2 : i32
    %mul3A_2 = arith.muli %add3A, %mul3A_1 : i32
    "tpu.region"() ({
      %run_scoped3A = tpu.sem_alloc : memref<!tpu.dma_semaphore, #tpu.memory_space<semaphore_mem>>
      %dma_start3A_80 = arith.constant 0 : i32
      %dma_start3A_81 = tpu.memref_slice %arg2[%mul3A_2, %dma_start3A_80] : memref<64x10000xf32, #tpu.memory_space<hbm>> -> memref<1x10000xf32, #tpu.memory_space<hbm>>
      %dma_start3A_82 = tpu.memref_squeeze %dma_start3A_81 : memref<1x10000xf32, #tpu.memory_space<hbm>> -> memref<10000xf32, #tpu.memory_space<hbm>>
      %dma_start3A_83 = arith.constant 0 : i32
      %dma_start3A_84 = tpu.memref_slice %arg2[%mul3A_2, %dma_start3A_83] : memref<64x10000xf32, #tpu.memory_space<hbm>> -> memref<1x10000xf32, #tpu.memory_space<hbm>>
      %dma_start3A_85 = tpu.memref_squeeze %dma_start3A_84 : memref<1x10000xf32, #tpu.memory_space<hbm>> -> memref<10000xf32, #tpu.memory_space<hbm>>
      tpu.enqueue_dma source(%dma_start3A_85 : memref<10000xf32, #tpu.memory_space<hbm>>) target(%arg8 : memref<10000xf32, #tpu.memory_space<vmem>>) target_semaphore(%run_scoped3A : memref<!tpu.dma_semaphore, #tpu.memory_space<semaphore_mem>>)
      %dma_wait3A = arith.constant 0 : i32
      %dma_wait3A_86 = tpu.memref_slice %arg2[%mul3A_2, %dma_wait3A] : memref<64x10000xf32, #tpu.memory_space<hbm>> -> memref<1x10000xf32, #tpu.memory_space<hbm>>
      %dma_wait3A_87 = tpu.memref_squeeze %dma_wait3A_86 : memref<1x10000xf32, #tpu.memory_space<hbm>> -> memref<10000xf32, #tpu.memory_space<hbm>>
      %dma_wait3A_88 = arith.constant 0 : i32
      %dma_wait3A_89 = tpu.memref_slice %arg2[%mul3A_2, %dma_wait3A_88] : memref<64x10000xf32, #tpu.memory_space<hbm>> -> memref<1x10000xf32, #tpu.memory_space<hbm>>
      %dma_wait3A_90 = tpu.memref_squeeze %dma_wait3A_89 : memref<1x10000xf32, #tpu.memory_space<hbm>> -> memref<10000xf32, #tpu.memory_space<hbm>>
      tpu.wait_dma2 semaphore(%run_scoped3A : memref<!tpu.dma_semaphore, #tpu.memory_space<semaphore_mem>>) src(%dma_wait3A_90 : memref<10000xf32, #tpu.memory_space<hbm>>) dst(%arg8 : memref<10000xf32, #tpu.memory_space<vmem>>)
      tpu.yield
    }) : () -> ()
    %add3A_3 = arith.constant 1 : i32
    %add3A_4 = arith.addi %mul3A_2, %add3A_3 : i32
    "tpu.region"() ({
      %run_scoped3A = tpu.sem_alloc : memref<!tpu.dma_semaphore, #tpu.memory_space<semaphore_mem>>
      %dma_start3A_80 = arith.constant 0 : i32
      %dma_start3A_81 = tpu.memref_slice %arg2[%add3A_4, %dma_start3A_80] : memref<64x10000xf32, #tpu.memory_space<hbm>> -> memref<1x10000xf32, #tpu.memory_space<hbm>>
      %dma_start3A_82 = tpu.memref_squeeze %dma_start3A_81 : memref<1x10000xf32, #tpu.memory_space<hbm>> -> memref<10000xf32, #tpu.memory_space<hbm>>
      %dma_start3A_83 = arith.constant 0 : i32
      %dma_start3A_84 = tpu.memref_slice %arg2[%add3A_4, %dma_start3A_83] : memref<64x10000xf32, #tpu.memory_space<hbm>> -> memref<1x10000xf32, #tpu.memory_space<hbm>>
      %dma_start3A_85 = tpu.memref_squeeze %dma_start3A_84 : memref<1x10000xf32, #tpu.memory_space<hbm>> -> memref<10000xf32, #tpu.memory_space<hbm>>
      tpu.enqueue_dma source(%dma_start3A_85 : memref<10000xf32, #tpu.memory_space<hbm>>) target(%arg9 : memref<10000xf32, #tpu.memory_space<vmem>>) target_semaphore(%run_scoped3A : memref<!tpu.dma_semaphore, #tpu.memory_space<semaphore_mem>>)
      %dma_wait3A = arith.constant 0 : i32
      %dma_wait3A_86 = tpu.memref_slice %arg2[%add3A_4, %dma_wait3A] : memref<64x10000xf32, #tpu.memory_space<hbm>> -> memref<1x10000xf32, #tpu.memory_space<hbm>>
      %dma_wait3A_87 = tpu.memref_squeeze %dma_wait3A_86 : memref<1x10000xf32, #tpu.memory_space<hbm>> -> memref<10000xf32, #tpu.memory_space<hbm>>
      %dma_wait3A_88 = arith.constant 0 : i32
      %dma_wait3A_89 = tpu.memref_slice %arg2[%add3A_4, %dma_wait3A_88] : memref<64x10000xf32, #tpu.memory_space<hbm>> -> memref<1x10000xf32, #tpu.memory_space<hbm>>
      %dma_wait3A_90 = tpu.memref_squeeze %dma_wait3A_89 : memref<1x10000xf32, #tpu.memory_space<hbm>> -> memref<10000xf32, #tpu.memory_space<hbm>>
      tpu.wait_dma2 semaphore(%run_scoped3A : memref<!tpu.dma_semaphore, #tpu.memory_space<semaphore_mem>>) src(%dma_wait3A_90 : memref<10000xf32, #tpu.memory_space<hbm>>) dst(%arg9 : memref<10000xf32, #tpu.memory_space<vmem>>)
      tpu.yield
    }) : () -> ()
    %broadcast_in_dim3A = arith.constant 0.000000e+00 : f32
    %broadcast_in_dim3A_5 = vector.broadcast %broadcast_in_dim3A : f32 to vector<16xf32>
    %broadcast_in_dim3A_6 = arith.constant -3.400000e+38 : f32
    %broadcast_in_dim3A_7 = vector.broadcast %broadcast_in_dim3A_6 : f32 to vector<16xf32>
    %scan3A = arith.constant 0 : i32
    %scan3A_8 = arith.constant 0 : i32
    %scan3A_9 = arith.constant 626 : i32
    %scan3A_10 = arith.addi %scan3A_8, %scan3A_9 : i32
    %scan3A_11 = arith.constant 1 : i32
    scf.for %scan3A_80 = %scan3A_8 to %scan3A_10 step %scan3A_11  : i32 {
      %mul3A_81 = arith.constant 16 : i32
      %mul3A_82 = arith.muli %scan3A_80, %mul3A_81 : i32
      %swap3A = arith.index_cast %mul3A_82 : i32 to index
      %swap3A_83 = tpu.vector_load %arg10[%swap3A] {strides = array<i32>} : memref<10016xf32, #tpu.memory_space<vmem>>, vector<16xf32>,
      tpu.vector_store %arg10[%swap3A], %broadcast_in_dim3A_5 {strides = array<i32>} : memref<10016xf32, #tpu.memory_space<vmem>>, vector<16xf32>,
      %swap3A_84 = arith.index_cast %mul3A_82 : i32 to index
      %swap3A_85 = tpu.vector_load %arg11[%swap3A_84] {strides = array<i32>} : memref<10016xf32, #tpu.memory_space<vmem>>, vector<16xf32>,
      tpu.vector_store %arg11[%swap3A_84], %broadcast_in_dim3A_5 {strides = array<i32>} : memref<10016xf32, #tpu.memory_space<vmem>>, vector<16xf32>,
      %swap3A_86 = arith.index_cast %mul3A_82 : i32 to index
      %swap3A_87 = tpu.vector_load %arg12[%swap3A_86] {strides = array<i32>} : memref<10016xf32, #tpu.memory_space<vmem>>, vector<16xf32>,
      tpu.vector_store %arg12[%swap3A_86], %broadcast_in_dim3A_7 {strides = array<i32>} : memref<10016xf32, #tpu.memory_space<vmem>>, vector<16xf32>,
      %swap3A_88 = arith.index_cast %mul3A_82 : i32 to index
      %swap3A_89 = tpu.vector_load %arg13[%swap3A_88] {strides = array<i32>} : memref<10016xf32, #tpu.memory_space<vmem>>, vector<16xf32>,
      tpu.vector_store %arg13[%swap3A_88], %broadcast_in_dim3A_7 {strides = array<i32>} : memref<10016xf32, #tpu.memory_space<vmem>>, vector<16xf32>,
      %swap3A_90 = arith.index_cast %mul3A_82 : i32 to index
      %swap3A_91 = tpu.vector_load %arg14[%swap3A_90] {strides = array<i32>} : memref<10016xf32, #tpu.memory_space<vmem>>, vector<16xf32>,
      tpu.vector_store %arg14[%swap3A_90], %broadcast_in_dim3A_5 {strides = array<i32>} : memref<10016xf32, #tpu.memory_space<vmem>>, vector<16xf32>,
    }
    %scan3A_12 = arith.constant 626 : i32
    %iota3A = tpu.iota {dimensions = array<i32: 0>} : vector<16xi32>
    %broadcast_in_dim3A_13 = arith.constant true
    %broadcast_in_dim3A_14 = vector.broadcast %broadcast_in_dim3A_13 : i1 to vector<16xi1>
    %broadcast_in_dim3A_15 = arith.constant 1.000000e+00 : f32
    %broadcast_in_dim3A_16 = vector.broadcast %broadcast_in_dim3A_15 : f32 to vector<16xf32>
    %sub3A = arith.constant 1 : i32
    %sub3A_17 = vector.broadcast %sub3A : i32 to vector<16xi32>
    %sub3A_18 = arith.subi %iota3A, %sub3A_17 : vector<16xi32>
    %max3A = arith.constant 0 : i32
    %max3A_19 = vector.broadcast %max3A : i32 to vector<16xi32>
    %max3A_20 = arith.maxsi %sub3A_18, %max3A_19 : vector<16xi32>
    %sub3A_21 = arith.constant 2 : i32
    %sub3A_22 = vector.broadcast %sub3A_21 : i32 to vector<16xi32>
    %sub3A_23 = arith.subi %iota3A, %sub3A_22 : vector<16xi32>
    %max3A_24 = arith.constant 0 : i32
    %max3A_25 = vector.broadcast %max3A_24 : i32 to vector<16xi32>
    %max3A_26 = arith.maxsi %sub3A_23, %max3A_25 : vector<16xi32>
    %sub3A_27 = arith.constant 4 : i32
    %sub3A_28 = vector.broadcast %sub3A_27 : i32 to vector<16xi32>
    %sub3A_29 = arith.subi %iota3A, %sub3A_28 : vector<16xi32>
    %max3A_30 = arith.constant 0 : i32
    %max3A_31 = vector.broadcast %max3A_30 : i32 to vector<16xi32>
    %max3A_32 = arith.maxsi %sub3A_29, %max3A_31 : vector<16xi32>
    %sub3A_33 = arith.constant 8 : i32
    %sub3A_34 = vector.broadcast %sub3A_33 : i32 to vector<16xi32>
    %sub3A_35 = arith.subi %iota3A, %sub3A_34 : vector<16xi32>
    %max3A_36 = arith.constant 0 : i32
    %max3A_37 = vector.broadcast %max3A_36 : i32 to vector<16xi32>
    %max3A_38 = arith.maxsi %sub3A_35, %max3A_37 : vector<16xi32>
    %ge3A = arith.constant 1 : i32
    %ge3A_39 = vector.broadcast %ge3A : i32 to vector<16xi32>
    %ge3A_40 = arith.cmpi sge, %iota3A, %ge3A_39 : vector<16xi32>
    %ge3A_41 = arith.constant 2 : i32
    %ge3A_42 = vector.broadcast %ge3A_41 : i32 to vector<16xi32>
    %ge3A_43 = arith.cmpi sge, %iota3A, %ge3A_42 : vector<16xi32>
    %ge3A_44 = arith.constant 4 : i32
    %ge3A_45 = vector.broadcast %ge3A_44 : i32 to vector<16xi32>
    %ge3A_46 = arith.cmpi sge, %iota3A, %ge3A_45 : vector<16xi32>
    %ge3A_47 = arith.constant 8 : i32
    %ge3A_48 = vector.broadcast %ge3A_47 : i32 to vector<16xi32>
    %ge3A_49 = arith.cmpi sge, %iota3A, %ge3A_48 : vector<16xi32>
    %add3A_50 = arith.constant 1 : i32
    %add3A_51 = vector.broadcast %add3A_50 : i32 to vector<16xi32>
    %add3A_52 = arith.addi %iota3A, %add3A_51 : vector<16xi32>
    %min3A = arith.constant 15 : i32
    %min3A_53 = vector.broadcast %min3A : i32 to vector<16xi32>
    %min3A_54 = arith.minsi %add3A_52, %min3A_53 : vector<16xi32>
    %eq3A = arith.constant 15 : i32
    %eq3A_55 = vector.broadcast %eq3A : i32 to vector<16xi32>
    %eq3A_56 = arith.cmpi eq, %iota3A, %eq3A_55 : vector<16xi32>
    %dma_start3A = arith.constant 0 : i32
    %dma_start3A_57 = tpu.memref_slice %arg3[%dma_start3A] : memref<320000xi32, #tpu.memory_space<hbm>> -> memref<4000xi32, #tpu.memory_space<hbm>>
    %dma_start3A_58 = arith.constant 0 : i32
    %dma_start3A_59 = tpu.memref_slice %arg3[%dma_start3A_58] : memref<320000xi32, #tpu.memory_space<hbm>> -> memref<4000xi32, #tpu.memory_space<hbm>>
    tpu.enqueue_dma source(%dma_start3A_59 : memref<4000xi32, #tpu.memory_space<hbm>>) target(%arg23 : memref<4000xi32, #tpu.memory_space<vmem>>) target_semaphore(%arg27 : memref<!tpu.dma_semaphore, #tpu.memory_space<semaphore_mem>>)
    %dma_start3A_60 = arith.constant 0 : i32
    %dma_start3A_61 = tpu.memref_slice %arg4[%dma_start3A_60] : memref<320000xi32, #tpu.memory_space<hbm>> -> memref<4000xi32, #tpu.memory_space<hbm>>
    %dma_start3A_62 = arith.constant 0 : i32
    %dma_start3A_63 = tpu.memref_slice %arg4[%dma_start3A_62] : memref<320000xi32, #tpu.memory_space<hbm>> -> memref<4000xi32, #tpu.memory_space<hbm>>
    tpu.enqueue_dma source(%dma_start3A_63 : memref<4000xi32, #tpu.memory_space<hbm>>) target(%arg24 : memref<4000xi32, #tpu.memory_space<vmem>>) target_semaphore(%arg27 : memref<!tpu.dma_semaphore, #tpu.memory_space<semaphore_mem>>)
    %scan3A_64 = arith.constant 0 : i32
    %scan3A_65 = arith.constant 0 : i32
    %scan3A_66 = arith.constant 40 : i32
    %scan3A_67 = arith.addi %scan3A_65, %scan3A_66 : i32
    %scan3A_68 = arith.constant 1 : i32
    scf.for %scan3A_80 = %scan3A_65 to %scan3A_67 step %scan3A_68  : i32 {
      %mul3A_81 = arith.constant 2 : i32
      %mul3A_82 = arith.muli %mul3A_81, %scan3A_80 : i32
      %add3A_83 = arith.constant 1 : i32
      %add3A_84 = arith.addi %mul3A_82, %add3A_83 : i32
      %mul3A_85 = arith.constant 4000 : i32
      %mul3A_86 = arith.muli %add3A_84, %mul3A_85 : i32
      %dma_start3A_87 = tpu.memref_slice %arg3[%mul3A_86] : memref<320000xi32, #tpu.memory_space<hbm>> -> memref<4000xi32, #tpu.memory_space<hbm>>
      %dma_start3A_88 = tpu.memref_slice %arg3[%mul3A_86] : memref<320000xi32, #tpu.memory_space<hbm>> -> memref<4000xi32, #tpu.memory_space<hbm>>
      tpu.enqueue_dma source(%dma_start3A_88 : memref<4000xi32, #tpu.memory_space<hbm>>) target(%arg25 : memref<4000xi32, #tpu.memory_space<vmem>>) target_semaphore(%arg28 : memref<!tpu.dma_semaphore, #tpu.memory_space<semaphore_mem>>)
      %mul3A_89 = arith.constant 4000 : i32
      %mul3A_90 = arith.muli %add3A_84, %mul3A_89 : i32
      %dma_start3A_91 = tpu.memref_slice %arg4[%mul3A_90] : memref<320000xi32, #tpu.memory_space<hbm>> -> memref<4000xi32, #tpu.memory_space<hbm>>
      %dma_start3A_92 = tpu.memref_slice %arg4[%mul3A_90] : memref<320000xi32, #tpu.memory_space<hbm>> -> memref<4000xi32, #tpu.memory_space<hbm>>
      tpu.enqueue_dma source(%dma_start3A_92 : memref<4000xi32, #tpu.memory_space<hbm>>) target(%arg26 : memref<4000xi32, #tpu.memory_space<vmem>>) target_semaphore(%arg28 : memref<!tpu.dma_semaphore, #tpu.memory_space<semaphore_mem>>)
      %mul3A_93 = arith.constant 4000 : i32
      %mul3A_94 = arith.muli %mul3A_82, %mul3A_93 : i32
      %dma_wait3A = tpu.memref_slice %arg3[%mul3A_94] : memref<320000xi32, #tpu.memory_space<hbm>> -> memref<4000xi32, #tpu.memory_space<hbm>>
      %dma_wait3A_95 = tpu.memref_slice %arg3[%mul3A_94] : memref<320000xi32, #tpu.memory_space<hbm>> -> memref<4000xi32, #tpu.memory_space<hbm>>
      tpu.wait_dma2 semaphore(%arg27 : memref<!tpu.dma_semaphore, #tpu.memory_space<semaphore_mem>>) src(%dma_wait3A_95 : memref<4000xi32, #tpu.memory_space<hbm>>) dst(%arg23 : memref<4000xi32, #tpu.memory_space<vmem>>)
      %mul3A_96 = arith.constant 4000 : i32
      %mul3A_97 = arith.muli %mul3A_82, %mul3A_96 : i32
      %dma_wait3A_98 = tpu.memref_slice %arg4[%mul3A_97] : memref<320000xi32, #tpu.memory_space<hbm>> -> memref<4000xi32, #tpu.memory_space<hbm>>
      %dma_wait3A_99 = tpu.memref_slice %arg4[%mul3A_97] : memref<320000xi32, #tpu.memory_space<hbm>> -> memref<4000xi32, #tpu.memory_space<hbm>>
      tpu.wait_dma2 semaphore(%arg27 : memref<!tpu.dma_semaphore, #tpu.memory_space<semaphore_mem>>) src(%dma_wait3A_99 : memref<4000xi32, #tpu.memory_space<hbm>>) dst(%arg24 : memref<4000xi32, #tpu.memory_space<vmem>>)
      %scan3A_100 = arith.constant 0 : i32
      %scan3A_101 = arith.constant 0 : i32
      %scan3A_102 = arith.constant 0 : i32
      %scan3A_103 = arith.constant 125 : i32
      %scan3A_104 = arith.addi %scan3A_102, %scan3A_103 : i32
      %scan3A_105 = arith.constant 1 : i32
      %scan3A_106:2 = scf.for %scan3A_293 = %scan3A_102 to %scan3A_104 step %scan3A_105 iter_args(%scan3A_294 = %scan3A_100, %scan3A_295 = %scan3A_101) -> (i32, i32)  : i32 {
        %mul3A_296 = arith.constant 32 : i32
        %mul3A_297 = arith.muli %scan3A_293, %mul3A_296 : i32
        %get3A = arith.index_cast %mul3A_297 : i32 to index
        %get3A_298 = tpu.vector_load %arg23[%get3A] {strides = array<i32>} : memref<4000xi32, #tpu.memory_space<vmem>>, vector<16xi32>,
        %get3A_299 = arith.index_cast %mul3A_297 : i32 to index
        %get3A_300 = tpu.vector_load %arg24[%get3A_299] {strides = array<i32>} : memref<4000xi32, #tpu.memory_space<vmem>>, vector<16xi32>,
        tpu.vector_store_idx %arg17[%get3A_300], %iota3A : memref<10000xi32, #tpu.memory_space<vmem>>[vector<16xi32>], vector<16xi32>,
        %gather3A = tpu.vector_load_idx %arg17[%get3A_300] : memref<10000xi32, #tpu.memory_space<vmem>>[vector<16xi32>], vector<16xi32>,
        %eq3A_301 = arith.cmpi eq, %gather3A, %iota3A : vector<16xi32>
        %jit3A_302 = arith.constant 10000 : i32
        %broadcast_in_dim3A_303 = vector.broadcast %jit3A_302 : i32 to vector<16xi32>
        %select_n3A_304 = arith.select %eq3A_301, %get3A_300, %broadcast_in_dim3A_303 : vector<16xi1>, vector<16xi32>
        %gather3A_305 = tpu.vector_load_idx %arg8[%get3A_298] : memref<10000xf32, #tpu.memory_space<vmem>>[vector<16xi32>], vector<16xf32>,
        %gather3A_306 = tpu.vector_load_idx %arg10[%select_n3A_304] : memref<10016xf32, #tpu.memory_space<vmem>>[vector<16xi32>], vector<16xf32>,
        %add3A_307 = arith.addf %gather3A_306, %gather3A_305 : vector<16xf32>
        tpu.vector_store_idx %arg10[%select_n3A_304], %add3A_307 : memref<10016xf32, #tpu.memory_space<vmem>>[vector<16xi32>], vector<16xf32>,
        %gather3A_308 = tpu.vector_load_idx %arg12[%select_n3A_304] : memref<10016xf32, #tpu.memory_space<vmem>>[vector<16xi32>], vector<16xf32>,
        %max3A_309 = arith.maximumf %gather3A_308, %gather3A_305 : vector<16xf32>
        tpu.vector_store_idx %arg12[%select_n3A_304], %max3A_309 : memref<10016xf32, #tpu.memory_space<vmem>>[vector<16xi32>], vector<16xf32>,
        %gather3A_310 = tpu.vector_load_idx %arg9[%get3A_298] : memref<10000xf32, #tpu.memory_space<vmem>>[vector<16xi32>], vector<16xf32>,
        %gather3A_311 = tpu.vector_load_idx %arg11[%select_n3A_304] : memref<10016xf32, #tpu.memory_space<vmem>>[vector<16xi32>], vector<16xf32>,
        %add3A_312 = arith.addf %gather3A_311, %gather3A_310 : vector<16xf32>
        tpu.vector_store_idx %arg11[%select_n3A_304], %add3A_312 : memref<10016xf32, #tpu.memory_space<vmem>>[vector<16xi32>], vector<16xf32>,
        %gather3A_313 = tpu.vector_load_idx %arg13[%select_n3A_304] : memref<10016xf32, #tpu.memory_space<vmem>>[vector<16xi32>], vector<16xf32>,
        %max3A_314 = arith.maximumf %gather3A_313, %gather3A_310 : vector<16xf32>
        tpu.vector_store_idx %arg13[%select_n3A_304], %max3A_314 : memref<10016xf32, #tpu.memory_space<vmem>>[vector<16xi32>], vector<16xf32>,
        %not3A = arith.constant dense<true> : vector<16xi1>
        %not3A_315 = arith.xori %eq3A_301, %not3A : vector<16xi1>
        %swap3A_316 = arith.index_cast %scan3A_294 : i32 to index
        %swap3A_317 = tpu.vector_load %arg18[%swap3A_316] masked %not3A_315 {strides = array<i32>} : memref<4016xi32, #tpu.memory_space<vmem>>, vector<16xi32>, vector<16xi1>
        tpu.vector_store %arg18[%swap3A_316], %get3A_298 masked %not3A_315 {strides = array<i32>} : memref<4016xi32, #tpu.memory_space<vmem>>, vector<16xi32>, vector<16xi1>
        %swap3A_318 = arith.index_cast %scan3A_294 : i32 to index
        %swap3A_319 = tpu.vector_load %arg19[%swap3A_318] masked %not3A_315 {strides = array<i32>} : memref<4016xi32, #tpu.memory_space<vmem>>, vector<16xi32>, vector<16xi1>
        tpu.vector_store %arg19[%swap3A_318], %get3A_300 masked %not3A_315 {strides = array<i32>} : memref<4016xi32, #tpu.memory_space<vmem>>, vector<16xi32>, vector<16xi1>
        %jit3A_320 = arith.constant 1 : i32
        %jit3A_321 = arith.constant 0 : i32
        %broadcast_in_dim3A_322 = vector.broadcast %jit3A_320 : i32 to vector<16xi32>
        %broadcast_in_dim3A_323 = vector.broadcast %jit3A_321 : i32 to vector<16xi32>
        %select_n3A_324 = arith.select %not3A_315, %broadcast_in_dim3A_322, %broadcast_in_dim3A_323 : vector<16xi1>, vector<16xi32>
        %reduce_sum3A = arith.constant true
        %reduce_sum3A_325 = vector.broadcast %reduce_sum3A : i1 to vector<16xi1>
        %reduce_sum3A_326 = tpu.scan <sum>, %select_n3A_324 masked %reduce_sum3A_325 : vector<16xi32>, vector<16xi1> -> vector<16xi32>
        %reduce_sum3A_327 = vector.extract %reduce_sum3A_326[15] : i32 from vector<16xi32>
        %add3A_328 = arith.addi %scan3A_294, %reduce_sum3A_327 : i32
        %mul3A_329 = arith.constant 32 : i32
        %mul3A_330 = arith.muli %scan3A_293, %mul3A_329 : i32
        %add3A_331 = arith.constant 16 : i32
        %add3A_332 = arith.addi %mul3A_330, %add3A_331 : i32
        %get3A_333 = arith.index_cast %add3A_332 : i32 to index
        %get3A_334 = tpu.vector_load %arg23[%get3A_333] {strides = array<i32>} : memref<4000xi32, #tpu.memory_space<vmem>>, vector<16xi32>,
        %get3A_335 = arith.index_cast %add3A_332 : i32 to index
        %get3A_336 = tpu.vector_load %arg24[%get3A_335] {strides = array<i32>} : memref<4000xi32, #tpu.memory_space<vmem>>, vector<16xi32>,
        tpu.vector_store_idx %arg20[%get3A_336], %iota3A : memref<10000xi32, #tpu.memory_space<vmem>>[vector<16xi32>], vector<16xi32>,
        %gather3A_337 = tpu.vector_load_idx %arg20[%get3A_336] : memref<10000xi32, #tpu.memory_space<vmem>>[vector<16xi32>], vector<16xi32>,
        %eq3A_338 = arith.cmpi eq, %gather3A_337, %iota3A : vector<16xi32>
        %jit3A_339 = arith.constant 10000 : i32
        %broadcast_in_dim3A_340 = vector.broadcast %jit3A_339 : i32 to vector<16xi32>
        %select_n3A_341 = arith.select %eq3A_338, %get3A_336, %broadcast_in_dim3A_340 : vector<16xi1>, vector<16xi32>
        %gather3A_342 = tpu.vector_load_idx %arg8[%get3A_334] : memref<10000xf32, #tpu.memory_space<vmem>>[vector<16xi32>], vector<16xf32>,
        %gather3A_343 = tpu.vector_load_idx %arg10[%select_n3A_341] : memref<10016xf32, #tpu.memory_space<vmem>>[vector<16xi32>], vector<16xf32>,
        %add3A_344 = arith.addf %gather3A_343, %gather3A_342 : vector<16xf32>
        tpu.vector_store_idx %arg10[%select_n3A_341], %add3A_344 : memref<10016xf32, #tpu.memory_space<vmem>>[vector<16xi32>], vector<16xf32>,
        %gather3A_345 = tpu.vector_load_idx %arg12[%select_n3A_341] : memref<10016xf32, #tpu.memory_space<vmem>>[vector<16xi32>], vector<16xf32>,
        %max3A_346 = arith.maximumf %gather3A_345, %gather3A_342 : vector<16xf32>
        tpu.vector_store_idx %arg12[%select_n3A_341], %max3A_346 : memref<10016xf32, #tpu.memory_space<vmem>>[vector<16xi32>], vector<16xf32>,
        %gather3A_347 = tpu.vector_load_idx %arg9[%get3A_334] : memref<10000xf32, #tpu.memory_space<vmem>>[vector<16xi32>], vector<16xf32>,
        %gather3A_348 = tpu.vector_load_idx %arg11[%select_n3A_341] : memref<10016xf32, #tpu.memory_space<vmem>>[vector<16xi32>], vector<16xf32>,
        %add3A_349 = arith.addf %gather3A_348, %gather3A_347 : vector<16xf32>
        tpu.vector_store_idx %arg11[%select_n3A_341], %add3A_349 : memref<10016xf32, #tpu.memory_space<vmem>>[vector<16xi32>], vector<16xf32>,
        %gather3A_350 = tpu.vector_load_idx %arg13[%select_n3A_341] : memref<10016xf32, #tpu.memory_space<vmem>>[vector<16xi32>], vector<16xf32>,
        %max3A_351 = arith.maximumf %gather3A_350, %gather3A_347 : vector<16xf32>
        tpu.vector_store_idx %arg13[%select_n3A_341], %max3A_351 : memref<10016xf32, #tpu.memory_space<vmem>>[vector<16xi32>], vector<16xf32>,
        %not3A_352 = arith.constant dense<true> : vector<16xi1>
        %not3A_353 = arith.xori %eq3A_338, %not3A_352 : vector<16xi1>
        %swap3A_354 = arith.index_cast %scan3A_295 : i32 to index
        %swap3A_355 = tpu.vector_load %arg21[%swap3A_354] masked %not3A_353 {strides = array<i32>} : memref<4016xi32, #tpu.memory_space<vmem>>, vector<16xi32>, vector<16xi1>
        tpu.vector_store %arg21[%swap3A_354], %get3A_334 masked %not3A_353 {strides = array<i32>} : memref<4016xi32, #tpu.memory_space<vmem>>, vector<16xi32>, vector<16xi1>
        %swap3A_356 = arith.index_cast %scan3A_295 : i32 to index
        %swap3A_357 = tpu.vector_load %arg22[%swap3A_356] masked %not3A_353 {strides = array<i32>} : memref<4016xi32, #tpu.memory_space<vmem>>, vector<16xi32>, vector<16xi1>
        tpu.vector_store %arg22[%swap3A_356], %get3A_336 masked %not3A_353 {strides = array<i32>} : memref<4016xi32, #tpu.memory_space<vmem>>, vector<16xi32>, vector<16xi1>
        %jit3A_358 = arith.constant 1 : i32
        %jit3A_359 = arith.constant 0 : i32
        %broadcast_in_dim3A_360 = vector.broadcast %jit3A_358 : i32 to vector<16xi32>
        %broadcast_in_dim3A_361 = vector.broadcast %jit3A_359 : i32 to vector<16xi32>
        %select_n3A_362 = arith.select %not3A_353, %broadcast_in_dim3A_360, %broadcast_in_dim3A_361 : vector<16xi1>, vector<16xi32>
        %reduce_sum3A_363 = arith.constant true
        %reduce_sum3A_364 = vector.broadcast %reduce_sum3A_363 : i1 to vector<16xi1>
        %reduce_sum3A_365 = tpu.scan <sum>, %select_n3A_362 masked %reduce_sum3A_364 : vector<16xi32>, vector<16xi1> -> vector<16xi32>
        %reduce_sum3A_366 = vector.extract %reduce_sum3A_365[15] : i32 from vector<16xi32>
        %add3A_367 = arith.addi %scan3A_295, %reduce_sum3A_366 : i32
        scf.yield %add3A_328, %add3A_367 : i32, i32
      }
      %scan3A_107 = arith.constant 125 : i32
      %broadcast_in_dim3A_108 = arith.constant 0 : i32
      %broadcast_in_dim3A_109 = vector.broadcast %broadcast_in_dim3A_108 : i32 to vector<16xi32>
      %swap3A = arith.index_cast %scan3A_106#0 : i32 to index
      %swap3A_110 = tpu.vector_load %arg18[%swap3A] {strides = array<i32>} : memref<4016xi32, #tpu.memory_space<vmem>>, vector<16xi32>,
      tpu.vector_store %arg18[%swap3A], %broadcast_in_dim3A_109 {strides = array<i32>} : memref<4016xi32, #tpu.memory_space<vmem>>, vector<16xi32>,
      %broadcast_in_dim3A_111 = arith.constant 10000 : i32
      %broadcast_in_dim3A_112 = vector.broadcast %broadcast_in_dim3A_111 : i32 to vector<16xi32>
      %swap3A_113 = arith.index_cast %scan3A_106#0 : i32 to index
      %swap3A_114 = tpu.vector_load %arg19[%swap3A_113] {strides = array<i32>} : memref<4016xi32, #tpu.memory_space<vmem>>, vector<16xi32>,
      tpu.vector_store %arg19[%swap3A_113], %broadcast_in_dim3A_112 {strides = array<i32>} : memref<4016xi32, #tpu.memory_space<vmem>>, vector<16xi32>,
      %add3A_115 = arith.constant 15 : i32
      %add3A_116 = arith.addi %scan3A_106#0, %add3A_115 : i32
      %jit3A = arith.constant 16 : i32
      %div3A = arith.divsi %add3A_116, %jit3A : i32
      %sign3A = arith.constant 0 : i32
      %sign3A_117 = arith.cmpi sgt, %add3A_116, %sign3A : i32
      %sign3A_118 = arith.extui %sign3A_117 : i1 to i32
      %sign3A_119 = arith.constant 0 : i32
      %sign3A_120 = arith.cmpi slt, %add3A_116, %sign3A_119 : i32
      %sign3A_121 = arith.extui %sign3A_120 : i1 to i32
      %sign3A_122 = arith.subi %sign3A_118, %sign3A_121 : i32
      %sign3A_123 = arith.constant 0 : i32
      %sign3A_124 = arith.cmpi sgt, %jit3A, %sign3A_123 : i32
      %sign3A_125 = arith.extui %sign3A_124 : i1 to i32
      %sign3A_126 = arith.constant 0 : i32
      %sign3A_127 = arith.cmpi slt, %jit3A, %sign3A_126 : i32
      %sign3A_128 = arith.extui %sign3A_127 : i1 to i32
      %sign3A_129 = arith.subi %sign3A_125, %sign3A_128 : i32
      %ne3A = arith.cmpi ne, %sign3A_122, %sign3A_129 : i32
      %rem3A = arith.remsi %add3A_116, %jit3A : i32
      %ne3A_130 = arith.constant 0 : i32
      %ne3A_131 = arith.cmpi ne, %rem3A, %ne3A_130 : i32
      %and3A = arith.andi %ne3A, %ne3A_131 : i1
      %sub3A_132 = arith.constant 1 : i32
      %sub3A_133 = arith.subi %div3A, %sub3A_132 : i32
      %select_n3A = arith.select %and3A, %sub3A_133, %div3A : i32
      %while3A = arith.constant 0 : i32
      %while3A_134 = arith.constant 0 : i32
      %while3A_135 = arith.subi %select_n3A, %while3A_134 : i32
      %while3A_136 = arith.addi %while3A_134, %while3A_135 : i32
      %while3A_137 = arith.constant 1 : i32
      %while3A_138 = arith.divsi %while3A_135, %while3A_137 : i32
      %while3A_139 = arith.muli %while3A_138, %while3A_137 : i32
      %while3A_140 = arith.addi %while3A_134, %while3A_139 : i32
      %while3A_141 = arith.constant 1 : i32
      scf.for %while3A_293 = %while3A_134 to %while3A_140 step %while3A_141  : i32 {
        %mul3A_294 = arith.constant 16 : i32
        %mul3A_295 = arith.muli %while3A_293, %mul3A_294 : i32
        %get3A = arith.index_cast %mul3A_295 : i32 to index
        %get3A_296 = tpu.vector_load %arg18[%get3A] {strides = array<i32>} : memref<4016xi32, #tpu.memory_space<vmem>>, vector<16xi32>,
        %get3A_297 = arith.index_cast %mul3A_295 : i32 to index
        %get3A_298 = tpu.vector_load %arg19[%get3A_297] {strides = array<i32>} : memref<4016xi32, #tpu.memory_space<vmem>>, vector<16xi32>,
        %masked_sort3A = arith.constant dense<true> : vector<16xi1>
        %masked_sort3A_299 = arith.constant -2147483648 : i32
        %masked_sort3A_300 = vector.broadcast %masked_sort3A_299 : i32 to vector<16xi32>
        %masked_sort3A_301 = arith.xori %get3A_298, %masked_sort3A_300 : vector<16xi32>
        %masked_sort3A_302, %masked_sort3A_303, %masked_sort3A_304 = tpu.sort %masked_sort3A_301, %iota3A masked %masked_sort3A : (vector<16xi32>, vector<16xi32>, vector<16xi1>) -> (vector<16xi1>, vector<16xi32>, vector<16xi32>)
        %masked_sort3A_305 = arith.xori %masked_sort3A_303, %masked_sort3A_300 : vector<16xi32>
        %swap3A_306 = arith.constant 0 : index
        %swap3A_307 = tpu.vector_load %arg15[%swap3A_306] {strides = array<i32>} : memref<16xi32, #tpu.memory_space<vmem>>, vector<16xi32>,
        tpu.vector_store %arg15[%swap3A_306], %get3A_296 {strides = array<i32>} : memref<16xi32, #tpu.memory_space<vmem>>, vector<16xi32>,
        %gather3A = tpu.vector_load_idx %arg15[%masked_sort3A_304] : memref<16xi32, #tpu.memory_space<vmem>>[vector<16xi32>], vector<16xi32>,
        %swap3A_308 = arith.constant 0 : index
        %swap3A_309 = tpu.vector_load %arg15[%swap3A_308] {strides = array<i32>} : memref<16xi32, #tpu.memory_space<vmem>>, vector<16xi32>,
        tpu.vector_store %arg15[%swap3A_308], %masked_sort3A_305 {strides = array<i32>} : memref<16xi32, #tpu.memory_space<vmem>>, vector<16xi32>,
        %gather3A_310 = tpu.vector_load_idx %arg15[%max3A_20] : memref<16xi32, #tpu.memory_space<vmem>>[vector<16xi32>], vector<16xi32>,
        %eq3A_311 = arith.cmpi eq, %masked_sort3A_305, %gather3A_310 : vector<16xi32>
        %and3A_312 = arith.andi %eq3A_311, %ge3A_40 : vector<16xi1>
        %gather3A_313 = tpu.vector_load_idx %arg15[%max3A_26] : memref<16xi32, #tpu.memory_space<vmem>>[vector<16xi32>], vector<16xi32>,
        %eq3A_314 = arith.cmpi eq, %masked_sort3A_305, %gather3A_313 : vector<16xi32>
        %and3A_315 = arith.andi %eq3A_314, %ge3A_43 : vector<16xi1>
        %gather3A_316 = tpu.vector_load_idx %arg15[%max3A_32] : memref<16xi32, #tpu.memory_space<vmem>>[vector<16xi32>], vector<16xi32>,
        %eq3A_317 = arith.cmpi eq, %masked_sort3A_305, %gather3A_316 : vector<16xi32>
        %and3A_318 = arith.andi %eq3A_317, %ge3A_46 : vector<16xi1>
        %gather3A_319 = tpu.vector_load_idx %arg15[%max3A_38] : memref<16xi32, #tpu.memory_space<vmem>>[vector<16xi32>], vector<16xi32>,
        %eq3A_320 = arith.cmpi eq, %masked_sort3A_305, %gather3A_319 : vector<16xi32>
        %and3A_321 = arith.andi %eq3A_320, %ge3A_49 : vector<16xi1>
        %gather3A_322 = tpu.vector_load_idx %arg15[%min3A_54] : memref<16xi32, #tpu.memory_space<vmem>>[vector<16xi32>], vector<16xi32>,
        %ne3A_323 = arith.cmpi ne, %masked_sort3A_305, %gather3A_322 : vector<16xi32>
        %or3A = arith.ori %ne3A_323, %eq3A_56 : vector<16xi1>
        %jit3A_324 = arith.constant 10000 : i32
        %broadcast_in_dim3A_325 = vector.broadcast %jit3A_324 : i32 to vector<16xi32>
        %select_n3A_326 = arith.select %or3A, %masked_sort3A_305, %broadcast_in_dim3A_325 : vector<16xi1>, vector<16xi32>
        %gather3A_327 = tpu.vector_load_idx %arg8[%gather3A] : memref<10000xf32, #tpu.memory_space<vmem>>[vector<16xi32>], vector<16xf32>,
        %swap3A_328 = arith.constant 0 : index
        %swap3A_329 = tpu.vector_load %arg16[%swap3A_328] {strides = array<i32>} : memref<16xf32, #tpu.memory_space<vmem>>, vector<16xf32>,
        tpu.vector_store %arg16[%swap3A_328], %gather3A_327 {strides = array<i32>} : memref<16xf32, #tpu.memory_space<vmem>>, vector<16xf32>,
        %gather3A_330 = tpu.vector_load_idx %arg16[%max3A_20] : memref<16xf32, #tpu.memory_space<vmem>>[vector<16xi32>], vector<16xf32>,
        %max3A_331 = arith.maximumf %gather3A_327, %gather3A_330 : vector<16xf32>
        %select_n3A_332 = arith.select %and3A_312, %max3A_331, %gather3A_327 : vector<16xi1>, vector<16xf32>
        %swap3A_333 = arith.constant 0 : index
        %swap3A_334 = tpu.vector_load %arg16[%swap3A_333] {strides = array<i32>} : memref<16xf32, #tpu.memory_space<vmem>>, vector<16xf32>,
        tpu.vector_store %arg16[%swap3A_333], %gather3A_327 {strides = array<i32>} : memref<16xf32, #tpu.memory_space<vmem>>, vector<16xf32>,
        %gather3A_335 = tpu.vector_load_idx %arg16[%max3A_20] : memref<16xf32, #tpu.memory_space<vmem>>[vector<16xi32>], vector<16xf32>,
        %jit3A_336 = arith.constant 0.000000e+00 : f32
        %broadcast_in_dim3A_337 = vector.broadcast %jit3A_336 : f32 to vector<16xf32>
        %select_n3A_338 = arith.select %and3A_312, %gather3A_335, %broadcast_in_dim3A_337 : vector<16xi1>, vector<16xf32>
        %add3A_339 = arith.addf %gather3A_327, %select_n3A_338 : vector<16xf32>
        %swap3A_340 = arith.constant 0 : index
        %swap3A_341 = tpu.vector_load %arg16[%swap3A_340] {strides = array<i32>} : memref<16xf32, #tpu.memory_space<vmem>>, vector<16xf32>,
        tpu.vector_store %arg16[%swap3A_340], %select_n3A_332 {strides = array<i32>} : memref<16xf32, #tpu.memory_space<vmem>>, vector<16xf32>,
        %gather3A_342 = tpu.vector_load_idx %arg16[%max3A_26] : memref<16xf32, #tpu.memory_space<vmem>>[vector<16xi32>], vector<16xf32>,
        %max3A_343 = arith.maximumf %select_n3A_332, %gather3A_342 : vector<16xf32>
        %select_n3A_344 = arith.select %and3A_315, %max3A_343, %select_n3A_332 : vector<16xi1>, vector<16xf32>
        %swap3A_345 = arith.constant 0 : index
        %swap3A_346 = tpu.vector_load %arg16[%swap3A_345] {strides = array<i32>} : memref<16xf32, #tpu.memory_space<vmem>>, vector<16xf32>,
        tpu.vector_store %arg16[%swap3A_345], %add3A_339 {strides = array<i32>} : memref<16xf32, #tpu.memory_space<vmem>>, vector<16xf32>,
        %gather3A_347 = tpu.vector_load_idx %arg16[%max3A_26] : memref<16xf32, #tpu.memory_space<vmem>>[vector<16xi32>], vector<16xf32>,
        %jit3A_348 = arith.constant 0.000000e+00 : f32
        %broadcast_in_dim3A_349 = vector.broadcast %jit3A_348 : f32 to vector<16xf32>
        %select_n3A_350 = arith.select %and3A_315, %gather3A_347, %broadcast_in_dim3A_349 : vector<16xi1>, vector<16xf32>
        %add3A_351 = arith.addf %add3A_339, %select_n3A_350 : vector<16xf32>
        %swap3A_352 = arith.constant 0 : index
        %swap3A_353 = tpu.vector_load %arg16[%swap3A_352] {strides = array<i32>} : memref<16xf32, #tpu.memory_space<vmem>>, vector<16xf32>,
        tpu.vector_store %arg16[%swap3A_352], %select_n3A_344 {strides = array<i32>} : memref<16xf32, #tpu.memory_space<vmem>>, vector<16xf32>,
        %gather3A_354 = tpu.vector_load_idx %arg16[%max3A_32] : memref<16xf32, #tpu.memory_space<vmem>>[vector<16xi32>], vector<16xf32>,
        %max3A_355 = arith.maximumf %select_n3A_344, %gather3A_354 : vector<16xf32>
        %select_n3A_356 = arith.select %and3A_318, %max3A_355, %select_n3A_344 : vector<16xi1>, vector<16xf32>
        %swap3A_357 = arith.constant 0 : index
        %swap3A_358 = tpu.vector_load %arg16[%swap3A_357] {strides = array<i32>} : memref<16xf32, #tpu.memory_space<vmem>>, vector<16xf32>,
        tpu.vector_store %arg16[%swap3A_357], %add3A_351 {strides = array<i32>} : memref<16xf32, #tpu.memory_space<vmem>>, vector<16xf32>,
        %gather3A_359 = tpu.vector_load_idx %arg16[%max3A_32] : memref<16xf32, #tpu.memory_space<vmem>>[vector<16xi32>], vector<16xf32>,
        %jit3A_360 = arith.constant 0.000000e+00 : f32
        %broadcast_in_dim3A_361 = vector.broadcast %jit3A_360 : f32 to vector<16xf32>
        %select_n3A_362 = arith.select %and3A_318, %gather3A_359, %broadcast_in_dim3A_361 : vector<16xi1>, vector<16xf32>
        %add3A_363 = arith.addf %add3A_351, %select_n3A_362 : vector<16xf32>
        %swap3A_364 = arith.constant 0 : index
        %swap3A_365 = tpu.vector_load %arg16[%swap3A_364] {strides = array<i32>} : memref<16xf32, #tpu.memory_space<vmem>>, vector<16xf32>,
        tpu.vector_store %arg16[%swap3A_364], %select_n3A_356 {strides = array<i32>} : memref<16xf32, #tpu.memory_space<vmem>>, vector<16xf32>,
        %gather3A_366 = tpu.vector_load_idx %arg16[%max3A_38] : memref<16xf32, #tpu.memory_space<vmem>>[vector<16xi32>], vector<16xf32>,
        %max3A_367 = arith.maximumf %select_n3A_356, %gather3A_366 : vector<16xf32>
        %select_n3A_368 = arith.select %and3A_321, %max3A_367, %select_n3A_356 : vector<16xi1>, vector<16xf32>
        %swap3A_369 = arith.constant 0 : index
        %swap3A_370 = tpu.vector_load %arg16[%swap3A_369] {strides = array<i32>} : memref<16xf32, #tpu.memory_space<vmem>>, vector<16xf32>,
        tpu.vector_store %arg16[%swap3A_369], %add3A_363 {strides = array<i32>} : memref<16xf32, #tpu.memory_space<vmem>>, vector<16xf32>,
        %gather3A_371 = tpu.vector_load_idx %arg16[%max3A_38] : memref<16xf32, #tpu.memory_space<vmem>>[vector<16xi32>], vector<16xf32>,
        %jit3A_372 = arith.constant 0.000000e+00 : f32
        %broadcast_in_dim3A_373 = vector.broadcast %jit3A_372 : f32 to vector<16xf32>
        %select_n3A_374 = arith.select %and3A_321, %gather3A_371, %broadcast_in_dim3A_373 : vector<16xi1>, vector<16xf32>
        %add3A_375 = arith.addf %add3A_363, %select_n3A_374 : vector<16xf32>
        %gather3A_376 = tpu.vector_load_idx %arg10[%select_n3A_326] : memref<10016xf32, #tpu.memory_space<vmem>>[vector<16xi32>], vector<16xf32>,
        %add3A_377 = arith.addf %gather3A_376, %add3A_375 : vector<16xf32>
        tpu.vector_store_idx %arg10[%select_n3A_326], %add3A_377 : memref<10016xf32, #tpu.memory_space<vmem>>[vector<16xi32>], vector<16xf32>,
        %gather3A_378 = tpu.vector_load_idx %arg12[%select_n3A_326] : memref<10016xf32, #tpu.memory_space<vmem>>[vector<16xi32>], vector<16xf32>,
        %max3A_379 = arith.maximumf %gather3A_378, %select_n3A_368 : vector<16xf32>
        tpu.vector_store_idx %arg12[%select_n3A_326], %max3A_379 : memref<10016xf32, #tpu.memory_space<vmem>>[vector<16xi32>], vector<16xf32>,
        %gather3A_380 = tpu.vector_load_idx %arg9[%gather3A] : memref<10000xf32, #tpu.memory_space<vmem>>[vector<16xi32>], vector<16xf32>,
        %swap3A_381 = arith.constant 0 : index
        %swap3A_382 = tpu.vector_load %arg16[%swap3A_381] {strides = array<i32>} : memref<16xf32, #tpu.memory_space<vmem>>, vector<16xf32>,
        tpu.vector_store %arg16[%swap3A_381], %gather3A_380 {strides = array<i32>} : memref<16xf32, #tpu.memory_space<vmem>>, vector<16xf32>,
        %gather3A_383 = tpu.vector_load_idx %arg16[%max3A_20] : memref<16xf32, #tpu.memory_space<vmem>>[vector<16xi32>], vector<16xf32>,
        %max3A_384 = arith.maximumf %gather3A_380, %gather3A_383 : vector<16xf32>
        %select_n3A_385 = arith.select %and3A_312, %max3A_384, %gather3A_380 : vector<16xi1>, vector<16xf32>
        %swap3A_386 = arith.constant 0 : index
        %swap3A_387 = tpu.vector_load %arg16[%swap3A_386] {strides = array<i32>} : memref<16xf32, #tpu.memory_space<vmem>>, vector<16xf32>,
        tpu.vector_store %arg16[%swap3A_386], %gather3A_380 {strides = array<i32>} : memref<16xf32, #tpu.memory_space<vmem>>, vector<16xf32>,
        %gather3A_388 = tpu.vector_load_idx %arg16[%max3A_20] : memref<16xf32, #tpu.memory_space<vmem>>[vector<16xi32>], vector<16xf32>,
        %jit3A_389 = arith.constant 0.000000e+00 : f32
        %broadcast_in_dim3A_390 = vector.broadcast %jit3A_389 : f32 to vector<16xf32>
        %select_n3A_391 = arith.select %and3A_312, %gather3A_388, %broadcast_in_dim3A_390 : vector<16xi1>, vector<16xf32>
        %add3A_392 = arith.addf %gather3A_380, %select_n3A_391 : vector<16xf32>
        %swap3A_393 = arith.constant 0 : index
        %swap3A_394 = tpu.vector_load %arg16[%swap3A_393] {strides = array<i32>} : memref<16xf32, #tpu.memory_space<vmem>>, vector<16xf32>,
        tpu.vector_store %arg16[%swap3A_393], %select_n3A_385 {strides = array<i32>} : memref<16xf32, #tpu.memory_space<vmem>>, vector<16xf32>,
        %gather3A_395 = tpu.vector_load_idx %arg16[%max3A_26] : memref<16xf32, #tpu.memory_space<vmem>>[vector<16xi32>], vector<16xf32>,
        %max3A_396 = arith.maximumf %select_n3A_385, %gather3A_395 : vector<16xf32>
        %select_n3A_397 = arith.select %and3A_315, %max3A_396, %select_n3A_385 : vector<16xi1>, vector<16xf32>
        %swap3A_398 = arith.constant 0 : index
        %swap3A_399 = tpu.vector_load %arg16[%swap3A_398] {strides = array<i32>} : memref<16xf32, #tpu.memory_space<vmem>>, vector<16xf32>,
        tpu.vector_store %arg16[%swap3A_398], %add3A_392 {strides = array<i32>} : memref<16xf32, #tpu.memory_space<vmem>>, vector<16xf32>,
        %gather3A_400 = tpu.vector_load_idx %arg16[%max3A_26] : memref<16xf32, #tpu.memory_space<vmem>>[vector<16xi32>], vector<16xf32>,
        %jit3A_401 = arith.constant 0.000000e+00 : f32
        %broadcast_in_dim3A_402 = vector.broadcast %jit3A_401 : f32 to vector<16xf32>
        %select_n3A_403 = arith.select %and3A_315, %gather3A_400, %broadcast_in_dim3A_402 : vector<16xi1>, vector<16xf32>
        %add3A_404 = arith.addf %add3A_392, %select_n3A_403 : vector<16xf32>
        %swap3A_405 = arith.constant 0 : index
        %swap3A_406 = tpu.vector_load %arg16[%swap3A_405] {strides = array<i32>} : memref<16xf32, #tpu.memory_space<vmem>>, vector<16xf32>,
        tpu.vector_store %arg16[%swap3A_405], %select_n3A_397 {strides = array<i32>} : memref<16xf32, #tpu.memory_space<vmem>>, vector<16xf32>,
        %gather3A_407 = tpu.vector_load_idx %arg16[%max3A_32] : memref<16xf32, #tpu.memory_space<vmem>>[vector<16xi32>], vector<16xf32>,
        %max3A_408 = arith.maximumf %select_n3A_397, %gather3A_407 : vector<16xf32>
        %select_n3A_409 = arith.select %and3A_318, %max3A_408, %select_n3A_397 : vector<16xi1>, vector<16xf32>
        %swap3A_410 = arith.constant 0 : index
        %swap3A_411 = tpu.vector_load %arg16[%swap3A_410] {strides = array<i32>} : memref<16xf32, #tpu.memory_space<vmem>>, vector<16xf32>,
        tpu.vector_store %arg16[%swap3A_410], %add3A_404 {strides = array<i32>} : memref<16xf32, #tpu.memory_space<vmem>>, vector<16xf32>,
        %gather3A_412 = tpu.vector_load_idx %arg16[%max3A_32] : memref<16xf32, #tpu.memory_space<vmem>>[vector<16xi32>], vector<16xf32>,
        %jit3A_413 = arith.constant 0.000000e+00 : f32
        %broadcast_in_dim3A_414 = vector.broadcast %jit3A_413 : f32 to vector<16xf32>
        %select_n3A_415 = arith.select %and3A_318, %gather3A_412, %broadcast_in_dim3A_414 : vector<16xi1>, vector<16xf32>
        %add3A_416 = arith.addf %add3A_404, %select_n3A_415 : vector<16xf32>
        %swap3A_417 = arith.constant 0 : index
        %swap3A_418 = tpu.vector_load %arg16[%swap3A_417] {strides = array<i32>} : memref<16xf32, #tpu.memory_space<vmem>>, vector<16xf32>,
        tpu.vector_store %arg16[%swap3A_417], %select_n3A_409 {strides = array<i32>} : memref<16xf32, #tpu.memory_space<vmem>>, vector<16xf32>,
        %gather3A_419 = tpu.vector_load_idx %arg16[%max3A_38] : memref<16xf32, #tpu.memory_space<vmem>>[vector<16xi32>], vector<16xf32>,
        %max3A_420 = arith.maximumf %select_n3A_409, %gather3A_419 : vector<16xf32>
        %select_n3A_421 = arith.select %and3A_321, %max3A_420, %select_n3A_409 : vector<16xi1>, vector<16xf32>
        %swap3A_422 = arith.constant 0 : index
        %swap3A_423 = tpu.vector_load %arg16[%swap3A_422] {strides = array<i32>} : memref<16xf32, #tpu.memory_space<vmem>>, vector<16xf32>,
        tpu.vector_store %arg16[%swap3A_422], %add3A_416 {strides = array<i32>} : memref<16xf32, #tpu.memory_space<vmem>>, vector<16xf32>,
        %gather3A_424 = tpu.vector_load_idx %arg16[%max3A_38] : memref<16xf32, #tpu.memory_space<vmem>>[vector<16xi32>], vector<16xf32>,
        %jit3A_425 = arith.constant 0.000000e+00 : f32
        %broadcast_in_dim3A_426 = vector.broadcast %jit3A_425 : f32 to vector<16xf32>
        %select_n3A_427 = arith.select %and3A_321, %gather3A_424, %broadcast_in_dim3A_426 : vector<16xi1>, vector<16xf32>
        %add3A_428 = arith.addf %add3A_416, %select_n3A_427 : vector<16xf32>
        %gather3A_429 = tpu.vector_load_idx %arg11[%select_n3A_326] : memref<10016xf32, #tpu.memory_space<vmem>>[vector<16xi32>], vector<16xf32>,
        %add3A_430 = arith.addf %gather3A_429, %add3A_428 : vector<16xf32>
        tpu.vector_store_idx %arg11[%select_n3A_326], %add3A_430 : memref<10016xf32, #tpu.memory_space<vmem>>[vector<16xi32>], vector<16xf32>,
        %gather3A_431 = tpu.vector_load_idx %arg13[%select_n3A_326] : memref<10016xf32, #tpu.memory_space<vmem>>[vector<16xi32>], vector<16xf32>,
        %max3A_432 = arith.maximumf %gather3A_431, %select_n3A_421 : vector<16xf32>
        tpu.vector_store_idx %arg13[%select_n3A_326], %max3A_432 : memref<10016xf32, #tpu.memory_space<vmem>>[vector<16xi32>], vector<16xf32>,
      }
      %while3A_142 = arith.constant 1 : i32
      scf.for %while3A_293 = %while3A_140 to %while3A_136 step %while3A_142  : i32 {
        %mul3A_294 = arith.constant 16 : i32
        %mul3A_295 = arith.muli %while3A_293, %mul3A_294 : i32
        %get3A = arith.index_cast %mul3A_295 : i32 to index
        %get3A_296 = tpu.vector_load %arg18[%get3A] {strides = array<i32>} : memref<4016xi32, #tpu.memory_space<vmem>>, vector<16xi32>,
        %get3A_297 = arith.index_cast %mul3A_295 : i32 to index
        %get3A_298 = tpu.vector_load %arg19[%get3A_297] {strides = array<i32>} : memref<4016xi32, #tpu.memory_space<vmem>>, vector<16xi32>,
        %masked_sort3A = arith.constant dense<true> : vector<16xi1>
        %masked_sort3A_299 = arith.constant -2147483648 : i32
        %masked_sort3A_300 = vector.broadcast %masked_sort3A_299 : i32 to vector<16xi32>
        %masked_sort3A_301 = arith.xori %get3A_298, %masked_sort3A_300 : vector<16xi32>
        %masked_sort3A_302, %masked_sort3A_303, %masked_sort3A_304 = tpu.sort %masked_sort3A_301, %iota3A masked %masked_sort3A : (vector<16xi32>, vector<16xi32>, vector<16xi1>) -> (vector<16xi1>, vector<16xi32>, vector<16xi32>)
        %masked_sort3A_305 = arith.xori %masked_sort3A_303, %masked_sort3A_300 : vector<16xi32>
        %swap3A_306 = arith.constant 0 : index
        %swap3A_307 = tpu.vector_load %arg15[%swap3A_306] {strides = array<i32>} : memref<16xi32, #tpu.memory_space<vmem>>, vector<16xi32>,
        tpu.vector_store %arg15[%swap3A_306], %get3A_296 {strides = array<i32>} : memref<16xi32, #tpu.memory_space<vmem>>, vector<16xi32>,
        %gather3A = tpu.vector_load_idx %arg15[%masked_sort3A_304] : memref<16xi32, #tpu.memory_space<vmem>>[vector<16xi32>], vector<16xi32>,
        %swap3A_308 = arith.constant 0 : index
        %swap3A_309 = tpu.vector_load %arg15[%swap3A_308] {strides = array<i32>} : memref<16xi32, #tpu.memory_space<vmem>>, vector<16xi32>,
        tpu.vector_store %arg15[%swap3A_308], %masked_sort3A_305 {strides = array<i32>} : memref<16xi32, #tpu.memory_space<vmem>>, vector<16xi32>,
        %gather3A_310 = tpu.vector_load_idx %arg15[%max3A_20] : memref<16xi32, #tpu.memory_space<vmem>>[vector<16xi32>], vector<16xi32>,
        %eq3A_311 = arith.cmpi eq, %masked_sort3A_305, %gather3A_310 : vector<16xi32>
        %and3A_312 = arith.andi %eq3A_311, %ge3A_40 : vector<16xi1>
        %gather3A_313 = tpu.vector_load_idx %arg15[%max3A_26] : memref<16xi32, #tpu.memory_space<vmem>>[vector<16xi32>], vector<16xi32>,
        %eq3A_314 = arith.cmpi eq, %masked_sort3A_305, %gather3A_313 : vector<16xi32>
        %and3A_315 = arith.andi %eq3A_314, %ge3A_43 : vector<16xi1>
        %gather3A_316 = tpu.vector_load_idx %arg15[%max3A_32] : memref<16xi32, #tpu.memory_space<vmem>>[vector<16xi32>], vector<16xi32>,
        %eq3A_317 = arith.cmpi eq, %masked_sort3A_305, %gather3A_316 : vector<16xi32>
        %and3A_318 = arith.andi %eq3A_317, %ge3A_46 : vector<16xi1>
        %gather3A_319 = tpu.vector_load_idx %arg15[%max3A_38] : memref<16xi32, #tpu.memory_space<vmem>>[vector<16xi32>], vector<16xi32>,
        %eq3A_320 = arith.cmpi eq, %masked_sort3A_305, %gather3A_319 : vector<16xi32>
        %and3A_321 = arith.andi %eq3A_320, %ge3A_49 : vector<16xi1>
        %gather3A_322 = tpu.vector_load_idx %arg15[%min3A_54] : memref<16xi32, #tpu.memory_space<vmem>>[vector<16xi32>], vector<16xi32>,
        %ne3A_323 = arith.cmpi ne, %masked_sort3A_305, %gather3A_322 : vector<16xi32>
        %or3A = arith.ori %ne3A_323, %eq3A_56 : vector<16xi1>
        %jit3A_324 = arith.constant 10000 : i32
        %broadcast_in_dim3A_325 = vector.broadcast %jit3A_324 : i32 to vector<16xi32>
        %select_n3A_326 = arith.select %or3A, %masked_sort3A_305, %broadcast_in_dim3A_325 : vector<16xi1>, vector<16xi32>
        %gather3A_327 = tpu.vector_load_idx %arg8[%gather3A] : memref<10000xf32, #tpu.memory_space<vmem>>[vector<16xi32>], vector<16xf32>,
        %swap3A_328 = arith.constant 0 : index
        %swap3A_329 = tpu.vector_load %arg16[%swap3A_328] {strides = array<i32>} : memref<16xf32, #tpu.memory_space<vmem>>, vector<16xf32>,
        tpu.vector_store %arg16[%swap3A_328], %gather3A_327 {strides = array<i32>} : memref<16xf32, #tpu.memory_space<vmem>>, vector<16xf32>,
        %gather3A_330 = tpu.vector_load_idx %arg16[%max3A_20] : memref<16xf32, #tpu.memory_space<vmem>>[vector<16xi32>], vector<16xf32>,
        %max3A_331 = arith.maximumf %gather3A_327, %gather3A_330 : vector<16xf32>
        %select_n3A_332 = arith.select %and3A_312, %max3A_331, %gather3A_327 : vector<16xi1>, vector<16xf32>
        %swap3A_333 = arith.constant 0 : index
        %swap3A_334 = tpu.vector_load %arg16[%swap3A_333] {strides = array<i32>} : memref<16xf32, #tpu.memory_space<vmem>>, vector<16xf32>,
        tpu.vector_store %arg16[%swap3A_333], %gather3A_327 {strides = array<i32>} : memref<16xf32, #tpu.memory_space<vmem>>, vector<16xf32>,
        %gather3A_335 = tpu.vector_load_idx %arg16[%max3A_20] : memref<16xf32, #tpu.memory_space<vmem>>[vector<16xi32>], vector<16xf32>,
        %jit3A_336 = arith.constant 0.000000e+00 : f32
        %broadcast_in_dim3A_337 = vector.broadcast %jit3A_336 : f32 to vector<16xf32>
        %select_n3A_338 = arith.select %and3A_312, %gather3A_335, %broadcast_in_dim3A_337 : vector<16xi1>, vector<16xf32>
        %add3A_339 = arith.addf %gather3A_327, %select_n3A_338 : vector<16xf32>
        %swap3A_340 = arith.constant 0 : index
        %swap3A_341 = tpu.vector_load %arg16[%swap3A_340] {strides = array<i32>} : memref<16xf32, #tpu.memory_space<vmem>>, vector<16xf32>,
        tpu.vector_store %arg16[%swap3A_340], %select_n3A_332 {strides = array<i32>} : memref<16xf32, #tpu.memory_space<vmem>>, vector<16xf32>,
        %gather3A_342 = tpu.vector_load_idx %arg16[%max3A_26] : memref<16xf32, #tpu.memory_space<vmem>>[vector<16xi32>], vector<16xf32>,
        %max3A_343 = arith.maximumf %select_n3A_332, %gather3A_342 : vector<16xf32>
        %select_n3A_344 = arith.select %and3A_315, %max3A_343, %select_n3A_332 : vector<16xi1>, vector<16xf32>
        %swap3A_345 = arith.constant 0 : index
        %swap3A_346 = tpu.vector_load %arg16[%swap3A_345] {strides = array<i32>} : memref<16xf32, #tpu.memory_space<vmem>>, vector<16xf32>,
        tpu.vector_store %arg16[%swap3A_345], %add3A_339 {strides = array<i32>} : memref<16xf32, #tpu.memory_space<vmem>>, vector<16xf32>,
        %gather3A_347 = tpu.vector_load_idx %arg16[%max3A_26] : memref<16xf32, #tpu.memory_space<vmem>>[vector<16xi32>], vector<16xf32>,
        %jit3A_348 = arith.constant 0.000000e+00 : f32
        %broadcast_in_dim3A_349 = vector.broadcast %jit3A_348 : f32 to vector<16xf32>
        %select_n3A_350 = arith.select %and3A_315, %gather3A_347, %broadcast_in_dim3A_349 : vector<16xi1>, vector<16xf32>
        %add3A_351 = arith.addf %add3A_339, %select_n3A_350 : vector<16xf32>
        %swap3A_352 = arith.constant 0 : index
        %swap3A_353 = tpu.vector_load %arg16[%swap3A_352] {strides = array<i32>} : memref<16xf32, #tpu.memory_space<vmem>>, vector<16xf32>,
        tpu.vector_store %arg16[%swap3A_352], %select_n3A_344 {strides = array<i32>} : memref<16xf32, #tpu.memory_space<vmem>>, vector<16xf32>,
        %gather3A_354 = tpu.vector_load_idx %arg16[%max3A_32] : memref<16xf32, #tpu.memory_space<vmem>>[vector<16xi32>], vector<16xf32>,
        %max3A_355 = arith.maximumf %select_n3A_344, %gather3A_354 : vector<16xf32>
        %select_n3A_356 = arith.select %and3A_318, %max3A_355, %select_n3A_344 : vector<16xi1>, vector<16xf32>
        %swap3A_357 = arith.constant 0 : index
        %swap3A_358 = tpu.vector_load %arg16[%swap3A_357] {strides = array<i32>} : memref<16xf32, #tpu.memory_space<vmem>>, vector<16xf32>,
        tpu.vector_store %arg16[%swap3A_357], %add3A_351 {strides = array<i32>} : memref<16xf32, #tpu.memory_space<vmem>>, vector<16xf32>,
        %gather3A_359 = tpu.vector_load_idx %arg16[%max3A_32] : memref<16xf32, #tpu.memory_space<vmem>>[vector<16xi32>], vector<16xf32>,
        %jit3A_360 = arith.constant 0.000000e+00 : f32
        %broadcast_in_dim3A_361 = vector.broadcast %jit3A_360 : f32 to vector<16xf32>
        %select_n3A_362 = arith.select %and3A_318, %gather3A_359, %broadcast_in_dim3A_361 : vector<16xi1>, vector<16xf32>
        %add3A_363 = arith.addf %add3A_351, %select_n3A_362 : vector<16xf32>
        %swap3A_364 = arith.constant 0 : index
        %swap3A_365 = tpu.vector_load %arg16[%swap3A_364] {strides = array<i32>} : memref<16xf32, #tpu.memory_space<vmem>>, vector<16xf32>,
        tpu.vector_store %arg16[%swap3A_364], %select_n3A_356 {strides = array<i32>} : memref<16xf32, #tpu.memory_space<vmem>>, vector<16xf32>,
        %gather3A_366 = tpu.vector_load_idx %arg16[%max3A_38] : memref<16xf32, #tpu.memory_space<vmem>>[vector<16xi32>], vector<16xf32>,
        %max3A_367 = arith.maximumf %select_n3A_356, %gather3A_366 : vector<16xf32>
        %select_n3A_368 = arith.select %and3A_321, %max3A_367, %select_n3A_356 : vector<16xi1>, vector<16xf32>
        %swap3A_369 = arith.constant 0 : index
        %swap3A_370 = tpu.vector_load %arg16[%swap3A_369] {strides = array<i32>} : memref<16xf32, #tpu.memory_space<vmem>>, vector<16xf32>,
        tpu.vector_store %arg16[%swap3A_369], %add3A_363 {strides = array<i32>} : memref<16xf32, #tpu.memory_space<vmem>>, vector<16xf32>,
        %gather3A_371 = tpu.vector_load_idx %arg16[%max3A_38] : memref<16xf32, #tpu.memory_space<vmem>>[vector<16xi32>], vector<16xf32>,
        %jit3A_372 = arith.constant 0.000000e+00 : f32
        %broadcast_in_dim3A_373 = vector.broadcast %jit3A_372 : f32 to vector<16xf32>
        %select_n3A_374 = arith.select %and3A_321, %gather3A_371, %broadcast_in_dim3A_373 : vector<16xi1>, vector<16xf32>
        %add3A_375 = arith.addf %add3A_363, %select_n3A_374 : vector<16xf32>
        %gather3A_376 = tpu.vector_load_idx %arg10[%select_n3A_326] : memref<10016xf32, #tpu.memory_space<vmem>>[vector<16xi32>], vector<16xf32>,
        %add3A_377 = arith.addf %gather3A_376, %add3A_375 : vector<16xf32>
        tpu.vector_store_idx %arg10[%select_n3A_326], %add3A_377 : memref<10016xf32, #tpu.memory_space<vmem>>[vector<16xi32>], vector<16xf32>,
        %gather3A_378 = tpu.vector_load_idx %arg12[%select_n3A_326] : memref<10016xf32, #tpu.memory_space<vmem>>[vector<16xi32>], vector<16xf32>,
        %max3A_379 = arith.maximumf %gather3A_378, %select_n3A_368 : vector<16xf32>
        tpu.vector_store_idx %arg12[%select_n3A_326], %max3A_379 : memref<10016xf32, #tpu.memory_space<vmem>>[vector<16xi32>], vector<16xf32>,
        %gather3A_380 = tpu.vector_load_idx %arg9[%gather3A] : memref<10000xf32, #tpu.memory_space<vmem>>[vector<16xi32>], vector<16xf32>,
        %swap3A_381 = arith.constant 0 : index
        %swap3A_382 = tpu.vector_load %arg16[%swap3A_381] {strides = array<i32>} : memref<16xf32, #tpu.memory_space<vmem>>, vector<16xf32>,
        tpu.vector_store %arg16[%swap3A_381], %gather3A_380 {strides = array<i32>} : memref<16xf32, #tpu.memory_space<vmem>>, vector<16xf32>,
        %gather3A_383 = tpu.vector_load_idx %arg16[%max3A_20] : memref<16xf32, #tpu.memory_space<vmem>>[vector<16xi32>], vector<16xf32>,
        %max3A_384 = arith.maximumf %gather3A_380, %gather3A_383 : vector<16xf32>
        %select_n3A_385 = arith.select %and3A_312, %max3A_384, %gather3A_380 : vector<16xi1>, vector<16xf32>
        %swap3A_386 = arith.constant 0 : index
        %swap3A_387 = tpu.vector_load %arg16[%swap3A_386] {strides = array<i32>} : memref<16xf32, #tpu.memory_space<vmem>>, vector<16xf32>,
        tpu.vector_store %arg16[%swap3A_386], %gather3A_380 {strides = array<i32>} : memref<16xf32, #tpu.memory_space<vmem>>, vector<16xf32>,
        %gather3A_388 = tpu.vector_load_idx %arg16[%max3A_20] : memref<16xf32, #tpu.memory_space<vmem>>[vector<16xi32>], vector<16xf32>,
        %jit3A_389 = arith.constant 0.000000e+00 : f32
        %broadcast_in_dim3A_390 = vector.broadcast %jit3A_389 : f32 to vector<16xf32>
        %select_n3A_391 = arith.select %and3A_312, %gather3A_388, %broadcast_in_dim3A_390 : vector<16xi1>, vector<16xf32>
        %add3A_392 = arith.addf %gather3A_380, %select_n3A_391 : vector<16xf32>
        %swap3A_393 = arith.constant 0 : index
        %swap3A_394 = tpu.vector_load %arg16[%swap3A_393] {strides = array<i32>} : memref<16xf32, #tpu.memory_space<vmem>>, vector<16xf32>,
        tpu.vector_store %arg16[%swap3A_393], %select_n3A_385 {strides = array<i32>} : memref<16xf32, #tpu.memory_space<vmem>>, vector<16xf32>,
        %gather3A_395 = tpu.vector_load_idx %arg16[%max3A_26] : memref<16xf32, #tpu.memory_space<vmem>>[vector<16xi32>], vector<16xf32>,
        %max3A_396 = arith.maximumf %select_n3A_385, %gather3A_395 : vector<16xf32>
        %select_n3A_397 = arith.select %and3A_315, %max3A_396, %select_n3A_385 : vector<16xi1>, vector<16xf32>
        %swap3A_398 = arith.constant 0 : index
        %swap3A_399 = tpu.vector_load %arg16[%swap3A_398] {strides = array<i32>} : memref<16xf32, #tpu.memory_space<vmem>>, vector<16xf32>,
        tpu.vector_store %arg16[%swap3A_398], %add3A_392 {strides = array<i32>} : memref<16xf32, #tpu.memory_space<vmem>>, vector<16xf32>,
        %gather3A_400 = tpu.vector_load_idx %arg16[%max3A_26] : memref<16xf32, #tpu.memory_space<vmem>>[vector<16xi32>], vector<16xf32>,
        %jit3A_401 = arith.constant 0.000000e+00 : f32
        %broadcast_in_dim3A_402 = vector.broadcast %jit3A_401 : f32 to vector<16xf32>
        %select_n3A_403 = arith.select %and3A_315, %gather3A_400, %broadcast_in_dim3A_402 : vector<16xi1>, vector<16xf32>
        %add3A_404 = arith.addf %add3A_392, %select_n3A_403 : vector<16xf32>
        %swap3A_405 = arith.constant 0 : index
        %swap3A_406 = tpu.vector_load %arg16[%swap3A_405] {strides = array<i32>} : memref<16xf32, #tpu.memory_space<vmem>>, vector<16xf32>,
        tpu.vector_store %arg16[%swap3A_405], %select_n3A_397 {strides = array<i32>} : memref<16xf32, #tpu.memory_space<vmem>>, vector<16xf32>,
        %gather3A_407 = tpu.vector_load_idx %arg16[%max3A_32] : memref<16xf32, #tpu.memory_space<vmem>>[vector<16xi32>], vector<16xf32>,
        %max3A_408 = arith.maximumf %select_n3A_397, %gather3A_407 : vector<16xf32>
        %select_n3A_409 = arith.select %and3A_318, %max3A_408, %select_n3A_397 : vector<16xi1>, vector<16xf32>
        %swap3A_410 = arith.constant 0 : index
        %swap3A_411 = tpu.vector_load %arg16[%swap3A_410] {strides = array<i32>} : memref<16xf32, #tpu.memory_space<vmem>>, vector<16xf32>,
        tpu.vector_store %arg16[%swap3A_410], %add3A_404 {strides = array<i32>} : memref<16xf32, #tpu.memory_space<vmem>>, vector<16xf32>,
        %gather3A_412 = tpu.vector_load_idx %arg16[%max3A_32] : memref<16xf32, #tpu.memory_space<vmem>>[vector<16xi32>], vector<16xf32>,
        %jit3A_413 = arith.constant 0.000000e+00 : f32
        %broadcast_in_dim3A_414 = vector.broadcast %jit3A_413 : f32 to vector<16xf32>
        %select_n3A_415 = arith.select %and3A_318, %gather3A_412, %broadcast_in_dim3A_414 : vector<16xi1>, vector<16xf32>
        %add3A_416 = arith.addf %add3A_404, %select_n3A_415 : vector<16xf32>
        %swap3A_417 = arith.constant 0 : index
        %swap3A_418 = tpu.vector_load %arg16[%swap3A_417] {strides = array<i32>} : memref<16xf32, #tpu.memory_space<vmem>>, vector<16xf32>,
        tpu.vector_store %arg16[%swap3A_417], %select_n3A_409 {strides = array<i32>} : memref<16xf32, #tpu.memory_space<vmem>>, vector<16xf32>,
        %gather3A_419 = tpu.vector_load_idx %arg16[%max3A_38] : memref<16xf32, #tpu.memory_space<vmem>>[vector<16xi32>], vector<16xf32>,
        %max3A_420 = arith.maximumf %select_n3A_409, %gather3A_419 : vector<16xf32>
        %select_n3A_421 = arith.select %and3A_321, %max3A_420, %select_n3A_409 : vector<16xi1>, vector<16xf32>
        %swap3A_422 = arith.constant 0 : index
        %swap3A_423 = tpu.vector_load %arg16[%swap3A_422] {strides = array<i32>} : memref<16xf32, #tpu.memory_space<vmem>>, vector<16xf32>,
        tpu.vector_store %arg16[%swap3A_422], %add3A_416 {strides = array<i32>} : memref<16xf32, #tpu.memory_space<vmem>>, vector<16xf32>,
        %gather3A_424 = tpu.vector_load_idx %arg16[%max3A_38] : memref<16xf32, #tpu.memory_space<vmem>>[vector<16xi32>], vector<16xf32>,
        %jit3A_425 = arith.constant 0.000000e+00 : f32
        %broadcast_in_dim3A_426 = vector.broadcast %jit3A_425 : f32 to vector<16xf32>
        %select_n3A_427 = arith.select %and3A_321, %gather3A_424, %broadcast_in_dim3A_426 : vector<16xi1>, vector<16xf32>
        %add3A_428 = arith.addf %add3A_416, %select_n3A_427 : vector<16xf32>
        %gather3A_429 = tpu.vector_load_idx %arg11[%select_n3A_326] : memref<10016xf32, #tpu.memory_space<vmem>>[vector<16xi32>], vector<16xf32>,
        %add3A_430 = arith.addf %gather3A_429, %add3A_428 : vector<16xf32>
        tpu.vector_store_idx %arg11[%select_n3A_326], %add3A_430 : memref<10016xf32, #tpu.memory_space<vmem>>[vector<16xi32>], vector<16xf32>,
        %gather3A_431 = tpu.vector_load_idx %arg13[%select_n3A_326] : memref<10016xf32, #tpu.memory_space<vmem>>[vector<16xi32>], vector<16xf32>,
        %max3A_432 = arith.maximumf %gather3A_431, %select_n3A_421 : vector<16xf32>
        tpu.vector_store_idx %arg13[%select_n3A_326], %max3A_432 : memref<10016xf32, #tpu.memory_space<vmem>>[vector<16xi32>], vector<16xf32>,
      }
      %broadcast_in_dim3A_143 = arith.constant 0 : i32
      %broadcast_in_dim3A_144 = vector.broadcast %broadcast_in_dim3A_143 : i32 to vector<16xi32>
      %swap3A_145 = arith.index_cast %scan3A_106#1 : i32 to index
      %swap3A_146 = tpu.vector_load %arg21[%swap3A_145] {strides = array<i32>} : memref<4016xi32, #tpu.memory_space<vmem>>, vector<16xi32>,
      tpu.vector_store %arg21[%swap3A_145], %broadcast_in_dim3A_144 {strides = array<i32>} : memref<4016xi32, #tpu.memory_space<vmem>>, vector<16xi32>,
      %broadcast_in_dim3A_147 = arith.constant 10000 : i32
      %broadcast_in_dim3A_148 = vector.broadcast %broadcast_in_dim3A_147 : i32 to vector<16xi32>
      %swap3A_149 = arith.index_cast %scan3A_106#1 : i32 to index
      %swap3A_150 = tpu.vector_load %arg22[%swap3A_149] {strides = array<i32>} : memref<4016xi32, #tpu.memory_space<vmem>>, vector<16xi32>,
      tpu.vector_store %arg22[%swap3A_149], %broadcast_in_dim3A_148 {strides = array<i32>} : memref<4016xi32, #tpu.memory_space<vmem>>, vector<16xi32>,
      %add3A_151 = arith.constant 15 : i32
      %add3A_152 = arith.addi %scan3A_106#1, %add3A_151 : i32
      %jit3A_153 = arith.constant 16 : i32
      %div3A_154 = arith.divsi %add3A_152, %jit3A_153 : i32
      %sign3A_155 = arith.constant 0 : i32
      %sign3A_156 = arith.cmpi sgt, %add3A_152, %sign3A_155 : i32
      %sign3A_157 = arith.extui %sign3A_156 : i1 to i32
      %sign3A_158 = arith.constant 0 : i32
      %sign3A_159 = arith.cmpi slt, %add3A_152, %sign3A_158 : i32
      %sign3A_160 = arith.extui %sign3A_159 : i1 to i32
      %sign3A_161 = arith.subi %sign3A_157, %sign3A_160 : i32
      %sign3A_162 = arith.constant 0 : i32
      %sign3A_163 = arith.cmpi sgt, %jit3A_153, %sign3A_162 : i32
      %sign3A_164 = arith.extui %sign3A_163 : i1 to i32
      %sign3A_165 = arith.constant 0 : i32
      %sign3A_166 = arith.cmpi slt, %jit3A_153, %sign3A_165 : i32
      %sign3A_167 = arith.extui %sign3A_166 : i1 to i32
      %sign3A_168 = arith.subi %sign3A_164, %sign3A_167 : i32
      %ne3A_169 = arith.cmpi ne, %sign3A_161, %sign3A_168 : i32
      %rem3A_170 = arith.remsi %add3A_152, %jit3A_153 : i32
      %ne3A_171 = arith.constant 0 : i32
      %ne3A_172 = arith.cmpi ne, %rem3A_170, %ne3A_171 : i32
      %and3A_173 = arith.andi %ne3A_169, %ne3A_172 : i1
      %sub3A_174 = arith.constant 1 : i32
      %sub3A_175 = arith.subi %div3A_154, %sub3A_174 : i32
      %select_n3A_176 = arith.select %and3A_173, %sub3A_175, %div3A_154 : i32
      %while3A_177 = arith.constant 0 : i32
      %while3A_178 = arith.constant 0 : i32
      %while3A_179 = arith.subi %select_n3A_176, %while3A_178 : i32
      %while3A_180 = arith.addi %while3A_178, %while3A_179 : i32
      %while3A_181 = arith.constant 1 : i32
      %while3A_182 = arith.divsi %while3A_179, %while3A_181 : i32
      %while3A_183 = arith.muli %while3A_182, %while3A_181 : i32
      %while3A_184 = arith.addi %while3A_178, %while3A_183 : i32
      %while3A_185 = arith.constant 1 : i32
      scf.for %while3A_293 = %while3A_178 to %while3A_184 step %while3A_185  : i32 {
        %mul3A_294 = arith.constant 16 : i32
        %mul3A_295 = arith.muli %while3A_293, %mul3A_294 : i32
        %get3A = arith.index_cast %mul3A_295 : i32 to index
        %get3A_296 = tpu.vector_load %arg21[%get3A] {strides = array<i32>} : memref<4016xi32, #tpu.memory_space<vmem>>, vector<16xi32>,
        %get3A_297 = arith.index_cast %mul3A_295 : i32 to index
        %get3A_298 = tpu.vector_load %arg22[%get3A_297] {strides = array<i32>} : memref<4016xi32, #tpu.memory_space<vmem>>, vector<16xi32>,
        %masked_sort3A = arith.constant dense<true> : vector<16xi1>
        %masked_sort3A_299 = arith.constant -2147483648 : i32
        %masked_sort3A_300 = vector.broadcast %masked_sort3A_299 : i32 to vector<16xi32>
        %masked_sort3A_301 = arith.xori %get3A_298, %masked_sort3A_300 : vector<16xi32>
        %masked_sort3A_302, %masked_sort3A_303, %masked_sort3A_304 = tpu.sort %masked_sort3A_301, %iota3A masked %masked_sort3A : (vector<16xi32>, vector<16xi32>, vector<16xi1>) -> (vector<16xi1>, vector<16xi32>, vector<16xi32>)
        %masked_sort3A_305 = arith.xori %masked_sort3A_303, %masked_sort3A_300 : vector<16xi32>
        %swap3A_306 = arith.constant 0 : index
        %swap3A_307 = tpu.vector_load %arg15[%swap3A_306] {strides = array<i32>} : memref<16xi32, #tpu.memory_space<vmem>>, vector<16xi32>,
        tpu.vector_store %arg15[%swap3A_306], %get3A_296 {strides = array<i32>} : memref<16xi32, #tpu.memory_space<vmem>>, vector<16xi32>,
        %gather3A = tpu.vector_load_idx %arg15[%masked_sort3A_304] : memref<16xi32, #tpu.memory_space<vmem>>[vector<16xi32>], vector<16xi32>,
        %swap3A_308 = arith.constant 0 : index
        %swap3A_309 = tpu.vector_load %arg15[%swap3A_308] {strides = array<i32>} : memref<16xi32, #tpu.memory_space<vmem>>, vector<16xi32>,
        tpu.vector_store %arg15[%swap3A_308], %masked_sort3A_305 {strides = array<i32>} : memref<16xi32, #tpu.memory_space<vmem>>, vector<16xi32>,
        %gather3A_310 = tpu.vector_load_idx %arg15[%max3A_20] : memref<16xi32, #tpu.memory_space<vmem>>[vector<16xi32>], vector<16xi32>,
        %eq3A_311 = arith.cmpi eq, %masked_sort3A_305, %gather3A_310 : vector<16xi32>
        %and3A_312 = arith.andi %eq3A_311, %ge3A_40 : vector<16xi1>
        %gather3A_313 = tpu.vector_load_idx %arg15[%max3A_26] : memref<16xi32, #tpu.memory_space<vmem>>[vector<16xi32>], vector<16xi32>,
        %eq3A_314 = arith.cmpi eq, %masked_sort3A_305, %gather3A_313 : vector<16xi32>
        %and3A_315 = arith.andi %eq3A_314, %ge3A_43 : vector<16xi1>
        %gather3A_316 = tpu.vector_load_idx %arg15[%max3A_32] : memref<16xi32, #tpu.memory_space<vmem>>[vector<16xi32>], vector<16xi32>,
        %eq3A_317 = arith.cmpi eq, %masked_sort3A_305, %gather3A_316 : vector<16xi32>
        %and3A_318 = arith.andi %eq3A_317, %ge3A_46 : vector<16xi1>
        %gather3A_319 = tpu.vector_load_idx %arg15[%max3A_38] : memref<16xi32, #tpu.memory_space<vmem>>[vector<16xi32>], vector<16xi32>,
        %eq3A_320 = arith.cmpi eq, %masked_sort3A_305, %gather3A_319 : vector<16xi32>
        %and3A_321 = arith.andi %eq3A_320, %ge3A_49 : vector<16xi1>
        %gather3A_322 = tpu.vector_load_idx %arg15[%min3A_54] : memref<16xi32, #tpu.memory_space<vmem>>[vector<16xi32>], vector<16xi32>,
        %ne3A_323 = arith.cmpi ne, %masked_sort3A_305, %gather3A_322 : vector<16xi32>
        %or3A = arith.ori %ne3A_323, %eq3A_56 : vector<16xi1>
        %jit3A_324 = arith.constant 10000 : i32
        %broadcast_in_dim3A_325 = vector.broadcast %jit3A_324 : i32 to vector<16xi32>
        %select_n3A_326 = arith.select %or3A, %masked_sort3A_305, %broadcast_in_dim3A_325 : vector<16xi1>, vector<16xi32>
        %gather3A_327 = tpu.vector_load_idx %arg8[%gather3A] : memref<10000xf32, #tpu.memory_space<vmem>>[vector<16xi32>], vector<16xf32>,
        %swap3A_328 = arith.constant 0 : index
        %swap3A_329 = tpu.vector_load %arg16[%swap3A_328] {strides = array<i32>} : memref<16xf32, #tpu.memory_space<vmem>>, vector<16xf32>,
        tpu.vector_store %arg16[%swap3A_328], %gather3A_327 {strides = array<i32>} : memref<16xf32, #tpu.memory_space<vmem>>, vector<16xf32>,
        %gather3A_330 = tpu.vector_load_idx %arg16[%max3A_20] : memref<16xf32, #tpu.memory_space<vmem>>[vector<16xi32>], vector<16xf32>,
        %max3A_331 = arith.maximumf %gather3A_327, %gather3A_330 : vector<16xf32>
        %select_n3A_332 = arith.select %and3A_312, %max3A_331, %gather3A_327 : vector<16xi1>, vector<16xf32>
        %swap3A_333 = arith.constant 0 : index
        %swap3A_334 = tpu.vector_load %arg16[%swap3A_333] {strides = array<i32>} : memref<16xf32, #tpu.memory_space<vmem>>, vector<16xf32>,
        tpu.vector_store %arg16[%swap3A_333], %gather3A_327 {strides = array<i32>} : memref<16xf32, #tpu.memory_space<vmem>>, vector<16xf32>,
        %gather3A_335 = tpu.vector_load_idx %arg16[%max3A_20] : memref<16xf32, #tpu.memory_space<vmem>>[vector<16xi32>], vector<16xf32>,
        %jit3A_336 = arith.constant 0.000000e+00 : f32
        %broadcast_in_dim3A_337 = vector.broadcast %jit3A_336 : f32 to vector<16xf32>
        %select_n3A_338 = arith.select %and3A_312, %gather3A_335, %broadcast_in_dim3A_337 : vector<16xi1>, vector<16xf32>
        %add3A_339 = arith.addf %gather3A_327, %select_n3A_338 : vector<16xf32>
        %swap3A_340 = arith.constant 0 : index
        %swap3A_341 = tpu.vector_load %arg16[%swap3A_340] {strides = array<i32>} : memref<16xf32, #tpu.memory_space<vmem>>, vector<16xf32>,
        tpu.vector_store %arg16[%swap3A_340], %select_n3A_332 {strides = array<i32>} : memref<16xf32, #tpu.memory_space<vmem>>, vector<16xf32>,
        %gather3A_342 = tpu.vector_load_idx %arg16[%max3A_26] : memref<16xf32, #tpu.memory_space<vmem>>[vector<16xi32>], vector<16xf32>,
        %max3A_343 = arith.maximumf %select_n3A_332, %gather3A_342 : vector<16xf32>
        %select_n3A_344 = arith.select %and3A_315, %max3A_343, %select_n3A_332 : vector<16xi1>, vector<16xf32>
        %swap3A_345 = arith.constant 0 : index
        %swap3A_346 = tpu.vector_load %arg16[%swap3A_345] {strides = array<i32>} : memref<16xf32, #tpu.memory_space<vmem>>, vector<16xf32>,
        tpu.vector_store %arg16[%swap3A_345], %add3A_339 {strides = array<i32>} : memref<16xf32, #tpu.memory_space<vmem>>, vector<16xf32>,
        %gather3A_347 = tpu.vector_load_idx %arg16[%max3A_26] : memref<16xf32, #tpu.memory_space<vmem>>[vector<16xi32>], vector<16xf32>,
        %jit3A_348 = arith.constant 0.000000e+00 : f32
        %broadcast_in_dim3A_349 = vector.broadcast %jit3A_348 : f32 to vector<16xf32>
        %select_n3A_350 = arith.select %and3A_315, %gather3A_347, %broadcast_in_dim3A_349 : vector<16xi1>, vector<16xf32>
        %add3A_351 = arith.addf %add3A_339, %select_n3A_350 : vector<16xf32>
        %swap3A_352 = arith.constant 0 : index
        %swap3A_353 = tpu.vector_load %arg16[%swap3A_352] {strides = array<i32>} : memref<16xf32, #tpu.memory_space<vmem>>, vector<16xf32>,
        tpu.vector_store %arg16[%swap3A_352], %select_n3A_344 {strides = array<i32>} : memref<16xf32, #tpu.memory_space<vmem>>, vector<16xf32>,
        %gather3A_354 = tpu.vector_load_idx %arg16[%max3A_32] : memref<16xf32, #tpu.memory_space<vmem>>[vector<16xi32>], vector<16xf32>,
        %max3A_355 = arith.maximumf %select_n3A_344, %gather3A_354 : vector<16xf32>
        %select_n3A_356 = arith.select %and3A_318, %max3A_355, %select_n3A_344 : vector<16xi1>, vector<16xf32>
        %swap3A_357 = arith.constant 0 : index
        %swap3A_358 = tpu.vector_load %arg16[%swap3A_357] {strides = array<i32>} : memref<16xf32, #tpu.memory_space<vmem>>, vector<16xf32>,
        tpu.vector_store %arg16[%swap3A_357], %add3A_351 {strides = array<i32>} : memref<16xf32, #tpu.memory_space<vmem>>, vector<16xf32>,
        %gather3A_359 = tpu.vector_load_idx %arg16[%max3A_32] : memref<16xf32, #tpu.memory_space<vmem>>[vector<16xi32>], vector<16xf32>,
        %jit3A_360 = arith.constant 0.000000e+00 : f32
        %broadcast_in_dim3A_361 = vector.broadcast %jit3A_360 : f32 to vector<16xf32>
        %select_n3A_362 = arith.select %and3A_318, %gather3A_359, %broadcast_in_dim3A_361 : vector<16xi1>, vector<16xf32>
        %add3A_363 = arith.addf %add3A_351, %select_n3A_362 : vector<16xf32>
        %swap3A_364 = arith.constant 0 : index
        %swap3A_365 = tpu.vector_load %arg16[%swap3A_364] {strides = array<i32>} : memref<16xf32, #tpu.memory_space<vmem>>, vector<16xf32>,
        tpu.vector_store %arg16[%swap3A_364], %select_n3A_356 {strides = array<i32>} : memref<16xf32, #tpu.memory_space<vmem>>, vector<16xf32>,
        %gather3A_366 = tpu.vector_load_idx %arg16[%max3A_38] : memref<16xf32, #tpu.memory_space<vmem>>[vector<16xi32>], vector<16xf32>,
        %max3A_367 = arith.maximumf %select_n3A_356, %gather3A_366 : vector<16xf32>
        %select_n3A_368 = arith.select %and3A_321, %max3A_367, %select_n3A_356 : vector<16xi1>, vector<16xf32>
        %swap3A_369 = arith.constant 0 : index
        %swap3A_370 = tpu.vector_load %arg16[%swap3A_369] {strides = array<i32>} : memref<16xf32, #tpu.memory_space<vmem>>, vector<16xf32>,
        tpu.vector_store %arg16[%swap3A_369], %add3A_363 {strides = array<i32>} : memref<16xf32, #tpu.memory_space<vmem>>, vector<16xf32>,
        %gather3A_371 = tpu.vector_load_idx %arg16[%max3A_38] : memref<16xf32, #tpu.memory_space<vmem>>[vector<16xi32>], vector<16xf32>,
        %jit3A_372 = arith.constant 0.000000e+00 : f32
        %broadcast_in_dim3A_373 = vector.broadcast %jit3A_372 : f32 to vector<16xf32>
        %select_n3A_374 = arith.select %and3A_321, %gather3A_371, %broadcast_in_dim3A_373 : vector<16xi1>, vector<16xf32>
        %add3A_375 = arith.addf %add3A_363, %select_n3A_374 : vector<16xf32>
        %gather3A_376 = tpu.vector_load_idx %arg10[%select_n3A_326] : memref<10016xf32, #tpu.memory_space<vmem>>[vector<16xi32>], vector<16xf32>,
        %add3A_377 = arith.addf %gather3A_376, %add3A_375 : vector<16xf32>
        tpu.vector_store_idx %arg10[%select_n3A_326], %add3A_377 : memref<10016xf32, #tpu.memory_space<vmem>>[vector<16xi32>], vector<16xf32>,
        %gather3A_378 = tpu.vector_load_idx %arg12[%select_n3A_326] : memref<10016xf32, #tpu.memory_space<vmem>>[vector<16xi32>], vector<16xf32>,
        %max3A_379 = arith.maximumf %gather3A_378, %select_n3A_368 : vector<16xf32>
        tpu.vector_store_idx %arg12[%select_n3A_326], %max3A_379 : memref<10016xf32, #tpu.memory_space<vmem>>[vector<16xi32>], vector<16xf32>,
        %gather3A_380 = tpu.vector_load_idx %arg9[%gather3A] : memref<10000xf32, #tpu.memory_space<vmem>>[vector<16xi32>], vector<16xf32>,
        %swap3A_381 = arith.constant 0 : index
        %swap3A_382 = tpu.vector_load %arg16[%swap3A_381] {strides = array<i32>} : memref<16xf32, #tpu.memory_space<vmem>>, vector<16xf32>,
        tpu.vector_store %arg16[%swap3A_381], %gather3A_380 {strides = array<i32>} : memref<16xf32, #tpu.memory_space<vmem>>, vector<16xf32>,
        %gather3A_383 = tpu.vector_load_idx %arg16[%max3A_20] : memref<16xf32, #tpu.memory_space<vmem>>[vector<16xi32>], vector<16xf32>,
        %max3A_384 = arith.maximumf %gather3A_380, %gather3A_383 : vector<16xf32>
        %select_n3A_385 = arith.select %and3A_312, %max3A_384, %gather3A_380 : vector<16xi1>, vector<16xf32>
        %swap3A_386 = arith.constant 0 : index
        %swap3A_387 = tpu.vector_load %arg16[%swap3A_386] {strides = array<i32>} : memref<16xf32, #tpu.memory_space<vmem>>, vector<16xf32>,
        tpu.vector_store %arg16[%swap3A_386], %gather3A_380 {strides = array<i32>} : memref<16xf32, #tpu.memory_space<vmem>>, vector<16xf32>,
        %gather3A_388 = tpu.vector_load_idx %arg16[%max3A_20] : memref<16xf32, #tpu.memory_space<vmem>>[vector<16xi32>], vector<16xf32>,
        %jit3A_389 = arith.constant 0.000000e+00 : f32
        %broadcast_in_dim3A_390 = vector.broadcast %jit3A_389 : f32 to vector<16xf32>
        %select_n3A_391 = arith.select %and3A_312, %gather3A_388, %broadcast_in_dim3A_390 : vector<16xi1>, vector<16xf32>
        %add3A_392 = arith.addf %gather3A_380, %select_n3A_391 : vector<16xf32>
        %swap3A_393 = arith.constant 0 : index
        %swap3A_394 = tpu.vector_load %arg16[%swap3A_393] {strides = array<i32>} : memref<16xf32, #tpu.memory_space<vmem>>, vector<16xf32>,
        tpu.vector_store %arg16[%swap3A_393], %select_n3A_385 {strides = array<i32>} : memref<16xf32, #tpu.memory_space<vmem>>, vector<16xf32>,
        %gather3A_395 = tpu.vector_load_idx %arg16[%max3A_26] : memref<16xf32, #tpu.memory_space<vmem>>[vector<16xi32>], vector<16xf32>,
        %max3A_396 = arith.maximumf %select_n3A_385, %gather3A_395 : vector<16xf32>
        %select_n3A_397 = arith.select %and3A_315, %max3A_396, %select_n3A_385 : vector<16xi1>, vector<16xf32>
        %swap3A_398 = arith.constant 0 : index
        %swap3A_399 = tpu.vector_load %arg16[%swap3A_398] {strides = array<i32>} : memref<16xf32, #tpu.memory_space<vmem>>, vector<16xf32>,
        tpu.vector_store %arg16[%swap3A_398], %add3A_392 {strides = array<i32>} : memref<16xf32, #tpu.memory_space<vmem>>, vector<16xf32>,
        %gather3A_400 = tpu.vector_load_idx %arg16[%max3A_26] : memref<16xf32, #tpu.memory_space<vmem>>[vector<16xi32>], vector<16xf32>,
        %jit3A_401 = arith.constant 0.000000e+00 : f32
        %broadcast_in_dim3A_402 = vector.broadcast %jit3A_401 : f32 to vector<16xf32>
        %select_n3A_403 = arith.select %and3A_315, %gather3A_400, %broadcast_in_dim3A_402 : vector<16xi1>, vector<16xf32>
        %add3A_404 = arith.addf %add3A_392, %select_n3A_403 : vector<16xf32>
        %swap3A_405 = arith.constant 0 : index
        %swap3A_406 = tpu.vector_load %arg16[%swap3A_405] {strides = array<i32>} : memref<16xf32, #tpu.memory_space<vmem>>, vector<16xf32>,
        tpu.vector_store %arg16[%swap3A_405], %select_n3A_397 {strides = array<i32>} : memref<16xf32, #tpu.memory_space<vmem>>, vector<16xf32>,
        %gather3A_407 = tpu.vector_load_idx %arg16[%max3A_32] : memref<16xf32, #tpu.memory_space<vmem>>[vector<16xi32>], vector<16xf32>,
        %max3A_408 = arith.maximumf %select_n3A_397, %gather3A_407 : vector<16xf32>
        %select_n3A_409 = arith.select %and3A_318, %max3A_408, %select_n3A_397 : vector<16xi1>, vector<16xf32>
        %swap3A_410 = arith.constant 0 : index
        %swap3A_411 = tpu.vector_load %arg16[%swap3A_410] {strides = array<i32>} : memref<16xf32, #tpu.memory_space<vmem>>, vector<16xf32>,
        tpu.vector_store %arg16[%swap3A_410], %add3A_404 {strides = array<i32>} : memref<16xf32, #tpu.memory_space<vmem>>, vector<16xf32>,
        %gather3A_412 = tpu.vector_load_idx %arg16[%max3A_32] : memref<16xf32, #tpu.memory_space<vmem>>[vector<16xi32>], vector<16xf32>,
        %jit3A_413 = arith.constant 0.000000e+00 : f32
        %broadcast_in_dim3A_414 = vector.broadcast %jit3A_413 : f32 to vector<16xf32>
        %select_n3A_415 = arith.select %and3A_318, %gather3A_412, %broadcast_in_dim3A_414 : vector<16xi1>, vector<16xf32>
        %add3A_416 = arith.addf %add3A_404, %select_n3A_415 : vector<16xf32>
        %swap3A_417 = arith.constant 0 : index
        %swap3A_418 = tpu.vector_load %arg16[%swap3A_417] {strides = array<i32>} : memref<16xf32, #tpu.memory_space<vmem>>, vector<16xf32>,
        tpu.vector_store %arg16[%swap3A_417], %select_n3A_409 {strides = array<i32>} : memref<16xf32, #tpu.memory_space<vmem>>, vector<16xf32>,
        %gather3A_419 = tpu.vector_load_idx %arg16[%max3A_38] : memref<16xf32, #tpu.memory_space<vmem>>[vector<16xi32>], vector<16xf32>,
        %max3A_420 = arith.maximumf %select_n3A_409, %gather3A_419 : vector<16xf32>
        %select_n3A_421 = arith.select %and3A_321, %max3A_420, %select_n3A_409 : vector<16xi1>, vector<16xf32>
        %swap3A_422 = arith.constant 0 : index
        %swap3A_423 = tpu.vector_load %arg16[%swap3A_422] {strides = array<i32>} : memref<16xf32, #tpu.memory_space<vmem>>, vector<16xf32>,
        tpu.vector_store %arg16[%swap3A_422], %add3A_416 {strides = array<i32>} : memref<16xf32, #tpu.memory_space<vmem>>, vector<16xf32>,
        %gather3A_424 = tpu.vector_load_idx %arg16[%max3A_38] : memref<16xf32, #tpu.memory_space<vmem>>[vector<16xi32>], vector<16xf32>,
        %jit3A_425 = arith.constant 0.000000e+00 : f32
        %broadcast_in_dim3A_426 = vector.broadcast %jit3A_425 : f32 to vector<16xf32>
        %select_n3A_427 = arith.select %and3A_321, %gather3A_424, %broadcast_in_dim3A_426 : vector<16xi1>, vector<16xf32>
        %add3A_428 = arith.addf %add3A_416, %select_n3A_427 : vector<16xf32>
        %gather3A_429 = tpu.vector_load_idx %arg11[%select_n3A_326] : memref<10016xf32, #tpu.memory_space<vmem>>[vector<16xi32>], vector<16xf32>,
        %add3A_430 = arith.addf %gather3A_429, %add3A_428 : vector<16xf32>
        tpu.vector_store_idx %arg11[%select_n3A_326], %add3A_430 : memref<10016xf32, #tpu.memory_space<vmem>>[vector<16xi32>], vector<16xf32>,
        %gather3A_431 = tpu.vector_load_idx %arg13[%select_n3A_326] : memref<10016xf32, #tpu.memory_space<vmem>>[vector<16xi32>], vector<16xf32>,
        %max3A_432 = arith.maximumf %gather3A_431, %select_n3A_421 : vector<16xf32>
        tpu.vector_store_idx %arg13[%select_n3A_326], %max3A_432 : memref<10016xf32, #tpu.memory_space<vmem>>[vector<16xi32>], vector<16xf32>,
      }
      %while3A_186 = arith.constant 1 : i32
      scf.for %while3A_293 = %while3A_184 to %while3A_180 step %while3A_186  : i32 {
        %mul3A_294 = arith.constant 16 : i32
        %mul3A_295 = arith.muli %while3A_293, %mul3A_294 : i32
        %get3A = arith.index_cast %mul3A_295 : i32 to index
        %get3A_296 = tpu.vector_load %arg21[%get3A] {strides = array<i32>} : memref<4016xi32, #tpu.memory_space<vmem>>, vector<16xi32>,
        %get3A_297 = arith.index_cast %mul3A_295 : i32 to index
        %get3A_298 = tpu.vector_load %arg22[%get3A_297] {strides = array<i32>} : memref<4016xi32, #tpu.memory_space<vmem>>, vector<16xi32>,
        %masked_sort3A = arith.constant dense<true> : vector<16xi1>
        %masked_sort3A_299 = arith.constant -2147483648 : i32
        %masked_sort3A_300 = vector.broadcast %masked_sort3A_299 : i32 to vector<16xi32>
        %masked_sort3A_301 = arith.xori %get3A_298, %masked_sort3A_300 : vector<16xi32>
        %masked_sort3A_302, %masked_sort3A_303, %masked_sort3A_304 = tpu.sort %masked_sort3A_301, %iota3A masked %masked_sort3A : (vector<16xi32>, vector<16xi32>, vector<16xi1>) -> (vector<16xi1>, vector<16xi32>, vector<16xi32>)
        %masked_sort3A_305 = arith.xori %masked_sort3A_303, %masked_sort3A_300 : vector<16xi32>
        %swap3A_306 = arith.constant 0 : index
        %swap3A_307 = tpu.vector_load %arg15[%swap3A_306] {strides = array<i32>} : memref<16xi32, #tpu.memory_space<vmem>>, vector<16xi32>,
        tpu.vector_store %arg15[%swap3A_306], %get3A_296 {strides = array<i32>} : memref<16xi32, #tpu.memory_space<vmem>>, vector<16xi32>,
        %gather3A = tpu.vector_load_idx %arg15[%masked_sort3A_304] : memref<16xi32, #tpu.memory_space<vmem>>[vector<16xi32>], vector<16xi32>,
        %swap3A_308 = arith.constant 0 : index
        %swap3A_309 = tpu.vector_load %arg15[%swap3A_308] {strides = array<i32>} : memref<16xi32, #tpu.memory_space<vmem>>, vector<16xi32>,
        tpu.vector_store %arg15[%swap3A_308], %masked_sort3A_305 {strides = array<i32>} : memref<16xi32, #tpu.memory_space<vmem>>, vector<16xi32>,
        %gather3A_310 = tpu.vector_load_idx %arg15[%max3A_20] : memref<16xi32, #tpu.memory_space<vmem>>[vector<16xi32>], vector<16xi32>,
        %eq3A_311 = arith.cmpi eq, %masked_sort3A_305, %gather3A_310 : vector<16xi32>
        %and3A_312 = arith.andi %eq3A_311, %ge3A_40 : vector<16xi1>
        %gather3A_313 = tpu.vector_load_idx %arg15[%max3A_26] : memref<16xi32, #tpu.memory_space<vmem>>[vector<16xi32>], vector<16xi32>,
        %eq3A_314 = arith.cmpi eq, %masked_sort3A_305, %gather3A_313 : vector<16xi32>
        %and3A_315 = arith.andi %eq3A_314, %ge3A_43 : vector<16xi1>
        %gather3A_316 = tpu.vector_load_idx %arg15[%max3A_32] : memref<16xi32, #tpu.memory_space<vmem>>[vector<16xi32>], vector<16xi32>,
        %eq3A_317 = arith.cmpi eq, %masked_sort3A_305, %gather3A_316 : vector<16xi32>
        %and3A_318 = arith.andi %eq3A_317, %ge3A_46 : vector<16xi1>
        %gather3A_319 = tpu.vector_load_idx %arg15[%max3A_38] : memref<16xi32, #tpu.memory_space<vmem>>[vector<16xi32>], vector<16xi32>,
        %eq3A_320 = arith.cmpi eq, %masked_sort3A_305, %gather3A_319 : vector<16xi32>
        %and3A_321 = arith.andi %eq3A_320, %ge3A_49 : vector<16xi1>
        %gather3A_322 = tpu.vector_load_idx %arg15[%min3A_54] : memref<16xi32, #tpu.memory_space<vmem>>[vector<16xi32>], vector<16xi32>,
        %ne3A_323 = arith.cmpi ne, %masked_sort3A_305, %gather3A_322 : vector<16xi32>
        %or3A = arith.ori %ne3A_323, %eq3A_56 : vector<16xi1>
        %jit3A_324 = arith.constant 10000 : i32
        %broadcast_in_dim3A_325 = vector.broadcast %jit3A_324 : i32 to vector<16xi32>
        %select_n3A_326 = arith.select %or3A, %masked_sort3A_305, %broadcast_in_dim3A_325 : vector<16xi1>, vector<16xi32>
        %gather3A_327 = tpu.vector_load_idx %arg8[%gather3A] : memref<10000xf32, #tpu.memory_space<vmem>>[vector<16xi32>], vector<16xf32>,
        %swap3A_328 = arith.constant 0 : index
        %swap3A_329 = tpu.vector_load %arg16[%swap3A_328] {strides = array<i32>} : memref<16xf32, #tpu.memory_space<vmem>>, vector<16xf32>,
        tpu.vector_store %arg16[%swap3A_328], %gather3A_327 {strides = array<i32>} : memref<16xf32, #tpu.memory_space<vmem>>, vector<16xf32>,
        %gather3A_330 = tpu.vector_load_idx %arg16[%max3A_20] : memref<16xf32, #tpu.memory_space<vmem>>[vector<16xi32>], vector<16xf32>,
        %max3A_331 = arith.maximumf %gather3A_327, %gather3A_330 : vector<16xf32>
        %select_n3A_332 = arith.select %and3A_312, %max3A_331, %gather3A_327 : vector<16xi1>, vector<16xf32>
        %swap3A_333 = arith.constant 0 : index
        %swap3A_334 = tpu.vector_load %arg16[%swap3A_333] {strides = array<i32>} : memref<16xf32, #tpu.memory_space<vmem>>, vector<16xf32>,
        tpu.vector_store %arg16[%swap3A_333], %gather3A_327 {strides = array<i32>} : memref<16xf32, #tpu.memory_space<vmem>>, vector<16xf32>,
        %gather3A_335 = tpu.vector_load_idx %arg16[%max3A_20] : memref<16xf32, #tpu.memory_space<vmem>>[vector<16xi32>], vector<16xf32>,
        %jit3A_336 = arith.constant 0.000000e+00 : f32
        %broadcast_in_dim3A_337 = vector.broadcast %jit3A_336 : f32 to vector<16xf32>
        %select_n3A_338 = arith.select %and3A_312, %gather3A_335, %broadcast_in_dim3A_337 : vector<16xi1>, vector<16xf32>
        %add3A_339 = arith.addf %gather3A_327, %select_n3A_338 : vector<16xf32>
        %swap3A_340 = arith.constant 0 : index
        %swap3A_341 = tpu.vector_load %arg16[%swap3A_340] {strides = array<i32>} : memref<16xf32, #tpu.memory_space<vmem>>, vector<16xf32>,
        tpu.vector_store %arg16[%swap3A_340], %select_n3A_332 {strides = array<i32>} : memref<16xf32, #tpu.memory_space<vmem>>, vector<16xf32>,
        %gather3A_342 = tpu.vector_load_idx %arg16[%max3A_26] : memref<16xf32, #tpu.memory_space<vmem>>[vector<16xi32>], vector<16xf32>,
        %max3A_343 = arith.maximumf %select_n3A_332, %gather3A_342 : vector<16xf32>
        %select_n3A_344 = arith.select %and3A_315, %max3A_343, %select_n3A_332 : vector<16xi1>, vector<16xf32>
        %swap3A_345 = arith.constant 0 : index
        %swap3A_346 = tpu.vector_load %arg16[%swap3A_345] {strides = array<i32>} : memref<16xf32, #tpu.memory_space<vmem>>, vector<16xf32>,
        tpu.vector_store %arg16[%swap3A_345], %add3A_339 {strides = array<i32>} : memref<16xf32, #tpu.memory_space<vmem>>, vector<16xf32>,
        %gather3A_347 = tpu.vector_load_idx %arg16[%max3A_26] : memref<16xf32, #tpu.memory_space<vmem>>[vector<16xi32>], vector<16xf32>,
        %jit3A_348 = arith.constant 0.000000e+00 : f32
        %broadcast_in_dim3A_349 = vector.broadcast %jit3A_348 : f32 to vector<16xf32>
        %select_n3A_350 = arith.select %and3A_315, %gather3A_347, %broadcast_in_dim3A_349 : vector<16xi1>, vector<16xf32>
        %add3A_351 = arith.addf %add3A_339, %select_n3A_350 : vector<16xf32>
        %swap3A_352 = arith.constant 0 : index
        %swap3A_353 = tpu.vector_load %arg16[%swap3A_352] {strides = array<i32>} : memref<16xf32, #tpu.memory_space<vmem>>, vector<16xf32>,
        tpu.vector_store %arg16[%swap3A_352], %select_n3A_344 {strides = array<i32>} : memref<16xf32, #tpu.memory_space<vmem>>, vector<16xf32>,
        %gather3A_354 = tpu.vector_load_idx %arg16[%max3A_32] : memref<16xf32, #tpu.memory_space<vmem>>[vector<16xi32>], vector<16xf32>,
        %max3A_355 = arith.maximumf %select_n3A_344, %gather3A_354 : vector<16xf32>
        %select_n3A_356 = arith.select %and3A_318, %max3A_355, %select_n3A_344 : vector<16xi1>, vector<16xf32>
        %swap3A_357 = arith.constant 0 : index
        %swap3A_358 = tpu.vector_load %arg16[%swap3A_357] {strides = array<i32>} : memref<16xf32, #tpu.memory_space<vmem>>, vector<16xf32>,
        tpu.vector_store %arg16[%swap3A_357], %add3A_351 {strides = array<i32>} : memref<16xf32, #tpu.memory_space<vmem>>, vector<16xf32>,
        %gather3A_359 = tpu.vector_load_idx %arg16[%max3A_32] : memref<16xf32, #tpu.memory_space<vmem>>[vector<16xi32>], vector<16xf32>,
        %jit3A_360 = arith.constant 0.000000e+00 : f32
        %broadcast_in_dim3A_361 = vector.broadcast %jit3A_360 : f32 to vector<16xf32>
        %select_n3A_362 = arith.select %and3A_318, %gather3A_359, %broadcast_in_dim3A_361 : vector<16xi1>, vector<16xf32>
        %add3A_363 = arith.addf %add3A_351, %select_n3A_362 : vector<16xf32>
        %swap3A_364 = arith.constant 0 : index
        %swap3A_365 = tpu.vector_load %arg16[%swap3A_364] {strides = array<i32>} : memref<16xf32, #tpu.memory_space<vmem>>, vector<16xf32>,
        tpu.vector_store %arg16[%swap3A_364], %select_n3A_356 {strides = array<i32>} : memref<16xf32, #tpu.memory_space<vmem>>, vector<16xf32>,
        %gather3A_366 = tpu.vector_load_idx %arg16[%max3A_38] : memref<16xf32, #tpu.memory_space<vmem>>[vector<16xi32>], vector<16xf32>,
        %max3A_367 = arith.maximumf %select_n3A_356, %gather3A_366 : vector<16xf32>
        %select_n3A_368 = arith.select %and3A_321, %max3A_367, %select_n3A_356 : vector<16xi1>, vector<16xf32>
        %swap3A_369 = arith.constant 0 : index
        %swap3A_370 = tpu.vector_load %arg16[%swap3A_369] {strides = array<i32>} : memref<16xf32, #tpu.memory_space<vmem>>, vector<16xf32>,
        tpu.vector_store %arg16[%swap3A_369], %add3A_363 {strides = array<i32>} : memref<16xf32, #tpu.memory_space<vmem>>, vector<16xf32>,
        %gather3A_371 = tpu.vector_load_idx %arg16[%max3A_38] : memref<16xf32, #tpu.memory_space<vmem>>[vector<16xi32>], vector<16xf32>,
        %jit3A_372 = arith.constant 0.000000e+00 : f32
        %broadcast_in_dim3A_373 = vector.broadcast %jit3A_372 : f32 to vector<16xf32>
        %select_n3A_374 = arith.select %and3A_321, %gather3A_371, %broadcast_in_dim3A_373 : vector<16xi1>, vector<16xf32>
        %add3A_375 = arith.addf %add3A_363, %select_n3A_374 : vector<16xf32>
        %gather3A_376 = tpu.vector_load_idx %arg10[%select_n3A_326] : memref<10016xf32, #tpu.memory_space<vmem>>[vector<16xi32>], vector<16xf32>,
        %add3A_377 = arith.addf %gather3A_376, %add3A_375 : vector<16xf32>
        tpu.vector_store_idx %arg10[%select_n3A_326], %add3A_377 : memref<10016xf32, #tpu.memory_space<vmem>>[vector<16xi32>], vector<16xf32>,
        %gather3A_378 = tpu.vector_load_idx %arg12[%select_n3A_326] : memref<10016xf32, #tpu.memory_space<vmem>>[vector<16xi32>], vector<16xf32>,
        %max3A_379 = arith.maximumf %gather3A_378, %select_n3A_368 : vector<16xf32>
        tpu.vector_store_idx %arg12[%select_n3A_326], %max3A_379 : memref<10016xf32, #tpu.memory_space<vmem>>[vector<16xi32>], vector<16xf32>,
        %gather3A_380 = tpu.vector_load_idx %arg9[%gather3A] : memref<10000xf32, #tpu.memory_space<vmem>>[vector<16xi32>], vector<16xf32>,
        %swap3A_381 = arith.constant 0 : index
        %swap3A_382 = tpu.vector_load %arg16[%swap3A_381] {strides = array<i32>} : memref<16xf32, #tpu.memory_space<vmem>>, vector<16xf32>,
        tpu.vector_store %arg16[%swap3A_381], %gather3A_380 {strides = array<i32>} : memref<16xf32, #tpu.memory_space<vmem>>, vector<16xf32>,
        %gather3A_383 = tpu.vector_load_idx %arg16[%max3A_20] : memref<16xf32, #tpu.memory_space<vmem>>[vector<16xi32>], vector<16xf32>,
        %max3A_384 = arith.maximumf %gather3A_380, %gather3A_383 : vector<16xf32>
        %select_n3A_385 = arith.select %and3A_312, %max3A_384, %gather3A_380 : vector<16xi1>, vector<16xf32>
        %swap3A_386 = arith.constant 0 : index
        %swap3A_387 = tpu.vector_load %arg16[%swap3A_386] {strides = array<i32>} : memref<16xf32, #tpu.memory_space<vmem>>, vector<16xf32>,
        tpu.vector_store %arg16[%swap3A_386], %gather3A_380 {strides = array<i32>} : memref<16xf32, #tpu.memory_space<vmem>>, vector<16xf32>,
        %gather3A_388 = tpu.vector_load_idx %arg16[%max3A_20] : memref<16xf32, #tpu.memory_space<vmem>>[vector<16xi32>], vector<16xf32>,
        %jit3A_389 = arith.constant 0.000000e+00 : f32
        %broadcast_in_dim3A_390 = vector.broadcast %jit3A_389 : f32 to vector<16xf32>
        %select_n3A_391 = arith.select %and3A_312, %gather3A_388, %broadcast_in_dim3A_390 : vector<16xi1>, vector<16xf32>
        %add3A_392 = arith.addf %gather3A_380, %select_n3A_391 : vector<16xf32>
        %swap3A_393 = arith.constant 0 : index
        %swap3A_394 = tpu.vector_load %arg16[%swap3A_393] {strides = array<i32>} : memref<16xf32, #tpu.memory_space<vmem>>, vector<16xf32>,
        tpu.vector_store %arg16[%swap3A_393], %select_n3A_385 {strides = array<i32>} : memref<16xf32, #tpu.memory_space<vmem>>, vector<16xf32>,
        %gather3A_395 = tpu.vector_load_idx %arg16[%max3A_26] : memref<16xf32, #tpu.memory_space<vmem>>[vector<16xi32>], vector<16xf32>,
        %max3A_396 = arith.maximumf %select_n3A_385, %gather3A_395 : vector<16xf32>
        %select_n3A_397 = arith.select %and3A_315, %max3A_396, %select_n3A_385 : vector<16xi1>, vector<16xf32>
        %swap3A_398 = arith.constant 0 : index
        %swap3A_399 = tpu.vector_load %arg16[%swap3A_398] {strides = array<i32>} : memref<16xf32, #tpu.memory_space<vmem>>, vector<16xf32>,
        tpu.vector_store %arg16[%swap3A_398], %add3A_392 {strides = array<i32>} : memref<16xf32, #tpu.memory_space<vmem>>, vector<16xf32>,
        %gather3A_400 = tpu.vector_load_idx %arg16[%max3A_26] : memref<16xf32, #tpu.memory_space<vmem>>[vector<16xi32>], vector<16xf32>,
        %jit3A_401 = arith.constant 0.000000e+00 : f32
        %broadcast_in_dim3A_402 = vector.broadcast %jit3A_401 : f32 to vector<16xf32>
        %select_n3A_403 = arith.select %and3A_315, %gather3A_400, %broadcast_in_dim3A_402 : vector<16xi1>, vector<16xf32>
        %add3A_404 = arith.addf %add3A_392, %select_n3A_403 : vector<16xf32>
        %swap3A_405 = arith.constant 0 : index
        %swap3A_406 = tpu.vector_load %arg16[%swap3A_405] {strides = array<i32>} : memref<16xf32, #tpu.memory_space<vmem>>, vector<16xf32>,
        tpu.vector_store %arg16[%swap3A_405], %select_n3A_397 {strides = array<i32>} : memref<16xf32, #tpu.memory_space<vmem>>, vector<16xf32>,
        %gather3A_407 = tpu.vector_load_idx %arg16[%max3A_32] : memref<16xf32, #tpu.memory_space<vmem>>[vector<16xi32>], vector<16xf32>,
        %max3A_408 = arith.maximumf %select_n3A_397, %gather3A_407 : vector<16xf32>
        %select_n3A_409 = arith.select %and3A_318, %max3A_408, %select_n3A_397 : vector<16xi1>, vector<16xf32>
        %swap3A_410 = arith.constant 0 : index
        %swap3A_411 = tpu.vector_load %arg16[%swap3A_410] {strides = array<i32>} : memref<16xf32, #tpu.memory_space<vmem>>, vector<16xf32>,
        tpu.vector_store %arg16[%swap3A_410], %add3A_404 {strides = array<i32>} : memref<16xf32, #tpu.memory_space<vmem>>, vector<16xf32>,
        %gather3A_412 = tpu.vector_load_idx %arg16[%max3A_32] : memref<16xf32, #tpu.memory_space<vmem>>[vector<16xi32>], vector<16xf32>,
        %jit3A_413 = arith.constant 0.000000e+00 : f32
        %broadcast_in_dim3A_414 = vector.broadcast %jit3A_413 : f32 to vector<16xf32>
        %select_n3A_415 = arith.select %and3A_318, %gather3A_412, %broadcast_in_dim3A_414 : vector<16xi1>, vector<16xf32>
        %add3A_416 = arith.addf %add3A_404, %select_n3A_415 : vector<16xf32>
        %swap3A_417 = arith.constant 0 : index
        %swap3A_418 = tpu.vector_load %arg16[%swap3A_417] {strides = array<i32>} : memref<16xf32, #tpu.memory_space<vmem>>, vector<16xf32>,
        tpu.vector_store %arg16[%swap3A_417], %select_n3A_409 {strides = array<i32>} : memref<16xf32, #tpu.memory_space<vmem>>, vector<16xf32>,
        %gather3A_419 = tpu.vector_load_idx %arg16[%max3A_38] : memref<16xf32, #tpu.memory_space<vmem>>[vector<16xi32>], vector<16xf32>,
        %max3A_420 = arith.maximumf %select_n3A_409, %gather3A_419 : vector<16xf32>
        %select_n3A_421 = arith.select %and3A_321, %max3A_420, %select_n3A_409 : vector<16xi1>, vector<16xf32>
        %swap3A_422 = arith.constant 0 : index
        %swap3A_423 = tpu.vector_load %arg16[%swap3A_422] {strides = array<i32>} : memref<16xf32, #tpu.memory_space<vmem>>, vector<16xf32>,
        tpu.vector_store %arg16[%swap3A_422], %add3A_416 {strides = array<i32>} : memref<16xf32, #tpu.memory_space<vmem>>, vector<16xf32>,
        %gather3A_424 = tpu.vector_load_idx %arg16[%max3A_38] : memref<16xf32, #tpu.memory_space<vmem>>[vector<16xi32>], vector<16xf32>,
        %jit3A_425 = arith.constant 0.000000e+00 : f32
        %broadcast_in_dim3A_426 = vector.broadcast %jit3A_425 : f32 to vector<16xf32>
        %select_n3A_427 = arith.select %and3A_321, %gather3A_424, %broadcast_in_dim3A_426 : vector<16xi1>, vector<16xf32>
        %add3A_428 = arith.addf %add3A_416, %select_n3A_427 : vector<16xf32>
        %gather3A_429 = tpu.vector_load_idx %arg11[%select_n3A_326] : memref<10016xf32, #tpu.memory_space<vmem>>[vector<16xi32>], vector<16xf32>,
        %add3A_430 = arith.addf %gather3A_429, %add3A_428 : vector<16xf32>
        tpu.vector_store_idx %arg11[%select_n3A_326], %add3A_430 : memref<10016xf32, #tpu.memory_space<vmem>>[vector<16xi32>], vector<16xf32>,
        %gather3A_431 = tpu.vector_load_idx %arg13[%select_n3A_326] : memref<10016xf32, #tpu.memory_space<vmem>>[vector<16xi32>], vector<16xf32>,
        %max3A_432 = arith.maximumf %gather3A_431, %select_n3A_421 : vector<16xf32>
        tpu.vector_store_idx %arg13[%select_n3A_326], %max3A_432 : memref<10016xf32, #tpu.memory_space<vmem>>[vector<16xi32>], vector<16xf32>,
      }
      %lt3A = arith.constant 39 : i32
      %lt3A_187 = arith.cmpi slt, %scan3A_80, %lt3A : i32
      %convert_element_type3A = arith.extui %lt3A_187 : i1 to i32
      %cond3A = arith.constant 0 : i32
      %cond3A_188 = arith.cmpi ne, %convert_element_type3A, %cond3A : i32
      scf.if %cond3A_188 {
        %add3A_293 = arith.constant 2 : i32
        %add3A_294 = arith.addi %mul3A_82, %add3A_293 : i32
        %mul3A_295 = arith.constant 4000 : i32
        %mul3A_296 = arith.muli %add3A_294, %mul3A_295 : i32
        %dma_start3A_297 = tpu.memref_slice %arg3[%mul3A_296] : memref<320000xi32, #tpu.memory_space<hbm>> -> memref<4000xi32, #tpu.memory_space<hbm>>
        %dma_start3A_298 = tpu.memref_slice %arg3[%mul3A_296] : memref<320000xi32, #tpu.memory_space<hbm>> -> memref<4000xi32, #tpu.memory_space<hbm>>
        tpu.enqueue_dma source(%dma_start3A_298 : memref<4000xi32, #tpu.memory_space<hbm>>) target(%arg23 : memref<4000xi32, #tpu.memory_space<vmem>>) target_semaphore(%arg27 : memref<!tpu.dma_semaphore, #tpu.memory_space<semaphore_mem>>)
        %mul3A_299 = arith.constant 4000 : i32
        %mul3A_300 = arith.muli %add3A_294, %mul3A_299 : i32
        %dma_start3A_301 = tpu.memref_slice %arg4[%mul3A_300] : memref<320000xi32, #tpu.memory_space<hbm>> -> memref<4000xi32, #tpu.memory_space<hbm>>
        %dma_start3A_302 = tpu.memref_slice %arg4[%mul3A_300] : memref<320000xi32, #tpu.memory_space<hbm>> -> memref<4000xi32, #tpu.memory_space<hbm>>
        tpu.enqueue_dma source(%dma_start3A_302 : memref<4000xi32, #tpu.memory_space<hbm>>) target(%arg24 : memref<4000xi32, #tpu.memory_space<vmem>>) target_semaphore(%arg27 : memref<!tpu.dma_semaphore, #tpu.memory_space<semaphore_mem>>)
      } else {
      }
      %mul3A_189 = arith.constant 4000 : i32
      %mul3A_190 = arith.muli %add3A_84, %mul3A_189 : i32
      %dma_wait3A_191 = tpu.memref_slice %arg3[%mul3A_190] : memref<320000xi32, #tpu.memory_space<hbm>> -> memref<4000xi32, #tpu.memory_space<hbm>>
      %dma_wait3A_192 = tpu.memref_slice %arg3[%mul3A_190] : memref<320000xi32, #tpu.memory_space<hbm>> -> memref<4000xi32, #tpu.memory_space<hbm>>
      tpu.wait_dma2 semaphore(%arg28 : memref<!tpu.dma_semaphore, #tpu.memory_space<semaphore_mem>>) src(%dma_wait3A_192 : memref<4000xi32, #tpu.memory_space<hbm>>) dst(%arg25 : memref<4000xi32, #tpu.memory_space<vmem>>)
      %mul3A_193 = arith.constant 4000 : i32
      %mul3A_194 = arith.muli %add3A_84, %mul3A_193 : i32
      %dma_wait3A_195 = tpu.memref_slice %arg4[%mul3A_194] : memref<320000xi32, #tpu.memory_space<hbm>> -> memref<4000xi32, #tpu.memory_space<hbm>>
      %dma_wait3A_196 = tpu.memref_slice %arg4[%mul3A_194] : memref<320000xi32, #tpu.memory_space<hbm>> -> memref<4000xi32, #tpu.memory_space<hbm>>
      tpu.wait_dma2 semaphore(%arg28 : memref<!tpu.dma_semaphore, #tpu.memory_space<semaphore_mem>>) src(%dma_wait3A_196 : memref<4000xi32, #tpu.memory_space<hbm>>) dst(%arg26 : memref<4000xi32, #tpu.memory_space<vmem>>)
      %scan3A_197 = arith.constant 0 : i32
      %scan3A_198 = arith.constant 0 : i32
      %scan3A_199 = arith.constant 0 : i32
      %scan3A_200 = arith.constant 125 : i32
      %scan3A_201 = arith.addi %scan3A_199, %scan3A_200 : i32
      %scan3A_202 = arith.constant 1 : i32
      %scan3A_203:2 = scf.for %scan3A_293 = %scan3A_199 to %scan3A_201 step %scan3A_202 iter_args(%scan3A_294 = %scan3A_197, %scan3A_295 = %scan3A_198) -> (i32, i32)  : i32 {
        %mul3A_296 = arith.constant 32 : i32
        %mul3A_297 = arith.muli %scan3A_293, %mul3A_296 : i32
        %get3A = arith.index_cast %mul3A_297 : i32 to index
        %get3A_298 = tpu.vector_load %arg25[%get3A] {strides = array<i32>} : memref<4000xi32, #tpu.memory_space<vmem>>, vector<16xi32>,
        %get3A_299 = arith.index_cast %mul3A_297 : i32 to index
        %get3A_300 = tpu.vector_load %arg26[%get3A_299] {strides = array<i32>} : memref<4000xi32, #tpu.memory_space<vmem>>, vector<16xi32>,
        tpu.vector_store_idx %arg17[%get3A_300], %iota3A : memref<10000xi32, #tpu.memory_space<vmem>>[vector<16xi32>], vector<16xi32>,
        %gather3A = tpu.vector_load_idx %arg17[%get3A_300] : memref<10000xi32, #tpu.memory_space<vmem>>[vector<16xi32>], vector<16xi32>,
        %eq3A_301 = arith.cmpi eq, %gather3A, %iota3A : vector<16xi32>
        %jit3A_302 = arith.constant 10000 : i32
        %broadcast_in_dim3A_303 = vector.broadcast %jit3A_302 : i32 to vector<16xi32>
        %select_n3A_304 = arith.select %eq3A_301, %get3A_300, %broadcast_in_dim3A_303 : vector<16xi1>, vector<16xi32>
        %gather3A_305 = tpu.vector_load_idx %arg8[%get3A_298] : memref<10000xf32, #tpu.memory_space<vmem>>[vector<16xi32>], vector<16xf32>,
        %gather3A_306 = tpu.vector_load_idx %arg10[%select_n3A_304] : memref<10016xf32, #tpu.memory_space<vmem>>[vector<16xi32>], vector<16xf32>,
        %add3A_307 = arith.addf %gather3A_306, %gather3A_305 : vector<16xf32>
        tpu.vector_store_idx %arg10[%select_n3A_304], %add3A_307 : memref<10016xf32, #tpu.memory_space<vmem>>[vector<16xi32>], vector<16xf32>,
        %gather3A_308 = tpu.vector_load_idx %arg12[%select_n3A_304] : memref<10016xf32, #tpu.memory_space<vmem>>[vector<16xi32>], vector<16xf32>,
        %max3A_309 = arith.maximumf %gather3A_308, %gather3A_305 : vector<16xf32>
        tpu.vector_store_idx %arg12[%select_n3A_304], %max3A_309 : memref<10016xf32, #tpu.memory_space<vmem>>[vector<16xi32>], vector<16xf32>,
        %gather3A_310 = tpu.vector_load_idx %arg9[%get3A_298] : memref<10000xf32, #tpu.memory_space<vmem>>[vector<16xi32>], vector<16xf32>,
        %gather3A_311 = tpu.vector_load_idx %arg11[%select_n3A_304] : memref<10016xf32, #tpu.memory_space<vmem>>[vector<16xi32>], vector<16xf32>,
        %add3A_312 = arith.addf %gather3A_311, %gather3A_310 : vector<16xf32>
        tpu.vector_store_idx %arg11[%select_n3A_304], %add3A_312 : memref<10016xf32, #tpu.memory_space<vmem>>[vector<16xi32>], vector<16xf32>,
        %gather3A_313 = tpu.vector_load_idx %arg13[%select_n3A_304] : memref<10016xf32, #tpu.memory_space<vmem>>[vector<16xi32>], vector<16xf32>,
        %max3A_314 = arith.maximumf %gather3A_313, %gather3A_310 : vector<16xf32>
        tpu.vector_store_idx %arg13[%select_n3A_304], %max3A_314 : memref<10016xf32, #tpu.memory_space<vmem>>[vector<16xi32>], vector<16xf32>,
        %not3A = arith.constant dense<true> : vector<16xi1>
        %not3A_315 = arith.xori %eq3A_301, %not3A : vector<16xi1>
        %swap3A_316 = arith.index_cast %scan3A_294 : i32 to index
        %swap3A_317 = tpu.vector_load %arg18[%swap3A_316] masked %not3A_315 {strides = array<i32>} : memref<4016xi32, #tpu.memory_space<vmem>>, vector<16xi32>, vector<16xi1>
        tpu.vector_store %arg18[%swap3A_316], %get3A_298 masked %not3A_315 {strides = array<i32>} : memref<4016xi32, #tpu.memory_space<vmem>>, vector<16xi32>, vector<16xi1>
        %swap3A_318 = arith.index_cast %scan3A_294 : i32 to index
        %swap3A_319 = tpu.vector_load %arg19[%swap3A_318] masked %not3A_315 {strides = array<i32>} : memref<4016xi32, #tpu.memory_space<vmem>>, vector<16xi32>, vector<16xi1>
        tpu.vector_store %arg19[%swap3A_318], %get3A_300 masked %not3A_315 {strides = array<i32>} : memref<4016xi32, #tpu.memory_space<vmem>>, vector<16xi32>, vector<16xi1>
        %jit3A_320 = arith.constant 1 : i32
        %jit3A_321 = arith.constant 0 : i32
        %broadcast_in_dim3A_322 = vector.broadcast %jit3A_320 : i32 to vector<16xi32>
        %broadcast_in_dim3A_323 = vector.broadcast %jit3A_321 : i32 to vector<16xi32>
        %select_n3A_324 = arith.select %not3A_315, %broadcast_in_dim3A_322, %broadcast_in_dim3A_323 : vector<16xi1>, vector<16xi32>
        %reduce_sum3A = arith.constant true
        %reduce_sum3A_325 = vector.broadcast %reduce_sum3A : i1 to vector<16xi1>
        %reduce_sum3A_326 = tpu.scan <sum>, %select_n3A_324 masked %reduce_sum3A_325 : vector<16xi32>, vector<16xi1> -> vector<16xi32>
        %reduce_sum3A_327 = vector.extract %reduce_sum3A_326[15] : i32 from vector<16xi32>
        %add3A_328 = arith.addi %scan3A_294, %reduce_sum3A_327 : i32
        %mul3A_329 = arith.constant 32 : i32
        %mul3A_330 = arith.muli %scan3A_293, %mul3A_329 : i32
        %add3A_331 = arith.constant 16 : i32
        %add3A_332 = arith.addi %mul3A_330, %add3A_331 : i32
        %get3A_333 = arith.index_cast %add3A_332 : i32 to index
        %get3A_334 = tpu.vector_load %arg25[%get3A_333] {strides = array<i32>} : memref<4000xi32, #tpu.memory_space<vmem>>, vector<16xi32>,
        %get3A_335 = arith.index_cast %add3A_332 : i32 to index
        %get3A_336 = tpu.vector_load %arg26[%get3A_335] {strides = array<i32>} : memref<4000xi32, #tpu.memory_space<vmem>>, vector<16xi32>,
        tpu.vector_store_idx %arg20[%get3A_336], %iota3A : memref<10000xi32, #tpu.memory_space<vmem>>[vector<16xi32>], vector<16xi32>,
        %gather3A_337 = tpu.vector_load_idx %arg20[%get3A_336] : memref<10000xi32, #tpu.memory_space<vmem>>[vector<16xi32>], vector<16xi32>,
        %eq3A_338 = arith.cmpi eq, %gather3A_337, %iota3A : vector<16xi32>
        %jit3A_339 = arith.constant 10000 : i32
        %broadcast_in_dim3A_340 = vector.broadcast %jit3A_339 : i32 to vector<16xi32>
        %select_n3A_341 = arith.select %eq3A_338, %get3A_336, %broadcast_in_dim3A_340 : vector<16xi1>, vector<16xi32>
        %gather3A_342 = tpu.vector_load_idx %arg8[%get3A_334] : memref<10000xf32, #tpu.memory_space<vmem>>[vector<16xi32>], vector<16xf32>,
        %gather3A_343 = tpu.vector_load_idx %arg10[%select_n3A_341] : memref<10016xf32, #tpu.memory_space<vmem>>[vector<16xi32>], vector<16xf32>,
        %add3A_344 = arith.addf %gather3A_343, %gather3A_342 : vector<16xf32>
        tpu.vector_store_idx %arg10[%select_n3A_341], %add3A_344 : memref<10016xf32, #tpu.memory_space<vmem>>[vector<16xi32>], vector<16xf32>,
        %gather3A_345 = tpu.vector_load_idx %arg12[%select_n3A_341] : memref<10016xf32, #tpu.memory_space<vmem>>[vector<16xi32>], vector<16xf32>,
        %max3A_346 = arith.maximumf %gather3A_345, %gather3A_342 : vector<16xf32>
        tpu.vector_store_idx %arg12[%select_n3A_341], %max3A_346 : memref<10016xf32, #tpu.memory_space<vmem>>[vector<16xi32>], vector<16xf32>,
        %gather3A_347 = tpu.vector_load_idx %arg9[%get3A_334] : memref<10000xf32, #tpu.memory_space<vmem>>[vector<16xi32>], vector<16xf32>,
        %gather3A_348 = tpu.vector_load_idx %arg11[%select_n3A_341] : memref<10016xf32, #tpu.memory_space<vmem>>[vector<16xi32>], vector<16xf32>,
        %add3A_349 = arith.addf %gather3A_348, %gather3A_347 : vector<16xf32>
        tpu.vector_store_idx %arg11[%select_n3A_341], %add3A_349 : memref<10016xf32, #tpu.memory_space<vmem>>[vector<16xi32>], vector<16xf32>,
        %gather3A_350 = tpu.vector_load_idx %arg13[%select_n3A_341] : memref<10016xf32, #tpu.memory_space<vmem>>[vector<16xi32>], vector<16xf32>,
        %max3A_351 = arith.maximumf %gather3A_350, %gather3A_347 : vector<16xf32>
        tpu.vector_store_idx %arg13[%select_n3A_341], %max3A_351 : memref<10016xf32, #tpu.memory_space<vmem>>[vector<16xi32>], vector<16xf32>,
        %not3A_352 = arith.constant dense<true> : vector<16xi1>
        %not3A_353 = arith.xori %eq3A_338, %not3A_352 : vector<16xi1>
        %swap3A_354 = arith.index_cast %scan3A_295 : i32 to index
        %swap3A_355 = tpu.vector_load %arg21[%swap3A_354] masked %not3A_353 {strides = array<i32>} : memref<4016xi32, #tpu.memory_space<vmem>>, vector<16xi32>, vector<16xi1>
        tpu.vector_store %arg21[%swap3A_354], %get3A_334 masked %not3A_353 {strides = array<i32>} : memref<4016xi32, #tpu.memory_space<vmem>>, vector<16xi32>, vector<16xi1>
        %swap3A_356 = arith.index_cast %scan3A_295 : i32 to index
        %swap3A_357 = tpu.vector_load %arg22[%swap3A_356] masked %not3A_353 {strides = array<i32>} : memref<4016xi32, #tpu.memory_space<vmem>>, vector<16xi32>, vector<16xi1>
        tpu.vector_store %arg22[%swap3A_356], %get3A_336 masked %not3A_353 {strides = array<i32>} : memref<4016xi32, #tpu.memory_space<vmem>>, vector<16xi32>, vector<16xi1>
        %jit3A_358 = arith.constant 1 : i32
        %jit3A_359 = arith.constant 0 : i32
        %broadcast_in_dim3A_360 = vector.broadcast %jit3A_358 : i32 to vector<16xi32>
        %broadcast_in_dim3A_361 = vector.broadcast %jit3A_359 : i32 to vector<16xi32>
        %select_n3A_362 = arith.select %not3A_353, %broadcast_in_dim3A_360, %broadcast_in_dim3A_361 : vector<16xi1>, vector<16xi32>
        %reduce_sum3A_363 = arith.constant true
        %reduce_sum3A_364 = vector.broadcast %reduce_sum3A_363 : i1 to vector<16xi1>
        %reduce_sum3A_365 = tpu.scan <sum>, %select_n3A_362 masked %reduce_sum3A_364 : vector<16xi32>, vector<16xi1> -> vector<16xi32>
        %reduce_sum3A_366 = vector.extract %reduce_sum3A_365[15] : i32 from vector<16xi32>
        %add3A_367 = arith.addi %scan3A_295, %reduce_sum3A_366 : i32
        scf.yield %add3A_328, %add3A_367 : i32, i32
      }
      %scan3A_204 = arith.constant 125 : i32
      %broadcast_in_dim3A_205 = arith.constant 0 : i32
      %broadcast_in_dim3A_206 = vector.broadcast %broadcast_in_dim3A_205 : i32 to vector<16xi32>
      %swap3A_207 = arith.index_cast %scan3A_203#0 : i32 to index
      %swap3A_208 = tpu.vector_load %arg18[%swap3A_207] {strides = array<i32>} : memref<4016xi32, #tpu.memory_space<vmem>>, vector<16xi32>,
      tpu.vector_store %arg18[%swap3A_207], %broadcast_in_dim3A_206 {strides = array<i32>} : memref<4016xi32, #tpu.memory_space<vmem>>, vector<16xi32>,
      %broadcast_in_dim3A_209 = arith.constant 10000 : i32
      %broadcast_in_dim3A_210 = vector.broadcast %broadcast_in_dim3A_209 : i32 to vector<16xi32>
      %swap3A_211 = arith.index_cast %scan3A_203#0 : i32 to index
      %swap3A_212 = tpu.vector_load %arg19[%swap3A_211] {strides = array<i32>} : memref<4016xi32, #tpu.memory_space<vmem>>, vector<16xi32>,
      tpu.vector_store %arg19[%swap3A_211], %broadcast_in_dim3A_210 {strides = array<i32>} : memref<4016xi32, #tpu.memory_space<vmem>>, vector<16xi32>,
      %add3A_213 = arith.constant 15 : i32
      %add3A_214 = arith.addi %scan3A_203#0, %add3A_213 : i32
      %jit3A_215 = arith.constant 16 : i32
      %div3A_216 = arith.divsi %add3A_214, %jit3A_215 : i32
      %sign3A_217 = arith.constant 0 : i32
      %sign3A_218 = arith.cmpi sgt, %add3A_214, %sign3A_217 : i32
      %sign3A_219 = arith.extui %sign3A_218 : i1 to i32
      %sign3A_220 = arith.constant 0 : i32
      %sign3A_221 = arith.cmpi slt, %add3A_214, %sign3A_220 : i32
      %sign3A_222 = arith.extui %sign3A_221 : i1 to i32
      %sign3A_223 = arith.subi %sign3A_219, %sign3A_222 : i32
      %sign3A_224 = arith.constant 0 : i32
      %sign3A_225 = arith.cmpi sgt, %jit3A_215, %sign3A_224 : i32
      %sign3A_226 = arith.extui %sign3A_225 : i1 to i32
      %sign3A_227 = arith.constant 0 : i32
      %sign3A_228 = arith.cmpi slt, %jit3A_215, %sign3A_227 : i32
      %sign3A_229 = arith.extui %sign3A_228 : i1 to i32
      %sign3A_230 = arith.subi %sign3A_226, %sign3A_229 : i32
      %ne3A_231 = arith.cmpi ne, %sign3A_223, %sign3A_230 : i32
      %rem3A_232 = arith.remsi %add3A_214, %jit3A_215 : i32
      %ne3A_233 = arith.constant 0 : i32
      %ne3A_234 = arith.cmpi ne, %rem3A_232, %ne3A_233 : i32
      %and3A_235 = arith.andi %ne3A_231, %ne3A_234 : i1
      %sub3A_236 = arith.constant 1 : i32
      %sub3A_237 = arith.subi %div3A_216, %sub3A_236 : i32
      %select_n3A_238 = arith.select %and3A_235, %sub3A_237, %div3A_216 : i32
      %while3A_239 = arith.constant 0 : i32
      %while3A_240 = arith.constant 0 : i32
      %while3A_241 = arith.subi %select_n3A_238, %while3A_240 : i32
      %while3A_242 = arith.addi %while3A_240, %while3A_241 : i32
      %while3A_243 = arith.constant 1 : i32
      %while3A_244 = arith.divsi %while3A_241, %while3A_243 : i32
      %while3A_245 = arith.muli %while3A_244, %while3A_243 : i32
      %while3A_246 = arith.addi %while3A_240, %while3A_245 : i32
      %while3A_247 = arith.constant 1 : i32
      scf.for %while3A_293 = %while3A_240 to %while3A_246 step %while3A_247  : i32 {
        %mul3A_294 = arith.constant 16 : i32
        %mul3A_295 = arith.muli %while3A_293, %mul3A_294 : i32
        %get3A = arith.index_cast %mul3A_295 : i32 to index
        %get3A_296 = tpu.vector_load %arg18[%get3A] {strides = array<i32>} : memref<4016xi32, #tpu.memory_space<vmem>>, vector<16xi32>,
        %get3A_297 = arith.index_cast %mul3A_295 : i32 to index
        %get3A_298 = tpu.vector_load %arg19[%get3A_297] {strides = array<i32>} : memref<4016xi32, #tpu.memory_space<vmem>>, vector<16xi32>,
        %masked_sort3A = arith.constant dense<true> : vector<16xi1>
        %masked_sort3A_299 = arith.constant -2147483648 : i32
        %masked_sort3A_300 = vector.broadcast %masked_sort3A_299 : i32 to vector<16xi32>
        %masked_sort3A_301 = arith.xori %get3A_298, %masked_sort3A_300 : vector<16xi32>
        %masked_sort3A_302, %masked_sort3A_303, %masked_sort3A_304 = tpu.sort %masked_sort3A_301, %iota3A masked %masked_sort3A : (vector<16xi32>, vector<16xi32>, vector<16xi1>) -> (vector<16xi1>, vector<16xi32>, vector<16xi32>)
        %masked_sort3A_305 = arith.xori %masked_sort3A_303, %masked_sort3A_300 : vector<16xi32>
        %swap3A_306 = arith.constant 0 : index
        %swap3A_307 = tpu.vector_load %arg15[%swap3A_306] {strides = array<i32>} : memref<16xi32, #tpu.memory_space<vmem>>, vector<16xi32>,
        tpu.vector_store %arg15[%swap3A_306], %get3A_296 {strides = array<i32>} : memref<16xi32, #tpu.memory_space<vmem>>, vector<16xi32>,
        %gather3A = tpu.vector_load_idx %arg15[%masked_sort3A_304] : memref<16xi32, #tpu.memory_space<vmem>>[vector<16xi32>], vector<16xi32>,
        %swap3A_308 = arith.constant 0 : index
        %swap3A_309 = tpu.vector_load %arg15[%swap3A_308] {strides = array<i32>} : memref<16xi32, #tpu.memory_space<vmem>>, vector<16xi32>,
        tpu.vector_store %arg15[%swap3A_308], %masked_sort3A_305 {strides = array<i32>} : memref<16xi32, #tpu.memory_space<vmem>>, vector<16xi32>,
        %gather3A_310 = tpu.vector_load_idx %arg15[%max3A_20] : memref<16xi32, #tpu.memory_space<vmem>>[vector<16xi32>], vector<16xi32>,
        %eq3A_311 = arith.cmpi eq, %masked_sort3A_305, %gather3A_310 : vector<16xi32>
        %and3A_312 = arith.andi %eq3A_311, %ge3A_40 : vector<16xi1>
        %gather3A_313 = tpu.vector_load_idx %arg15[%max3A_26] : memref<16xi32, #tpu.memory_space<vmem>>[vector<16xi32>], vector<16xi32>,
        %eq3A_314 = arith.cmpi eq, %masked_sort3A_305, %gather3A_313 : vector<16xi32>
        %and3A_315 = arith.andi %eq3A_314, %ge3A_43 : vector<16xi1>
        %gather3A_316 = tpu.vector_load_idx %arg15[%max3A_32] : memref<16xi32, #tpu.memory_space<vmem>>[vector<16xi32>], vector<16xi32>,
        %eq3A_317 = arith.cmpi eq, %masked_sort3A_305, %gather3A_316 : vector<16xi32>
        %and3A_318 = arith.andi %eq3A_317, %ge3A_46 : vector<16xi1>
        %gather3A_319 = tpu.vector_load_idx %arg15[%max3A_38] : memref<16xi32, #tpu.memory_space<vmem>>[vector<16xi32>], vector<16xi32>,
        %eq3A_320 = arith.cmpi eq, %masked_sort3A_305, %gather3A_319 : vector<16xi32>
        %and3A_321 = arith.andi %eq3A_320, %ge3A_49 : vector<16xi1>
        %gather3A_322 = tpu.vector_load_idx %arg15[%min3A_54] : memref<16xi32, #tpu.memory_space<vmem>>[vector<16xi32>], vector<16xi32>,
        %ne3A_323 = arith.cmpi ne, %masked_sort3A_305, %gather3A_322 : vector<16xi32>
        %or3A = arith.ori %ne3A_323, %eq3A_56 : vector<16xi1>
        %jit3A_324 = arith.constant 10000 : i32
        %broadcast_in_dim3A_325 = vector.broadcast %jit3A_324 : i32 to vector<16xi32>
        %select_n3A_326 = arith.select %or3A, %masked_sort3A_305, %broadcast_in_dim3A_325 : vector<16xi1>, vector<16xi32>
        %gather3A_327 = tpu.vector_load_idx %arg8[%gather3A] : memref<10000xf32, #tpu.memory_space<vmem>>[vector<16xi32>], vector<16xf32>,
        %swap3A_328 = arith.constant 0 : index
        %swap3A_329 = tpu.vector_load %arg16[%swap3A_328] {strides = array<i32>} : memref<16xf32, #tpu.memory_space<vmem>>, vector<16xf32>,
        tpu.vector_store %arg16[%swap3A_328], %gather3A_327 {strides = array<i32>} : memref<16xf32, #tpu.memory_space<vmem>>, vector<16xf32>,
        %gather3A_330 = tpu.vector_load_idx %arg16[%max3A_20] : memref<16xf32, #tpu.memory_space<vmem>>[vector<16xi32>], vector<16xf32>,
        %max3A_331 = arith.maximumf %gather3A_327, %gather3A_330 : vector<16xf32>
        %select_n3A_332 = arith.select %and3A_312, %max3A_331, %gather3A_327 : vector<16xi1>, vector<16xf32>
        %swap3A_333 = arith.constant 0 : index
        %swap3A_334 = tpu.vector_load %arg16[%swap3A_333] {strides = array<i32>} : memref<16xf32, #tpu.memory_space<vmem>>, vector<16xf32>,
        tpu.vector_store %arg16[%swap3A_333], %gather3A_327 {strides = array<i32>} : memref<16xf32, #tpu.memory_space<vmem>>, vector<16xf32>,
        %gather3A_335 = tpu.vector_load_idx %arg16[%max3A_20] : memref<16xf32, #tpu.memory_space<vmem>>[vector<16xi32>], vector<16xf32>,
        %jit3A_336 = arith.constant 0.000000e+00 : f32
        %broadcast_in_dim3A_337 = vector.broadcast %jit3A_336 : f32 to vector<16xf32>
        %select_n3A_338 = arith.select %and3A_312, %gather3A_335, %broadcast_in_dim3A_337 : vector<16xi1>, vector<16xf32>
        %add3A_339 = arith.addf %gather3A_327, %select_n3A_338 : vector<16xf32>
        %swap3A_340 = arith.constant 0 : index
        %swap3A_341 = tpu.vector_load %arg16[%swap3A_340] {strides = array<i32>} : memref<16xf32, #tpu.memory_space<vmem>>, vector<16xf32>,
        tpu.vector_store %arg16[%swap3A_340], %select_n3A_332 {strides = array<i32>} : memref<16xf32, #tpu.memory_space<vmem>>, vector<16xf32>,
        %gather3A_342 = tpu.vector_load_idx %arg16[%max3A_26] : memref<16xf32, #tpu.memory_space<vmem>>[vector<16xi32>], vector<16xf32>,
        %max3A_343 = arith.maximumf %select_n3A_332, %gather3A_342 : vector<16xf32>
        %select_n3A_344 = arith.select %and3A_315, %max3A_343, %select_n3A_332 : vector<16xi1>, vector<16xf32>
        %swap3A_345 = arith.constant 0 : index
        %swap3A_346 = tpu.vector_load %arg16[%swap3A_345] {strides = array<i32>} : memref<16xf32, #tpu.memory_space<vmem>>, vector<16xf32>,
        tpu.vector_store %arg16[%swap3A_345], %add3A_339 {strides = array<i32>} : memref<16xf32, #tpu.memory_space<vmem>>, vector<16xf32>,
        %gather3A_347 = tpu.vector_load_idx %arg16[%max3A_26] : memref<16xf32, #tpu.memory_space<vmem>>[vector<16xi32>], vector<16xf32>,
        %jit3A_348 = arith.constant 0.000000e+00 : f32
        %broadcast_in_dim3A_349 = vector.broadcast %jit3A_348 : f32 to vector<16xf32>
        %select_n3A_350 = arith.select %and3A_315, %gather3A_347, %broadcast_in_dim3A_349 : vector<16xi1>, vector<16xf32>
        %add3A_351 = arith.addf %add3A_339, %select_n3A_350 : vector<16xf32>
        %swap3A_352 = arith.constant 0 : index
        %swap3A_353 = tpu.vector_load %arg16[%swap3A_352] {strides = array<i32>} : memref<16xf32, #tpu.memory_space<vmem>>, vector<16xf32>,
        tpu.vector_store %arg16[%swap3A_352], %select_n3A_344 {strides = array<i32>} : memref<16xf32, #tpu.memory_space<vmem>>, vector<16xf32>,
        %gather3A_354 = tpu.vector_load_idx %arg16[%max3A_32] : memref<16xf32, #tpu.memory_space<vmem>>[vector<16xi32>], vector<16xf32>,
        %max3A_355 = arith.maximumf %select_n3A_344, %gather3A_354 : vector<16xf32>
        %select_n3A_356 = arith.select %and3A_318, %max3A_355, %select_n3A_344 : vector<16xi1>, vector<16xf32>
        %swap3A_357 = arith.constant 0 : index
        %swap3A_358 = tpu.vector_load %arg16[%swap3A_357] {strides = array<i32>} : memref<16xf32, #tpu.memory_space<vmem>>, vector<16xf32>,
        tpu.vector_store %arg16[%swap3A_357], %add3A_351 {strides = array<i32>} : memref<16xf32, #tpu.memory_space<vmem>>, vector<16xf32>,
        %gather3A_359 = tpu.vector_load_idx %arg16[%max3A_32] : memref<16xf32, #tpu.memory_space<vmem>>[vector<16xi32>], vector<16xf32>,
        %jit3A_360 = arith.constant 0.000000e+00 : f32
        %broadcast_in_dim3A_361 = vector.broadcast %jit3A_360 : f32 to vector<16xf32>
        %select_n3A_362 = arith.select %and3A_318, %gather3A_359, %broadcast_in_dim3A_361 : vector<16xi1>, vector<16xf32>
        %add3A_363 = arith.addf %add3A_351, %select_n3A_362 : vector<16xf32>
        %swap3A_364 = arith.constant 0 : index
        %swap3A_365 = tpu.vector_load %arg16[%swap3A_364] {strides = array<i32>} : memref<16xf32, #tpu.memory_space<vmem>>, vector<16xf32>,
        tpu.vector_store %arg16[%swap3A_364], %select_n3A_356 {strides = array<i32>} : memref<16xf32, #tpu.memory_space<vmem>>, vector<16xf32>,
        %gather3A_366 = tpu.vector_load_idx %arg16[%max3A_38] : memref<16xf32, #tpu.memory_space<vmem>>[vector<16xi32>], vector<16xf32>,
        %max3A_367 = arith.maximumf %select_n3A_356, %gather3A_366 : vector<16xf32>
        %select_n3A_368 = arith.select %and3A_321, %max3A_367, %select_n3A_356 : vector<16xi1>, vector<16xf32>
        %swap3A_369 = arith.constant 0 : index
        %swap3A_370 = tpu.vector_load %arg16[%swap3A_369] {strides = array<i32>} : memref<16xf32, #tpu.memory_space<vmem>>, vector<16xf32>,
        tpu.vector_store %arg16[%swap3A_369], %add3A_363 {strides = array<i32>} : memref<16xf32, #tpu.memory_space<vmem>>, vector<16xf32>,
        %gather3A_371 = tpu.vector_load_idx %arg16[%max3A_38] : memref<16xf32, #tpu.memory_space<vmem>>[vector<16xi32>], vector<16xf32>,
        %jit3A_372 = arith.constant 0.000000e+00 : f32
        %broadcast_in_dim3A_373 = vector.broadcast %jit3A_372 : f32 to vector<16xf32>
        %select_n3A_374 = arith.select %and3A_321, %gather3A_371, %broadcast_in_dim3A_373 : vector<16xi1>, vector<16xf32>
        %add3A_375 = arith.addf %add3A_363, %select_n3A_374 : vector<16xf32>
        %gather3A_376 = tpu.vector_load_idx %arg10[%select_n3A_326] : memref<10016xf32, #tpu.memory_space<vmem>>[vector<16xi32>], vector<16xf32>,
        %add3A_377 = arith.addf %gather3A_376, %add3A_375 : vector<16xf32>
        tpu.vector_store_idx %arg10[%select_n3A_326], %add3A_377 : memref<10016xf32, #tpu.memory_space<vmem>>[vector<16xi32>], vector<16xf32>,
        %gather3A_378 = tpu.vector_load_idx %arg12[%select_n3A_326] : memref<10016xf32, #tpu.memory_space<vmem>>[vector<16xi32>], vector<16xf32>,
        %max3A_379 = arith.maximumf %gather3A_378, %select_n3A_368 : vector<16xf32>
        tpu.vector_store_idx %arg12[%select_n3A_326], %max3A_379 : memref<10016xf32, #tpu.memory_space<vmem>>[vector<16xi32>], vector<16xf32>,
        %gather3A_380 = tpu.vector_load_idx %arg9[%gather3A] : memref<10000xf32, #tpu.memory_space<vmem>>[vector<16xi32>], vector<16xf32>,
        %swap3A_381 = arith.constant 0 : index
        %swap3A_382 = tpu.vector_load %arg16[%swap3A_381] {strides = array<i32>} : memref<16xf32, #tpu.memory_space<vmem>>, vector<16xf32>,
        tpu.vector_store %arg16[%swap3A_381], %gather3A_380 {strides = array<i32>} : memref<16xf32, #tpu.memory_space<vmem>>, vector<16xf32>,
        %gather3A_383 = tpu.vector_load_idx %arg16[%max3A_20] : memref<16xf32, #tpu.memory_space<vmem>>[vector<16xi32>], vector<16xf32>,
        %max3A_384 = arith.maximumf %gather3A_380, %gather3A_383 : vector<16xf32>
        %select_n3A_385 = arith.select %and3A_312, %max3A_384, %gather3A_380 : vector<16xi1>, vector<16xf32>
        %swap3A_386 = arith.constant 0 : index
        %swap3A_387 = tpu.vector_load %arg16[%swap3A_386] {strides = array<i32>} : memref<16xf32, #tpu.memory_space<vmem>>, vector<16xf32>,
        tpu.vector_store %arg16[%swap3A_386], %gather3A_380 {strides = array<i32>} : memref<16xf32, #tpu.memory_space<vmem>>, vector<16xf32>,
        %gather3A_388 = tpu.vector_load_idx %arg16[%max3A_20] : memref<16xf32, #tpu.memory_space<vmem>>[vector<16xi32>], vector<16xf32>,
        %jit3A_389 = arith.constant 0.000000e+00 : f32
        %broadcast_in_dim3A_390 = vector.broadcast %jit3A_389 : f32 to vector<16xf32>
        %select_n3A_391 = arith.select %and3A_312, %gather3A_388, %broadcast_in_dim3A_390 : vector<16xi1>, vector<16xf32>
        %add3A_392 = arith.addf %gather3A_380, %select_n3A_391 : vector<16xf32>
        %swap3A_393 = arith.constant 0 : index
        %swap3A_394 = tpu.vector_load %arg16[%swap3A_393] {strides = array<i32>} : memref<16xf32, #tpu.memory_space<vmem>>, vector<16xf32>,
        tpu.vector_store %arg16[%swap3A_393], %select_n3A_385 {strides = array<i32>} : memref<16xf32, #tpu.memory_space<vmem>>, vector<16xf32>,
        %gather3A_395 = tpu.vector_load_idx %arg16[%max3A_26] : memref<16xf32, #tpu.memory_space<vmem>>[vector<16xi32>], vector<16xf32>,
        %max3A_396 = arith.maximumf %select_n3A_385, %gather3A_395 : vector<16xf32>
        %select_n3A_397 = arith.select %and3A_315, %max3A_396, %select_n3A_385 : vector<16xi1>, vector<16xf32>
        %swap3A_398 = arith.constant 0 : index
        %swap3A_399 = tpu.vector_load %arg16[%swap3A_398] {strides = array<i32>} : memref<16xf32, #tpu.memory_space<vmem>>, vector<16xf32>,
        tpu.vector_store %arg16[%swap3A_398], %add3A_392 {strides = array<i32>} : memref<16xf32, #tpu.memory_space<vmem>>, vector<16xf32>,
        %gather3A_400 = tpu.vector_load_idx %arg16[%max3A_26] : memref<16xf32, #tpu.memory_space<vmem>>[vector<16xi32>], vector<16xf32>,
        %jit3A_401 = arith.constant 0.000000e+00 : f32
        %broadcast_in_dim3A_402 = vector.broadcast %jit3A_401 : f32 to vector<16xf32>
        %select_n3A_403 = arith.select %and3A_315, %gather3A_400, %broadcast_in_dim3A_402 : vector<16xi1>, vector<16xf32>
        %add3A_404 = arith.addf %add3A_392, %select_n3A_403 : vector<16xf32>
        %swap3A_405 = arith.constant 0 : index
        %swap3A_406 = tpu.vector_load %arg16[%swap3A_405] {strides = array<i32>} : memref<16xf32, #tpu.memory_space<vmem>>, vector<16xf32>,
        tpu.vector_store %arg16[%swap3A_405], %select_n3A_397 {strides = array<i32>} : memref<16xf32, #tpu.memory_space<vmem>>, vector<16xf32>,
        %gather3A_407 = tpu.vector_load_idx %arg16[%max3A_32] : memref<16xf32, #tpu.memory_space<vmem>>[vector<16xi32>], vector<16xf32>,
        %max3A_408 = arith.maximumf %select_n3A_397, %gather3A_407 : vector<16xf32>
        %select_n3A_409 = arith.select %and3A_318, %max3A_408, %select_n3A_397 : vector<16xi1>, vector<16xf32>
        %swap3A_410 = arith.constant 0 : index
        %swap3A_411 = tpu.vector_load %arg16[%swap3A_410] {strides = array<i32>} : memref<16xf32, #tpu.memory_space<vmem>>, vector<16xf32>,
        tpu.vector_store %arg16[%swap3A_410], %add3A_404 {strides = array<i32>} : memref<16xf32, #tpu.memory_space<vmem>>, vector<16xf32>,
        %gather3A_412 = tpu.vector_load_idx %arg16[%max3A_32] : memref<16xf32, #tpu.memory_space<vmem>>[vector<16xi32>], vector<16xf32>,
        %jit3A_413 = arith.constant 0.000000e+00 : f32
        %broadcast_in_dim3A_414 = vector.broadcast %jit3A_413 : f32 to vector<16xf32>
        %select_n3A_415 = arith.select %and3A_318, %gather3A_412, %broadcast_in_dim3A_414 : vector<16xi1>, vector<16xf32>
        %add3A_416 = arith.addf %add3A_404, %select_n3A_415 : vector<16xf32>
        %swap3A_417 = arith.constant 0 : index
        %swap3A_418 = tpu.vector_load %arg16[%swap3A_417] {strides = array<i32>} : memref<16xf32, #tpu.memory_space<vmem>>, vector<16xf32>,
        tpu.vector_store %arg16[%swap3A_417], %select_n3A_409 {strides = array<i32>} : memref<16xf32, #tpu.memory_space<vmem>>, vector<16xf32>,
        %gather3A_419 = tpu.vector_load_idx %arg16[%max3A_38] : memref<16xf32, #tpu.memory_space<vmem>>[vector<16xi32>], vector<16xf32>,
        %max3A_420 = arith.maximumf %select_n3A_409, %gather3A_419 : vector<16xf32>
        %select_n3A_421 = arith.select %and3A_321, %max3A_420, %select_n3A_409 : vector<16xi1>, vector<16xf32>
        %swap3A_422 = arith.constant 0 : index
        %swap3A_423 = tpu.vector_load %arg16[%swap3A_422] {strides = array<i32>} : memref<16xf32, #tpu.memory_space<vmem>>, vector<16xf32>,
        tpu.vector_store %arg16[%swap3A_422], %add3A_416 {strides = array<i32>} : memref<16xf32, #tpu.memory_space<vmem>>, vector<16xf32>,
        %gather3A_424 = tpu.vector_load_idx %arg16[%max3A_38] : memref<16xf32, #tpu.memory_space<vmem>>[vector<16xi32>], vector<16xf32>,
        %jit3A_425 = arith.constant 0.000000e+00 : f32
        %broadcast_in_dim3A_426 = vector.broadcast %jit3A_425 : f32 to vector<16xf32>
        %select_n3A_427 = arith.select %and3A_321, %gather3A_424, %broadcast_in_dim3A_426 : vector<16xi1>, vector<16xf32>
        %add3A_428 = arith.addf %add3A_416, %select_n3A_427 : vector<16xf32>
        %gather3A_429 = tpu.vector_load_idx %arg11[%select_n3A_326] : memref<10016xf32, #tpu.memory_space<vmem>>[vector<16xi32>], vector<16xf32>,
        %add3A_430 = arith.addf %gather3A_429, %add3A_428 : vector<16xf32>
        tpu.vector_store_idx %arg11[%select_n3A_326], %add3A_430 : memref<10016xf32, #tpu.memory_space<vmem>>[vector<16xi32>], vector<16xf32>,
        %gather3A_431 = tpu.vector_load_idx %arg13[%select_n3A_326] : memref<10016xf32, #tpu.memory_space<vmem>>[vector<16xi32>], vector<16xf32>,
        %max3A_432 = arith.maximumf %gather3A_431, %select_n3A_421 : vector<16xf32>
        tpu.vector_store_idx %arg13[%select_n3A_326], %max3A_432 : memref<10016xf32, #tpu.memory_space<vmem>>[vector<16xi32>], vector<16xf32>,
      }
      %while3A_248 = arith.constant 1 : i32
      scf.for %while3A_293 = %while3A_246 to %while3A_242 step %while3A_248  : i32 {
        %mul3A_294 = arith.constant 16 : i32
        %mul3A_295 = arith.muli %while3A_293, %mul3A_294 : i32
        %get3A = arith.index_cast %mul3A_295 : i32 to index
        %get3A_296 = tpu.vector_load %arg18[%get3A] {strides = array<i32>} : memref<4016xi32, #tpu.memory_space<vmem>>, vector<16xi32>,
        %get3A_297 = arith.index_cast %mul3A_295 : i32 to index
        %get3A_298 = tpu.vector_load %arg19[%get3A_297] {strides = array<i32>} : memref<4016xi32, #tpu.memory_space<vmem>>, vector<16xi32>,
        %masked_sort3A = arith.constant dense<true> : vector<16xi1>
        %masked_sort3A_299 = arith.constant -2147483648 : i32
        %masked_sort3A_300 = vector.broadcast %masked_sort3A_299 : i32 to vector<16xi32>
        %masked_sort3A_301 = arith.xori %get3A_298, %masked_sort3A_300 : vector<16xi32>
        %masked_sort3A_302, %masked_sort3A_303, %masked_sort3A_304 = tpu.sort %masked_sort3A_301, %iota3A masked %masked_sort3A : (vector<16xi32>, vector<16xi32>, vector<16xi1>) -> (vector<16xi1>, vector<16xi32>, vector<16xi32>)
        %masked_sort3A_305 = arith.xori %masked_sort3A_303, %masked_sort3A_300 : vector<16xi32>
        %swap3A_306 = arith.constant 0 : index
        %swap3A_307 = tpu.vector_load %arg15[%swap3A_306] {strides = array<i32>} : memref<16xi32, #tpu.memory_space<vmem>>, vector<16xi32>,
        tpu.vector_store %arg15[%swap3A_306], %get3A_296 {strides = array<i32>} : memref<16xi32, #tpu.memory_space<vmem>>, vector<16xi32>,
        %gather3A = tpu.vector_load_idx %arg15[%masked_sort3A_304] : memref<16xi32, #tpu.memory_space<vmem>>[vector<16xi32>], vector<16xi32>,
        %swap3A_308 = arith.constant 0 : index
        %swap3A_309 = tpu.vector_load %arg15[%swap3A_308] {strides = array<i32>} : memref<16xi32, #tpu.memory_space<vmem>>, vector<16xi32>,
        tpu.vector_store %arg15[%swap3A_308], %masked_sort3A_305 {strides = array<i32>} : memref<16xi32, #tpu.memory_space<vmem>>, vector<16xi32>,
        %gather3A_310 = tpu.vector_load_idx %arg15[%max3A_20] : memref<16xi32, #tpu.memory_space<vmem>>[vector<16xi32>], vector<16xi32>,
        %eq3A_311 = arith.cmpi eq, %masked_sort3A_305, %gather3A_310 : vector<16xi32>
        %and3A_312 = arith.andi %eq3A_311, %ge3A_40 : vector<16xi1>
        %gather3A_313 = tpu.vector_load_idx %arg15[%max3A_26] : memref<16xi32, #tpu.memory_space<vmem>>[vector<16xi32>], vector<16xi32>,
        %eq3A_314 = arith.cmpi eq, %masked_sort3A_305, %gather3A_313 : vector<16xi32>
        %and3A_315 = arith.andi %eq3A_314, %ge3A_43 : vector<16xi1>
        %gather3A_316 = tpu.vector_load_idx %arg15[%max3A_32] : memref<16xi32, #tpu.memory_space<vmem>>[vector<16xi32>], vector<16xi32>,
        %eq3A_317 = arith.cmpi eq, %masked_sort3A_305, %gather3A_316 : vector<16xi32>
        %and3A_318 = arith.andi %eq3A_317, %ge3A_46 : vector<16xi1>
        %gather3A_319 = tpu.vector_load_idx %arg15[%max3A_38] : memref<16xi32, #tpu.memory_space<vmem>>[vector<16xi32>], vector<16xi32>,
        %eq3A_320 = arith.cmpi eq, %masked_sort3A_305, %gather3A_319 : vector<16xi32>
        %and3A_321 = arith.andi %eq3A_320, %ge3A_49 : vector<16xi1>
        %gather3A_322 = tpu.vector_load_idx %arg15[%min3A_54] : memref<16xi32, #tpu.memory_space<vmem>>[vector<16xi32>], vector<16xi32>,
        %ne3A_323 = arith.cmpi ne, %masked_sort3A_305, %gather3A_322 : vector<16xi32>
        %or3A = arith.ori %ne3A_323, %eq3A_56 : vector<16xi1>
        %jit3A_324 = arith.constant 10000 : i32
        %broadcast_in_dim3A_325 = vector.broadcast %jit3A_324 : i32 to vector<16xi32>
        %select_n3A_326 = arith.select %or3A, %masked_sort3A_305, %broadcast_in_dim3A_325 : vector<16xi1>, vector<16xi32>
        %gather3A_327 = tpu.vector_load_idx %arg8[%gather3A] : memref<10000xf32, #tpu.memory_space<vmem>>[vector<16xi32>], vector<16xf32>,
        %swap3A_328 = arith.constant 0 : index
        %swap3A_329 = tpu.vector_load %arg16[%swap3A_328] {strides = array<i32>} : memref<16xf32, #tpu.memory_space<vmem>>, vector<16xf32>,
        tpu.vector_store %arg16[%swap3A_328], %gather3A_327 {strides = array<i32>} : memref<16xf32, #tpu.memory_space<vmem>>, vector<16xf32>,
        %gather3A_330 = tpu.vector_load_idx %arg16[%max3A_20] : memref<16xf32, #tpu.memory_space<vmem>>[vector<16xi32>], vector<16xf32>,
        %max3A_331 = arith.maximumf %gather3A_327, %gather3A_330 : vector<16xf32>
        %select_n3A_332 = arith.select %and3A_312, %max3A_331, %gather3A_327 : vector<16xi1>, vector<16xf32>
        %swap3A_333 = arith.constant 0 : index
        %swap3A_334 = tpu.vector_load %arg16[%swap3A_333] {strides = array<i32>} : memref<16xf32, #tpu.memory_space<vmem>>, vector<16xf32>,
        tpu.vector_store %arg16[%swap3A_333], %gather3A_327 {strides = array<i32>} : memref<16xf32, #tpu.memory_space<vmem>>, vector<16xf32>,
        %gather3A_335 = tpu.vector_load_idx %arg16[%max3A_20] : memref<16xf32, #tpu.memory_space<vmem>>[vector<16xi32>], vector<16xf32>,
        %jit3A_336 = arith.constant 0.000000e+00 : f32
        %broadcast_in_dim3A_337 = vector.broadcast %jit3A_336 : f32 to vector<16xf32>
        %select_n3A_338 = arith.select %and3A_312, %gather3A_335, %broadcast_in_dim3A_337 : vector<16xi1>, vector<16xf32>
        %add3A_339 = arith.addf %gather3A_327, %select_n3A_338 : vector<16xf32>
        %swap3A_340 = arith.constant 0 : index
        %swap3A_341 = tpu.vector_load %arg16[%swap3A_340] {strides = array<i32>} : memref<16xf32, #tpu.memory_space<vmem>>, vector<16xf32>,
        tpu.vector_store %arg16[%swap3A_340], %select_n3A_332 {strides = array<i32>} : memref<16xf32, #tpu.memory_space<vmem>>, vector<16xf32>,
        %gather3A_342 = tpu.vector_load_idx %arg16[%max3A_26] : memref<16xf32, #tpu.memory_space<vmem>>[vector<16xi32>], vector<16xf32>,
        %max3A_343 = arith.maximumf %select_n3A_332, %gather3A_342 : vector<16xf32>
        %select_n3A_344 = arith.select %and3A_315, %max3A_343, %select_n3A_332 : vector<16xi1>, vector<16xf32>
        %swap3A_345 = arith.constant 0 : index
        %swap3A_346 = tpu.vector_load %arg16[%swap3A_345] {strides = array<i32>} : memref<16xf32, #tpu.memory_space<vmem>>, vector<16xf32>,
        tpu.vector_store %arg16[%swap3A_345], %add3A_339 {strides = array<i32>} : memref<16xf32, #tpu.memory_space<vmem>>, vector<16xf32>,
        %gather3A_347 = tpu.vector_load_idx %arg16[%max3A_26] : memref<16xf32, #tpu.memory_space<vmem>>[vector<16xi32>], vector<16xf32>,
        %jit3A_348 = arith.constant 0.000000e+00 : f32
        %broadcast_in_dim3A_349 = vector.broadcast %jit3A_348 : f32 to vector<16xf32>
        %select_n3A_350 = arith.select %and3A_315, %gather3A_347, %broadcast_in_dim3A_349 : vector<16xi1>, vector<16xf32>
        %add3A_351 = arith.addf %add3A_339, %select_n3A_350 : vector<16xf32>
        %swap3A_352 = arith.constant 0 : index
        %swap3A_353 = tpu.vector_load %arg16[%swap3A_352] {strides = array<i32>} : memref<16xf32, #tpu.memory_space<vmem>>, vector<16xf32>,
        tpu.vector_store %arg16[%swap3A_352], %select_n3A_344 {strides = array<i32>} : memref<16xf32, #tpu.memory_space<vmem>>, vector<16xf32>,
        %gather3A_354 = tpu.vector_load_idx %arg16[%max3A_32] : memref<16xf32, #tpu.memory_space<vmem>>[vector<16xi32>], vector<16xf32>,
        %max3A_355 = arith.maximumf %select_n3A_344, %gather3A_354 : vector<16xf32>
        %select_n3A_356 = arith.select %and3A_318, %max3A_355, %select_n3A_344 : vector<16xi1>, vector<16xf32>
        %swap3A_357 = arith.constant 0 : index
        %swap3A_358 = tpu.vector_load %arg16[%swap3A_357] {strides = array<i32>} : memref<16xf32, #tpu.memory_space<vmem>>, vector<16xf32>,
        tpu.vector_store %arg16[%swap3A_357], %add3A_351 {strides = array<i32>} : memref<16xf32, #tpu.memory_space<vmem>>, vector<16xf32>,
        %gather3A_359 = tpu.vector_load_idx %arg16[%max3A_32] : memref<16xf32, #tpu.memory_space<vmem>>[vector<16xi32>], vector<16xf32>,
        %jit3A_360 = arith.constant 0.000000e+00 : f32
        %broadcast_in_dim3A_361 = vector.broadcast %jit3A_360 : f32 to vector<16xf32>
        %select_n3A_362 = arith.select %and3A_318, %gather3A_359, %broadcast_in_dim3A_361 : vector<16xi1>, vector<16xf32>
        %add3A_363 = arith.addf %add3A_351, %select_n3A_362 : vector<16xf32>
        %swap3A_364 = arith.constant 0 : index
        %swap3A_365 = tpu.vector_load %arg16[%swap3A_364] {strides = array<i32>} : memref<16xf32, #tpu.memory_space<vmem>>, vector<16xf32>,
        tpu.vector_store %arg16[%swap3A_364], %select_n3A_356 {strides = array<i32>} : memref<16xf32, #tpu.memory_space<vmem>>, vector<16xf32>,
        %gather3A_366 = tpu.vector_load_idx %arg16[%max3A_38] : memref<16xf32, #tpu.memory_space<vmem>>[vector<16xi32>], vector<16xf32>,
        %max3A_367 = arith.maximumf %select_n3A_356, %gather3A_366 : vector<16xf32>
        %select_n3A_368 = arith.select %and3A_321, %max3A_367, %select_n3A_356 : vector<16xi1>, vector<16xf32>
        %swap3A_369 = arith.constant 0 : index
        %swap3A_370 = tpu.vector_load %arg16[%swap3A_369] {strides = array<i32>} : memref<16xf32, #tpu.memory_space<vmem>>, vector<16xf32>,
        tpu.vector_store %arg16[%swap3A_369], %add3A_363 {strides = array<i32>} : memref<16xf32, #tpu.memory_space<vmem>>, vector<16xf32>,
        %gather3A_371 = tpu.vector_load_idx %arg16[%max3A_38] : memref<16xf32, #tpu.memory_space<vmem>>[vector<16xi32>], vector<16xf32>,
        %jit3A_372 = arith.constant 0.000000e+00 : f32
        %broadcast_in_dim3A_373 = vector.broadcast %jit3A_372 : f32 to vector<16xf32>
        %select_n3A_374 = arith.select %and3A_321, %gather3A_371, %broadcast_in_dim3A_373 : vector<16xi1>, vector<16xf32>
        %add3A_375 = arith.addf %add3A_363, %select_n3A_374 : vector<16xf32>
        %gather3A_376 = tpu.vector_load_idx %arg10[%select_n3A_326] : memref<10016xf32, #tpu.memory_space<vmem>>[vector<16xi32>], vector<16xf32>,
        %add3A_377 = arith.addf %gather3A_376, %add3A_375 : vector<16xf32>
        tpu.vector_store_idx %arg10[%select_n3A_326], %add3A_377 : memref<10016xf32, #tpu.memory_space<vmem>>[vector<16xi32>], vector<16xf32>,
        %gather3A_378 = tpu.vector_load_idx %arg12[%select_n3A_326] : memref<10016xf32, #tpu.memory_space<vmem>>[vector<16xi32>], vector<16xf32>,
        %max3A_379 = arith.maximumf %gather3A_378, %select_n3A_368 : vector<16xf32>
        tpu.vector_store_idx %arg12[%select_n3A_326], %max3A_379 : memref<10016xf32, #tpu.memory_space<vmem>>[vector<16xi32>], vector<16xf32>,
        %gather3A_380 = tpu.vector_load_idx %arg9[%gather3A] : memref<10000xf32, #tpu.memory_space<vmem>>[vector<16xi32>], vector<16xf32>,
        %swap3A_381 = arith.constant 0 : index
        %swap3A_382 = tpu.vector_load %arg16[%swap3A_381] {strides = array<i32>} : memref<16xf32, #tpu.memory_space<vmem>>, vector<16xf32>,
        tpu.vector_store %arg16[%swap3A_381], %gather3A_380 {strides = array<i32>} : memref<16xf32, #tpu.memory_space<vmem>>, vector<16xf32>,
        %gather3A_383 = tpu.vector_load_idx %arg16[%max3A_20] : memref<16xf32, #tpu.memory_space<vmem>>[vector<16xi32>], vector<16xf32>,
        %max3A_384 = arith.maximumf %gather3A_380, %gather3A_383 : vector<16xf32>
        %select_n3A_385 = arith.select %and3A_312, %max3A_384, %gather3A_380 : vector<16xi1>, vector<16xf32>
        %swap3A_386 = arith.constant 0 : index
        %swap3A_387 = tpu.vector_load %arg16[%swap3A_386] {strides = array<i32>} : memref<16xf32, #tpu.memory_space<vmem>>, vector<16xf32>,
        tpu.vector_store %arg16[%swap3A_386], %gather3A_380 {strides = array<i32>} : memref<16xf32, #tpu.memory_space<vmem>>, vector<16xf32>,
        %gather3A_388 = tpu.vector_load_idx %arg16[%max3A_20] : memref<16xf32, #tpu.memory_space<vmem>>[vector<16xi32>], vector<16xf32>,
        %jit3A_389 = arith.constant 0.000000e+00 : f32
        %broadcast_in_dim3A_390 = vector.broadcast %jit3A_389 : f32 to vector<16xf32>
        %select_n3A_391 = arith.select %and3A_312, %gather3A_388, %broadcast_in_dim3A_390 : vector<16xi1>, vector<16xf32>
        %add3A_392 = arith.addf %gather3A_380, %select_n3A_391 : vector<16xf32>
        %swap3A_393 = arith.constant 0 : index
        %swap3A_394 = tpu.vector_load %arg16[%swap3A_393] {strides = array<i32>} : memref<16xf32, #tpu.memory_space<vmem>>, vector<16xf32>,
        tpu.vector_store %arg16[%swap3A_393], %select_n3A_385 {strides = array<i32>} : memref<16xf32, #tpu.memory_space<vmem>>, vector<16xf32>,
        %gather3A_395 = tpu.vector_load_idx %arg16[%max3A_26] : memref<16xf32, #tpu.memory_space<vmem>>[vector<16xi32>], vector<16xf32>,
        %max3A_396 = arith.maximumf %select_n3A_385, %gather3A_395 : vector<16xf32>
        %select_n3A_397 = arith.select %and3A_315, %max3A_396, %select_n3A_385 : vector<16xi1>, vector<16xf32>
        %swap3A_398 = arith.constant 0 : index
        %swap3A_399 = tpu.vector_load %arg16[%swap3A_398] {strides = array<i32>} : memref<16xf32, #tpu.memory_space<vmem>>, vector<16xf32>,
        tpu.vector_store %arg16[%swap3A_398], %add3A_392 {strides = array<i32>} : memref<16xf32, #tpu.memory_space<vmem>>, vector<16xf32>,
        %gather3A_400 = tpu.vector_load_idx %arg16[%max3A_26] : memref<16xf32, #tpu.memory_space<vmem>>[vector<16xi32>], vector<16xf32>,
        %jit3A_401 = arith.constant 0.000000e+00 : f32
        %broadcast_in_dim3A_402 = vector.broadcast %jit3A_401 : f32 to vector<16xf32>
        %select_n3A_403 = arith.select %and3A_315, %gather3A_400, %broadcast_in_dim3A_402 : vector<16xi1>, vector<16xf32>
        %add3A_404 = arith.addf %add3A_392, %select_n3A_403 : vector<16xf32>
        %swap3A_405 = arith.constant 0 : index
        %swap3A_406 = tpu.vector_load %arg16[%swap3A_405] {strides = array<i32>} : memref<16xf32, #tpu.memory_space<vmem>>, vector<16xf32>,
        tpu.vector_store %arg16[%swap3A_405], %select_n3A_397 {strides = array<i32>} : memref<16xf32, #tpu.memory_space<vmem>>, vector<16xf32>,
        %gather3A_407 = tpu.vector_load_idx %arg16[%max3A_32] : memref<16xf32, #tpu.memory_space<vmem>>[vector<16xi32>], vector<16xf32>,
        %max3A_408 = arith.maximumf %select_n3A_397, %gather3A_407 : vector<16xf32>
        %select_n3A_409 = arith.select %and3A_318, %max3A_408, %select_n3A_397 : vector<16xi1>, vector<16xf32>
        %swap3A_410 = arith.constant 0 : index
        %swap3A_411 = tpu.vector_load %arg16[%swap3A_410] {strides = array<i32>} : memref<16xf32, #tpu.memory_space<vmem>>, vector<16xf32>,
        tpu.vector_store %arg16[%swap3A_410], %add3A_404 {strides = array<i32>} : memref<16xf32, #tpu.memory_space<vmem>>, vector<16xf32>,
        %gather3A_412 = tpu.vector_load_idx %arg16[%max3A_32] : memref<16xf32, #tpu.memory_space<vmem>>[vector<16xi32>], vector<16xf32>,
        %jit3A_413 = arith.constant 0.000000e+00 : f32
        %broadcast_in_dim3A_414 = vector.broadcast %jit3A_413 : f32 to vector<16xf32>
        %select_n3A_415 = arith.select %and3A_318, %gather3A_412, %broadcast_in_dim3A_414 : vector<16xi1>, vector<16xf32>
        %add3A_416 = arith.addf %add3A_404, %select_n3A_415 : vector<16xf32>
        %swap3A_417 = arith.constant 0 : index
        %swap3A_418 = tpu.vector_load %arg16[%swap3A_417] {strides = array<i32>} : memref<16xf32, #tpu.memory_space<vmem>>, vector<16xf32>,
        tpu.vector_store %arg16[%swap3A_417], %select_n3A_409 {strides = array<i32>} : memref<16xf32, #tpu.memory_space<vmem>>, vector<16xf32>,
        %gather3A_419 = tpu.vector_load_idx %arg16[%max3A_38] : memref<16xf32, #tpu.memory_space<vmem>>[vector<16xi32>], vector<16xf32>,
        %max3A_420 = arith.maximumf %select_n3A_409, %gather3A_419 : vector<16xf32>
        %select_n3A_421 = arith.select %and3A_321, %max3A_420, %select_n3A_409 : vector<16xi1>, vector<16xf32>
        %swap3A_422 = arith.constant 0 : index
        %swap3A_423 = tpu.vector_load %arg16[%swap3A_422] {strides = array<i32>} : memref<16xf32, #tpu.memory_space<vmem>>, vector<16xf32>,
        tpu.vector_store %arg16[%swap3A_422], %add3A_416 {strides = array<i32>} : memref<16xf32, #tpu.memory_space<vmem>>, vector<16xf32>,
        %gather3A_424 = tpu.vector_load_idx %arg16[%max3A_38] : memref<16xf32, #tpu.memory_space<vmem>>[vector<16xi32>], vector<16xf32>,
        %jit3A_425 = arith.constant 0.000000e+00 : f32
        %broadcast_in_dim3A_426 = vector.broadcast %jit3A_425 : f32 to vector<16xf32>
        %select_n3A_427 = arith.select %and3A_321, %gather3A_424, %broadcast_in_dim3A_426 : vector<16xi1>, vector<16xf32>
        %add3A_428 = arith.addf %add3A_416, %select_n3A_427 : vector<16xf32>
        %gather3A_429 = tpu.vector_load_idx %arg11[%select_n3A_326] : memref<10016xf32, #tpu.memory_space<vmem>>[vector<16xi32>], vector<16xf32>,
        %add3A_430 = arith.addf %gather3A_429, %add3A_428 : vector<16xf32>
        tpu.vector_store_idx %arg11[%select_n3A_326], %add3A_430 : memref<10016xf32, #tpu.memory_space<vmem>>[vector<16xi32>], vector<16xf32>,
        %gather3A_431 = tpu.vector_load_idx %arg13[%select_n3A_326] : memref<10016xf32, #tpu.memory_space<vmem>>[vector<16xi32>], vector<16xf32>,
        %max3A_432 = arith.maximumf %gather3A_431, %select_n3A_421 : vector<16xf32>
        tpu.vector_store_idx %arg13[%select_n3A_326], %max3A_432 : memref<10016xf32, #tpu.memory_space<vmem>>[vector<16xi32>], vector<16xf32>,
      }
      %broadcast_in_dim3A_249 = arith.constant 0 : i32
      %broadcast_in_dim3A_250 = vector.broadcast %broadcast_in_dim3A_249 : i32 to vector<16xi32>
      %swap3A_251 = arith.index_cast %scan3A_203#1 : i32 to index
      %swap3A_252 = tpu.vector_load %arg21[%swap3A_251] {strides = array<i32>} : memref<4016xi32, #tpu.memory_space<vmem>>, vector<16xi32>,
      tpu.vector_store %arg21[%swap3A_251], %broadcast_in_dim3A_250 {strides = array<i32>} : memref<4016xi32, #tpu.memory_space<vmem>>, vector<16xi32>,
      %broadcast_in_dim3A_253 = arith.constant 10000 : i32
      %broadcast_in_dim3A_254 = vector.broadcast %broadcast_in_dim3A_253 : i32 to vector<16xi32>
      %swap3A_255 = arith.index_cast %scan3A_203#1 : i32 to index
      %swap3A_256 = tpu.vector_load %arg22[%swap3A_255] {strides = array<i32>} : memref<4016xi32, #tpu.memory_space<vmem>>, vector<16xi32>,
      tpu.vector_store %arg22[%swap3A_255], %broadcast_in_dim3A_254 {strides = array<i32>} : memref<4016xi32, #tpu.memory_space<vmem>>, vector<16xi32>,
      %add3A_257 = arith.constant 15 : i32
      %add3A_258 = arith.addi %scan3A_203#1, %add3A_257 : i32
      %jit3A_259 = arith.constant 16 : i32
      %div3A_260 = arith.divsi %add3A_258, %jit3A_259 : i32
      %sign3A_261 = arith.constant 0 : i32
      %sign3A_262 = arith.cmpi sgt, %add3A_258, %sign3A_261 : i32
      %sign3A_263 = arith.extui %sign3A_262 : i1 to i32
      %sign3A_264 = arith.constant 0 : i32
      %sign3A_265 = arith.cmpi slt, %add3A_258, %sign3A_264 : i32
      %sign3A_266 = arith.extui %sign3A_265 : i1 to i32
      %sign3A_267 = arith.subi %sign3A_263, %sign3A_266 : i32
      %sign3A_268 = arith.constant 0 : i32
      %sign3A_269 = arith.cmpi sgt, %jit3A_259, %sign3A_268 : i32
      %sign3A_270 = arith.extui %sign3A_269 : i1 to i32
      %sign3A_271 = arith.constant 0 : i32
      %sign3A_272 = arith.cmpi slt, %jit3A_259, %sign3A_271 : i32
      %sign3A_273 = arith.extui %sign3A_272 : i1 to i32
      %sign3A_274 = arith.subi %sign3A_270, %sign3A_273 : i32
      %ne3A_275 = arith.cmpi ne, %sign3A_267, %sign3A_274 : i32
      %rem3A_276 = arith.remsi %add3A_258, %jit3A_259 : i32
      %ne3A_277 = arith.constant 0 : i32
      %ne3A_278 = arith.cmpi ne, %rem3A_276, %ne3A_277 : i32
      %and3A_279 = arith.andi %ne3A_275, %ne3A_278 : i1
      %sub3A_280 = arith.constant 1 : i32
      %sub3A_281 = arith.subi %div3A_260, %sub3A_280 : i32
      %select_n3A_282 = arith.select %and3A_279, %sub3A_281, %div3A_260 : i32
      %while3A_283 = arith.constant 0 : i32
      %while3A_284 = arith.constant 0 : i32
      %while3A_285 = arith.subi %select_n3A_282, %while3A_284 : i32
      %while3A_286 = arith.addi %while3A_284, %while3A_285 : i32
      %while3A_287 = arith.constant 1 : i32
      %while3A_288 = arith.divsi %while3A_285, %while3A_287 : i32
      %while3A_289 = arith.muli %while3A_288, %while3A_287 : i32
      %while3A_290 = arith.addi %while3A_284, %while3A_289 : i32
      %while3A_291 = arith.constant 1 : i32
      scf.for %while3A_293 = %while3A_284 to %while3A_290 step %while3A_291  : i32 {
        %mul3A_294 = arith.constant 16 : i32
        %mul3A_295 = arith.muli %while3A_293, %mul3A_294 : i32
        %get3A = arith.index_cast %mul3A_295 : i32 to index
        %get3A_296 = tpu.vector_load %arg21[%get3A] {strides = array<i32>} : memref<4016xi32, #tpu.memory_space<vmem>>, vector<16xi32>,
        %get3A_297 = arith.index_cast %mul3A_295 : i32 to index
        %get3A_298 = tpu.vector_load %arg22[%get3A_297] {strides = array<i32>} : memref<4016xi32, #tpu.memory_space<vmem>>, vector<16xi32>,
        %masked_sort3A = arith.constant dense<true> : vector<16xi1>
        %masked_sort3A_299 = arith.constant -2147483648 : i32
        %masked_sort3A_300 = vector.broadcast %masked_sort3A_299 : i32 to vector<16xi32>
        %masked_sort3A_301 = arith.xori %get3A_298, %masked_sort3A_300 : vector<16xi32>
        %masked_sort3A_302, %masked_sort3A_303, %masked_sort3A_304 = tpu.sort %masked_sort3A_301, %iota3A masked %masked_sort3A : (vector<16xi32>, vector<16xi32>, vector<16xi1>) -> (vector<16xi1>, vector<16xi32>, vector<16xi32>)
        %masked_sort3A_305 = arith.xori %masked_sort3A_303, %masked_sort3A_300 : vector<16xi32>
        %swap3A_306 = arith.constant 0 : index
        %swap3A_307 = tpu.vector_load %arg15[%swap3A_306] {strides = array<i32>} : memref<16xi32, #tpu.memory_space<vmem>>, vector<16xi32>,
        tpu.vector_store %arg15[%swap3A_306], %get3A_296 {strides = array<i32>} : memref<16xi32, #tpu.memory_space<vmem>>, vector<16xi32>,
        %gather3A = tpu.vector_load_idx %arg15[%masked_sort3A_304] : memref<16xi32, #tpu.memory_space<vmem>>[vector<16xi32>], vector<16xi32>,
        %swap3A_308 = arith.constant 0 : index
        %swap3A_309 = tpu.vector_load %arg15[%swap3A_308] {strides = array<i32>} : memref<16xi32, #tpu.memory_space<vmem>>, vector<16xi32>,
        tpu.vector_store %arg15[%swap3A_308], %masked_sort3A_305 {strides = array<i32>} : memref<16xi32, #tpu.memory_space<vmem>>, vector<16xi32>,
        %gather3A_310 = tpu.vector_load_idx %arg15[%max3A_20] : memref<16xi32, #tpu.memory_space<vmem>>[vector<16xi32>], vector<16xi32>,
        %eq3A_311 = arith.cmpi eq, %masked_sort3A_305, %gather3A_310 : vector<16xi32>
        %and3A_312 = arith.andi %eq3A_311, %ge3A_40 : vector<16xi1>
        %gather3A_313 = tpu.vector_load_idx %arg15[%max3A_26] : memref<16xi32, #tpu.memory_space<vmem>>[vector<16xi32>], vector<16xi32>,
        %eq3A_314 = arith.cmpi eq, %masked_sort3A_305, %gather3A_313 : vector<16xi32>
        %and3A_315 = arith.andi %eq3A_314, %ge3A_43 : vector<16xi1>
        %gather3A_316 = tpu.vector_load_idx %arg15[%max3A_32] : memref<16xi32, #tpu.memory_space<vmem>>[vector<16xi32>], vector<16xi32>,
        %eq3A_317 = arith.cmpi eq, %masked_sort3A_305, %gather3A_316 : vector<16xi32>
        %and3A_318 = arith.andi %eq3A_317, %ge3A_46 : vector<16xi1>
        %gather3A_319 = tpu.vector_load_idx %arg15[%max3A_38] : memref<16xi32, #tpu.memory_space<vmem>>[vector<16xi32>], vector<16xi32>,
        %eq3A_320 = arith.cmpi eq, %masked_sort3A_305, %gather3A_319 : vector<16xi32>
        %and3A_321 = arith.andi %eq3A_320, %ge3A_49 : vector<16xi1>
        %gather3A_322 = tpu.vector_load_idx %arg15[%min3A_54] : memref<16xi32, #tpu.memory_space<vmem>>[vector<16xi32>], vector<16xi32>,
        %ne3A_323 = arith.cmpi ne, %masked_sort3A_305, %gather3A_322 : vector<16xi32>
        %or3A = arith.ori %ne3A_323, %eq3A_56 : vector<16xi1>
        %jit3A_324 = arith.constant 10000 : i32
        %broadcast_in_dim3A_325 = vector.broadcast %jit3A_324 : i32 to vector<16xi32>
        %select_n3A_326 = arith.select %or3A, %masked_sort3A_305, %broadcast_in_dim3A_325 : vector<16xi1>, vector<16xi32>
        %gather3A_327 = tpu.vector_load_idx %arg8[%gather3A] : memref<10000xf32, #tpu.memory_space<vmem>>[vector<16xi32>], vector<16xf32>,
        %swap3A_328 = arith.constant 0 : index
        %swap3A_329 = tpu.vector_load %arg16[%swap3A_328] {strides = array<i32>} : memref<16xf32, #tpu.memory_space<vmem>>, vector<16xf32>,
        tpu.vector_store %arg16[%swap3A_328], %gather3A_327 {strides = array<i32>} : memref<16xf32, #tpu.memory_space<vmem>>, vector<16xf32>,
        %gather3A_330 = tpu.vector_load_idx %arg16[%max3A_20] : memref<16xf32, #tpu.memory_space<vmem>>[vector<16xi32>], vector<16xf32>,
        %max3A_331 = arith.maximumf %gather3A_327, %gather3A_330 : vector<16xf32>
        %select_n3A_332 = arith.select %and3A_312, %max3A_331, %gather3A_327 : vector<16xi1>, vector<16xf32>
        %swap3A_333 = arith.constant 0 : index
        %swap3A_334 = tpu.vector_load %arg16[%swap3A_333] {strides = array<i32>} : memref<16xf32, #tpu.memory_space<vmem>>, vector<16xf32>,
        tpu.vector_store %arg16[%swap3A_333], %gather3A_327 {strides = array<i32>} : memref<16xf32, #tpu.memory_space<vmem>>, vector<16xf32>,
        %gather3A_335 = tpu.vector_load_idx %arg16[%max3A_20] : memref<16xf32, #tpu.memory_space<vmem>>[vector<16xi32>], vector<16xf32>,
        %jit3A_336 = arith.constant 0.000000e+00 : f32
        %broadcast_in_dim3A_337 = vector.broadcast %jit3A_336 : f32 to vector<16xf32>
        %select_n3A_338 = arith.select %and3A_312, %gather3A_335, %broadcast_in_dim3A_337 : vector<16xi1>, vector<16xf32>
        %add3A_339 = arith.addf %gather3A_327, %select_n3A_338 : vector<16xf32>
        %swap3A_340 = arith.constant 0 : index
        %swap3A_341 = tpu.vector_load %arg16[%swap3A_340] {strides = array<i32>} : memref<16xf32, #tpu.memory_space<vmem>>, vector<16xf32>,
        tpu.vector_store %arg16[%swap3A_340], %select_n3A_332 {strides = array<i32>} : memref<16xf32, #tpu.memory_space<vmem>>, vector<16xf32>,
        %gather3A_342 = tpu.vector_load_idx %arg16[%max3A_26] : memref<16xf32, #tpu.memory_space<vmem>>[vector<16xi32>], vector<16xf32>,
        %max3A_343 = arith.maximumf %select_n3A_332, %gather3A_342 : vector<16xf32>
        %select_n3A_344 = arith.select %and3A_315, %max3A_343, %select_n3A_332 : vector<16xi1>, vector<16xf32>
        %swap3A_345 = arith.constant 0 : index
        %swap3A_346 = tpu.vector_load %arg16[%swap3A_345] {strides = array<i32>} : memref<16xf32, #tpu.memory_space<vmem>>, vector<16xf32>,
        tpu.vector_store %arg16[%swap3A_345], %add3A_339 {strides = array<i32>} : memref<16xf32, #tpu.memory_space<vmem>>, vector<16xf32>,
        %gather3A_347 = tpu.vector_load_idx %arg16[%max3A_26] : memref<16xf32, #tpu.memory_space<vmem>>[vector<16xi32>], vector<16xf32>,
        %jit3A_348 = arith.constant 0.000000e+00 : f32
        %broadcast_in_dim3A_349 = vector.broadcast %jit3A_348 : f32 to vector<16xf32>
        %select_n3A_350 = arith.select %and3A_315, %gather3A_347, %broadcast_in_dim3A_349 : vector<16xi1>, vector<16xf32>
        %add3A_351 = arith.addf %add3A_339, %select_n3A_350 : vector<16xf32>
        %swap3A_352 = arith.constant 0 : index
        %swap3A_353 = tpu.vector_load %arg16[%swap3A_352] {strides = array<i32>} : memref<16xf32, #tpu.memory_space<vmem>>, vector<16xf32>,
        tpu.vector_store %arg16[%swap3A_352], %select_n3A_344 {strides = array<i32>} : memref<16xf32, #tpu.memory_space<vmem>>, vector<16xf32>,
        %gather3A_354 = tpu.vector_load_idx %arg16[%max3A_32] : memref<16xf32, #tpu.memory_space<vmem>>[vector<16xi32>], vector<16xf32>,
        %max3A_355 = arith.maximumf %select_n3A_344, %gather3A_354 : vector<16xf32>
        %select_n3A_356 = arith.select %and3A_318, %max3A_355, %select_n3A_344 : vector<16xi1>, vector<16xf32>
        %swap3A_357 = arith.constant 0 : index
        %swap3A_358 = tpu.vector_load %arg16[%swap3A_357] {strides = array<i32>} : memref<16xf32, #tpu.memory_space<vmem>>, vector<16xf32>,
        tpu.vector_store %arg16[%swap3A_357], %add3A_351 {strides = array<i32>} : memref<16xf32, #tpu.memory_space<vmem>>, vector<16xf32>,
        %gather3A_359 = tpu.vector_load_idx %arg16[%max3A_32] : memref<16xf32, #tpu.memory_space<vmem>>[vector<16xi32>], vector<16xf32>,
        %jit3A_360 = arith.constant 0.000000e+00 : f32
        %broadcast_in_dim3A_361 = vector.broadcast %jit3A_360 : f32 to vector<16xf32>
        %select_n3A_362 = arith.select %and3A_318, %gather3A_359, %broadcast_in_dim3A_361 : vector<16xi1>, vector<16xf32>
        %add3A_363 = arith.addf %add3A_351, %select_n3A_362 : vector<16xf32>
        %swap3A_364 = arith.constant 0 : index
        %swap3A_365 = tpu.vector_load %arg16[%swap3A_364] {strides = array<i32>} : memref<16xf32, #tpu.memory_space<vmem>>, vector<16xf32>,
        tpu.vector_store %arg16[%swap3A_364], %select_n3A_356 {strides = array<i32>} : memref<16xf32, #tpu.memory_space<vmem>>, vector<16xf32>,
        %gather3A_366 = tpu.vector_load_idx %arg16[%max3A_38] : memref<16xf32, #tpu.memory_space<vmem>>[vector<16xi32>], vector<16xf32>,
        %max3A_367 = arith.maximumf %select_n3A_356, %gather3A_366 : vector<16xf32>
        %select_n3A_368 = arith.select %and3A_321, %max3A_367, %select_n3A_356 : vector<16xi1>, vector<16xf32>
        %swap3A_369 = arith.constant 0 : index
        %swap3A_370 = tpu.vector_load %arg16[%swap3A_369] {strides = array<i32>} : memref<16xf32, #tpu.memory_space<vmem>>, vector<16xf32>,
        tpu.vector_store %arg16[%swap3A_369], %add3A_363 {strides = array<i32>} : memref<16xf32, #tpu.memory_space<vmem>>, vector<16xf32>,
        %gather3A_371 = tpu.vector_load_idx %arg16[%max3A_38] : memref<16xf32, #tpu.memory_space<vmem>>[vector<16xi32>], vector<16xf32>,
        %jit3A_372 = arith.constant 0.000000e+00 : f32
        %broadcast_in_dim3A_373 = vector.broadcast %jit3A_372 : f32 to vector<16xf32>
        %select_n3A_374 = arith.select %and3A_321, %gather3A_371, %broadcast_in_dim3A_373 : vector<16xi1>, vector<16xf32>
        %add3A_375 = arith.addf %add3A_363, %select_n3A_374 : vector<16xf32>
        %gather3A_376 = tpu.vector_load_idx %arg10[%select_n3A_326] : memref<10016xf32, #tpu.memory_space<vmem>>[vector<16xi32>], vector<16xf32>,
        %add3A_377 = arith.addf %gather3A_376, %add3A_375 : vector<16xf32>
        tpu.vector_store_idx %arg10[%select_n3A_326], %add3A_377 : memref<10016xf32, #tpu.memory_space<vmem>>[vector<16xi32>], vector<16xf32>,
        %gather3A_378 = tpu.vector_load_idx %arg12[%select_n3A_326] : memref<10016xf32, #tpu.memory_space<vmem>>[vector<16xi32>], vector<16xf32>,
        %max3A_379 = arith.maximumf %gather3A_378, %select_n3A_368 : vector<16xf32>
        tpu.vector_store_idx %arg12[%select_n3A_326], %max3A_379 : memref<10016xf32, #tpu.memory_space<vmem>>[vector<16xi32>], vector<16xf32>,
        %gather3A_380 = tpu.vector_load_idx %arg9[%gather3A] : memref<10000xf32, #tpu.memory_space<vmem>>[vector<16xi32>], vector<16xf32>,
        %swap3A_381 = arith.constant 0 : index
        %swap3A_382 = tpu.vector_load %arg16[%swap3A_381] {strides = array<i32>} : memref<16xf32, #tpu.memory_space<vmem>>, vector<16xf32>,
        tpu.vector_store %arg16[%swap3A_381], %gather3A_380 {strides = array<i32>} : memref<16xf32, #tpu.memory_space<vmem>>, vector<16xf32>,
        %gather3A_383 = tpu.vector_load_idx %arg16[%max3A_20] : memref<16xf32, #tpu.memory_space<vmem>>[vector<16xi32>], vector<16xf32>,
        %max3A_384 = arith.maximumf %gather3A_380, %gather3A_383 : vector<16xf32>
        %select_n3A_385 = arith.select %and3A_312, %max3A_384, %gather3A_380 : vector<16xi1>, vector<16xf32>
        %swap3A_386 = arith.constant 0 : index
        %swap3A_387 = tpu.vector_load %arg16[%swap3A_386] {strides = array<i32>} : memref<16xf32, #tpu.memory_space<vmem>>, vector<16xf32>,
        tpu.vector_store %arg16[%swap3A_386], %gather3A_380 {strides = array<i32>} : memref<16xf32, #tpu.memory_space<vmem>>, vector<16xf32>,
        %gather3A_388 = tpu.vector_load_idx %arg16[%max3A_20] : memref<16xf32, #tpu.memory_space<vmem>>[vector<16xi32>], vector<16xf32>,
        %jit3A_389 = arith.constant 0.000000e+00 : f32
        %broadcast_in_dim3A_390 = vector.broadcast %jit3A_389 : f32 to vector<16xf32>
        %select_n3A_391 = arith.select %and3A_312, %gather3A_388, %broadcast_in_dim3A_390 : vector<16xi1>, vector<16xf32>
        %add3A_392 = arith.addf %gather3A_380, %select_n3A_391 : vector<16xf32>
        %swap3A_393 = arith.constant 0 : index
        %swap3A_394 = tpu.vector_load %arg16[%swap3A_393] {strides = array<i32>} : memref<16xf32, #tpu.memory_space<vmem>>, vector<16xf32>,
        tpu.vector_store %arg16[%swap3A_393], %select_n3A_385 {strides = array<i32>} : memref<16xf32, #tpu.memory_space<vmem>>, vector<16xf32>,
        %gather3A_395 = tpu.vector_load_idx %arg16[%max3A_26] : memref<16xf32, #tpu.memory_space<vmem>>[vector<16xi32>], vector<16xf32>,
        %max3A_396 = arith.maximumf %select_n3A_385, %gather3A_395 : vector<16xf32>
        %select_n3A_397 = arith.select %and3A_315, %max3A_396, %select_n3A_385 : vector<16xi1>, vector<16xf32>
        %swap3A_398 = arith.constant 0 : index
        %swap3A_399 = tpu.vector_load %arg16[%swap3A_398] {strides = array<i32>} : memref<16xf32, #tpu.memory_space<vmem>>, vector<16xf32>,
        tpu.vector_store %arg16[%swap3A_398], %add3A_392 {strides = array<i32>} : memref<16xf32, #tpu.memory_space<vmem>>, vector<16xf32>,
        %gather3A_400 = tpu.vector_load_idx %arg16[%max3A_26] : memref<16xf32, #tpu.memory_space<vmem>>[vector<16xi32>], vector<16xf32>,
        %jit3A_401 = arith.constant 0.000000e+00 : f32
        %broadcast_in_dim3A_402 = vector.broadcast %jit3A_401 : f32 to vector<16xf32>
        %select_n3A_403 = arith.select %and3A_315, %gather3A_400, %broadcast_in_dim3A_402 : vector<16xi1>, vector<16xf32>
        %add3A_404 = arith.addf %add3A_392, %select_n3A_403 : vector<16xf32>
        %swap3A_405 = arith.constant 0 : index
        %swap3A_406 = tpu.vector_load %arg16[%swap3A_405] {strides = array<i32>} : memref<16xf32, #tpu.memory_space<vmem>>, vector<16xf32>,
        tpu.vector_store %arg16[%swap3A_405], %select_n3A_397 {strides = array<i32>} : memref<16xf32, #tpu.memory_space<vmem>>, vector<16xf32>,
        %gather3A_407 = tpu.vector_load_idx %arg16[%max3A_32] : memref<16xf32, #tpu.memory_space<vmem>>[vector<16xi32>], vector<16xf32>,
        %max3A_408 = arith.maximumf %select_n3A_397, %gather3A_407 : vector<16xf32>
        %select_n3A_409 = arith.select %and3A_318, %max3A_408, %select_n3A_397 : vector<16xi1>, vector<16xf32>
        %swap3A_410 = arith.constant 0 : index
        %swap3A_411 = tpu.vector_load %arg16[%swap3A_410] {strides = array<i32>} : memref<16xf32, #tpu.memory_space<vmem>>, vector<16xf32>,
        tpu.vector_store %arg16[%swap3A_410], %add3A_404 {strides = array<i32>} : memref<16xf32, #tpu.memory_space<vmem>>, vector<16xf32>,
        %gather3A_412 = tpu.vector_load_idx %arg16[%max3A_32] : memref<16xf32, #tpu.memory_space<vmem>>[vector<16xi32>], vector<16xf32>,
        %jit3A_413 = arith.constant 0.000000e+00 : f32
        %broadcast_in_dim3A_414 = vector.broadcast %jit3A_413 : f32 to vector<16xf32>
        %select_n3A_415 = arith.select %and3A_318, %gather3A_412, %broadcast_in_dim3A_414 : vector<16xi1>, vector<16xf32>
        %add3A_416 = arith.addf %add3A_404, %select_n3A_415 : vector<16xf32>
        %swap3A_417 = arith.constant 0 : index
        %swap3A_418 = tpu.vector_load %arg16[%swap3A_417] {strides = array<i32>} : memref<16xf32, #tpu.memory_space<vmem>>, vector<16xf32>,
        tpu.vector_store %arg16[%swap3A_417], %select_n3A_409 {strides = array<i32>} : memref<16xf32, #tpu.memory_space<vmem>>, vector<16xf32>,
        %gather3A_419 = tpu.vector_load_idx %arg16[%max3A_38] : memref<16xf32, #tpu.memory_space<vmem>>[vector<16xi32>], vector<16xf32>,
        %max3A_420 = arith.maximumf %select_n3A_409, %gather3A_419 : vector<16xf32>
        %select_n3A_421 = arith.select %and3A_321, %max3A_420, %select_n3A_409 : vector<16xi1>, vector<16xf32>
        %swap3A_422 = arith.constant 0 : index
        %swap3A_423 = tpu.vector_load %arg16[%swap3A_422] {strides = array<i32>} : memref<16xf32, #tpu.memory_space<vmem>>, vector<16xf32>,
        tpu.vector_store %arg16[%swap3A_422], %add3A_416 {strides = array<i32>} : memref<16xf32, #tpu.memory_space<vmem>>, vector<16xf32>,
        %gather3A_424 = tpu.vector_load_idx %arg16[%max3A_38] : memref<16xf32, #tpu.memory_space<vmem>>[vector<16xi32>], vector<16xf32>,
        %jit3A_425 = arith.constant 0.000000e+00 : f32
        %broadcast_in_dim3A_426 = vector.broadcast %jit3A_425 : f32 to vector<16xf32>
        %select_n3A_427 = arith.select %and3A_321, %gather3A_424, %broadcast_in_dim3A_426 : vector<16xi1>, vector<16xf32>
        %add3A_428 = arith.addf %add3A_416, %select_n3A_427 : vector<16xf32>
        %gather3A_429 = tpu.vector_load_idx %arg11[%select_n3A_326] : memref<10016xf32, #tpu.memory_space<vmem>>[vector<16xi32>], vector<16xf32>,
        %add3A_430 = arith.addf %gather3A_429, %add3A_428 : vector<16xf32>
        tpu.vector_store_idx %arg11[%select_n3A_326], %add3A_430 : memref<10016xf32, #tpu.memory_space<vmem>>[vector<16xi32>], vector<16xf32>,
        %gather3A_431 = tpu.vector_load_idx %arg13[%select_n3A_326] : memref<10016xf32, #tpu.memory_space<vmem>>[vector<16xi32>], vector<16xf32>,
        %max3A_432 = arith.maximumf %gather3A_431, %select_n3A_421 : vector<16xf32>
        tpu.vector_store_idx %arg13[%select_n3A_326], %max3A_432 : memref<10016xf32, #tpu.memory_space<vmem>>[vector<16xi32>], vector<16xf32>,
      }
      %while3A_292 = arith.constant 1 : i32
      scf.for %while3A_293 = %while3A_290 to %while3A_286 step %while3A_292  : i32 {
        %mul3A_294 = arith.constant 16 : i32
        %mul3A_295 = arith.muli %while3A_293, %mul3A_294 : i32
        %get3A = arith.index_cast %mul3A_295 : i32 to index
        %get3A_296 = tpu.vector_load %arg21[%get3A] {strides = array<i32>} : memref<4016xi32, #tpu.memory_space<vmem>>, vector<16xi32>,
        %get3A_297 = arith.index_cast %mul3A_295 : i32 to index
        %get3A_298 = tpu.vector_load %arg22[%get3A_297] {strides = array<i32>} : memref<4016xi32, #tpu.memory_space<vmem>>, vector<16xi32>,
        %masked_sort3A = arith.constant dense<true> : vector<16xi1>
        %masked_sort3A_299 = arith.constant -2147483648 : i32
        %masked_sort3A_300 = vector.broadcast %masked_sort3A_299 : i32 to vector<16xi32>
        %masked_sort3A_301 = arith.xori %get3A_298, %masked_sort3A_300 : vector<16xi32>
        %masked_sort3A_302, %masked_sort3A_303, %masked_sort3A_304 = tpu.sort %masked_sort3A_301, %iota3A masked %masked_sort3A : (vector<16xi32>, vector<16xi32>, vector<16xi1>) -> (vector<16xi1>, vector<16xi32>, vector<16xi32>)
        %masked_sort3A_305 = arith.xori %masked_sort3A_303, %masked_sort3A_300 : vector<16xi32>
        %swap3A_306 = arith.constant 0 : index
        %swap3A_307 = tpu.vector_load %arg15[%swap3A_306] {strides = array<i32>} : memref<16xi32, #tpu.memory_space<vmem>>, vector<16xi32>,
        tpu.vector_store %arg15[%swap3A_306], %get3A_296 {strides = array<i32>} : memref<16xi32, #tpu.memory_space<vmem>>, vector<16xi32>,
        %gather3A = tpu.vector_load_idx %arg15[%masked_sort3A_304] : memref<16xi32, #tpu.memory_space<vmem>>[vector<16xi32>], vector<16xi32>,
        %swap3A_308 = arith.constant 0 : index
        %swap3A_309 = tpu.vector_load %arg15[%swap3A_308] {strides = array<i32>} : memref<16xi32, #tpu.memory_space<vmem>>, vector<16xi32>,
        tpu.vector_store %arg15[%swap3A_308], %masked_sort3A_305 {strides = array<i32>} : memref<16xi32, #tpu.memory_space<vmem>>, vector<16xi32>,
        %gather3A_310 = tpu.vector_load_idx %arg15[%max3A_20] : memref<16xi32, #tpu.memory_space<vmem>>[vector<16xi32>], vector<16xi32>,
        %eq3A_311 = arith.cmpi eq, %masked_sort3A_305, %gather3A_310 : vector<16xi32>
        %and3A_312 = arith.andi %eq3A_311, %ge3A_40 : vector<16xi1>
        %gather3A_313 = tpu.vector_load_idx %arg15[%max3A_26] : memref<16xi32, #tpu.memory_space<vmem>>[vector<16xi32>], vector<16xi32>,
        %eq3A_314 = arith.cmpi eq, %masked_sort3A_305, %gather3A_313 : vector<16xi32>
        %and3A_315 = arith.andi %eq3A_314, %ge3A_43 : vector<16xi1>
        %gather3A_316 = tpu.vector_load_idx %arg15[%max3A_32] : memref<16xi32, #tpu.memory_space<vmem>>[vector<16xi32>], vector<16xi32>,
        %eq3A_317 = arith.cmpi eq, %masked_sort3A_305, %gather3A_316 : vector<16xi32>
        %and3A_318 = arith.andi %eq3A_317, %ge3A_46 : vector<16xi1>
        %gather3A_319 = tpu.vector_load_idx %arg15[%max3A_38] : memref<16xi32, #tpu.memory_space<vmem>>[vector<16xi32>], vector<16xi32>,
        %eq3A_320 = arith.cmpi eq, %masked_sort3A_305, %gather3A_319 : vector<16xi32>
        %and3A_321 = arith.andi %eq3A_320, %ge3A_49 : vector<16xi1>
        %gather3A_322 = tpu.vector_load_idx %arg15[%min3A_54] : memref<16xi32, #tpu.memory_space<vmem>>[vector<16xi32>], vector<16xi32>,
        %ne3A_323 = arith.cmpi ne, %masked_sort3A_305, %gather3A_322 : vector<16xi32>
        %or3A = arith.ori %ne3A_323, %eq3A_56 : vector<16xi1>
        %jit3A_324 = arith.constant 10000 : i32
        %broadcast_in_dim3A_325 = vector.broadcast %jit3A_324 : i32 to vector<16xi32>
        %select_n3A_326 = arith.select %or3A, %masked_sort3A_305, %broadcast_in_dim3A_325 : vector<16xi1>, vector<16xi32>
        %gather3A_327 = tpu.vector_load_idx %arg8[%gather3A] : memref<10000xf32, #tpu.memory_space<vmem>>[vector<16xi32>], vector<16xf32>,
        %swap3A_328 = arith.constant 0 : index
        %swap3A_329 = tpu.vector_load %arg16[%swap3A_328] {strides = array<i32>} : memref<16xf32, #tpu.memory_space<vmem>>, vector<16xf32>,
        tpu.vector_store %arg16[%swap3A_328], %gather3A_327 {strides = array<i32>} : memref<16xf32, #tpu.memory_space<vmem>>, vector<16xf32>,
        %gather3A_330 = tpu.vector_load_idx %arg16[%max3A_20] : memref<16xf32, #tpu.memory_space<vmem>>[vector<16xi32>], vector<16xf32>,
        %max3A_331 = arith.maximumf %gather3A_327, %gather3A_330 : vector<16xf32>
        %select_n3A_332 = arith.select %and3A_312, %max3A_331, %gather3A_327 : vector<16xi1>, vector<16xf32>
        %swap3A_333 = arith.constant 0 : index
        %swap3A_334 = tpu.vector_load %arg16[%swap3A_333] {strides = array<i32>} : memref<16xf32, #tpu.memory_space<vmem>>, vector<16xf32>,
        tpu.vector_store %arg16[%swap3A_333], %gather3A_327 {strides = array<i32>} : memref<16xf32, #tpu.memory_space<vmem>>, vector<16xf32>,
        %gather3A_335 = tpu.vector_load_idx %arg16[%max3A_20] : memref<16xf32, #tpu.memory_space<vmem>>[vector<16xi32>], vector<16xf32>,
        %jit3A_336 = arith.constant 0.000000e+00 : f32
        %broadcast_in_dim3A_337 = vector.broadcast %jit3A_336 : f32 to vector<16xf32>
        %select_n3A_338 = arith.select %and3A_312, %gather3A_335, %broadcast_in_dim3A_337 : vector<16xi1>, vector<16xf32>
        %add3A_339 = arith.addf %gather3A_327, %select_n3A_338 : vector<16xf32>
        %swap3A_340 = arith.constant 0 : index
        %swap3A_341 = tpu.vector_load %arg16[%swap3A_340] {strides = array<i32>} : memref<16xf32, #tpu.memory_space<vmem>>, vector<16xf32>,
        tpu.vector_store %arg16[%swap3A_340], %select_n3A_332 {strides = array<i32>} : memref<16xf32, #tpu.memory_space<vmem>>, vector<16xf32>,
        %gather3A_342 = tpu.vector_load_idx %arg16[%max3A_26] : memref<16xf32, #tpu.memory_space<vmem>>[vector<16xi32>], vector<16xf32>,
        %max3A_343 = arith.maximumf %select_n3A_332, %gather3A_342 : vector<16xf32>
        %select_n3A_344 = arith.select %and3A_315, %max3A_343, %select_n3A_332 : vector<16xi1>, vector<16xf32>
        %swap3A_345 = arith.constant 0 : index
        %swap3A_346 = tpu.vector_load %arg16[%swap3A_345] {strides = array<i32>} : memref<16xf32, #tpu.memory_space<vmem>>, vector<16xf32>,
        tpu.vector_store %arg16[%swap3A_345], %add3A_339 {strides = array<i32>} : memref<16xf32, #tpu.memory_space<vmem>>, vector<16xf32>,
        %gather3A_347 = tpu.vector_load_idx %arg16[%max3A_26] : memref<16xf32, #tpu.memory_space<vmem>>[vector<16xi32>], vector<16xf32>,
        %jit3A_348 = arith.constant 0.000000e+00 : f32
        %broadcast_in_dim3A_349 = vector.broadcast %jit3A_348 : f32 to vector<16xf32>
        %select_n3A_350 = arith.select %and3A_315, %gather3A_347, %broadcast_in_dim3A_349 : vector<16xi1>, vector<16xf32>
        %add3A_351 = arith.addf %add3A_339, %select_n3A_350 : vector<16xf32>
        %swap3A_352 = arith.constant 0 : index
        %swap3A_353 = tpu.vector_load %arg16[%swap3A_352] {strides = array<i32>} : memref<16xf32, #tpu.memory_space<vmem>>, vector<16xf32>,
        tpu.vector_store %arg16[%swap3A_352], %select_n3A_344 {strides = array<i32>} : memref<16xf32, #tpu.memory_space<vmem>>, vector<16xf32>,
        %gather3A_354 = tpu.vector_load_idx %arg16[%max3A_32] : memref<16xf32, #tpu.memory_space<vmem>>[vector<16xi32>], vector<16xf32>,
        %max3A_355 = arith.maximumf %select_n3A_344, %gather3A_354 : vector<16xf32>
        %select_n3A_356 = arith.select %and3A_318, %max3A_355, %select_n3A_344 : vector<16xi1>, vector<16xf32>
        %swap3A_357 = arith.constant 0 : index
        %swap3A_358 = tpu.vector_load %arg16[%swap3A_357] {strides = array<i32>} : memref<16xf32, #tpu.memory_space<vmem>>, vector<16xf32>,
        tpu.vector_store %arg16[%swap3A_357], %add3A_351 {strides = array<i32>} : memref<16xf32, #tpu.memory_space<vmem>>, vector<16xf32>,
        %gather3A_359 = tpu.vector_load_idx %arg16[%max3A_32] : memref<16xf32, #tpu.memory_space<vmem>>[vector<16xi32>], vector<16xf32>,
        %jit3A_360 = arith.constant 0.000000e+00 : f32
        %broadcast_in_dim3A_361 = vector.broadcast %jit3A_360 : f32 to vector<16xf32>
        %select_n3A_362 = arith.select %and3A_318, %gather3A_359, %broadcast_in_dim3A_361 : vector<16xi1>, vector<16xf32>
        %add3A_363 = arith.addf %add3A_351, %select_n3A_362 : vector<16xf32>
        %swap3A_364 = arith.constant 0 : index
        %swap3A_365 = tpu.vector_load %arg16[%swap3A_364] {strides = array<i32>} : memref<16xf32, #tpu.memory_space<vmem>>, vector<16xf32>,
        tpu.vector_store %arg16[%swap3A_364], %select_n3A_356 {strides = array<i32>} : memref<16xf32, #tpu.memory_space<vmem>>, vector<16xf32>,
        %gather3A_366 = tpu.vector_load_idx %arg16[%max3A_38] : memref<16xf32, #tpu.memory_space<vmem>>[vector<16xi32>], vector<16xf32>,
        %max3A_367 = arith.maximumf %select_n3A_356, %gather3A_366 : vector<16xf32>
        %select_n3A_368 = arith.select %and3A_321, %max3A_367, %select_n3A_356 : vector<16xi1>, vector<16xf32>
        %swap3A_369 = arith.constant 0 : index
        %swap3A_370 = tpu.vector_load %arg16[%swap3A_369] {strides = array<i32>} : memref<16xf32, #tpu.memory_space<vmem>>, vector<16xf32>,
        tpu.vector_store %arg16[%swap3A_369], %add3A_363 {strides = array<i32>} : memref<16xf32, #tpu.memory_space<vmem>>, vector<16xf32>,
        %gather3A_371 = tpu.vector_load_idx %arg16[%max3A_38] : memref<16xf32, #tpu.memory_space<vmem>>[vector<16xi32>], vector<16xf32>,
        %jit3A_372 = arith.constant 0.000000e+00 : f32
        %broadcast_in_dim3A_373 = vector.broadcast %jit3A_372 : f32 to vector<16xf32>
        %select_n3A_374 = arith.select %and3A_321, %gather3A_371, %broadcast_in_dim3A_373 : vector<16xi1>, vector<16xf32>
        %add3A_375 = arith.addf %add3A_363, %select_n3A_374 : vector<16xf32>
        %gather3A_376 = tpu.vector_load_idx %arg10[%select_n3A_326] : memref<10016xf32, #tpu.memory_space<vmem>>[vector<16xi32>], vector<16xf32>,
        %add3A_377 = arith.addf %gather3A_376, %add3A_375 : vector<16xf32>
        tpu.vector_store_idx %arg10[%select_n3A_326], %add3A_377 : memref<10016xf32, #tpu.memory_space<vmem>>[vector<16xi32>], vector<16xf32>,
        %gather3A_378 = tpu.vector_load_idx %arg12[%select_n3A_326] : memref<10016xf32, #tpu.memory_space<vmem>>[vector<16xi32>], vector<16xf32>,
        %max3A_379 = arith.maximumf %gather3A_378, %select_n3A_368 : vector<16xf32>
        tpu.vector_store_idx %arg12[%select_n3A_326], %max3A_379 : memref<10016xf32, #tpu.memory_space<vmem>>[vector<16xi32>], vector<16xf32>,
        %gather3A_380 = tpu.vector_load_idx %arg9[%gather3A] : memref<10000xf32, #tpu.memory_space<vmem>>[vector<16xi32>], vector<16xf32>,
        %swap3A_381 = arith.constant 0 : index
        %swap3A_382 = tpu.vector_load %arg16[%swap3A_381] {strides = array<i32>} : memref<16xf32, #tpu.memory_space<vmem>>, vector<16xf32>,
        tpu.vector_store %arg16[%swap3A_381], %gather3A_380 {strides = array<i32>} : memref<16xf32, #tpu.memory_space<vmem>>, vector<16xf32>,
        %gather3A_383 = tpu.vector_load_idx %arg16[%max3A_20] : memref<16xf32, #tpu.memory_space<vmem>>[vector<16xi32>], vector<16xf32>,
        %max3A_384 = arith.maximumf %gather3A_380, %gather3A_383 : vector<16xf32>
        %select_n3A_385 = arith.select %and3A_312, %max3A_384, %gather3A_380 : vector<16xi1>, vector<16xf32>
        %swap3A_386 = arith.constant 0 : index
        %swap3A_387 = tpu.vector_load %arg16[%swap3A_386] {strides = array<i32>} : memref<16xf32, #tpu.memory_space<vmem>>, vector<16xf32>,
        tpu.vector_store %arg16[%swap3A_386], %gather3A_380 {strides = array<i32>} : memref<16xf32, #tpu.memory_space<vmem>>, vector<16xf32>,
        %gather3A_388 = tpu.vector_load_idx %arg16[%max3A_20] : memref<16xf32, #tpu.memory_space<vmem>>[vector<16xi32>], vector<16xf32>,
        %jit3A_389 = arith.constant 0.000000e+00 : f32
        %broadcast_in_dim3A_390 = vector.broadcast %jit3A_389 : f32 to vector<16xf32>
        %select_n3A_391 = arith.select %and3A_312, %gather3A_388, %broadcast_in_dim3A_390 : vector<16xi1>, vector<16xf32>
        %add3A_392 = arith.addf %gather3A_380, %select_n3A_391 : vector<16xf32>
        %swap3A_393 = arith.constant 0 : index
        %swap3A_394 = tpu.vector_load %arg16[%swap3A_393] {strides = array<i32>} : memref<16xf32, #tpu.memory_space<vmem>>, vector<16xf32>,
        tpu.vector_store %arg16[%swap3A_393], %select_n3A_385 {strides = array<i32>} : memref<16xf32, #tpu.memory_space<vmem>>, vector<16xf32>,
        %gather3A_395 = tpu.vector_load_idx %arg16[%max3A_26] : memref<16xf32, #tpu.memory_space<vmem>>[vector<16xi32>], vector<16xf32>,
        %max3A_396 = arith.maximumf %select_n3A_385, %gather3A_395 : vector<16xf32>
        %select_n3A_397 = arith.select %and3A_315, %max3A_396, %select_n3A_385 : vector<16xi1>, vector<16xf32>
        %swap3A_398 = arith.constant 0 : index
        %swap3A_399 = tpu.vector_load %arg16[%swap3A_398] {strides = array<i32>} : memref<16xf32, #tpu.memory_space<vmem>>, vector<16xf32>,
        tpu.vector_store %arg16[%swap3A_398], %add3A_392 {strides = array<i32>} : memref<16xf32, #tpu.memory_space<vmem>>, vector<16xf32>,
        %gather3A_400 = tpu.vector_load_idx %arg16[%max3A_26] : memref<16xf32, #tpu.memory_space<vmem>>[vector<16xi32>], vector<16xf32>,
        %jit3A_401 = arith.constant 0.000000e+00 : f32
        %broadcast_in_dim3A_402 = vector.broadcast %jit3A_401 : f32 to vector<16xf32>
        %select_n3A_403 = arith.select %and3A_315, %gather3A_400, %broadcast_in_dim3A_402 : vector<16xi1>, vector<16xf32>
        %add3A_404 = arith.addf %add3A_392, %select_n3A_403 : vector<16xf32>
        %swap3A_405 = arith.constant 0 : index
        %swap3A_406 = tpu.vector_load %arg16[%swap3A_405] {strides = array<i32>} : memref<16xf32, #tpu.memory_space<vmem>>, vector<16xf32>,
        tpu.vector_store %arg16[%swap3A_405], %select_n3A_397 {strides = array<i32>} : memref<16xf32, #tpu.memory_space<vmem>>, vector<16xf32>,
        %gather3A_407 = tpu.vector_load_idx %arg16[%max3A_32] : memref<16xf32, #tpu.memory_space<vmem>>[vector<16xi32>], vector<16xf32>,
        %max3A_408 = arith.maximumf %select_n3A_397, %gather3A_407 : vector<16xf32>
        %select_n3A_409 = arith.select %and3A_318, %max3A_408, %select_n3A_397 : vector<16xi1>, vector<16xf32>
        %swap3A_410 = arith.constant 0 : index
        %swap3A_411 = tpu.vector_load %arg16[%swap3A_410] {strides = array<i32>} : memref<16xf32, #tpu.memory_space<vmem>>, vector<16xf32>,
        tpu.vector_store %arg16[%swap3A_410], %add3A_404 {strides = array<i32>} : memref<16xf32, #tpu.memory_space<vmem>>, vector<16xf32>,
        %gather3A_412 = tpu.vector_load_idx %arg16[%max3A_32] : memref<16xf32, #tpu.memory_space<vmem>>[vector<16xi32>], vector<16xf32>,
        %jit3A_413 = arith.constant 0.000000e+00 : f32
        %broadcast_in_dim3A_414 = vector.broadcast %jit3A_413 : f32 to vector<16xf32>
        %select_n3A_415 = arith.select %and3A_318, %gather3A_412, %broadcast_in_dim3A_414 : vector<16xi1>, vector<16xf32>
        %add3A_416 = arith.addf %add3A_404, %select_n3A_415 : vector<16xf32>
        %swap3A_417 = arith.constant 0 : index
        %swap3A_418 = tpu.vector_load %arg16[%swap3A_417] {strides = array<i32>} : memref<16xf32, #tpu.memory_space<vmem>>, vector<16xf32>,
        tpu.vector_store %arg16[%swap3A_417], %select_n3A_409 {strides = array<i32>} : memref<16xf32, #tpu.memory_space<vmem>>, vector<16xf32>,
        %gather3A_419 = tpu.vector_load_idx %arg16[%max3A_38] : memref<16xf32, #tpu.memory_space<vmem>>[vector<16xi32>], vector<16xf32>,
        %max3A_420 = arith.maximumf %select_n3A_409, %gather3A_419 : vector<16xf32>
        %select_n3A_421 = arith.select %and3A_321, %max3A_420, %select_n3A_409 : vector<16xi1>, vector<16xf32>
        %swap3A_422 = arith.constant 0 : index
        %swap3A_423 = tpu.vector_load %arg16[%swap3A_422] {strides = array<i32>} : memref<16xf32, #tpu.memory_space<vmem>>, vector<16xf32>,
        tpu.vector_store %arg16[%swap3A_422], %add3A_416 {strides = array<i32>} : memref<16xf32, #tpu.memory_space<vmem>>, vector<16xf32>,
        %gather3A_424 = tpu.vector_load_idx %arg16[%max3A_38] : memref<16xf32, #tpu.memory_space<vmem>>[vector<16xi32>], vector<16xf32>,
        %jit3A_425 = arith.constant 0.000000e+00 : f32
        %broadcast_in_dim3A_426 = vector.broadcast %jit3A_425 : f32 to vector<16xf32>
        %select_n3A_427 = arith.select %and3A_321, %gather3A_424, %broadcast_in_dim3A_426 : vector<16xi1>, vector<16xf32>
        %add3A_428 = arith.addf %add3A_416, %select_n3A_427 : vector<16xf32>
        %gather3A_429 = tpu.vector_load_idx %arg11[%select_n3A_326] : memref<10016xf32, #tpu.memory_space<vmem>>[vector<16xi32>], vector<16xf32>,
        %add3A_430 = arith.addf %gather3A_429, %add3A_428 : vector<16xf32>
        tpu.vector_store_idx %arg11[%select_n3A_326], %add3A_430 : memref<10016xf32, #tpu.memory_space<vmem>>[vector<16xi32>], vector<16xf32>,
        %gather3A_431 = tpu.vector_load_idx %arg13[%select_n3A_326] : memref<10016xf32, #tpu.memory_space<vmem>>[vector<16xi32>], vector<16xf32>,
        %max3A_432 = arith.maximumf %gather3A_431, %select_n3A_421 : vector<16xf32>
        tpu.vector_store_idx %arg13[%select_n3A_326], %max3A_432 : memref<10016xf32, #tpu.memory_space<vmem>>[vector<16xi32>], vector<16xf32>,
      }
    }
    %scan3A_69 = arith.constant 40 : i32
    %scan3A_70 = arith.constant 0 : i32
    %scan3A_71 = arith.constant 0 : i32
    %scan3A_72 = arith.constant 5 : i32
    %scan3A_73 = arith.addi %scan3A_71, %scan3A_72 : i32
    %scan3A_74 = arith.constant 1 : i32
    scf.for %scan3A_80 = %scan3A_71 to %scan3A_73 step %scan3A_74  : i32 {
      %mul3A_81 = arith.constant 10000 : i32
      %mul3A_82 = arith.muli %add3A, %mul3A_81 : i32
      %mul3A_83 = arith.constant 2000 : i32
      %mul3A_84 = arith.muli %scan3A_80, %mul3A_83 : i32
      %add3A_85 = arith.addi %mul3A_82, %mul3A_84 : i32
      "tpu.region"() ({
        %run_scoped3A = tpu.sem_alloc : memref<!tpu.dma_semaphore, #tpu.memory_space<semaphore_mem>>
        %dma_start3A_92 = arith.constant 0 : i32
        %dma_start3A_93 = tpu.memref_slice %arg24[%dma_start3A_92] : memref<4000xi32, #tpu.memory_space<vmem>> -> memref<2000xi32, #tpu.memory_space<vmem>>
        %dma_start3A_94 = tpu.memref_slice %arg4[%add3A_85] : memref<320000xi32, #tpu.memory_space<hbm>> -> memref<2000xi32, #tpu.memory_space<hbm>>
        %dma_start3A_95 = arith.constant 0 : i32
        %dma_start3A_96 = tpu.memref_slice %arg24[%dma_start3A_95] : memref<4000xi32, #tpu.memory_space<vmem>> -> memref<2000xi32, #tpu.memory_space<vmem>>
        %dma_start3A_97 = tpu.memref_slice %arg4[%add3A_85] : memref<320000xi32, #tpu.memory_space<hbm>> -> memref<2000xi32, #tpu.memory_space<hbm>>
        tpu.enqueue_dma source(%dma_start3A_97 : memref<2000xi32, #tpu.memory_space<hbm>>) target(%dma_start3A_96 : memref<2000xi32, #tpu.memory_space<vmem>>) target_semaphore(%run_scoped3A : memref<!tpu.dma_semaphore, #tpu.memory_space<semaphore_mem>>)
        %dma_wait3A = arith.constant 0 : i32
        %dma_wait3A_98 = tpu.memref_slice %arg24[%dma_wait3A] : memref<4000xi32, #tpu.memory_space<vmem>> -> memref<2000xi32, #tpu.memory_space<vmem>>
        %dma_wait3A_99 = tpu.memref_slice %arg4[%add3A_85] : memref<320000xi32, #tpu.memory_space<hbm>> -> memref<2000xi32, #tpu.memory_space<hbm>>
        %dma_wait3A_100 = arith.constant 0 : i32
        %dma_wait3A_101 = tpu.memref_slice %arg24[%dma_wait3A_100] : memref<4000xi32, #tpu.memory_space<vmem>> -> memref<2000xi32, #tpu.memory_space<vmem>>
        %dma_wait3A_102 = tpu.memref_slice %arg4[%add3A_85] : memref<320000xi32, #tpu.memory_space<hbm>> -> memref<2000xi32, #tpu.memory_space<hbm>>
        tpu.wait_dma2 semaphore(%run_scoped3A : memref<!tpu.dma_semaphore, #tpu.memory_space<semaphore_mem>>) src(%dma_wait3A_102 : memref<2000xi32, #tpu.memory_space<hbm>>) dst(%dma_wait3A_101 : memref<2000xi32, #tpu.memory_space<vmem>>)
        tpu.yield
      }) : () -> ()
      %scan3A_86 = arith.constant 0 : i32
      %scan3A_87 = arith.constant 0 : i32
      %scan3A_88 = arith.constant 125 : i32
      %scan3A_89 = arith.addi %scan3A_87, %scan3A_88 : i32
      %scan3A_90 = arith.constant 1 : i32
      scf.for %scan3A_92 = %scan3A_87 to %scan3A_89 step %scan3A_90  : i32 {
        %mul3A_93 = arith.constant 16 : i32
        %mul3A_94 = arith.muli %scan3A_92, %mul3A_93 : i32
        %get3A = arith.index_cast %mul3A_94 : i32 to index
        %get3A_95 = tpu.vector_load %arg24[%get3A] {strides = array<i32>} : memref<4000xi32, #tpu.memory_space<vmem>>, vector<16xi32>,
        %masked_sort3A = arith.constant dense<true> : vector<16xi1>
        %masked_sort3A_96 = arith.constant -2147483648 : i32
        %masked_sort3A_97 = vector.broadcast %masked_sort3A_96 : i32 to vector<16xi32>
        %masked_sort3A_98 = arith.xori %get3A_95, %masked_sort3A_97 : vector<16xi32>
        %masked_sort3A_99, %masked_sort3A_100, %masked_sort3A_101 = tpu.sort %masked_sort3A_98, %iota3A masked %masked_sort3A : (vector<16xi32>, vector<16xi32>, vector<16xi1>) -> (vector<16xi1>, vector<16xi32>, vector<16xi32>)
        %masked_sort3A_102 = arith.xori %masked_sort3A_100, %masked_sort3A_97 : vector<16xi32>
        %swap3A = arith.constant 0 : index
        %swap3A_103 = tpu.vector_load %arg15[%swap3A] {strides = array<i32>} : memref<16xi32, #tpu.memory_space<vmem>>, vector<16xi32>,
        tpu.vector_store %arg15[%swap3A], %masked_sort3A_102 {strides = array<i32>} : memref<16xi32, #tpu.memory_space<vmem>>, vector<16xi32>,
        %gather3A = tpu.vector_load_idx %arg15[%max3A_20] : memref<16xi32, #tpu.memory_space<vmem>>[vector<16xi32>], vector<16xi32>,
        %eq3A_104 = arith.cmpi eq, %masked_sort3A_102, %gather3A : vector<16xi32>
        %and3A = arith.andi %eq3A_104, %ge3A_40 : vector<16xi1>
        %gather3A_105 = tpu.vector_load_idx %arg15[%max3A_26] : memref<16xi32, #tpu.memory_space<vmem>>[vector<16xi32>], vector<16xi32>,
        %eq3A_106 = arith.cmpi eq, %masked_sort3A_102, %gather3A_105 : vector<16xi32>
        %and3A_107 = arith.andi %eq3A_106, %ge3A_43 : vector<16xi1>
        %gather3A_108 = tpu.vector_load_idx %arg15[%max3A_32] : memref<16xi32, #tpu.memory_space<vmem>>[vector<16xi32>], vector<16xi32>,
        %eq3A_109 = arith.cmpi eq, %masked_sort3A_102, %gather3A_108 : vector<16xi32>
        %and3A_110 = arith.andi %eq3A_109, %ge3A_46 : vector<16xi1>
        %gather3A_111 = tpu.vector_load_idx %arg15[%max3A_38] : memref<16xi32, #tpu.memory_space<vmem>>[vector<16xi32>], vector<16xi32>,
        %eq3A_112 = arith.cmpi eq, %masked_sort3A_102, %gather3A_111 : vector<16xi32>
        %and3A_113 = arith.andi %eq3A_112, %ge3A_49 : vector<16xi1>
        %gather3A_114 = tpu.vector_load_idx %arg15[%min3A_54] : memref<16xi32, #tpu.memory_space<vmem>>[vector<16xi32>], vector<16xi32>,
        %ne3A = arith.cmpi ne, %masked_sort3A_102, %gather3A_114 : vector<16xi32>
        %or3A = arith.ori %ne3A, %eq3A_56 : vector<16xi1>
        %jit3A = arith.constant 10000 : i32
        %broadcast_in_dim3A_115 = vector.broadcast %jit3A : i32 to vector<16xi32>
        %select_n3A = arith.select %or3A, %masked_sort3A_102, %broadcast_in_dim3A_115 : vector<16xi1>, vector<16xi32>
        %swap3A_116 = arith.constant 0 : index
        %swap3A_117 = tpu.vector_load %arg16[%swap3A_116] {strides = array<i32>} : memref<16xf32, #tpu.memory_space<vmem>>, vector<16xf32>,
        tpu.vector_store %arg16[%swap3A_116], %broadcast_in_dim3A_16 {strides = array<i32>} : memref<16xf32, #tpu.memory_space<vmem>>, vector<16xf32>,
        %gather3A_118 = tpu.vector_load_idx %arg16[%max3A_20] : memref<16xf32, #tpu.memory_space<vmem>>[vector<16xi32>], vector<16xf32>,
        %jit3A_119 = arith.constant 0.000000e+00 : f32
        %broadcast_in_dim3A_120 = vector.broadcast %jit3A_119 : f32 to vector<16xf32>
        %select_n3A_121 = arith.select %and3A, %gather3A_118, %broadcast_in_dim3A_120 : vector<16xi1>, vector<16xf32>
        %add3A_122 = arith.addf %broadcast_in_dim3A_16, %select_n3A_121 : vector<16xf32>
        %swap3A_123 = arith.constant 0 : index
        %swap3A_124 = tpu.vector_load %arg16[%swap3A_123] {strides = array<i32>} : memref<16xf32, #tpu.memory_space<vmem>>, vector<16xf32>,
        tpu.vector_store %arg16[%swap3A_123], %add3A_122 {strides = array<i32>} : memref<16xf32, #tpu.memory_space<vmem>>, vector<16xf32>,
        %gather3A_125 = tpu.vector_load_idx %arg16[%max3A_26] : memref<16xf32, #tpu.memory_space<vmem>>[vector<16xi32>], vector<16xf32>,
        %jit3A_126 = arith.constant 0.000000e+00 : f32
        %broadcast_in_dim3A_127 = vector.broadcast %jit3A_126 : f32 to vector<16xf32>
        %select_n3A_128 = arith.select %and3A_107, %gather3A_125, %broadcast_in_dim3A_127 : vector<16xi1>, vector<16xf32>
        %add3A_129 = arith.addf %add3A_122, %select_n3A_128 : vector<16xf32>
        %swap3A_130 = arith.constant 0 : index
        %swap3A_131 = tpu.vector_load %arg16[%swap3A_130] {strides = array<i32>} : memref<16xf32, #tpu.memory_space<vmem>>, vector<16xf32>,
        tpu.vector_store %arg16[%swap3A_130], %add3A_129 {strides = array<i32>} : memref<16xf32, #tpu.memory_space<vmem>>, vector<16xf32>,
        %gather3A_132 = tpu.vector_load_idx %arg16[%max3A_32] : memref<16xf32, #tpu.memory_space<vmem>>[vector<16xi32>], vector<16xf32>,
        %jit3A_133 = arith.constant 0.000000e+00 : f32
        %broadcast_in_dim3A_134 = vector.broadcast %jit3A_133 : f32 to vector<16xf32>
        %select_n3A_135 = arith.select %and3A_110, %gather3A_132, %broadcast_in_dim3A_134 : vector<16xi1>, vector<16xf32>
        %add3A_136 = arith.addf %add3A_129, %select_n3A_135 : vector<16xf32>
        %swap3A_137 = arith.constant 0 : index
        %swap3A_138 = tpu.vector_load %arg16[%swap3A_137] {strides = array<i32>} : memref<16xf32, #tpu.memory_space<vmem>>, vector<16xf32>,
        tpu.vector_store %arg16[%swap3A_137], %add3A_136 {strides = array<i32>} : memref<16xf32, #tpu.memory_space<vmem>>, vector<16xf32>,
        %gather3A_139 = tpu.vector_load_idx %arg16[%max3A_38] : memref<16xf32, #tpu.memory_space<vmem>>[vector<16xi32>], vector<16xf32>,
        %jit3A_140 = arith.constant 0.000000e+00 : f32
        %broadcast_in_dim3A_141 = vector.broadcast %jit3A_140 : f32 to vector<16xf32>
        %select_n3A_142 = arith.select %and3A_113, %gather3A_139, %broadcast_in_dim3A_141 : vector<16xi1>, vector<16xf32>
        %add3A_143 = arith.addf %add3A_136, %select_n3A_142 : vector<16xf32>
        %gather3A_144 = tpu.vector_load_idx %arg14[%select_n3A] : memref<10016xf32, #tpu.memory_space<vmem>>[vector<16xi32>], vector<16xf32>,
        %add3A_145 = arith.addf %gather3A_144, %add3A_143 : vector<16xf32>
        tpu.vector_store_idx %arg14[%select_n3A], %add3A_145 : memref<10016xf32, #tpu.memory_space<vmem>>[vector<16xi32>], vector<16xf32>,
      }
      %scan3A_91 = arith.constant 125 : i32
    }
    %scan3A_75 = arith.constant 5 : i32
    "tpu.region"() ({
      %run_scoped3A = tpu.sem_alloc : memref<!tpu.dma_semaphore, #tpu.memory_space<semaphore_mem>>
      %dma_start3A_80 = arith.constant 0 : i32
      %dma_start3A_81 = tpu.memref_slice %arg10[%dma_start3A_80] : memref<10016xf32, #tpu.memory_space<vmem>> -> memref<10000xf32, #tpu.memory_space<vmem>>
      %dma_start3A_82 = arith.constant 0 : i32
      %dma_start3A_83 = tpu.memref_slice %arg5[%mul3A_2, %dma_start3A_82] : memref<64x10000xf32, #tpu.memory_space<hbm>> -> memref<1x10000xf32, #tpu.memory_space<hbm>>
      %dma_start3A_84 = tpu.memref_squeeze %dma_start3A_83 : memref<1x10000xf32, #tpu.memory_space<hbm>> -> memref<10000xf32, #tpu.memory_space<hbm>>
      %dma_start3A_85 = arith.constant 0 : i32
      %dma_start3A_86 = tpu.memref_slice %arg5[%mul3A_2, %dma_start3A_85] : memref<64x10000xf32, #tpu.memory_space<hbm>> -> memref<1x10000xf32, #tpu.memory_space<hbm>>
      %dma_start3A_87 = tpu.memref_squeeze %dma_start3A_86 : memref<1x10000xf32, #tpu.memory_space<hbm>> -> memref<10000xf32, #tpu.memory_space<hbm>>
      %dma_start3A_88 = arith.constant 0 : i32
      %dma_start3A_89 = tpu.memref_slice %arg10[%dma_start3A_88] : memref<10016xf32, #tpu.memory_space<vmem>> -> memref<10000xf32, #tpu.memory_space<vmem>>
      tpu.enqueue_dma source(%dma_start3A_89 : memref<10000xf32, #tpu.memory_space<vmem>>) target(%dma_start3A_87 : memref<10000xf32, #tpu.memory_space<hbm>>) target_semaphore(%run_scoped3A : memref<!tpu.dma_semaphore, #tpu.memory_space<semaphore_mem>>)
      %dma_wait3A = arith.constant 0 : i32
      %dma_wait3A_90 = tpu.memref_slice %arg10[%dma_wait3A] : memref<10016xf32, #tpu.memory_space<vmem>> -> memref<10000xf32, #tpu.memory_space<vmem>>
      %dma_wait3A_91 = arith.constant 0 : i32
      %dma_wait3A_92 = tpu.memref_slice %arg5[%mul3A_2, %dma_wait3A_91] : memref<64x10000xf32, #tpu.memory_space<hbm>> -> memref<1x10000xf32, #tpu.memory_space<hbm>>
      %dma_wait3A_93 = tpu.memref_squeeze %dma_wait3A_92 : memref<1x10000xf32, #tpu.memory_space<hbm>> -> memref<10000xf32, #tpu.memory_space<hbm>>
      %dma_wait3A_94 = arith.constant 0 : i32
      %dma_wait3A_95 = tpu.memref_slice %arg5[%mul3A_2, %dma_wait3A_94] : memref<64x10000xf32, #tpu.memory_space<hbm>> -> memref<1x10000xf32, #tpu.memory_space<hbm>>
      %dma_wait3A_96 = tpu.memref_squeeze %dma_wait3A_95 : memref<1x10000xf32, #tpu.memory_space<hbm>> -> memref<10000xf32, #tpu.memory_space<hbm>>
      %dma_wait3A_97 = arith.constant 0 : i32
      %dma_wait3A_98 = tpu.memref_slice %arg10[%dma_wait3A_97] : memref<10016xf32, #tpu.memory_space<vmem>> -> memref<10000xf32, #tpu.memory_space<vmem>>
      tpu.wait_dma2 semaphore(%run_scoped3A : memref<!tpu.dma_semaphore, #tpu.memory_space<semaphore_mem>>) src(%dma_wait3A_98 : memref<10000xf32, #tpu.memory_space<vmem>>) dst(%dma_wait3A_96 : memref<10000xf32, #tpu.memory_space<hbm>>)
      tpu.yield
    }) : () -> ()
    %add3A_76 = arith.constant 1 : i32
    %add3A_77 = arith.addi %mul3A_2, %add3A_76 : i32
    "tpu.region"() ({
      %run_scoped3A = tpu.sem_alloc : memref<!tpu.dma_semaphore, #tpu.memory_space<semaphore_mem>>
      %dma_start3A_80 = arith.constant 0 : i32
      %dma_start3A_81 = tpu.memref_slice %arg11[%dma_start3A_80] : memref<10016xf32, #tpu.memory_space<vmem>> -> memref<10000xf32, #tpu.memory_space<vmem>>
      %dma_start3A_82 = arith.constant 0 : i32
      %dma_start3A_83 = tpu.memref_slice %arg5[%add3A_77, %dma_start3A_82] : memref<64x10000xf32, #tpu.memory_space<hbm>> -> memref<1x10000xf32, #tpu.memory_space<hbm>>
      %dma_start3A_84 = tpu.memref_squeeze %dma_start3A_83 : memref<1x10000xf32, #tpu.memory_space<hbm>> -> memref<10000xf32, #tpu.memory_space<hbm>>
      %dma_start3A_85 = arith.constant 0 : i32
      %dma_start3A_86 = tpu.memref_slice %arg5[%add3A_77, %dma_start3A_85] : memref<64x10000xf32, #tpu.memory_space<hbm>> -> memref<1x10000xf32, #tpu.memory_space<hbm>>
      %dma_start3A_87 = tpu.memref_squeeze %dma_start3A_86 : memref<1x10000xf32, #tpu.memory_space<hbm>> -> memref<10000xf32, #tpu.memory_space<hbm>>
      %dma_start3A_88 = arith.constant 0 : i32
      %dma_start3A_89 = tpu.memref_slice %arg11[%dma_start3A_88] : memref<10016xf32, #tpu.memory_space<vmem>> -> memref<10000xf32, #tpu.memory_space<vmem>>
      tpu.enqueue_dma source(%dma_start3A_89 : memref<10000xf32, #tpu.memory_space<vmem>>) target(%dma_start3A_87 : memref<10000xf32, #tpu.memory_space<hbm>>) target_semaphore(%run_scoped3A : memref<!tpu.dma_semaphore, #tpu.memory_space<semaphore_mem>>)
      %dma_wait3A = arith.constant 0 : i32
      %dma_wait3A_90 = tpu.memref_slice %arg11[%dma_wait3A] : memref<10016xf32, #tpu.memory_space<vmem>> -> memref<10000xf32, #tpu.memory_space<vmem>>
      %dma_wait3A_91 = arith.constant 0 : i32
      %dma_wait3A_92 = tpu.memref_slice %arg5[%add3A_77, %dma_wait3A_91] : memref<64x10000xf32, #tpu.memory_space<hbm>> -> memref<1x10000xf32, #tpu.memory_space<hbm>>
      %dma_wait3A_93 = tpu.memref_squeeze %dma_wait3A_92 : memref<1x10000xf32, #tpu.memory_space<hbm>> -> memref<10000xf32, #tpu.memory_space<hbm>>
      %dma_wait3A_94 = arith.constant 0 : i32
      %dma_wait3A_95 = tpu.memref_slice %arg5[%add3A_77, %dma_wait3A_94] : memref<64x10000xf32, #tpu.memory_space<hbm>> -> memref<1x10000xf32, #tpu.memory_space<hbm>>
      %dma_wait3A_96 = tpu.memref_squeeze %dma_wait3A_95 : memref<1x10000xf32, #tpu.memory_space<hbm>> -> memref<10000xf32, #tpu.memory_space<hbm>>
      %dma_wait3A_97 = arith.constant 0 : i32
      %dma_wait3A_98 = tpu.memref_slice %arg11[%dma_wait3A_97] : memref<10016xf32, #tpu.memory_space<vmem>> -> memref<10000xf32, #tpu.memory_space<vmem>>
      tpu.wait_dma2 semaphore(%run_scoped3A : memref<!tpu.dma_semaphore, #tpu.memory_space<semaphore_mem>>) src(%dma_wait3A_98 : memref<10000xf32, #tpu.memory_space<vmem>>) dst(%dma_wait3A_96 : memref<10000xf32, #tpu.memory_space<hbm>>)
      tpu.yield
    }) : () -> ()
    "tpu.region"() ({
      %run_scoped3A = tpu.sem_alloc : memref<!tpu.dma_semaphore, #tpu.memory_space<semaphore_mem>>
      %dma_start3A_80 = arith.constant 0 : i32
      %dma_start3A_81 = tpu.memref_slice %arg12[%dma_start3A_80] : memref<10016xf32, #tpu.memory_space<vmem>> -> memref<10000xf32, #tpu.memory_space<vmem>>
      %dma_start3A_82 = arith.constant 0 : i32
      %dma_start3A_83 = tpu.memref_slice %arg6[%mul3A_2, %dma_start3A_82] : memref<64x10000xf32, #tpu.memory_space<hbm>> -> memref<1x10000xf32, #tpu.memory_space<hbm>>
      %dma_start3A_84 = tpu.memref_squeeze %dma_start3A_83 : memref<1x10000xf32, #tpu.memory_space<hbm>> -> memref<10000xf32, #tpu.memory_space<hbm>>
      %dma_start3A_85 = arith.constant 0 : i32
      %dma_start3A_86 = tpu.memref_slice %arg6[%mul3A_2, %dma_start3A_85] : memref<64x10000xf32, #tpu.memory_space<hbm>> -> memref<1x10000xf32, #tpu.memory_space<hbm>>
      %dma_start3A_87 = tpu.memref_squeeze %dma_start3A_86 : memref<1x10000xf32, #tpu.memory_space<hbm>> -> memref<10000xf32, #tpu.memory_space<hbm>>
      %dma_start3A_88 = arith.constant 0 : i32
      %dma_start3A_89 = tpu.memref_slice %arg12[%dma_start3A_88] : memref<10016xf32, #tpu.memory_space<vmem>> -> memref<10000xf32, #tpu.memory_space<vmem>>
      tpu.enqueue_dma source(%dma_start3A_89 : memref<10000xf32, #tpu.memory_space<vmem>>) target(%dma_start3A_87 : memref<10000xf32, #tpu.memory_space<hbm>>) target_semaphore(%run_scoped3A : memref<!tpu.dma_semaphore, #tpu.memory_space<semaphore_mem>>)
      %dma_wait3A = arith.constant 0 : i32
      %dma_wait3A_90 = tpu.memref_slice %arg12[%dma_wait3A] : memref<10016xf32, #tpu.memory_space<vmem>> -> memref<10000xf32, #tpu.memory_space<vmem>>
      %dma_wait3A_91 = arith.constant 0 : i32
      %dma_wait3A_92 = tpu.memref_slice %arg6[%mul3A_2, %dma_wait3A_91] : memref<64x10000xf32, #tpu.memory_space<hbm>> -> memref<1x10000xf32, #tpu.memory_space<hbm>>
      %dma_wait3A_93 = tpu.memref_squeeze %dma_wait3A_92 : memref<1x10000xf32, #tpu.memory_space<hbm>> -> memref<10000xf32, #tpu.memory_space<hbm>>
      %dma_wait3A_94 = arith.constant 0 : i32
      %dma_wait3A_95 = tpu.memref_slice %arg6[%mul3A_2, %dma_wait3A_94] : memref<64x10000xf32, #tpu.memory_space<hbm>> -> memref<1x10000xf32, #tpu.memory_space<hbm>>
      %dma_wait3A_96 = tpu.memref_squeeze %dma_wait3A_95 : memref<1x10000xf32, #tpu.memory_space<hbm>> -> memref<10000xf32, #tpu.memory_space<hbm>>
      %dma_wait3A_97 = arith.constant 0 : i32
      %dma_wait3A_98 = tpu.memref_slice %arg12[%dma_wait3A_97] : memref<10016xf32, #tpu.memory_space<vmem>> -> memref<10000xf32, #tpu.memory_space<vmem>>
      tpu.wait_dma2 semaphore(%run_scoped3A : memref<!tpu.dma_semaphore, #tpu.memory_space<semaphore_mem>>) src(%dma_wait3A_98 : memref<10000xf32, #tpu.memory_space<vmem>>) dst(%dma_wait3A_96 : memref<10000xf32, #tpu.memory_space<hbm>>)
      tpu.yield
    }) : () -> ()
    %add3A_78 = arith.constant 1 : i32
    %add3A_79 = arith.addi %mul3A_2, %add3A_78 : i32
    "tpu.region"() ({
      %run_scoped3A = tpu.sem_alloc : memref<!tpu.dma_semaphore, #tpu.memory_space<semaphore_mem>>
      %dma_start3A_80 = arith.constant 0 : i32
      %dma_start3A_81 = tpu.memref_slice %arg13[%dma_start3A_80] : memref<10016xf32, #tpu.memory_space<vmem>> -> memref<10000xf32, #tpu.memory_space<vmem>>
      %dma_start3A_82 = arith.constant 0 : i32
      %dma_start3A_83 = tpu.memref_slice %arg6[%add3A_79, %dma_start3A_82] : memref<64x10000xf32, #tpu.memory_space<hbm>> -> memref<1x10000xf32, #tpu.memory_space<hbm>>
      %dma_start3A_84 = tpu.memref_squeeze %dma_start3A_83 : memref<1x10000xf32, #tpu.memory_space<hbm>> -> memref<10000xf32, #tpu.memory_space<hbm>>
      %dma_start3A_85 = arith.constant 0 : i32
      %dma_start3A_86 = tpu.memref_slice %arg6[%add3A_79, %dma_start3A_85] : memref<64x10000xf32, #tpu.memory_space<hbm>> -> memref<1x10000xf32, #tpu.memory_space<hbm>>
      %dma_start3A_87 = tpu.memref_squeeze %dma_start3A_86 : memref<1x10000xf32, #tpu.memory_space<hbm>> -> memref<10000xf32, #tpu.memory_space<hbm>>
      %dma_start3A_88 = arith.constant 0 : i32
      %dma_start3A_89 = tpu.memref_slice %arg13[%dma_start3A_88] : memref<10016xf32, #tpu.memory_space<vmem>> -> memref<10000xf32, #tpu.memory_space<vmem>>
      tpu.enqueue_dma source(%dma_start3A_89 : memref<10000xf32, #tpu.memory_space<vmem>>) target(%dma_start3A_87 : memref<10000xf32, #tpu.memory_space<hbm>>) target_semaphore(%run_scoped3A : memref<!tpu.dma_semaphore, #tpu.memory_space<semaphore_mem>>)
      %dma_wait3A = arith.constant 0 : i32
      %dma_wait3A_90 = tpu.memref_slice %arg13[%dma_wait3A] : memref<10016xf32, #tpu.memory_space<vmem>> -> memref<10000xf32, #tpu.memory_space<vmem>>
      %dma_wait3A_91 = arith.constant 0 : i32
      %dma_wait3A_92 = tpu.memref_slice %arg6[%add3A_79, %dma_wait3A_91] : memref<64x10000xf32, #tpu.memory_space<hbm>> -> memref<1x10000xf32, #tpu.memory_space<hbm>>
      %dma_wait3A_93 = tpu.memref_squeeze %dma_wait3A_92 : memref<1x10000xf32, #tpu.memory_space<hbm>> -> memref<10000xf32, #tpu.memory_space<hbm>>
      %dma_wait3A_94 = arith.constant 0 : i32
      %dma_wait3A_95 = tpu.memref_slice %arg6[%add3A_79, %dma_wait3A_94] : memref<64x10000xf32, #tpu.memory_space<hbm>> -> memref<1x10000xf32, #tpu.memory_space<hbm>>
      %dma_wait3A_96 = tpu.memref_squeeze %dma_wait3A_95 : memref<1x10000xf32, #tpu.memory_space<hbm>> -> memref<10000xf32, #tpu.memory_space<hbm>>
      %dma_wait3A_97 = arith.constant 0 : i32
      %dma_wait3A_98 = tpu.memref_slice %arg13[%dma_wait3A_97] : memref<10016xf32, #tpu.memory_space<vmem>> -> memref<10000xf32, #tpu.memory_space<vmem>>
      tpu.wait_dma2 semaphore(%run_scoped3A : memref<!tpu.dma_semaphore, #tpu.memory_space<semaphore_mem>>) src(%dma_wait3A_98 : memref<10000xf32, #tpu.memory_space<vmem>>) dst(%dma_wait3A_96 : memref<10000xf32, #tpu.memory_space<hbm>>)
      tpu.yield
    }) : () -> ()
    "tpu.region"() ({
      %run_scoped3A = tpu.sem_alloc : memref<!tpu.dma_semaphore, #tpu.memory_space<semaphore_mem>>
      %dma_start3A_80 = arith.constant 0 : i32
      %dma_start3A_81 = tpu.memref_slice %arg14[%dma_start3A_80] : memref<10016xf32, #tpu.memory_space<vmem>> -> memref<10000xf32, #tpu.memory_space<vmem>>
      %dma_start3A_82 = arith.constant 0 : i32
      %dma_start3A_83 = tpu.memref_slice %arg7[%add3A, %dma_start3A_82] : memref<32x10000xf32, #tpu.memory_space<hbm>> -> memref<1x10000xf32, #tpu.memory_space<hbm>>
      %dma_start3A_84 = tpu.memref_squeeze %dma_start3A_83 : memref<1x10000xf32, #tpu.memory_space<hbm>> -> memref<10000xf32, #tpu.memory_space<hbm>>
      %dma_start3A_85 = arith.constant 0 : i32
      %dma_start3A_86 = tpu.memref_slice %arg7[%add3A, %dma_start3A_85] : memref<32x10000xf32, #tpu.memory_space<hbm>> -> memref<1x10000xf32, #tpu.memory_space<hbm>>
      %dma_start3A_87 = tpu.memref_squeeze %dma_start3A_86 : memref<1x10000xf32, #tpu.memory_space<hbm>> -> memref<10000xf32, #tpu.memory_space<hbm>>
      %dma_start3A_88 = arith.constant 0 : i32
      %dma_start3A_89 = tpu.memref_slice %arg14[%dma_start3A_88] : memref<10016xf32, #tpu.memory_space<vmem>> -> memref<10000xf32, #tpu.memory_space<vmem>>
      tpu.enqueue_dma source(%dma_start3A_89 : memref<10000xf32, #tpu.memory_space<vmem>>) target(%dma_start3A_87 : memref<10000xf32, #tpu.memory_space<hbm>>) target_semaphore(%run_scoped3A : memref<!tpu.dma_semaphore, #tpu.memory_space<semaphore_mem>>)
      %dma_wait3A = arith.constant 0 : i32
      %dma_wait3A_90 = tpu.memref_slice %arg14[%dma_wait3A] : memref<10016xf32, #tpu.memory_space<vmem>> -> memref<10000xf32, #tpu.memory_space<vmem>>
      %dma_wait3A_91 = arith.constant 0 : i32
      %dma_wait3A_92 = tpu.memref_slice %arg7[%add3A, %dma_wait3A_91] : memref<32x10000xf32, #tpu.memory_space<hbm>> -> memref<1x10000xf32, #tpu.memory_space<hbm>>
      %dma_wait3A_93 = tpu.memref_squeeze %dma_wait3A_92 : memref<1x10000xf32, #tpu.memory_space<hbm>> -> memref<10000xf32, #tpu.memory_space<hbm>>
      %dma_wait3A_94 = arith.constant 0 : i32
      %dma_wait3A_95 = tpu.memref_slice %arg7[%add3A, %dma_wait3A_94] : memref<32x10000xf32, #tpu.memory_space<hbm>> -> memref<1x10000xf32, #tpu.memory_space<hbm>>
      %dma_wait3A_96 = tpu.memref_squeeze %dma_wait3A_95 : memref<1x10000xf32, #tpu.memory_space<hbm>> -> memref<10000xf32, #tpu.memory_space<hbm>>
      %dma_wait3A_97 = arith.constant 0 : i32
      %dma_wait3A_98 = tpu.memref_slice %arg14[%dma_wait3A_97] : memref<10016xf32, #tpu.memory_space<vmem>> -> memref<10000xf32, #tpu.memory_space<vmem>>
      tpu.wait_dma2 semaphore(%run_scoped3A : memref<!tpu.dma_semaphore, #tpu.memory_space<semaphore_mem>>) src(%dma_wait3A_98 : memref<10000xf32, #tpu.memory_space<vmem>>) dst(%dma_wait3A_96 : memref<10000xf32, #tpu.memory_space<hbm>>)
      tpu.yield
    }) : () -> ()
    return
  }
}

module attributes {stable_mosaic.version = 14 : i64} {
  func.func @_prep_body(%arg0: memref<128x64xf32, #tpu.memory_space<vmem>>, %arg1: memref<10000x128xf32, #tpu.memory_space<vmem>>, %arg2: memref<64x10000xf32, #tpu.memory_space<vmem>>) attributes {dimension_semantics = [], scalar_prefetch = 0 : i64, scratch_operands = 0 : i64, tpu.core_type = #tpu.core_type<tc>} {
    %get3A = arith.constant 0 : index
    %get3A_0 = arith.constant 0 : index
    %get3A_1 = vector.load %arg0[%get3A, %get3A_0] : memref<128x64xf32, #tpu.memory_space<vmem>>, vector<128x64xf32>
    %get3A_2 = arith.constant 0 : index
    %get3A_3 = arith.constant 0 : index
    %get3A_4 = vector.load %arg1[%get3A_2, %get3A_3] : memref<10000x128xf32, #tpu.memory_space<vmem>>, vector<10000x128xf32>
    %dot_general3A = arith.constant dense<0.000000e+00> : vector<64x10000xf32>
    %dot_general3A_5 = tpu.matmul %get3A_1, %get3A_4, %dot_general3A {dimension_numbers = #tpu.dot_dimension_numbers<[0], [1], [1], [0], [0, 1, 1, 0], [], []>, transpose_lhs_hint = false} : vector<128x64xf32>, vector<10000x128xf32>, vector<64x10000xf32> -> vector<64x10000xf32>
    %swap3A = arith.constant 0 : index
    %swap3A_6 = arith.constant 0 : index
    %swap3A_7 = vector.load %arg2[%swap3A, %swap3A_6] : memref<64x10000xf32, #tpu.memory_space<vmem>>, vector<64x10000xf32>
    tpu.vector_store %arg2[%swap3A, %swap3A_6], %dot_general3A_5 {strides = array<i32>} : memref<64x10000xf32, #tpu.memory_space<vmem>>, vector<64x10000xf32>,
    return
  }
}

module attributes {stable_mosaic.version = 14 : i64} {
  func.func @_tx_body(%arg0: memref<64x10000xf32, #tpu.memory_space<vmem>>, %arg1: memref<64x10000xf32, #tpu.memory_space<vmem>>, %arg2: memref<32x10000xf32, #tpu.memory_space<vmem>>, %arg3: memref<10000x64xf32, #tpu.memory_space<vmem>>, %arg4: memref<10000x64xf32, #tpu.memory_space<vmem>>, %arg5: memref<10000x1xf32, #tpu.memory_space<vmem>>) attributes {dimension_semantics = [], scalar_prefetch = 0 : i64, scratch_operands = 0 : i64, tpu.core_type = #tpu.core_type<tc>} {
    %iota3A = tpu.iota {dimensions = array<i32: 0>} : vector<64x64xi32>
    %iota3A_0 = tpu.iota {dimensions = array<i32: 1>} : vector<64x64xi32>
    %eq3A = arith.cmpi eq, %iota3A, %iota3A_0 : vector<64x64xi32>
    %convert_element_type3A = arith.extui %eq3A : vector<64x64xi1> to vector<64x64xi32>
    %convert_element_type3A_1 = arith.sitofp %convert_element_type3A : vector<64x64xi32> to vector<64x64xf32>
    %get3A = arith.constant 0 : index
    %get3A_2 = arith.constant 0 : index
    %get3A_3 = vector.load %arg0[%get3A, %get3A_2] : memref<64x10000xf32, #tpu.memory_space<vmem>>, vector<64x10000xf32>
    %dot_general3A = arith.constant dense<0.000000e+00> : vector<10000x64xf32>
    %dot_general3A_4 = tpu.matmul %get3A_3, %convert_element_type3A_1, %dot_general3A {dimension_numbers = #tpu.dot_dimension_numbers<[0], [0], [1], [1], [0, 1, 1, 1], [], []>, transpose_lhs_hint = false} : vector<64x10000xf32>, vector<64x64xf32>, vector<10000x64xf32> -> vector<10000x64xf32>
    %swap3A = arith.constant 0 : index
    %swap3A_5 = arith.constant 0 : index
    %swap3A_6 = vector.load %arg3[%swap3A, %swap3A_5] : memref<10000x64xf32, #tpu.memory_space<vmem>>, vector<10000x64xf32>
    tpu.vector_store %arg3[%swap3A, %swap3A_5], %dot_general3A_4 {strides = array<i32>} : memref<10000x64xf32, #tpu.memory_space<vmem>>, vector<10000x64xf32>,
    %get3A_7 = arith.constant 0 : index
    %get3A_8 = arith.constant 0 : index
    %get3A_9 = vector.load %arg1[%get3A_7, %get3A_8] : memref<64x10000xf32, #tpu.memory_space<vmem>>, vector<64x10000xf32>
    %dot_general3A_10 = arith.constant dense<0.000000e+00> : vector<10000x64xf32>
    %dot_general3A_11 = tpu.matmul %get3A_9, %convert_element_type3A_1, %dot_general3A_10 {dimension_numbers = #tpu.dot_dimension_numbers<[0], [0], [1], [1], [0, 1, 1, 1], [], []>, transpose_lhs_hint = false} : vector<64x10000xf32>, vector<64x64xf32>, vector<10000x64xf32> -> vector<10000x64xf32>
    %swap3A_12 = arith.constant 0 : index
    %swap3A_13 = arith.constant 0 : index
    %swap3A_14 = vector.load %arg4[%swap3A_12, %swap3A_13] : memref<10000x64xf32, #tpu.memory_space<vmem>>, vector<10000x64xf32>
    tpu.vector_store %arg4[%swap3A_12, %swap3A_13], %dot_general3A_11 {strides = array<i32>} : memref<10000x64xf32, #tpu.memory_space<vmem>>, vector<10000x64xf32>,
    %get3A_15 = arith.constant 0 : index
    %get3A_16 = arith.constant 0 : index
    %get3A_17 = vector.load %arg2[%get3A_15, %get3A_16] : memref<32x10000xf32, #tpu.memory_space<vmem>>, vector<32x10000xf32>
    %broadcast_in_dim3A = arith.constant 1.000000e+00 : f32
    %broadcast_in_dim3A_18 = vector.broadcast %broadcast_in_dim3A : f32 to vector<32x1xf32>
    %dot_general3A_19 = arith.constant dense<0.000000e+00> : vector<10000x1xf32>
    %dot_general3A_20 = tpu.matmul %get3A_17, %broadcast_in_dim3A_18, %dot_general3A_19 {dimension_numbers = #tpu.dot_dimension_numbers<[0], [0], [1], [1], [0, 1, 1, 1], [], []>, transpose_lhs_hint = false} : vector<32x10000xf32>, vector<32x1xf32>, vector<10000x1xf32> -> vector<10000x1xf32>
    %swap3A_21 = arith.constant 0 : index
    %swap3A_22 = arith.constant 0 : index
    %swap3A_23 = vector.load %arg5[%swap3A_21, %swap3A_22] : memref<10000x1xf32, #tpu.memory_space<vmem>>, vector<10000x1xf32>
    tpu.vector_store %arg5[%swap3A_21, %swap3A_22], %dot_general3A_20 {strides = array<i32>} : memref<10000x1xf32, #tpu.memory_space<vmem>>, vector<10000x1xf32>,
    return
  }
}

module attributes {stable_mosaic.version = 14 : i64} {
  func.func @_combine_body(%arg0: i32, %arg1: memref<1000x128xf32, #tpu.memory_space<vmem>>, %arg2: memref<1000x64xf32, #tpu.memory_space<vmem>>, %arg3: memref<1000x64xf32, #tpu.memory_space<vmem>>, %arg4: memref<1000x1xf32, #tpu.memory_space<vmem>>, %arg5: memref<128x96xf32, #tpu.memory_space<vmem>>, %arg6: memref<1x96xf32, #tpu.memory_space<vmem>>, %arg7: memref<1x128xf32, #tpu.memory_space<vmem>>, %arg8: memref<1000x128xf32, #tpu.memory_space<vmem>>) attributes {dimension_semantics = [#tpu.dimension_semantics<arbitrary>], iteration_bounds = array<i64: 10>, scalar_prefetch = 0 : i64, scratch_operands = 0 : i64, tpu.core_type = #tpu.core_type<tc>, window_params = [{transform_indices = @transform_0, window_bounds = array<i64: 1000, 128>}, {transform_indices = @transform_1, window_bounds = array<i64: 1000, 64>}, {transform_indices = @transform_2, window_bounds = array<i64: 1000, 64>}, {transform_indices = @transform_3, window_bounds = array<i64: 1000, 1>}, {pipeline_mode = #tpu.pipeline_mode<synchronous>, transform_indices = @transform_4, window_bounds = array<i64: 128, 96>}, {pipeline_mode = #tpu.pipeline_mode<synchronous>, transform_indices = @transform_5, window_bounds = array<i64: 1, 96>}, {pipeline_mode = #tpu.pipeline_mode<synchronous>, transform_indices = @transform_6, window_bounds = array<i64: 1, 128>}, {transform_indices = @transform_7, window_bounds = array<i64: 1000, 128>}]} {
    %get3A = arith.constant 0 : index
    %get3A_0 = arith.constant 0 : index
    %get3A_1 = vector.load %arg1[%get3A, %get3A_0] : memref<1000x128xf32, #tpu.memory_space<vmem>>, vector<1000x128xf32>
    %get3A_2 = arith.constant 0 : index
    %get3A_3 = arith.constant 0 : index
    %get3A_4 = vector.load %arg5[%get3A_2, %get3A_3] : memref<128x96xf32, #tpu.memory_space<vmem>>, vector<128x96xf32>
    %dot_general3A = arith.constant dense<0.000000e+00> : vector<1000x96xf32>
    %dot_general3A_5 = tpu.matmul %get3A_1, %get3A_4, %dot_general3A {dimension_numbers = #tpu.dot_dimension_numbers<[1], [0], [0], [1], [0, 0, 1, 1], [], []>, transpose_lhs_hint = false} : vector<1000x128xf32>, vector<128x96xf32>, vector<1000x96xf32> -> vector<1000x96xf32>
    %get3A_6 = arith.constant 0 : index
    %get3A_7 = arith.constant 0 : index
    %get3A_8 = vector.load %arg6[%get3A_6, %get3A_7] : memref<1x96xf32, #tpu.memory_space<vmem>>, vector<1x96xf32>
    %add3A = vector.broadcast %get3A_8 : vector<1x96xf32> to vector<1000x96xf32>
    %add3A_9 = arith.addf %dot_general3A_5, %add3A : vector<1000x96xf32>
    %reduce_max3A = arith.constant dense<0xFF800000> : vector<1000xf32>
    %reduce_max3A_10 = vector.multi_reduction <maximumf>, %add3A_9, %reduce_max3A [1] : vector<1000x96xf32> to vector<1000xf32>
    %broadcast_in_dim3A = vector.shape_cast %reduce_max3A_10 : vector<1000xf32> to vector<1000x1xf32>
    %sub3A = vector.broadcast %broadcast_in_dim3A : vector<1000x1xf32> to vector<1000x96xf32>
    %sub3A_11 = arith.subf %add3A_9, %sub3A : vector<1000x96xf32>
    %exp3A = math.exp %sub3A_11 : vector<1000x96xf32>
    %get3A_12 = arith.constant 0 : index
    %get3A_13 = arith.constant 0 : index
    %get3A_14 = vector.load %arg4[%get3A_12, %get3A_13] : memref<1000x1xf32, #tpu.memory_space<vmem>>, vector<1000x1xf32>
    %get3A_15 = arith.constant 0 : index
    %get3A_16 = arith.constant 0 : index
    %get3A_17 = vector.load %arg2[%get3A_15, %get3A_16] : memref<1000x64xf32, #tpu.memory_space<vmem>>, vector<1000x64xf32>
    %max3A = arith.constant 1.000000e+00 : f32
    %max3A_18 = vector.broadcast %max3A : f32 to vector<1000x1xf32>
    %max3A_19 = arith.maximumf %get3A_14, %max3A_18 : vector<1000x1xf32>
    %div3A = vector.broadcast %max3A_19 : vector<1000x1xf32> to vector<1000x64xf32>
    %div3A_20 = arith.divf %get3A_17, %div3A : vector<1000x64xf32>
    %gt3A = arith.constant 0.000000e+00 : f32
    %gt3A_21 = vector.broadcast %gt3A : f32 to vector<1000x1xf32>
    %gt3A_22 = arith.cmpf ogt, %get3A_14, %gt3A_21 : vector<1000x1xf32>
    %get3A_23 = arith.constant 0 : index
    %get3A_24 = arith.constant 0 : index
    %get3A_25 = vector.load %arg3[%get3A_23, %get3A_24] : memref<1000x64xf32, #tpu.memory_space<vmem>>, vector<1000x64xf32>
    %jit3A = arith.constant 0.000000e+00 : f32
    %broadcast_in_dim3A_26 = vector.shape_cast %gt3A_22 : vector<1000x1xi1> to vector<1000x1xi1>
    %broadcast_in_dim3A_27 = vector.broadcast %broadcast_in_dim3A_26 : vector<1000x1xi1> to vector<1000x64xi1>
    %broadcast_in_dim3A_28 = vector.broadcast %jit3A : f32 to vector<1000x64xf32>
    %select_n3A = arith.select %broadcast_in_dim3A_27, %get3A_25, %broadcast_in_dim3A_28 : vector<1000x64xi1>, vector<1000x64xf32>
    %iota3A = tpu.iota {dimensions = array<i32: 0>} : vector<96x128xi32>
    %iota3A_29 = tpu.iota {dimensions = array<i32: 1>} : vector<96x128xi32>
    %iota3A_30 = tpu.iota {dimensions = array<i32: 0>} : vector<64x128xi32>
    %iota3A_31 = tpu.iota {dimensions = array<i32: 1>} : vector<64x128xi32>
    %convert_element_type3A = arith.truncf %exp3A : vector<1000x96xf32> to vector<1000x96xbf16>
    %convert_element_type3A_32 = arith.extf %convert_element_type3A : vector<1000x96xbf16> to vector<1000x96xf32>
    %sub3A_33 = arith.subf %exp3A, %convert_element_type3A_32 : vector<1000x96xf32>
    %convert_element_type3A_34 = arith.truncf %sub3A_33 : vector<1000x96xf32> to vector<1000x96xbf16>
    %convert_element_type3A_35 = arith.truncf %get3A_17 : vector<1000x64xf32> to vector<1000x64xbf16>
    %convert_element_type3A_36 = arith.extf %convert_element_type3A_35 : vector<1000x64xbf16> to vector<1000x64xf32>
    %sub3A_37 = arith.subf %get3A_17, %convert_element_type3A_36 : vector<1000x64xf32>
    %convert_element_type3A_38 = arith.truncf %sub3A_37 : vector<1000x64xf32> to vector<1000x64xbf16>
    %convert_element_type3A_39 = arith.truncf %div3A_20 : vector<1000x64xf32> to vector<1000x64xbf16>
    %convert_element_type3A_40 = arith.extf %convert_element_type3A_39 : vector<1000x64xbf16> to vector<1000x64xf32>
    %sub3A_41 = arith.subf %div3A_20, %convert_element_type3A_40 : vector<1000x64xf32>
    %convert_element_type3A_42 = arith.truncf %sub3A_41 : vector<1000x64xf32> to vector<1000x64xbf16>
    %convert_element_type3A_43 = arith.truncf %select_n3A : vector<1000x64xf32> to vector<1000x64xbf16>
    %convert_element_type3A_44 = arith.extf %convert_element_type3A_43 : vector<1000x64xbf16> to vector<1000x64xf32>
    %sub3A_45 = arith.subf %select_n3A, %convert_element_type3A_44 : vector<1000x64xf32>
    %convert_element_type3A_46 = arith.truncf %sub3A_45 : vector<1000x64xf32> to vector<1000x64xbf16>
    %jit3A_47 = arith.constant 12 : i32
    %div3A_48 = vector.broadcast %jit3A_47 : i32 to vector<96x128xi32>
    %div3A_49 = arith.divsi %iota3A, %div3A_48 : vector<96x128xi32>
    %sign3A = arith.constant 0 : i32
    %sign3A_50 = vector.broadcast %sign3A : i32 to vector<96x128xi32>
    %sign3A_51 = arith.cmpi sgt, %iota3A, %sign3A_50 : vector<96x128xi32>
    %sign3A_52 = arith.extui %sign3A_51 : vector<96x128xi1> to vector<96x128xi32>
    %sign3A_53 = arith.constant 0 : i32
    %sign3A_54 = vector.broadcast %sign3A_53 : i32 to vector<96x128xi32>
    %sign3A_55 = arith.cmpi slt, %iota3A, %sign3A_54 : vector<96x128xi32>
    %sign3A_56 = arith.extui %sign3A_55 : vector<96x128xi1> to vector<96x128xi32>
    %sign3A_57 = arith.subi %sign3A_52, %sign3A_56 : vector<96x128xi32>
    %sign3A_58 = arith.constant 0 : i32
    %sign3A_59 = arith.cmpi sgt, %jit3A_47, %sign3A_58 : i32
    %sign3A_60 = arith.extui %sign3A_59 : i1 to i32
    %sign3A_61 = arith.constant 0 : i32
    %sign3A_62 = arith.cmpi slt, %jit3A_47, %sign3A_61 : i32
    %sign3A_63 = arith.extui %sign3A_62 : i1 to i32
    %sign3A_64 = arith.subi %sign3A_60, %sign3A_63 : i32
    %ne3A = vector.broadcast %sign3A_64 : i32 to vector<96x128xi32>
    %ne3A_65 = arith.cmpi ne, %sign3A_57, %ne3A : vector<96x128xi32>
    %rem3A = vector.broadcast %jit3A_47 : i32 to vector<96x128xi32>
    %rem3A_66 = arith.remsi %iota3A, %rem3A : vector<96x128xi32>
    %ne3A_67 = arith.constant 0 : i32
    %ne3A_68 = vector.broadcast %ne3A_67 : i32 to vector<96x128xi32>
    %ne3A_69 = arith.cmpi ne, %rem3A_66, %ne3A_68 : vector<96x128xi32>
    %and3A = arith.andi %ne3A_65, %ne3A_69 : vector<96x128xi1>
    %sub3A_70 = arith.constant 1 : i32
    %sub3A_71 = vector.broadcast %sub3A_70 : i32 to vector<96x128xi32>
    %sub3A_72 = arith.subi %div3A_49, %sub3A_71 : vector<96x128xi32>
    %select_n3A_73 = arith.select %and3A, %sub3A_72, %div3A_49 : vector<96x128xi1>, vector<96x128xi32>
    %jit3A_74 = arith.constant 16 : i32
    %div3A_75 = vector.broadcast %jit3A_74 : i32 to vector<96x128xi32>
    %div3A_76 = arith.divsi %iota3A_29, %div3A_75 : vector<96x128xi32>
    %sign3A_77 = arith.constant 0 : i32
    %sign3A_78 = vector.broadcast %sign3A_77 : i32 to vector<96x128xi32>
    %sign3A_79 = arith.cmpi sgt, %iota3A_29, %sign3A_78 : vector<96x128xi32>
    %sign3A_80 = arith.extui %sign3A_79 : vector<96x128xi1> to vector<96x128xi32>
    %sign3A_81 = arith.constant 0 : i32
    %sign3A_82 = vector.broadcast %sign3A_81 : i32 to vector<96x128xi32>
    %sign3A_83 = arith.cmpi slt, %iota3A_29, %sign3A_82 : vector<96x128xi32>
    %sign3A_84 = arith.extui %sign3A_83 : vector<96x128xi1> to vector<96x128xi32>
    %sign3A_85 = arith.subi %sign3A_80, %sign3A_84 : vector<96x128xi32>
    %sign3A_86 = arith.constant 0 : i32
    %sign3A_87 = arith.cmpi sgt, %jit3A_74, %sign3A_86 : i32
    %sign3A_88 = arith.extui %sign3A_87 : i1 to i32
    %sign3A_89 = arith.constant 0 : i32
    %sign3A_90 = arith.cmpi slt, %jit3A_74, %sign3A_89 : i32
    %sign3A_91 = arith.extui %sign3A_90 : i1 to i32
    %sign3A_92 = arith.subi %sign3A_88, %sign3A_91 : i32
    %ne3A_93 = vector.broadcast %sign3A_92 : i32 to vector<96x128xi32>
    %ne3A_94 = arith.cmpi ne, %sign3A_85, %ne3A_93 : vector<96x128xi32>
    %rem3A_95 = vector.broadcast %jit3A_74 : i32 to vector<96x128xi32>
    %rem3A_96 = arith.remsi %iota3A_29, %rem3A_95 : vector<96x128xi32>
    %ne3A_97 = arith.constant 0 : i32
    %ne3A_98 = vector.broadcast %ne3A_97 : i32 to vector<96x128xi32>
    %ne3A_99 = arith.cmpi ne, %rem3A_96, %ne3A_98 : vector<96x128xi32>
    %and3A_100 = arith.andi %ne3A_94, %ne3A_99 : vector<96x128xi1>
    %sub3A_101 = arith.constant 1 : i32
    %sub3A_102 = vector.broadcast %sub3A_101 : i32 to vector<96x128xi32>
    %sub3A_103 = arith.subi %div3A_76, %sub3A_102 : vector<96x128xi32>
    %select_n3A_104 = arith.select %and3A_100, %sub3A_103, %div3A_76 : vector<96x128xi1>, vector<96x128xi32>
    %eq3A = arith.cmpi eq, %select_n3A_73, %select_n3A_104 : vector<96x128xi32>
    %convert_element_type3A_105 = arith.extui %eq3A : vector<96x128xi1> to vector<96x128xi32>
    %convert_element_type3A_106 = arith.sitofp %convert_element_type3A_105 : vector<96x128xi32> to vector<96x128xf32>
    %convert_element_type3A_107 = arith.truncf %convert_element_type3A_106 : vector<96x128xf32> to vector<96x128xbf16>
    %dot_general3A_108 = arith.constant dense<0.000000e+00> : vector<1000x128xf32>
    %dot_general3A_109 = tpu.matmul %convert_element_type3A, %convert_element_type3A_107, %dot_general3A_108 {dimension_numbers = #tpu.dot_dimension_numbers<[1], [0], [0], [1], [0, 0, 1, 1], [], []>, transpose_lhs_hint = false} : vector<1000x96xbf16>, vector<96x128xbf16>, vector<1000x128xf32> -> vector<1000x128xf32>
    %dot_general3A_110 = arith.constant dense<0.000000e+00> : vector<1000x128xf32>
    %dot_general3A_111 = tpu.matmul %convert_element_type3A_34, %convert_element_type3A_107, %dot_general3A_110 {dimension_numbers = #tpu.dot_dimension_numbers<[1], [0], [0], [1], [0, 0, 1, 1], [], []>, transpose_lhs_hint = false} : vector<1000x96xbf16>, vector<96x128xbf16>, vector<1000x128xf32> -> vector<1000x128xf32>
    %add3A_112 = arith.addf %dot_general3A_109, %dot_general3A_111 : vector<1000x128xf32>
    %broadcast_in_dim3A_113 = arith.constant 0.000000e+00 : f32
    %broadcast_in_dim3A_114 = vector.broadcast %broadcast_in_dim3A_113 : f32 to vector<1000x128xf32>
    %jit3A_115 = arith.constant 16 : i32
    %eq3A_116 = arith.constant 0 : i32
    %eq3A_117 = arith.cmpi eq, %jit3A_115, %eq3A_116 : i32
    %jit3A_118 = arith.constant 1 : i32
    %select_n3A_119 = arith.select %eq3A_117, %jit3A_118, %jit3A_115 : i32
    %rem3A_120 = vector.broadcast %select_n3A_119 : i32 to vector<64x128xi32>
    %rem3A_121 = arith.remsi %iota3A_31, %rem3A_120 : vector<64x128xi32>
    %ne3A_122 = arith.constant 0 : i32
    %ne3A_123 = vector.broadcast %ne3A_122 : i32 to vector<64x128xi32>
    %ne3A_124 = arith.cmpi ne, %rem3A_121, %ne3A_123 : vector<64x128xi32>
    %lt3A = arith.constant 0 : i32
    %lt3A_125 = vector.broadcast %lt3A : i32 to vector<64x128xi32>
    %lt3A_126 = arith.cmpi slt, %rem3A_121, %lt3A_125 : vector<64x128xi32>
    %lt3A_127 = arith.constant 0 : i32
    %lt3A_128 = arith.cmpi slt, %select_n3A_119, %lt3A_127 : i32
    %ne3A_129 = vector.broadcast %lt3A_128 : i1 to vector<64x128xi1>
    %ne3A_130 = vector.broadcast %ne3A_129 : vector<64x128xi1> to vector<64x128xi1>
    %ne3A_131 = arith.xori %lt3A_126, %ne3A_130 : vector<64x128xi1>
    %and3A_132 = arith.andi %ne3A_131, %ne3A_124 : vector<64x128xi1>
    %add3A_133 = vector.broadcast %select_n3A_119 : i32 to vector<64x128xi32>
    %add3A_134 = arith.addi %rem3A_121, %add3A_133 : vector<64x128xi32>
    %select_n3A_135 = arith.select %and3A_132, %add3A_134, %rem3A_121 : vector<64x128xi1>, vector<64x128xi32>
    %add3A_136 = arith.constant 0 : i32
    %add3A_137 = vector.broadcast %add3A_136 : i32 to vector<64x128xi32>
    %add3A_138 = arith.addi %add3A_137, %select_n3A_135 : vector<64x128xi32>
    %eq3A_139 = arith.cmpi eq, %iota3A_30, %add3A_138 : vector<64x128xi32>
    %convert_element_type3A_140 = arith.extui %eq3A_139 : vector<64x128xi1> to vector<64x128xi32>
    %convert_element_type3A_141 = arith.sitofp %convert_element_type3A_140 : vector<64x128xi32> to vector<64x128xf32>
    %jit3A_142 = arith.constant 16 : i32
    %div3A_143 = vector.broadcast %jit3A_142 : i32 to vector<96x128xi32>
    %div3A_144 = arith.divsi %iota3A_29, %div3A_143 : vector<96x128xi32>
    %sign3A_145 = arith.constant 0 : i32
    %sign3A_146 = vector.broadcast %sign3A_145 : i32 to vector<96x128xi32>
    %sign3A_147 = arith.cmpi sgt, %iota3A_29, %sign3A_146 : vector<96x128xi32>
    %sign3A_148 = arith.extui %sign3A_147 : vector<96x128xi1> to vector<96x128xi32>
    %sign3A_149 = arith.constant 0 : i32
    %sign3A_150 = vector.broadcast %sign3A_149 : i32 to vector<96x128xi32>
    %sign3A_151 = arith.cmpi slt, %iota3A_29, %sign3A_150 : vector<96x128xi32>
    %sign3A_152 = arith.extui %sign3A_151 : vector<96x128xi1> to vector<96x128xi32>
    %sign3A_153 = arith.subi %sign3A_148, %sign3A_152 : vector<96x128xi32>
    %sign3A_154 = arith.constant 0 : i32
    %sign3A_155 = arith.cmpi sgt, %jit3A_142, %sign3A_154 : i32
    %sign3A_156 = arith.extui %sign3A_155 : i1 to i32
    %sign3A_157 = arith.constant 0 : i32
    %sign3A_158 = arith.cmpi slt, %jit3A_142, %sign3A_157 : i32
    %sign3A_159 = arith.extui %sign3A_158 : i1 to i32
    %sign3A_160 = arith.subi %sign3A_156, %sign3A_159 : i32
    %ne3A_161 = vector.broadcast %sign3A_160 : i32 to vector<96x128xi32>
    %ne3A_162 = arith.cmpi ne, %sign3A_153, %ne3A_161 : vector<96x128xi32>
    %rem3A_163 = vector.broadcast %jit3A_142 : i32 to vector<96x128xi32>
    %rem3A_164 = arith.remsi %iota3A_29, %rem3A_163 : vector<96x128xi32>
    %ne3A_165 = arith.constant 0 : i32
    %ne3A_166 = vector.broadcast %ne3A_165 : i32 to vector<96x128xi32>
    %ne3A_167 = arith.cmpi ne, %rem3A_164, %ne3A_166 : vector<96x128xi32>
    %and3A_168 = arith.andi %ne3A_162, %ne3A_167 : vector<96x128xi1>
    %sub3A_169 = arith.constant 1 : i32
    %sub3A_170 = vector.broadcast %sub3A_169 : i32 to vector<96x128xi32>
    %sub3A_171 = arith.subi %div3A_144, %sub3A_170 : vector<96x128xi32>
    %select_n3A_172 = arith.select %and3A_168, %sub3A_171, %div3A_144 : vector<96x128xi1>, vector<96x128xi32>
    %mul3A = arith.constant 12 : i32
    %mul3A_173 = vector.broadcast %mul3A : i32 to vector<96x128xi32>
    %mul3A_174 = arith.muli %select_n3A_172, %mul3A_173 : vector<96x128xi32>
    %add3A_175 = arith.constant 0 : i32
    %add3A_176 = vector.broadcast %add3A_175 : i32 to vector<96x128xi32>
    %add3A_177 = arith.addi %mul3A_174, %add3A_176 : vector<96x128xi32>
    %add3A_178 = arith.constant 0 : i32
    %add3A_179 = vector.broadcast %add3A_178 : i32 to vector<96x128xi32>
    %add3A_180 = arith.addi %add3A_177, %add3A_179 : vector<96x128xi32>
    %eq3A_181 = arith.cmpi eq, %iota3A, %add3A_180 : vector<96x128xi32>
    %convert_element_type3A_182 = arith.extui %eq3A_181 : vector<96x128xi1> to vector<96x128xi32>
    %convert_element_type3A_183 = arith.sitofp %convert_element_type3A_182 : vector<96x128xi32> to vector<96x128xf32>
    %convert_element_type3A_184 = arith.truncf %convert_element_type3A_183 : vector<96x128xf32> to vector<96x128xbf16>
    %dot_general3A_185 = arith.constant dense<0.000000e+00> : vector<1000x128xf32>
    %dot_general3A_186 = tpu.matmul %convert_element_type3A, %convert_element_type3A_184, %dot_general3A_185 {dimension_numbers = #tpu.dot_dimension_numbers<[1], [0], [0], [1], [0, 0, 1, 1], [], []>, transpose_lhs_hint = false} : vector<1000x96xbf16>, vector<96x128xbf16>, vector<1000x128xf32> -> vector<1000x128xf32>
    %dot_general3A_187 = arith.constant dense<0.000000e+00> : vector<1000x128xf32>
    %dot_general3A_188 = tpu.matmul %convert_element_type3A_34, %convert_element_type3A_184, %dot_general3A_187 {dimension_numbers = #tpu.dot_dimension_numbers<[1], [0], [0], [1], [0, 0, 1, 1], [], []>, transpose_lhs_hint = false} : vector<1000x96xbf16>, vector<96x128xbf16>, vector<1000x128xf32> -> vector<1000x128xf32>
    %add3A_189 = arith.addf %dot_general3A_186, %dot_general3A_188 : vector<1000x128xf32>
    %convert_element_type3A_190 = arith.truncf %convert_element_type3A_141 : vector<64x128xf32> to vector<64x128xbf16>
    %dot_general3A_191 = arith.constant dense<0.000000e+00> : vector<1000x128xf32>
    %dot_general3A_192 = tpu.matmul %convert_element_type3A_35, %convert_element_type3A_190, %dot_general3A_191 {dimension_numbers = #tpu.dot_dimension_numbers<[1], [0], [0], [1], [0, 0, 1, 1], [], []>, transpose_lhs_hint = false} : vector<1000x64xbf16>, vector<64x128xbf16>, vector<1000x128xf32> -> vector<1000x128xf32>
    %dot_general3A_193 = arith.constant dense<0.000000e+00> : vector<1000x128xf32>
    %dot_general3A_194 = tpu.matmul %convert_element_type3A_38, %convert_element_type3A_190, %dot_general3A_193 {dimension_numbers = #tpu.dot_dimension_numbers<[1], [0], [0], [1], [0, 0, 1, 1], [], []>, transpose_lhs_hint = false} : vector<1000x64xbf16>, vector<64x128xbf16>, vector<1000x128xf32> -> vector<1000x128xf32>
    %add3A_195 = arith.addf %dot_general3A_192, %dot_general3A_194 : vector<1000x128xf32>
    %mul3A_196 = arith.mulf %add3A_189, %add3A_195 : vector<1000x128xf32>
    %add3A_197 = arith.addf %broadcast_in_dim3A_114, %mul3A_196 : vector<1000x128xf32>
    %jit3A_198 = arith.constant 16 : i32
    %div3A_199 = vector.broadcast %jit3A_198 : i32 to vector<96x128xi32>
    %div3A_200 = arith.divsi %iota3A_29, %div3A_199 : vector<96x128xi32>
    %sign3A_201 = arith.constant 0 : i32
    %sign3A_202 = vector.broadcast %sign3A_201 : i32 to vector<96x128xi32>
    %sign3A_203 = arith.cmpi sgt, %iota3A_29, %sign3A_202 : vector<96x128xi32>
    %sign3A_204 = arith.extui %sign3A_203 : vector<96x128xi1> to vector<96x128xi32>
    %sign3A_205 = arith.constant 0 : i32
    %sign3A_206 = vector.broadcast %sign3A_205 : i32 to vector<96x128xi32>
    %sign3A_207 = arith.cmpi slt, %iota3A_29, %sign3A_206 : vector<96x128xi32>
    %sign3A_208 = arith.extui %sign3A_207 : vector<96x128xi1> to vector<96x128xi32>
    %sign3A_209 = arith.subi %sign3A_204, %sign3A_208 : vector<96x128xi32>
    %sign3A_210 = arith.constant 0 : i32
    %sign3A_211 = arith.cmpi sgt, %jit3A_198, %sign3A_210 : i32
    %sign3A_212 = arith.extui %sign3A_211 : i1 to i32
    %sign3A_213 = arith.constant 0 : i32
    %sign3A_214 = arith.cmpi slt, %jit3A_198, %sign3A_213 : i32
    %sign3A_215 = arith.extui %sign3A_214 : i1 to i32
    %sign3A_216 = arith.subi %sign3A_212, %sign3A_215 : i32
    %ne3A_217 = vector.broadcast %sign3A_216 : i32 to vector<96x128xi32>
    %ne3A_218 = arith.cmpi ne, %sign3A_209, %ne3A_217 : vector<96x128xi32>
    %rem3A_219 = vector.broadcast %jit3A_198 : i32 to vector<96x128xi32>
    %rem3A_220 = arith.remsi %iota3A_29, %rem3A_219 : vector<96x128xi32>
    %ne3A_221 = arith.constant 0 : i32
    %ne3A_222 = vector.broadcast %ne3A_221 : i32 to vector<96x128xi32>
    %ne3A_223 = arith.cmpi ne, %rem3A_220, %ne3A_222 : vector<96x128xi32>
    %and3A_224 = arith.andi %ne3A_218, %ne3A_223 : vector<96x128xi1>
    %sub3A_225 = arith.constant 1 : i32
    %sub3A_226 = vector.broadcast %sub3A_225 : i32 to vector<96x128xi32>
    %sub3A_227 = arith.subi %div3A_200, %sub3A_226 : vector<96x128xi32>
    %select_n3A_228 = arith.select %and3A_224, %sub3A_227, %div3A_200 : vector<96x128xi1>, vector<96x128xi32>
    %mul3A_229 = arith.constant 12 : i32
    %mul3A_230 = vector.broadcast %mul3A_229 : i32 to vector<96x128xi32>
    %mul3A_231 = arith.muli %select_n3A_228, %mul3A_230 : vector<96x128xi32>
    %add3A_232 = arith.constant 0 : i32
    %add3A_233 = vector.broadcast %add3A_232 : i32 to vector<96x128xi32>
    %add3A_234 = arith.addi %mul3A_231, %add3A_233 : vector<96x128xi32>
    %add3A_235 = arith.constant 1 : i32
    %add3A_236 = vector.broadcast %add3A_235 : i32 to vector<96x128xi32>
    %add3A_237 = arith.addi %add3A_234, %add3A_236 : vector<96x128xi32>
    %eq3A_238 = arith.cmpi eq, %iota3A, %add3A_237 : vector<96x128xi32>
    %convert_element_type3A_239 = arith.extui %eq3A_238 : vector<96x128xi1> to vector<96x128xi32>
    %convert_element_type3A_240 = arith.sitofp %convert_element_type3A_239 : vector<96x128xi32> to vector<96x128xf32>
    %convert_element_type3A_241 = arith.truncf %convert_element_type3A_240 : vector<96x128xf32> to vector<96x128xbf16>
    %dot_general3A_242 = arith.constant dense<0.000000e+00> : vector<1000x128xf32>
    %dot_general3A_243 = tpu.matmul %convert_element_type3A, %convert_element_type3A_241, %dot_general3A_242 {dimension_numbers = #tpu.dot_dimension_numbers<[1], [0], [0], [1], [0, 0, 1, 1], [], []>, transpose_lhs_hint = false} : vector<1000x96xbf16>, vector<96x128xbf16>, vector<1000x128xf32> -> vector<1000x128xf32>
    %dot_general3A_244 = arith.constant dense<0.000000e+00> : vector<1000x128xf32>
    %dot_general3A_245 = tpu.matmul %convert_element_type3A_34, %convert_element_type3A_241, %dot_general3A_244 {dimension_numbers = #tpu.dot_dimension_numbers<[1], [0], [0], [1], [0, 0, 1, 1], [], []>, transpose_lhs_hint = false} : vector<1000x96xbf16>, vector<96x128xbf16>, vector<1000x128xf32> -> vector<1000x128xf32>
    %add3A_246 = arith.addf %dot_general3A_243, %dot_general3A_245 : vector<1000x128xf32>
    %convert_element_type3A_247 = arith.truncf %convert_element_type3A_141 : vector<64x128xf32> to vector<64x128xbf16>
    %dot_general3A_248 = arith.constant dense<0.000000e+00> : vector<1000x128xf32>
    %dot_general3A_249 = tpu.matmul %convert_element_type3A_39, %convert_element_type3A_247, %dot_general3A_248 {dimension_numbers = #tpu.dot_dimension_numbers<[1], [0], [0], [1], [0, 0, 1, 1], [], []>, transpose_lhs_hint = false} : vector<1000x64xbf16>, vector<64x128xbf16>, vector<1000x128xf32> -> vector<1000x128xf32>
    %dot_general3A_250 = arith.constant dense<0.000000e+00> : vector<1000x128xf32>
    %dot_general3A_251 = tpu.matmul %convert_element_type3A_42, %convert_element_type3A_247, %dot_general3A_250 {dimension_numbers = #tpu.dot_dimension_numbers<[1], [0], [0], [1], [0, 0, 1, 1], [], []>, transpose_lhs_hint = false} : vector<1000x64xbf16>, vector<64x128xbf16>, vector<1000x128xf32> -> vector<1000x128xf32>
    %add3A_252 = arith.addf %dot_general3A_249, %dot_general3A_251 : vector<1000x128xf32>
    %mul3A_253 = arith.mulf %add3A_246, %add3A_252 : vector<1000x128xf32>
    %add3A_254 = arith.addf %add3A_197, %mul3A_253 : vector<1000x128xf32>
    %jit3A_255 = arith.constant 16 : i32
    %div3A_256 = vector.broadcast %jit3A_255 : i32 to vector<96x128xi32>
    %div3A_257 = arith.divsi %iota3A_29, %div3A_256 : vector<96x128xi32>
    %sign3A_258 = arith.constant 0 : i32
    %sign3A_259 = vector.broadcast %sign3A_258 : i32 to vector<96x128xi32>
    %sign3A_260 = arith.cmpi sgt, %iota3A_29, %sign3A_259 : vector<96x128xi32>
    %sign3A_261 = arith.extui %sign3A_260 : vector<96x128xi1> to vector<96x128xi32>
    %sign3A_262 = arith.constant 0 : i32
    %sign3A_263 = vector.broadcast %sign3A_262 : i32 to vector<96x128xi32>
    %sign3A_264 = arith.cmpi slt, %iota3A_29, %sign3A_263 : vector<96x128xi32>
    %sign3A_265 = arith.extui %sign3A_264 : vector<96x128xi1> to vector<96x128xi32>
    %sign3A_266 = arith.subi %sign3A_261, %sign3A_265 : vector<96x128xi32>
    %sign3A_267 = arith.constant 0 : i32
    %sign3A_268 = arith.cmpi sgt, %jit3A_255, %sign3A_267 : i32
    %sign3A_269 = arith.extui %sign3A_268 : i1 to i32
    %sign3A_270 = arith.constant 0 : i32
    %sign3A_271 = arith.cmpi slt, %jit3A_255, %sign3A_270 : i32
    %sign3A_272 = arith.extui %sign3A_271 : i1 to i32
    %sign3A_273 = arith.subi %sign3A_269, %sign3A_272 : i32
    %ne3A_274 = vector.broadcast %sign3A_273 : i32 to vector<96x128xi32>
    %ne3A_275 = arith.cmpi ne, %sign3A_266, %ne3A_274 : vector<96x128xi32>
    %rem3A_276 = vector.broadcast %jit3A_255 : i32 to vector<96x128xi32>
    %rem3A_277 = arith.remsi %iota3A_29, %rem3A_276 : vector<96x128xi32>
    %ne3A_278 = arith.constant 0 : i32
    %ne3A_279 = vector.broadcast %ne3A_278 : i32 to vector<96x128xi32>
    %ne3A_280 = arith.cmpi ne, %rem3A_277, %ne3A_279 : vector<96x128xi32>
    %and3A_281 = arith.andi %ne3A_275, %ne3A_280 : vector<96x128xi1>
    %sub3A_282 = arith.constant 1 : i32
    %sub3A_283 = vector.broadcast %sub3A_282 : i32 to vector<96x128xi32>
    %sub3A_284 = arith.subi %div3A_257, %sub3A_283 : vector<96x128xi32>
    %select_n3A_285 = arith.select %and3A_281, %sub3A_284, %div3A_257 : vector<96x128xi1>, vector<96x128xi32>
    %mul3A_286 = arith.constant 12 : i32
    %mul3A_287 = vector.broadcast %mul3A_286 : i32 to vector<96x128xi32>
    %mul3A_288 = arith.muli %select_n3A_285, %mul3A_287 : vector<96x128xi32>
    %add3A_289 = arith.constant 0 : i32
    %add3A_290 = vector.broadcast %add3A_289 : i32 to vector<96x128xi32>
    %add3A_291 = arith.addi %mul3A_288, %add3A_290 : vector<96x128xi32>
    %add3A_292 = arith.constant 2 : i32
    %add3A_293 = vector.broadcast %add3A_292 : i32 to vector<96x128xi32>
    %add3A_294 = arith.addi %add3A_291, %add3A_293 : vector<96x128xi32>
    %eq3A_295 = arith.cmpi eq, %iota3A, %add3A_294 : vector<96x128xi32>
    %convert_element_type3A_296 = arith.extui %eq3A_295 : vector<96x128xi1> to vector<96x128xi32>
    %convert_element_type3A_297 = arith.sitofp %convert_element_type3A_296 : vector<96x128xi32> to vector<96x128xf32>
    %convert_element_type3A_298 = arith.truncf %convert_element_type3A_297 : vector<96x128xf32> to vector<96x128xbf16>
    %dot_general3A_299 = arith.constant dense<0.000000e+00> : vector<1000x128xf32>
    %dot_general3A_300 = tpu.matmul %convert_element_type3A, %convert_element_type3A_298, %dot_general3A_299 {dimension_numbers = #tpu.dot_dimension_numbers<[1], [0], [0], [1], [0, 0, 1, 1], [], []>, transpose_lhs_hint = false} : vector<1000x96xbf16>, vector<96x128xbf16>, vector<1000x128xf32> -> vector<1000x128xf32>
    %dot_general3A_301 = arith.constant dense<0.000000e+00> : vector<1000x128xf32>
    %dot_general3A_302 = tpu.matmul %convert_element_type3A_34, %convert_element_type3A_298, %dot_general3A_301 {dimension_numbers = #tpu.dot_dimension_numbers<[1], [0], [0], [1], [0, 0, 1, 1], [], []>, transpose_lhs_hint = false} : vector<1000x96xbf16>, vector<96x128xbf16>, vector<1000x128xf32> -> vector<1000x128xf32>
    %add3A_303 = arith.addf %dot_general3A_300, %dot_general3A_302 : vector<1000x128xf32>
    %convert_element_type3A_304 = arith.truncf %convert_element_type3A_141 : vector<64x128xf32> to vector<64x128xbf16>
    %dot_general3A_305 = arith.constant dense<0.000000e+00> : vector<1000x128xf32>
    %dot_general3A_306 = tpu.matmul %convert_element_type3A_43, %convert_element_type3A_304, %dot_general3A_305 {dimension_numbers = #tpu.dot_dimension_numbers<[1], [0], [0], [1], [0, 0, 1, 1], [], []>, transpose_lhs_hint = false} : vector<1000x64xbf16>, vector<64x128xbf16>, vector<1000x128xf32> -> vector<1000x128xf32>
    %dot_general3A_307 = arith.constant dense<0.000000e+00> : vector<1000x128xf32>
    %dot_general3A_308 = tpu.matmul %convert_element_type3A_46, %convert_element_type3A_304, %dot_general3A_307 {dimension_numbers = #tpu.dot_dimension_numbers<[1], [0], [0], [1], [0, 0, 1, 1], [], []>, transpose_lhs_hint = false} : vector<1000x64xbf16>, vector<64x128xbf16>, vector<1000x128xf32> -> vector<1000x128xf32>
    %add3A_309 = arith.addf %dot_general3A_306, %dot_general3A_308 : vector<1000x128xf32>
    %mul3A_310 = arith.mulf %add3A_303, %add3A_309 : vector<1000x128xf32>
    %add3A_311 = arith.addf %add3A_254, %mul3A_310 : vector<1000x128xf32>
    %jit3A_312 = arith.constant 16 : i32
    %eq3A_313 = arith.constant 0 : i32
    %eq3A_314 = arith.cmpi eq, %jit3A_312, %eq3A_313 : i32
    %jit3A_315 = arith.constant 1 : i32
    %select_n3A_316 = arith.select %eq3A_314, %jit3A_315, %jit3A_312 : i32
    %rem3A_317 = vector.broadcast %select_n3A_316 : i32 to vector<64x128xi32>
    %rem3A_318 = arith.remsi %iota3A_31, %rem3A_317 : vector<64x128xi32>
    %ne3A_319 = arith.constant 0 : i32
    %ne3A_320 = vector.broadcast %ne3A_319 : i32 to vector<64x128xi32>
    %ne3A_321 = arith.cmpi ne, %rem3A_318, %ne3A_320 : vector<64x128xi32>
    %lt3A_322 = arith.constant 0 : i32
    %lt3A_323 = vector.broadcast %lt3A_322 : i32 to vector<64x128xi32>
    %lt3A_324 = arith.cmpi slt, %rem3A_318, %lt3A_323 : vector<64x128xi32>
    %lt3A_325 = arith.constant 0 : i32
    %lt3A_326 = arith.cmpi slt, %select_n3A_316, %lt3A_325 : i32
    %ne3A_327 = vector.broadcast %lt3A_326 : i1 to vector<64x128xi1>
    %ne3A_328 = vector.broadcast %ne3A_327 : vector<64x128xi1> to vector<64x128xi1>
    %ne3A_329 = arith.xori %lt3A_324, %ne3A_328 : vector<64x128xi1>
    %and3A_330 = arith.andi %ne3A_329, %ne3A_321 : vector<64x128xi1>
    %add3A_331 = vector.broadcast %select_n3A_316 : i32 to vector<64x128xi32>
    %add3A_332 = arith.addi %rem3A_318, %add3A_331 : vector<64x128xi32>
    %select_n3A_333 = arith.select %and3A_330, %add3A_332, %rem3A_318 : vector<64x128xi1>, vector<64x128xi32>
    %add3A_334 = arith.constant 16 : i32
    %add3A_335 = vector.broadcast %add3A_334 : i32 to vector<64x128xi32>
    %add3A_336 = arith.addi %add3A_335, %select_n3A_333 : vector<64x128xi32>
    %eq3A_337 = arith.cmpi eq, %iota3A_30, %add3A_336 : vector<64x128xi32>
    %convert_element_type3A_338 = arith.extui %eq3A_337 : vector<64x128xi1> to vector<64x128xi32>
    %convert_element_type3A_339 = arith.sitofp %convert_element_type3A_338 : vector<64x128xi32> to vector<64x128xf32>
    %jit3A_340 = arith.constant 16 : i32
    %div3A_341 = vector.broadcast %jit3A_340 : i32 to vector<96x128xi32>
    %div3A_342 = arith.divsi %iota3A_29, %div3A_341 : vector<96x128xi32>
    %sign3A_343 = arith.constant 0 : i32
    %sign3A_344 = vector.broadcast %sign3A_343 : i32 to vector<96x128xi32>
    %sign3A_345 = arith.cmpi sgt, %iota3A_29, %sign3A_344 : vector<96x128xi32>
    %sign3A_346 = arith.extui %sign3A_345 : vector<96x128xi1> to vector<96x128xi32>
    %sign3A_347 = arith.constant 0 : i32
    %sign3A_348 = vector.broadcast %sign3A_347 : i32 to vector<96x128xi32>
    %sign3A_349 = arith.cmpi slt, %iota3A_29, %sign3A_348 : vector<96x128xi32>
    %sign3A_350 = arith.extui %sign3A_349 : vector<96x128xi1> to vector<96x128xi32>
    %sign3A_351 = arith.subi %sign3A_346, %sign3A_350 : vector<96x128xi32>
    %sign3A_352 = arith.constant 0 : i32
    %sign3A_353 = arith.cmpi sgt, %jit3A_340, %sign3A_352 : i32
    %sign3A_354 = arith.extui %sign3A_353 : i1 to i32
    %sign3A_355 = arith.constant 0 : i32
    %sign3A_356 = arith.cmpi slt, %jit3A_340, %sign3A_355 : i32
    %sign3A_357 = arith.extui %sign3A_356 : i1 to i32
    %sign3A_358 = arith.subi %sign3A_354, %sign3A_357 : i32
    %ne3A_359 = vector.broadcast %sign3A_358 : i32 to vector<96x128xi32>
    %ne3A_360 = arith.cmpi ne, %sign3A_351, %ne3A_359 : vector<96x128xi32>
    %rem3A_361 = vector.broadcast %jit3A_340 : i32 to vector<96x128xi32>
    %rem3A_362 = arith.remsi %iota3A_29, %rem3A_361 : vector<96x128xi32>
    %ne3A_363 = arith.constant 0 : i32
    %ne3A_364 = vector.broadcast %ne3A_363 : i32 to vector<96x128xi32>
    %ne3A_365 = arith.cmpi ne, %rem3A_362, %ne3A_364 : vector<96x128xi32>
    %and3A_366 = arith.andi %ne3A_360, %ne3A_365 : vector<96x128xi1>
    %sub3A_367 = arith.constant 1 : i32
    %sub3A_368 = vector.broadcast %sub3A_367 : i32 to vector<96x128xi32>
    %sub3A_369 = arith.subi %div3A_342, %sub3A_368 : vector<96x128xi32>
    %select_n3A_370 = arith.select %and3A_366, %sub3A_369, %div3A_342 : vector<96x128xi1>, vector<96x128xi32>
    %mul3A_371 = arith.constant 12 : i32
    %mul3A_372 = vector.broadcast %mul3A_371 : i32 to vector<96x128xi32>
    %mul3A_373 = arith.muli %select_n3A_370, %mul3A_372 : vector<96x128xi32>
    %add3A_374 = arith.constant 3 : i32
    %add3A_375 = vector.broadcast %add3A_374 : i32 to vector<96x128xi32>
    %add3A_376 = arith.addi %mul3A_373, %add3A_375 : vector<96x128xi32>
    %add3A_377 = arith.constant 0 : i32
    %add3A_378 = vector.broadcast %add3A_377 : i32 to vector<96x128xi32>
    %add3A_379 = arith.addi %add3A_376, %add3A_378 : vector<96x128xi32>
    %eq3A_380 = arith.cmpi eq, %iota3A, %add3A_379 : vector<96x128xi32>
    %convert_element_type3A_381 = arith.extui %eq3A_380 : vector<96x128xi1> to vector<96x128xi32>
    %convert_element_type3A_382 = arith.sitofp %convert_element_type3A_381 : vector<96x128xi32> to vector<96x128xf32>
    %convert_element_type3A_383 = arith.truncf %convert_element_type3A_382 : vector<96x128xf32> to vector<96x128xbf16>
    %dot_general3A_384 = arith.constant dense<0.000000e+00> : vector<1000x128xf32>
    %dot_general3A_385 = tpu.matmul %convert_element_type3A, %convert_element_type3A_383, %dot_general3A_384 {dimension_numbers = #tpu.dot_dimension_numbers<[1], [0], [0], [1], [0, 0, 1, 1], [], []>, transpose_lhs_hint = false} : vector<1000x96xbf16>, vector<96x128xbf16>, vector<1000x128xf32> -> vector<1000x128xf32>
    %dot_general3A_386 = arith.constant dense<0.000000e+00> : vector<1000x128xf32>
    %dot_general3A_387 = tpu.matmul %convert_element_type3A_34, %convert_element_type3A_383, %dot_general3A_386 {dimension_numbers = #tpu.dot_dimension_numbers<[1], [0], [0], [1], [0, 0, 1, 1], [], []>, transpose_lhs_hint = false} : vector<1000x96xbf16>, vector<96x128xbf16>, vector<1000x128xf32> -> vector<1000x128xf32>
    %add3A_388 = arith.addf %dot_general3A_385, %dot_general3A_387 : vector<1000x128xf32>
    %convert_element_type3A_389 = arith.truncf %convert_element_type3A_339 : vector<64x128xf32> to vector<64x128xbf16>
    %dot_general3A_390 = arith.constant dense<0.000000e+00> : vector<1000x128xf32>
    %dot_general3A_391 = tpu.matmul %convert_element_type3A_35, %convert_element_type3A_389, %dot_general3A_390 {dimension_numbers = #tpu.dot_dimension_numbers<[1], [0], [0], [1], [0, 0, 1, 1], [], []>, transpose_lhs_hint = false} : vector<1000x64xbf16>, vector<64x128xbf16>, vector<1000x128xf32> -> vector<1000x128xf32>
    %dot_general3A_392 = arith.constant dense<0.000000e+00> : vector<1000x128xf32>
    %dot_general3A_393 = tpu.matmul %convert_element_type3A_38, %convert_element_type3A_389, %dot_general3A_392 {dimension_numbers = #tpu.dot_dimension_numbers<[1], [0], [0], [1], [0, 0, 1, 1], [], []>, transpose_lhs_hint = false} : vector<1000x64xbf16>, vector<64x128xbf16>, vector<1000x128xf32> -> vector<1000x128xf32>
    %add3A_394 = arith.addf %dot_general3A_391, %dot_general3A_393 : vector<1000x128xf32>
    %mul3A_395 = arith.mulf %add3A_388, %add3A_394 : vector<1000x128xf32>
    %add3A_396 = arith.addf %add3A_311, %mul3A_395 : vector<1000x128xf32>
    %jit3A_397 = arith.constant 16 : i32
    %div3A_398 = vector.broadcast %jit3A_397 : i32 to vector<96x128xi32>
    %div3A_399 = arith.divsi %iota3A_29, %div3A_398 : vector<96x128xi32>
    %sign3A_400 = arith.constant 0 : i32
    %sign3A_401 = vector.broadcast %sign3A_400 : i32 to vector<96x128xi32>
    %sign3A_402 = arith.cmpi sgt, %iota3A_29, %sign3A_401 : vector<96x128xi32>
    %sign3A_403 = arith.extui %sign3A_402 : vector<96x128xi1> to vector<96x128xi32>
    %sign3A_404 = arith.constant 0 : i32
    %sign3A_405 = vector.broadcast %sign3A_404 : i32 to vector<96x128xi32>
    %sign3A_406 = arith.cmpi slt, %iota3A_29, %sign3A_405 : vector<96x128xi32>
    %sign3A_407 = arith.extui %sign3A_406 : vector<96x128xi1> to vector<96x128xi32>
    %sign3A_408 = arith.subi %sign3A_403, %sign3A_407 : vector<96x128xi32>
    %sign3A_409 = arith.constant 0 : i32
    %sign3A_410 = arith.cmpi sgt, %jit3A_397, %sign3A_409 : i32
    %sign3A_411 = arith.extui %sign3A_410 : i1 to i32
    %sign3A_412 = arith.constant 0 : i32
    %sign3A_413 = arith.cmpi slt, %jit3A_397, %sign3A_412 : i32
    %sign3A_414 = arith.extui %sign3A_413 : i1 to i32
    %sign3A_415 = arith.subi %sign3A_411, %sign3A_414 : i32
    %ne3A_416 = vector.broadcast %sign3A_415 : i32 to vector<96x128xi32>
    %ne3A_417 = arith.cmpi ne, %sign3A_408, %ne3A_416 : vector<96x128xi32>
    %rem3A_418 = vector.broadcast %jit3A_397 : i32 to vector<96x128xi32>
    %rem3A_419 = arith.remsi %iota3A_29, %rem3A_418 : vector<96x128xi32>
    %ne3A_420 = arith.constant 0 : i32
    %ne3A_421 = vector.broadcast %ne3A_420 : i32 to vector<96x128xi32>
    %ne3A_422 = arith.cmpi ne, %rem3A_419, %ne3A_421 : vector<96x128xi32>
    %and3A_423 = arith.andi %ne3A_417, %ne3A_422 : vector<96x128xi1>
    %sub3A_424 = arith.constant 1 : i32
    %sub3A_425 = vector.broadcast %sub3A_424 : i32 to vector<96x128xi32>
    %sub3A_426 = arith.subi %div3A_399, %sub3A_425 : vector<96x128xi32>
    %select_n3A_427 = arith.select %and3A_423, %sub3A_426, %div3A_399 : vector<96x128xi1>, vector<96x128xi32>
    %mul3A_428 = arith.constant 12 : i32
    %mul3A_429 = vector.broadcast %mul3A_428 : i32 to vector<96x128xi32>
    %mul3A_430 = arith.muli %select_n3A_427, %mul3A_429 : vector<96x128xi32>
    %add3A_431 = arith.constant 3 : i32
    %add3A_432 = vector.broadcast %add3A_431 : i32 to vector<96x128xi32>
    %add3A_433 = arith.addi %mul3A_430, %add3A_432 : vector<96x128xi32>
    %add3A_434 = arith.constant 1 : i32
    %add3A_435 = vector.broadcast %add3A_434 : i32 to vector<96x128xi32>
    %add3A_436 = arith.addi %add3A_433, %add3A_435 : vector<96x128xi32>
    %eq3A_437 = arith.cmpi eq, %iota3A, %add3A_436 : vector<96x128xi32>
    %convert_element_type3A_438 = arith.extui %eq3A_437 : vector<96x128xi1> to vector<96x128xi32>
    %convert_element_type3A_439 = arith.sitofp %convert_element_type3A_438 : vector<96x128xi32> to vector<96x128xf32>
    %convert_element_type3A_440 = arith.truncf %convert_element_type3A_439 : vector<96x128xf32> to vector<96x128xbf16>
    %dot_general3A_441 = arith.constant dense<0.000000e+00> : vector<1000x128xf32>
    %dot_general3A_442 = tpu.matmul %convert_element_type3A, %convert_element_type3A_440, %dot_general3A_441 {dimension_numbers = #tpu.dot_dimension_numbers<[1], [0], [0], [1], [0, 0, 1, 1], [], []>, transpose_lhs_hint = false} : vector<1000x96xbf16>, vector<96x128xbf16>, vector<1000x128xf32> -> vector<1000x128xf32>
    %dot_general3A_443 = arith.constant dense<0.000000e+00> : vector<1000x128xf32>
    %dot_general3A_444 = tpu.matmul %convert_element_type3A_34, %convert_element_type3A_440, %dot_general3A_443 {dimension_numbers = #tpu.dot_dimension_numbers<[1], [0], [0], [1], [0, 0, 1, 1], [], []>, transpose_lhs_hint = false} : vector<1000x96xbf16>, vector<96x128xbf16>, vector<1000x128xf32> -> vector<1000x128xf32>
    %add3A_445 = arith.addf %dot_general3A_442, %dot_general3A_444 : vector<1000x128xf32>
    %convert_element_type3A_446 = arith.truncf %convert_element_type3A_339 : vector<64x128xf32> to vector<64x128xbf16>
    %dot_general3A_447 = arith.constant dense<0.000000e+00> : vector<1000x128xf32>
    %dot_general3A_448 = tpu.matmul %convert_element_type3A_39, %convert_element_type3A_446, %dot_general3A_447 {dimension_numbers = #tpu.dot_dimension_numbers<[1], [0], [0], [1], [0, 0, 1, 1], [], []>, transpose_lhs_hint = false} : vector<1000x64xbf16>, vector<64x128xbf16>, vector<1000x128xf32> -> vector<1000x128xf32>
    %dot_general3A_449 = arith.constant dense<0.000000e+00> : vector<1000x128xf32>
    %dot_general3A_450 = tpu.matmul %convert_element_type3A_42, %convert_element_type3A_446, %dot_general3A_449 {dimension_numbers = #tpu.dot_dimension_numbers<[1], [0], [0], [1], [0, 0, 1, 1], [], []>, transpose_lhs_hint = false} : vector<1000x64xbf16>, vector<64x128xbf16>, vector<1000x128xf32> -> vector<1000x128xf32>
    %add3A_451 = arith.addf %dot_general3A_448, %dot_general3A_450 : vector<1000x128xf32>
    %mul3A_452 = arith.mulf %add3A_445, %add3A_451 : vector<1000x128xf32>
    %add3A_453 = arith.addf %add3A_396, %mul3A_452 : vector<1000x128xf32>
    %jit3A_454 = arith.constant 16 : i32
    %div3A_455 = vector.broadcast %jit3A_454 : i32 to vector<96x128xi32>
    %div3A_456 = arith.divsi %iota3A_29, %div3A_455 : vector<96x128xi32>
    %sign3A_457 = arith.constant 0 : i32
    %sign3A_458 = vector.broadcast %sign3A_457 : i32 to vector<96x128xi32>
    %sign3A_459 = arith.cmpi sgt, %iota3A_29, %sign3A_458 : vector<96x128xi32>
    %sign3A_460 = arith.extui %sign3A_459 : vector<96x128xi1> to vector<96x128xi32>
    %sign3A_461 = arith.constant 0 : i32
    %sign3A_462 = vector.broadcast %sign3A_461 : i32 to vector<96x128xi32>
    %sign3A_463 = arith.cmpi slt, %iota3A_29, %sign3A_462 : vector<96x128xi32>
    %sign3A_464 = arith.extui %sign3A_463 : vector<96x128xi1> to vector<96x128xi32>
    %sign3A_465 = arith.subi %sign3A_460, %sign3A_464 : vector<96x128xi32>
    %sign3A_466 = arith.constant 0 : i32
    %sign3A_467 = arith.cmpi sgt, %jit3A_454, %sign3A_466 : i32
    %sign3A_468 = arith.extui %sign3A_467 : i1 to i32
    %sign3A_469 = arith.constant 0 : i32
    %sign3A_470 = arith.cmpi slt, %jit3A_454, %sign3A_469 : i32
    %sign3A_471 = arith.extui %sign3A_470 : i1 to i32
    %sign3A_472 = arith.subi %sign3A_468, %sign3A_471 : i32
    %ne3A_473 = vector.broadcast %sign3A_472 : i32 to vector<96x128xi32>
    %ne3A_474 = arith.cmpi ne, %sign3A_465, %ne3A_473 : vector<96x128xi32>
    %rem3A_475 = vector.broadcast %jit3A_454 : i32 to vector<96x128xi32>
    %rem3A_476 = arith.remsi %iota3A_29, %rem3A_475 : vector<96x128xi32>
    %ne3A_477 = arith.constant 0 : i32
    %ne3A_478 = vector.broadcast %ne3A_477 : i32 to vector<96x128xi32>
    %ne3A_479 = arith.cmpi ne, %rem3A_476, %ne3A_478 : vector<96x128xi32>
    %and3A_480 = arith.andi %ne3A_474, %ne3A_479 : vector<96x128xi1>
    %sub3A_481 = arith.constant 1 : i32
    %sub3A_482 = vector.broadcast %sub3A_481 : i32 to vector<96x128xi32>
    %sub3A_483 = arith.subi %div3A_456, %sub3A_482 : vector<96x128xi32>
    %select_n3A_484 = arith.select %and3A_480, %sub3A_483, %div3A_456 : vector<96x128xi1>, vector<96x128xi32>
    %mul3A_485 = arith.constant 12 : i32
    %mul3A_486 = vector.broadcast %mul3A_485 : i32 to vector<96x128xi32>
    %mul3A_487 = arith.muli %select_n3A_484, %mul3A_486 : vector<96x128xi32>
    %add3A_488 = arith.constant 3 : i32
    %add3A_489 = vector.broadcast %add3A_488 : i32 to vector<96x128xi32>
    %add3A_490 = arith.addi %mul3A_487, %add3A_489 : vector<96x128xi32>
    %add3A_491 = arith.constant 2 : i32
    %add3A_492 = vector.broadcast %add3A_491 : i32 to vector<96x128xi32>
    %add3A_493 = arith.addi %add3A_490, %add3A_492 : vector<96x128xi32>
    %eq3A_494 = arith.cmpi eq, %iota3A, %add3A_493 : vector<96x128xi32>
    %convert_element_type3A_495 = arith.extui %eq3A_494 : vector<96x128xi1> to vector<96x128xi32>
    %convert_element_type3A_496 = arith.sitofp %convert_element_type3A_495 : vector<96x128xi32> to vector<96x128xf32>
    %convert_element_type3A_497 = arith.truncf %convert_element_type3A_496 : vector<96x128xf32> to vector<96x128xbf16>
    %dot_general3A_498 = arith.constant dense<0.000000e+00> : vector<1000x128xf32>
    %dot_general3A_499 = tpu.matmul %convert_element_type3A, %convert_element_type3A_497, %dot_general3A_498 {dimension_numbers = #tpu.dot_dimension_numbers<[1], [0], [0], [1], [0, 0, 1, 1], [], []>, transpose_lhs_hint = false} : vector<1000x96xbf16>, vector<96x128xbf16>, vector<1000x128xf32> -> vector<1000x128xf32>
    %dot_general3A_500 = arith.constant dense<0.000000e+00> : vector<1000x128xf32>
    %dot_general3A_501 = tpu.matmul %convert_element_type3A_34, %convert_element_type3A_497, %dot_general3A_500 {dimension_numbers = #tpu.dot_dimension_numbers<[1], [0], [0], [1], [0, 0, 1, 1], [], []>, transpose_lhs_hint = false} : vector<1000x96xbf16>, vector<96x128xbf16>, vector<1000x128xf32> -> vector<1000x128xf32>
    %add3A_502 = arith.addf %dot_general3A_499, %dot_general3A_501 : vector<1000x128xf32>
    %convert_element_type3A_503 = arith.truncf %convert_element_type3A_339 : vector<64x128xf32> to vector<64x128xbf16>
    %dot_general3A_504 = arith.constant dense<0.000000e+00> : vector<1000x128xf32>
    %dot_general3A_505 = tpu.matmul %convert_element_type3A_43, %convert_element_type3A_503, %dot_general3A_504 {dimension_numbers = #tpu.dot_dimension_numbers<[1], [0], [0], [1], [0, 0, 1, 1], [], []>, transpose_lhs_hint = false} : vector<1000x64xbf16>, vector<64x128xbf16>, vector<1000x128xf32> -> vector<1000x128xf32>
    %dot_general3A_506 = arith.constant dense<0.000000e+00> : vector<1000x128xf32>
    %dot_general3A_507 = tpu.matmul %convert_element_type3A_46, %convert_element_type3A_503, %dot_general3A_506 {dimension_numbers = #tpu.dot_dimension_numbers<[1], [0], [0], [1], [0, 0, 1, 1], [], []>, transpose_lhs_hint = false} : vector<1000x64xbf16>, vector<64x128xbf16>, vector<1000x128xf32> -> vector<1000x128xf32>
    %add3A_508 = arith.addf %dot_general3A_505, %dot_general3A_507 : vector<1000x128xf32>
    %mul3A_509 = arith.mulf %add3A_502, %add3A_508 : vector<1000x128xf32>
    %add3A_510 = arith.addf %add3A_453, %mul3A_509 : vector<1000x128xf32>
    %jit3A_511 = arith.constant 16 : i32
    %eq3A_512 = arith.constant 0 : i32
    %eq3A_513 = arith.cmpi eq, %jit3A_511, %eq3A_512 : i32
    %jit3A_514 = arith.constant 1 : i32
    %select_n3A_515 = arith.select %eq3A_513, %jit3A_514, %jit3A_511 : i32
    %rem3A_516 = vector.broadcast %select_n3A_515 : i32 to vector<64x128xi32>
    %rem3A_517 = arith.remsi %iota3A_31, %rem3A_516 : vector<64x128xi32>
    %ne3A_518 = arith.constant 0 : i32
    %ne3A_519 = vector.broadcast %ne3A_518 : i32 to vector<64x128xi32>
    %ne3A_520 = arith.cmpi ne, %rem3A_517, %ne3A_519 : vector<64x128xi32>
    %lt3A_521 = arith.constant 0 : i32
    %lt3A_522 = vector.broadcast %lt3A_521 : i32 to vector<64x128xi32>
    %lt3A_523 = arith.cmpi slt, %rem3A_517, %lt3A_522 : vector<64x128xi32>
    %lt3A_524 = arith.constant 0 : i32
    %lt3A_525 = arith.cmpi slt, %select_n3A_515, %lt3A_524 : i32
    %ne3A_526 = vector.broadcast %lt3A_525 : i1 to vector<64x128xi1>
    %ne3A_527 = vector.broadcast %ne3A_526 : vector<64x128xi1> to vector<64x128xi1>
    %ne3A_528 = arith.xori %lt3A_523, %ne3A_527 : vector<64x128xi1>
    %and3A_529 = arith.andi %ne3A_528, %ne3A_520 : vector<64x128xi1>
    %add3A_530 = vector.broadcast %select_n3A_515 : i32 to vector<64x128xi32>
    %add3A_531 = arith.addi %rem3A_517, %add3A_530 : vector<64x128xi32>
    %select_n3A_532 = arith.select %and3A_529, %add3A_531, %rem3A_517 : vector<64x128xi1>, vector<64x128xi32>
    %add3A_533 = arith.constant 32 : i32
    %add3A_534 = vector.broadcast %add3A_533 : i32 to vector<64x128xi32>
    %add3A_535 = arith.addi %add3A_534, %select_n3A_532 : vector<64x128xi32>
    %eq3A_536 = arith.cmpi eq, %iota3A_30, %add3A_535 : vector<64x128xi32>
    %convert_element_type3A_537 = arith.extui %eq3A_536 : vector<64x128xi1> to vector<64x128xi32>
    %convert_element_type3A_538 = arith.sitofp %convert_element_type3A_537 : vector<64x128xi32> to vector<64x128xf32>
    %jit3A_539 = arith.constant 16 : i32
    %div3A_540 = vector.broadcast %jit3A_539 : i32 to vector<96x128xi32>
    %div3A_541 = arith.divsi %iota3A_29, %div3A_540 : vector<96x128xi32>
    %sign3A_542 = arith.constant 0 : i32
    %sign3A_543 = vector.broadcast %sign3A_542 : i32 to vector<96x128xi32>
    %sign3A_544 = arith.cmpi sgt, %iota3A_29, %sign3A_543 : vector<96x128xi32>
    %sign3A_545 = arith.extui %sign3A_544 : vector<96x128xi1> to vector<96x128xi32>
    %sign3A_546 = arith.constant 0 : i32
    %sign3A_547 = vector.broadcast %sign3A_546 : i32 to vector<96x128xi32>
    %sign3A_548 = arith.cmpi slt, %iota3A_29, %sign3A_547 : vector<96x128xi32>
    %sign3A_549 = arith.extui %sign3A_548 : vector<96x128xi1> to vector<96x128xi32>
    %sign3A_550 = arith.subi %sign3A_545, %sign3A_549 : vector<96x128xi32>
    %sign3A_551 = arith.constant 0 : i32
    %sign3A_552 = arith.cmpi sgt, %jit3A_539, %sign3A_551 : i32
    %sign3A_553 = arith.extui %sign3A_552 : i1 to i32
    %sign3A_554 = arith.constant 0 : i32
    %sign3A_555 = arith.cmpi slt, %jit3A_539, %sign3A_554 : i32
    %sign3A_556 = arith.extui %sign3A_555 : i1 to i32
    %sign3A_557 = arith.subi %sign3A_553, %sign3A_556 : i32
    %ne3A_558 = vector.broadcast %sign3A_557 : i32 to vector<96x128xi32>
    %ne3A_559 = arith.cmpi ne, %sign3A_550, %ne3A_558 : vector<96x128xi32>
    %rem3A_560 = vector.broadcast %jit3A_539 : i32 to vector<96x128xi32>
    %rem3A_561 = arith.remsi %iota3A_29, %rem3A_560 : vector<96x128xi32>
    %ne3A_562 = arith.constant 0 : i32
    %ne3A_563 = vector.broadcast %ne3A_562 : i32 to vector<96x128xi32>
    %ne3A_564 = arith.cmpi ne, %rem3A_561, %ne3A_563 : vector<96x128xi32>
    %and3A_565 = arith.andi %ne3A_559, %ne3A_564 : vector<96x128xi1>
    %sub3A_566 = arith.constant 1 : i32
    %sub3A_567 = vector.broadcast %sub3A_566 : i32 to vector<96x128xi32>
    %sub3A_568 = arith.subi %div3A_541, %sub3A_567 : vector<96x128xi32>
    %select_n3A_569 = arith.select %and3A_565, %sub3A_568, %div3A_541 : vector<96x128xi1>, vector<96x128xi32>
    %mul3A_570 = arith.constant 12 : i32
    %mul3A_571 = vector.broadcast %mul3A_570 : i32 to vector<96x128xi32>
    %mul3A_572 = arith.muli %select_n3A_569, %mul3A_571 : vector<96x128xi32>
    %add3A_573 = arith.constant 6 : i32
    %add3A_574 = vector.broadcast %add3A_573 : i32 to vector<96x128xi32>
    %add3A_575 = arith.addi %mul3A_572, %add3A_574 : vector<96x128xi32>
    %add3A_576 = arith.constant 0 : i32
    %add3A_577 = vector.broadcast %add3A_576 : i32 to vector<96x128xi32>
    %add3A_578 = arith.addi %add3A_575, %add3A_577 : vector<96x128xi32>
    %eq3A_579 = arith.cmpi eq, %iota3A, %add3A_578 : vector<96x128xi32>
    %convert_element_type3A_580 = arith.extui %eq3A_579 : vector<96x128xi1> to vector<96x128xi32>
    %convert_element_type3A_581 = arith.sitofp %convert_element_type3A_580 : vector<96x128xi32> to vector<96x128xf32>
    %convert_element_type3A_582 = arith.truncf %convert_element_type3A_581 : vector<96x128xf32> to vector<96x128xbf16>
    %dot_general3A_583 = arith.constant dense<0.000000e+00> : vector<1000x128xf32>
    %dot_general3A_584 = tpu.matmul %convert_element_type3A, %convert_element_type3A_582, %dot_general3A_583 {dimension_numbers = #tpu.dot_dimension_numbers<[1], [0], [0], [1], [0, 0, 1, 1], [], []>, transpose_lhs_hint = false} : vector<1000x96xbf16>, vector<96x128xbf16>, vector<1000x128xf32> -> vector<1000x128xf32>
    %dot_general3A_585 = arith.constant dense<0.000000e+00> : vector<1000x128xf32>
    %dot_general3A_586 = tpu.matmul %convert_element_type3A_34, %convert_element_type3A_582, %dot_general3A_585 {dimension_numbers = #tpu.dot_dimension_numbers<[1], [0], [0], [1], [0, 0, 1, 1], [], []>, transpose_lhs_hint = false} : vector<1000x96xbf16>, vector<96x128xbf16>, vector<1000x128xf32> -> vector<1000x128xf32>
    %add3A_587 = arith.addf %dot_general3A_584, %dot_general3A_586 : vector<1000x128xf32>
    %convert_element_type3A_588 = arith.truncf %convert_element_type3A_538 : vector<64x128xf32> to vector<64x128xbf16>
    %dot_general3A_589 = arith.constant dense<0.000000e+00> : vector<1000x128xf32>
    %dot_general3A_590 = tpu.matmul %convert_element_type3A_35, %convert_element_type3A_588, %dot_general3A_589 {dimension_numbers = #tpu.dot_dimension_numbers<[1], [0], [0], [1], [0, 0, 1, 1], [], []>, transpose_lhs_hint = false} : vector<1000x64xbf16>, vector<64x128xbf16>, vector<1000x128xf32> -> vector<1000x128xf32>
    %dot_general3A_591 = arith.constant dense<0.000000e+00> : vector<1000x128xf32>
    %dot_general3A_592 = tpu.matmul %convert_element_type3A_38, %convert_element_type3A_588, %dot_general3A_591 {dimension_numbers = #tpu.dot_dimension_numbers<[1], [0], [0], [1], [0, 0, 1, 1], [], []>, transpose_lhs_hint = false} : vector<1000x64xbf16>, vector<64x128xbf16>, vector<1000x128xf32> -> vector<1000x128xf32>
    %add3A_593 = arith.addf %dot_general3A_590, %dot_general3A_592 : vector<1000x128xf32>
    %mul3A_594 = arith.mulf %add3A_587, %add3A_593 : vector<1000x128xf32>
    %add3A_595 = arith.addf %add3A_510, %mul3A_594 : vector<1000x128xf32>
    %jit3A_596 = arith.constant 16 : i32
    %div3A_597 = vector.broadcast %jit3A_596 : i32 to vector<96x128xi32>
    %div3A_598 = arith.divsi %iota3A_29, %div3A_597 : vector<96x128xi32>
    %sign3A_599 = arith.constant 0 : i32
    %sign3A_600 = vector.broadcast %sign3A_599 : i32 to vector<96x128xi32>
    %sign3A_601 = arith.cmpi sgt, %iota3A_29, %sign3A_600 : vector<96x128xi32>
    %sign3A_602 = arith.extui %sign3A_601 : vector<96x128xi1> to vector<96x128xi32>
    %sign3A_603 = arith.constant 0 : i32
    %sign3A_604 = vector.broadcast %sign3A_603 : i32 to vector<96x128xi32>
    %sign3A_605 = arith.cmpi slt, %iota3A_29, %sign3A_604 : vector<96x128xi32>
    %sign3A_606 = arith.extui %sign3A_605 : vector<96x128xi1> to vector<96x128xi32>
    %sign3A_607 = arith.subi %sign3A_602, %sign3A_606 : vector<96x128xi32>
    %sign3A_608 = arith.constant 0 : i32
    %sign3A_609 = arith.cmpi sgt, %jit3A_596, %sign3A_608 : i32
    %sign3A_610 = arith.extui %sign3A_609 : i1 to i32
    %sign3A_611 = arith.constant 0 : i32
    %sign3A_612 = arith.cmpi slt, %jit3A_596, %sign3A_611 : i32
    %sign3A_613 = arith.extui %sign3A_612 : i1 to i32
    %sign3A_614 = arith.subi %sign3A_610, %sign3A_613 : i32
    %ne3A_615 = vector.broadcast %sign3A_614 : i32 to vector<96x128xi32>
    %ne3A_616 = arith.cmpi ne, %sign3A_607, %ne3A_615 : vector<96x128xi32>
    %rem3A_617 = vector.broadcast %jit3A_596 : i32 to vector<96x128xi32>
    %rem3A_618 = arith.remsi %iota3A_29, %rem3A_617 : vector<96x128xi32>
    %ne3A_619 = arith.constant 0 : i32
    %ne3A_620 = vector.broadcast %ne3A_619 : i32 to vector<96x128xi32>
    %ne3A_621 = arith.cmpi ne, %rem3A_618, %ne3A_620 : vector<96x128xi32>
    %and3A_622 = arith.andi %ne3A_616, %ne3A_621 : vector<96x128xi1>
    %sub3A_623 = arith.constant 1 : i32
    %sub3A_624 = vector.broadcast %sub3A_623 : i32 to vector<96x128xi32>
    %sub3A_625 = arith.subi %div3A_598, %sub3A_624 : vector<96x128xi32>
    %select_n3A_626 = arith.select %and3A_622, %sub3A_625, %div3A_598 : vector<96x128xi1>, vector<96x128xi32>
    %mul3A_627 = arith.constant 12 : i32
    %mul3A_628 = vector.broadcast %mul3A_627 : i32 to vector<96x128xi32>
    %mul3A_629 = arith.muli %select_n3A_626, %mul3A_628 : vector<96x128xi32>
    %add3A_630 = arith.constant 6 : i32
    %add3A_631 = vector.broadcast %add3A_630 : i32 to vector<96x128xi32>
    %add3A_632 = arith.addi %mul3A_629, %add3A_631 : vector<96x128xi32>
    %add3A_633 = arith.constant 1 : i32
    %add3A_634 = vector.broadcast %add3A_633 : i32 to vector<96x128xi32>
    %add3A_635 = arith.addi %add3A_632, %add3A_634 : vector<96x128xi32>
    %eq3A_636 = arith.cmpi eq, %iota3A, %add3A_635 : vector<96x128xi32>
    %convert_element_type3A_637 = arith.extui %eq3A_636 : vector<96x128xi1> to vector<96x128xi32>
    %convert_element_type3A_638 = arith.sitofp %convert_element_type3A_637 : vector<96x128xi32> to vector<96x128xf32>
    %convert_element_type3A_639 = arith.truncf %convert_element_type3A_638 : vector<96x128xf32> to vector<96x128xbf16>
    %dot_general3A_640 = arith.constant dense<0.000000e+00> : vector<1000x128xf32>
    %dot_general3A_641 = tpu.matmul %convert_element_type3A, %convert_element_type3A_639, %dot_general3A_640 {dimension_numbers = #tpu.dot_dimension_numbers<[1], [0], [0], [1], [0, 0, 1, 1], [], []>, transpose_lhs_hint = false} : vector<1000x96xbf16>, vector<96x128xbf16>, vector<1000x128xf32> -> vector<1000x128xf32>
    %dot_general3A_642 = arith.constant dense<0.000000e+00> : vector<1000x128xf32>
    %dot_general3A_643 = tpu.matmul %convert_element_type3A_34, %convert_element_type3A_639, %dot_general3A_642 {dimension_numbers = #tpu.dot_dimension_numbers<[1], [0], [0], [1], [0, 0, 1, 1], [], []>, transpose_lhs_hint = false} : vector<1000x96xbf16>, vector<96x128xbf16>, vector<1000x128xf32> -> vector<1000x128xf32>
    %add3A_644 = arith.addf %dot_general3A_641, %dot_general3A_643 : vector<1000x128xf32>
    %convert_element_type3A_645 = arith.truncf %convert_element_type3A_538 : vector<64x128xf32> to vector<64x128xbf16>
    %dot_general3A_646 = arith.constant dense<0.000000e+00> : vector<1000x128xf32>
    %dot_general3A_647 = tpu.matmul %convert_element_type3A_39, %convert_element_type3A_645, %dot_general3A_646 {dimension_numbers = #tpu.dot_dimension_numbers<[1], [0], [0], [1], [0, 0, 1, 1], [], []>, transpose_lhs_hint = false} : vector<1000x64xbf16>, vector<64x128xbf16>, vector<1000x128xf32> -> vector<1000x128xf32>
    %dot_general3A_648 = arith.constant dense<0.000000e+00> : vector<1000x128xf32>
    %dot_general3A_649 = tpu.matmul %convert_element_type3A_42, %convert_element_type3A_645, %dot_general3A_648 {dimension_numbers = #tpu.dot_dimension_numbers<[1], [0], [0], [1], [0, 0, 1, 1], [], []>, transpose_lhs_hint = false} : vector<1000x64xbf16>, vector<64x128xbf16>, vector<1000x128xf32> -> vector<1000x128xf32>
    %add3A_650 = arith.addf %dot_general3A_647, %dot_general3A_649 : vector<1000x128xf32>
    %mul3A_651 = arith.mulf %add3A_644, %add3A_650 : vector<1000x128xf32>
    %add3A_652 = arith.addf %add3A_595, %mul3A_651 : vector<1000x128xf32>
    %jit3A_653 = arith.constant 16 : i32
    %div3A_654 = vector.broadcast %jit3A_653 : i32 to vector<96x128xi32>
    %div3A_655 = arith.divsi %iota3A_29, %div3A_654 : vector<96x128xi32>
    %sign3A_656 = arith.constant 0 : i32
    %sign3A_657 = vector.broadcast %sign3A_656 : i32 to vector<96x128xi32>
    %sign3A_658 = arith.cmpi sgt, %iota3A_29, %sign3A_657 : vector<96x128xi32>
    %sign3A_659 = arith.extui %sign3A_658 : vector<96x128xi1> to vector<96x128xi32>
    %sign3A_660 = arith.constant 0 : i32
    %sign3A_661 = vector.broadcast %sign3A_660 : i32 to vector<96x128xi32>
    %sign3A_662 = arith.cmpi slt, %iota3A_29, %sign3A_661 : vector<96x128xi32>
    %sign3A_663 = arith.extui %sign3A_662 : vector<96x128xi1> to vector<96x128xi32>
    %sign3A_664 = arith.subi %sign3A_659, %sign3A_663 : vector<96x128xi32>
    %sign3A_665 = arith.constant 0 : i32
    %sign3A_666 = arith.cmpi sgt, %jit3A_653, %sign3A_665 : i32
    %sign3A_667 = arith.extui %sign3A_666 : i1 to i32
    %sign3A_668 = arith.constant 0 : i32
    %sign3A_669 = arith.cmpi slt, %jit3A_653, %sign3A_668 : i32
    %sign3A_670 = arith.extui %sign3A_669 : i1 to i32
    %sign3A_671 = arith.subi %sign3A_667, %sign3A_670 : i32
    %ne3A_672 = vector.broadcast %sign3A_671 : i32 to vector<96x128xi32>
    %ne3A_673 = arith.cmpi ne, %sign3A_664, %ne3A_672 : vector<96x128xi32>
    %rem3A_674 = vector.broadcast %jit3A_653 : i32 to vector<96x128xi32>
    %rem3A_675 = arith.remsi %iota3A_29, %rem3A_674 : vector<96x128xi32>
    %ne3A_676 = arith.constant 0 : i32
    %ne3A_677 = vector.broadcast %ne3A_676 : i32 to vector<96x128xi32>
    %ne3A_678 = arith.cmpi ne, %rem3A_675, %ne3A_677 : vector<96x128xi32>
    %and3A_679 = arith.andi %ne3A_673, %ne3A_678 : vector<96x128xi1>
    %sub3A_680 = arith.constant 1 : i32
    %sub3A_681 = vector.broadcast %sub3A_680 : i32 to vector<96x128xi32>
    %sub3A_682 = arith.subi %div3A_655, %sub3A_681 : vector<96x128xi32>
    %select_n3A_683 = arith.select %and3A_679, %sub3A_682, %div3A_655 : vector<96x128xi1>, vector<96x128xi32>
    %mul3A_684 = arith.constant 12 : i32
    %mul3A_685 = vector.broadcast %mul3A_684 : i32 to vector<96x128xi32>
    %mul3A_686 = arith.muli %select_n3A_683, %mul3A_685 : vector<96x128xi32>
    %add3A_687 = arith.constant 6 : i32
    %add3A_688 = vector.broadcast %add3A_687 : i32 to vector<96x128xi32>
    %add3A_689 = arith.addi %mul3A_686, %add3A_688 : vector<96x128xi32>
    %add3A_690 = arith.constant 2 : i32
    %add3A_691 = vector.broadcast %add3A_690 : i32 to vector<96x128xi32>
    %add3A_692 = arith.addi %add3A_689, %add3A_691 : vector<96x128xi32>
    %eq3A_693 = arith.cmpi eq, %iota3A, %add3A_692 : vector<96x128xi32>
    %convert_element_type3A_694 = arith.extui %eq3A_693 : vector<96x128xi1> to vector<96x128xi32>
    %convert_element_type3A_695 = arith.sitofp %convert_element_type3A_694 : vector<96x128xi32> to vector<96x128xf32>
    %convert_element_type3A_696 = arith.truncf %convert_element_type3A_695 : vector<96x128xf32> to vector<96x128xbf16>
    %dot_general3A_697 = arith.constant dense<0.000000e+00> : vector<1000x128xf32>
    %dot_general3A_698 = tpu.matmul %convert_element_type3A, %convert_element_type3A_696, %dot_general3A_697 {dimension_numbers = #tpu.dot_dimension_numbers<[1], [0], [0], [1], [0, 0, 1, 1], [], []>, transpose_lhs_hint = false} : vector<1000x96xbf16>, vector<96x128xbf16>, vector<1000x128xf32> -> vector<1000x128xf32>
    %dot_general3A_699 = arith.constant dense<0.000000e+00> : vector<1000x128xf32>
    %dot_general3A_700 = tpu.matmul %convert_element_type3A_34, %convert_element_type3A_696, %dot_general3A_699 {dimension_numbers = #tpu.dot_dimension_numbers<[1], [0], [0], [1], [0, 0, 1, 1], [], []>, transpose_lhs_hint = false} : vector<1000x96xbf16>, vector<96x128xbf16>, vector<1000x128xf32> -> vector<1000x128xf32>
    %add3A_701 = arith.addf %dot_general3A_698, %dot_general3A_700 : vector<1000x128xf32>
    %convert_element_type3A_702 = arith.truncf %convert_element_type3A_538 : vector<64x128xf32> to vector<64x128xbf16>
    %dot_general3A_703 = arith.constant dense<0.000000e+00> : vector<1000x128xf32>
    %dot_general3A_704 = tpu.matmul %convert_element_type3A_43, %convert_element_type3A_702, %dot_general3A_703 {dimension_numbers = #tpu.dot_dimension_numbers<[1], [0], [0], [1], [0, 0, 1, 1], [], []>, transpose_lhs_hint = false} : vector<1000x64xbf16>, vector<64x128xbf16>, vector<1000x128xf32> -> vector<1000x128xf32>
    %dot_general3A_705 = arith.constant dense<0.000000e+00> : vector<1000x128xf32>
    %dot_general3A_706 = tpu.matmul %convert_element_type3A_46, %convert_element_type3A_702, %dot_general3A_705 {dimension_numbers = #tpu.dot_dimension_numbers<[1], [0], [0], [1], [0, 0, 1, 1], [], []>, transpose_lhs_hint = false} : vector<1000x64xbf16>, vector<64x128xbf16>, vector<1000x128xf32> -> vector<1000x128xf32>
    %add3A_707 = arith.addf %dot_general3A_704, %dot_general3A_706 : vector<1000x128xf32>
    %mul3A_708 = arith.mulf %add3A_701, %add3A_707 : vector<1000x128xf32>
    %add3A_709 = arith.addf %add3A_652, %mul3A_708 : vector<1000x128xf32>
    %jit3A_710 = arith.constant 16 : i32
    %eq3A_711 = arith.constant 0 : i32
    %eq3A_712 = arith.cmpi eq, %jit3A_710, %eq3A_711 : i32
    %jit3A_713 = arith.constant 1 : i32
    %select_n3A_714 = arith.select %eq3A_712, %jit3A_713, %jit3A_710 : i32
    %rem3A_715 = vector.broadcast %select_n3A_714 : i32 to vector<64x128xi32>
    %rem3A_716 = arith.remsi %iota3A_31, %rem3A_715 : vector<64x128xi32>
    %ne3A_717 = arith.constant 0 : i32
    %ne3A_718 = vector.broadcast %ne3A_717 : i32 to vector<64x128xi32>
    %ne3A_719 = arith.cmpi ne, %rem3A_716, %ne3A_718 : vector<64x128xi32>
    %lt3A_720 = arith.constant 0 : i32
    %lt3A_721 = vector.broadcast %lt3A_720 : i32 to vector<64x128xi32>
    %lt3A_722 = arith.cmpi slt, %rem3A_716, %lt3A_721 : vector<64x128xi32>
    %lt3A_723 = arith.constant 0 : i32
    %lt3A_724 = arith.cmpi slt, %select_n3A_714, %lt3A_723 : i32
    %ne3A_725 = vector.broadcast %lt3A_724 : i1 to vector<64x128xi1>
    %ne3A_726 = vector.broadcast %ne3A_725 : vector<64x128xi1> to vector<64x128xi1>
    %ne3A_727 = arith.xori %lt3A_722, %ne3A_726 : vector<64x128xi1>
    %and3A_728 = arith.andi %ne3A_727, %ne3A_719 : vector<64x128xi1>
    %add3A_729 = vector.broadcast %select_n3A_714 : i32 to vector<64x128xi32>
    %add3A_730 = arith.addi %rem3A_716, %add3A_729 : vector<64x128xi32>
    %select_n3A_731 = arith.select %and3A_728, %add3A_730, %rem3A_716 : vector<64x128xi1>, vector<64x128xi32>
    %add3A_732 = arith.constant 48 : i32
    %add3A_733 = vector.broadcast %add3A_732 : i32 to vector<64x128xi32>
    %add3A_734 = arith.addi %add3A_733, %select_n3A_731 : vector<64x128xi32>
    %eq3A_735 = arith.cmpi eq, %iota3A_30, %add3A_734 : vector<64x128xi32>
    %convert_element_type3A_736 = arith.extui %eq3A_735 : vector<64x128xi1> to vector<64x128xi32>
    %convert_element_type3A_737 = arith.sitofp %convert_element_type3A_736 : vector<64x128xi32> to vector<64x128xf32>
    %jit3A_738 = arith.constant 16 : i32
    %div3A_739 = vector.broadcast %jit3A_738 : i32 to vector<96x128xi32>
    %div3A_740 = arith.divsi %iota3A_29, %div3A_739 : vector<96x128xi32>
    %sign3A_741 = arith.constant 0 : i32
    %sign3A_742 = vector.broadcast %sign3A_741 : i32 to vector<96x128xi32>
    %sign3A_743 = arith.cmpi sgt, %iota3A_29, %sign3A_742 : vector<96x128xi32>
    %sign3A_744 = arith.extui %sign3A_743 : vector<96x128xi1> to vector<96x128xi32>
    %sign3A_745 = arith.constant 0 : i32
    %sign3A_746 = vector.broadcast %sign3A_745 : i32 to vector<96x128xi32>
    %sign3A_747 = arith.cmpi slt, %iota3A_29, %sign3A_746 : vector<96x128xi32>
    %sign3A_748 = arith.extui %sign3A_747 : vector<96x128xi1> to vector<96x128xi32>
    %sign3A_749 = arith.subi %sign3A_744, %sign3A_748 : vector<96x128xi32>
    %sign3A_750 = arith.constant 0 : i32
    %sign3A_751 = arith.cmpi sgt, %jit3A_738, %sign3A_750 : i32
    %sign3A_752 = arith.extui %sign3A_751 : i1 to i32
    %sign3A_753 = arith.constant 0 : i32
    %sign3A_754 = arith.cmpi slt, %jit3A_738, %sign3A_753 : i32
    %sign3A_755 = arith.extui %sign3A_754 : i1 to i32
    %sign3A_756 = arith.subi %sign3A_752, %sign3A_755 : i32
    %ne3A_757 = vector.broadcast %sign3A_756 : i32 to vector<96x128xi32>
    %ne3A_758 = arith.cmpi ne, %sign3A_749, %ne3A_757 : vector<96x128xi32>
    %rem3A_759 = vector.broadcast %jit3A_738 : i32 to vector<96x128xi32>
    %rem3A_760 = arith.remsi %iota3A_29, %rem3A_759 : vector<96x128xi32>
    %ne3A_761 = arith.constant 0 : i32
    %ne3A_762 = vector.broadcast %ne3A_761 : i32 to vector<96x128xi32>
    %ne3A_763 = arith.cmpi ne, %rem3A_760, %ne3A_762 : vector<96x128xi32>
    %and3A_764 = arith.andi %ne3A_758, %ne3A_763 : vector<96x128xi1>
    %sub3A_765 = arith.constant 1 : i32
    %sub3A_766 = vector.broadcast %sub3A_765 : i32 to vector<96x128xi32>
    %sub3A_767 = arith.subi %div3A_740, %sub3A_766 : vector<96x128xi32>
    %select_n3A_768 = arith.select %and3A_764, %sub3A_767, %div3A_740 : vector<96x128xi1>, vector<96x128xi32>
    %mul3A_769 = arith.constant 12 : i32
    %mul3A_770 = vector.broadcast %mul3A_769 : i32 to vector<96x128xi32>
    %mul3A_771 = arith.muli %select_n3A_768, %mul3A_770 : vector<96x128xi32>
    %add3A_772 = arith.constant 9 : i32
    %add3A_773 = vector.broadcast %add3A_772 : i32 to vector<96x128xi32>
    %add3A_774 = arith.addi %mul3A_771, %add3A_773 : vector<96x128xi32>
    %add3A_775 = arith.constant 0 : i32
    %add3A_776 = vector.broadcast %add3A_775 : i32 to vector<96x128xi32>
    %add3A_777 = arith.addi %add3A_774, %add3A_776 : vector<96x128xi32>
    %eq3A_778 = arith.cmpi eq, %iota3A, %add3A_777 : vector<96x128xi32>
    %convert_element_type3A_779 = arith.extui %eq3A_778 : vector<96x128xi1> to vector<96x128xi32>
    %convert_element_type3A_780 = arith.sitofp %convert_element_type3A_779 : vector<96x128xi32> to vector<96x128xf32>
    %convert_element_type3A_781 = arith.truncf %convert_element_type3A_780 : vector<96x128xf32> to vector<96x128xbf16>
    %dot_general3A_782 = arith.constant dense<0.000000e+00> : vector<1000x128xf32>
    %dot_general3A_783 = tpu.matmul %convert_element_type3A, %convert_element_type3A_781, %dot_general3A_782 {dimension_numbers = #tpu.dot_dimension_numbers<[1], [0], [0], [1], [0, 0, 1, 1], [], []>, transpose_lhs_hint = false} : vector<1000x96xbf16>, vector<96x128xbf16>, vector<1000x128xf32> -> vector<1000x128xf32>
    %dot_general3A_784 = arith.constant dense<0.000000e+00> : vector<1000x128xf32>
    %dot_general3A_785 = tpu.matmul %convert_element_type3A_34, %convert_element_type3A_781, %dot_general3A_784 {dimension_numbers = #tpu.dot_dimension_numbers<[1], [0], [0], [1], [0, 0, 1, 1], [], []>, transpose_lhs_hint = false} : vector<1000x96xbf16>, vector<96x128xbf16>, vector<1000x128xf32> -> vector<1000x128xf32>
    %add3A_786 = arith.addf %dot_general3A_783, %dot_general3A_785 : vector<1000x128xf32>
    %convert_element_type3A_787 = arith.truncf %convert_element_type3A_737 : vector<64x128xf32> to vector<64x128xbf16>
    %dot_general3A_788 = arith.constant dense<0.000000e+00> : vector<1000x128xf32>
    %dot_general3A_789 = tpu.matmul %convert_element_type3A_35, %convert_element_type3A_787, %dot_general3A_788 {dimension_numbers = #tpu.dot_dimension_numbers<[1], [0], [0], [1], [0, 0, 1, 1], [], []>, transpose_lhs_hint = false} : vector<1000x64xbf16>, vector<64x128xbf16>, vector<1000x128xf32> -> vector<1000x128xf32>
    %dot_general3A_790 = arith.constant dense<0.000000e+00> : vector<1000x128xf32>
    %dot_general3A_791 = tpu.matmul %convert_element_type3A_38, %convert_element_type3A_787, %dot_general3A_790 {dimension_numbers = #tpu.dot_dimension_numbers<[1], [0], [0], [1], [0, 0, 1, 1], [], []>, transpose_lhs_hint = false} : vector<1000x64xbf16>, vector<64x128xbf16>, vector<1000x128xf32> -> vector<1000x128xf32>
    %add3A_792 = arith.addf %dot_general3A_789, %dot_general3A_791 : vector<1000x128xf32>
    %mul3A_793 = arith.mulf %add3A_786, %add3A_792 : vector<1000x128xf32>
    %add3A_794 = arith.addf %add3A_709, %mul3A_793 : vector<1000x128xf32>
    %jit3A_795 = arith.constant 16 : i32
    %div3A_796 = vector.broadcast %jit3A_795 : i32 to vector<96x128xi32>
    %div3A_797 = arith.divsi %iota3A_29, %div3A_796 : vector<96x128xi32>
    %sign3A_798 = arith.constant 0 : i32
    %sign3A_799 = vector.broadcast %sign3A_798 : i32 to vector<96x128xi32>
    %sign3A_800 = arith.cmpi sgt, %iota3A_29, %sign3A_799 : vector<96x128xi32>
    %sign3A_801 = arith.extui %sign3A_800 : vector<96x128xi1> to vector<96x128xi32>
    %sign3A_802 = arith.constant 0 : i32
    %sign3A_803 = vector.broadcast %sign3A_802 : i32 to vector<96x128xi32>
    %sign3A_804 = arith.cmpi slt, %iota3A_29, %sign3A_803 : vector<96x128xi32>
    %sign3A_805 = arith.extui %sign3A_804 : vector<96x128xi1> to vector<96x128xi32>
    %sign3A_806 = arith.subi %sign3A_801, %sign3A_805 : vector<96x128xi32>
    %sign3A_807 = arith.constant 0 : i32
    %sign3A_808 = arith.cmpi sgt, %jit3A_795, %sign3A_807 : i32
    %sign3A_809 = arith.extui %sign3A_808 : i1 to i32
    %sign3A_810 = arith.constant 0 : i32
    %sign3A_811 = arith.cmpi slt, %jit3A_795, %sign3A_810 : i32
    %sign3A_812 = arith.extui %sign3A_811 : i1 to i32
    %sign3A_813 = arith.subi %sign3A_809, %sign3A_812 : i32
    %ne3A_814 = vector.broadcast %sign3A_813 : i32 to vector<96x128xi32>
    %ne3A_815 = arith.cmpi ne, %sign3A_806, %ne3A_814 : vector<96x128xi32>
    %rem3A_816 = vector.broadcast %jit3A_795 : i32 to vector<96x128xi32>
    %rem3A_817 = arith.remsi %iota3A_29, %rem3A_816 : vector<96x128xi32>
    %ne3A_818 = arith.constant 0 : i32
    %ne3A_819 = vector.broadcast %ne3A_818 : i32 to vector<96x128xi32>
    %ne3A_820 = arith.cmpi ne, %rem3A_817, %ne3A_819 : vector<96x128xi32>
    %and3A_821 = arith.andi %ne3A_815, %ne3A_820 : vector<96x128xi1>
    %sub3A_822 = arith.constant 1 : i32
    %sub3A_823 = vector.broadcast %sub3A_822 : i32 to vector<96x128xi32>
    %sub3A_824 = arith.subi %div3A_797, %sub3A_823 : vector<96x128xi32>
    %select_n3A_825 = arith.select %and3A_821, %sub3A_824, %div3A_797 : vector<96x128xi1>, vector<96x128xi32>
    %mul3A_826 = arith.constant 12 : i32
    %mul3A_827 = vector.broadcast %mul3A_826 : i32 to vector<96x128xi32>
    %mul3A_828 = arith.muli %select_n3A_825, %mul3A_827 : vector<96x128xi32>
    %add3A_829 = arith.constant 9 : i32
    %add3A_830 = vector.broadcast %add3A_829 : i32 to vector<96x128xi32>
    %add3A_831 = arith.addi %mul3A_828, %add3A_830 : vector<96x128xi32>
    %add3A_832 = arith.constant 1 : i32
    %add3A_833 = vector.broadcast %add3A_832 : i32 to vector<96x128xi32>
    %add3A_834 = arith.addi %add3A_831, %add3A_833 : vector<96x128xi32>
    %eq3A_835 = arith.cmpi eq, %iota3A, %add3A_834 : vector<96x128xi32>
    %convert_element_type3A_836 = arith.extui %eq3A_835 : vector<96x128xi1> to vector<96x128xi32>
    %convert_element_type3A_837 = arith.sitofp %convert_element_type3A_836 : vector<96x128xi32> to vector<96x128xf32>
    %convert_element_type3A_838 = arith.truncf %convert_element_type3A_837 : vector<96x128xf32> to vector<96x128xbf16>
    %dot_general3A_839 = arith.constant dense<0.000000e+00> : vector<1000x128xf32>
    %dot_general3A_840 = tpu.matmul %convert_element_type3A, %convert_element_type3A_838, %dot_general3A_839 {dimension_numbers = #tpu.dot_dimension_numbers<[1], [0], [0], [1], [0, 0, 1, 1], [], []>, transpose_lhs_hint = false} : vector<1000x96xbf16>, vector<96x128xbf16>, vector<1000x128xf32> -> vector<1000x128xf32>
    %dot_general3A_841 = arith.constant dense<0.000000e+00> : vector<1000x128xf32>
    %dot_general3A_842 = tpu.matmul %convert_element_type3A_34, %convert_element_type3A_838, %dot_general3A_841 {dimension_numbers = #tpu.dot_dimension_numbers<[1], [0], [0], [1], [0, 0, 1, 1], [], []>, transpose_lhs_hint = false} : vector<1000x96xbf16>, vector<96x128xbf16>, vector<1000x128xf32> -> vector<1000x128xf32>
    %add3A_843 = arith.addf %dot_general3A_840, %dot_general3A_842 : vector<1000x128xf32>
    %convert_element_type3A_844 = arith.truncf %convert_element_type3A_737 : vector<64x128xf32> to vector<64x128xbf16>
    %dot_general3A_845 = arith.constant dense<0.000000e+00> : vector<1000x128xf32>
    %dot_general3A_846 = tpu.matmul %convert_element_type3A_39, %convert_element_type3A_844, %dot_general3A_845 {dimension_numbers = #tpu.dot_dimension_numbers<[1], [0], [0], [1], [0, 0, 1, 1], [], []>, transpose_lhs_hint = false} : vector<1000x64xbf16>, vector<64x128xbf16>, vector<1000x128xf32> -> vector<1000x128xf32>
    %dot_general3A_847 = arith.constant dense<0.000000e+00> : vector<1000x128xf32>
    %dot_general3A_848 = tpu.matmul %convert_element_type3A_42, %convert_element_type3A_844, %dot_general3A_847 {dimension_numbers = #tpu.dot_dimension_numbers<[1], [0], [0], [1], [0, 0, 1, 1], [], []>, transpose_lhs_hint = false} : vector<1000x64xbf16>, vector<64x128xbf16>, vector<1000x128xf32> -> vector<1000x128xf32>
    %add3A_849 = arith.addf %dot_general3A_846, %dot_general3A_848 : vector<1000x128xf32>
    %mul3A_850 = arith.mulf %add3A_843, %add3A_849 : vector<1000x128xf32>
    %add3A_851 = arith.addf %add3A_794, %mul3A_850 : vector<1000x128xf32>
    %jit3A_852 = arith.constant 16 : i32
    %div3A_853 = vector.broadcast %jit3A_852 : i32 to vector<96x128xi32>
    %div3A_854 = arith.divsi %iota3A_29, %div3A_853 : vector<96x128xi32>
    %sign3A_855 = arith.constant 0 : i32
    %sign3A_856 = vector.broadcast %sign3A_855 : i32 to vector<96x128xi32>
    %sign3A_857 = arith.cmpi sgt, %iota3A_29, %sign3A_856 : vector<96x128xi32>
    %sign3A_858 = arith.extui %sign3A_857 : vector<96x128xi1> to vector<96x128xi32>
    %sign3A_859 = arith.constant 0 : i32
    %sign3A_860 = vector.broadcast %sign3A_859 : i32 to vector<96x128xi32>
    %sign3A_861 = arith.cmpi slt, %iota3A_29, %sign3A_860 : vector<96x128xi32>
    %sign3A_862 = arith.extui %sign3A_861 : vector<96x128xi1> to vector<96x128xi32>
    %sign3A_863 = arith.subi %sign3A_858, %sign3A_862 : vector<96x128xi32>
    %sign3A_864 = arith.constant 0 : i32
    %sign3A_865 = arith.cmpi sgt, %jit3A_852, %sign3A_864 : i32
    %sign3A_866 = arith.extui %sign3A_865 : i1 to i32
    %sign3A_867 = arith.constant 0 : i32
    %sign3A_868 = arith.cmpi slt, %jit3A_852, %sign3A_867 : i32
    %sign3A_869 = arith.extui %sign3A_868 : i1 to i32
    %sign3A_870 = arith.subi %sign3A_866, %sign3A_869 : i32
    %ne3A_871 = vector.broadcast %sign3A_870 : i32 to vector<96x128xi32>
    %ne3A_872 = arith.cmpi ne, %sign3A_863, %ne3A_871 : vector<96x128xi32>
    %rem3A_873 = vector.broadcast %jit3A_852 : i32 to vector<96x128xi32>
    %rem3A_874 = arith.remsi %iota3A_29, %rem3A_873 : vector<96x128xi32>
    %ne3A_875 = arith.constant 0 : i32
    %ne3A_876 = vector.broadcast %ne3A_875 : i32 to vector<96x128xi32>
    %ne3A_877 = arith.cmpi ne, %rem3A_874, %ne3A_876 : vector<96x128xi32>
    %and3A_878 = arith.andi %ne3A_872, %ne3A_877 : vector<96x128xi1>
    %sub3A_879 = arith.constant 1 : i32
    %sub3A_880 = vector.broadcast %sub3A_879 : i32 to vector<96x128xi32>
    %sub3A_881 = arith.subi %div3A_854, %sub3A_880 : vector<96x128xi32>
    %select_n3A_882 = arith.select %and3A_878, %sub3A_881, %div3A_854 : vector<96x128xi1>, vector<96x128xi32>
    %mul3A_883 = arith.constant 12 : i32
    %mul3A_884 = vector.broadcast %mul3A_883 : i32 to vector<96x128xi32>
    %mul3A_885 = arith.muli %select_n3A_882, %mul3A_884 : vector<96x128xi32>
    %add3A_886 = arith.constant 9 : i32
    %add3A_887 = vector.broadcast %add3A_886 : i32 to vector<96x128xi32>
    %add3A_888 = arith.addi %mul3A_885, %add3A_887 : vector<96x128xi32>
    %add3A_889 = arith.constant 2 : i32
    %add3A_890 = vector.broadcast %add3A_889 : i32 to vector<96x128xi32>
    %add3A_891 = arith.addi %add3A_888, %add3A_890 : vector<96x128xi32>
    %eq3A_892 = arith.cmpi eq, %iota3A, %add3A_891 : vector<96x128xi32>
    %convert_element_type3A_893 = arith.extui %eq3A_892 : vector<96x128xi1> to vector<96x128xi32>
    %convert_element_type3A_894 = arith.sitofp %convert_element_type3A_893 : vector<96x128xi32> to vector<96x128xf32>
    %convert_element_type3A_895 = arith.truncf %convert_element_type3A_894 : vector<96x128xf32> to vector<96x128xbf16>
    %dot_general3A_896 = arith.constant dense<0.000000e+00> : vector<1000x128xf32>
    %dot_general3A_897 = tpu.matmul %convert_element_type3A, %convert_element_type3A_895, %dot_general3A_896 {dimension_numbers = #tpu.dot_dimension_numbers<[1], [0], [0], [1], [0, 0, 1, 1], [], []>, transpose_lhs_hint = false} : vector<1000x96xbf16>, vector<96x128xbf16>, vector<1000x128xf32> -> vector<1000x128xf32>
    %dot_general3A_898 = arith.constant dense<0.000000e+00> : vector<1000x128xf32>
    %dot_general3A_899 = tpu.matmul %convert_element_type3A_34, %convert_element_type3A_895, %dot_general3A_898 {dimension_numbers = #tpu.dot_dimension_numbers<[1], [0], [0], [1], [0, 0, 1, 1], [], []>, transpose_lhs_hint = false} : vector<1000x96xbf16>, vector<96x128xbf16>, vector<1000x128xf32> -> vector<1000x128xf32>
    %add3A_900 = arith.addf %dot_general3A_897, %dot_general3A_899 : vector<1000x128xf32>
    %convert_element_type3A_901 = arith.truncf %convert_element_type3A_737 : vector<64x128xf32> to vector<64x128xbf16>
    %dot_general3A_902 = arith.constant dense<0.000000e+00> : vector<1000x128xf32>
    %dot_general3A_903 = tpu.matmul %convert_element_type3A_43, %convert_element_type3A_901, %dot_general3A_902 {dimension_numbers = #tpu.dot_dimension_numbers<[1], [0], [0], [1], [0, 0, 1, 1], [], []>, transpose_lhs_hint = false} : vector<1000x64xbf16>, vector<64x128xbf16>, vector<1000x128xf32> -> vector<1000x128xf32>
    %dot_general3A_904 = arith.constant dense<0.000000e+00> : vector<1000x128xf32>
    %dot_general3A_905 = tpu.matmul %convert_element_type3A_46, %convert_element_type3A_901, %dot_general3A_904 {dimension_numbers = #tpu.dot_dimension_numbers<[1], [0], [0], [1], [0, 0, 1, 1], [], []>, transpose_lhs_hint = false} : vector<1000x64xbf16>, vector<64x128xbf16>, vector<1000x128xf32> -> vector<1000x128xf32>
    %add3A_906 = arith.addf %dot_general3A_903, %dot_general3A_905 : vector<1000x128xf32>
    %mul3A_907 = arith.mulf %add3A_900, %add3A_906 : vector<1000x128xf32>
    %add3A_908 = arith.addf %add3A_851, %mul3A_907 : vector<1000x128xf32>
    %div3A_909 = arith.divf %add3A_908, %add3A_112 : vector<1000x128xf32>
    %get3A_910 = arith.constant 0 : index
    %get3A_911 = arith.constant 0 : index
    %get3A_912 = vector.load %arg7[%get3A_910, %get3A_911] : memref<1x128xf32, #tpu.memory_space<vmem>>, vector<1x128xf32>
    %add3A_913 = vector.broadcast %get3A_912 : vector<1x128xf32> to vector<1000x128xf32>
    %add3A_914 = arith.addf %div3A_909, %add3A_913 : vector<1000x128xf32>
    %swap3A = arith.constant 0 : index
    %swap3A_915 = arith.constant 0 : index
    %swap3A_916 = vector.load %arg8[%swap3A, %swap3A_915] : memref<1000x128xf32, #tpu.memory_space<vmem>>, vector<1000x128xf32>
    tpu.vector_store %arg8[%swap3A, %swap3A_915], %add3A_914 {strides = array<i32>} : memref<1000x128xf32, #tpu.memory_space<vmem>>, vector<1000x128xf32>,
    return
  }
  func.func @transform_0(%arg0: i32) -> (i32, i32) {
    %c0_i32 = arith.constant 0 : i32
    %c0_i32_0 = arith.constant 0 : i32
    return %arg0, %c0_i32 : i32, i32
  }
  func.func @transform_1(%arg0: i32) -> (i32, i32) {
    %c0_i32 = arith.constant 0 : i32
    %c0_i32_0 = arith.constant 0 : i32
    return %arg0, %c0_i32 : i32, i32
  }
  func.func @transform_2(%arg0: i32) -> (i32, i32) {
    %c0_i32 = arith.constant 0 : i32
    %c0_i32_0 = arith.constant 0 : i32
    return %arg0, %c0_i32 : i32, i32
  }
  func.func @transform_3(%arg0: i32) -> (i32, i32) {
    %c0_i32 = arith.constant 0 : i32
    %c0_i32_0 = arith.constant 0 : i32
    return %arg0, %c0_i32 : i32, i32
  }
  func.func @transform_4(%arg0: i32) -> (i32, i32) {
    %c0_i32 = arith.constant 0 : i32
    %c0_i32_0 = arith.constant 0 : i32
    %c0_i32_1 = arith.constant 0 : i32
    return %c0_i32, %c0_i32_0 : i32, i32
  }
  func.func @transform_5(%arg0: i32) -> (i32, i32) {
    %c0_i32 = arith.constant 0 : i32
    %c0_i32_0 = arith.constant 0 : i32
    %c0_i32_1 = arith.constant 0 : i32
    return %c0_i32, %c0_i32_0 : i32, i32
  }
  func.func @transform_6(%arg0: i32) -> (i32, i32) {
    %c0_i32 = arith.constant 0 : i32
    %c0_i32_0 = arith.constant 0 : i32
    %c0_i32_1 = arith.constant 0 : i32
    return %c0_i32, %c0_i32_0 : i32, i32
  }
  func.func @transform_7(%arg0: i32) -> (i32, i32) {
    %c0_i32 = arith.constant 0 : i32
    %c0_i32_0 = arith.constant 0 : i32
    return %arg0, %c0_i32 : i32, i32
  }
}

</mosaic_0001>

<sc_bundles>
// kernel: kernel.6.cloned.1.call-start
scs
__scs_entry_jumppad:
0x0: {  	(pc) =	sbr.rel $0x88, $3  }
0x1: {  	(tag) =	ssettag $0x0;
	lr =	simm.s32 $0x1  }
0x2: {  	[smem:$0x3F9B] =	sst lr;
	_ =	strace $0xD0000000  }
0x3: {  	_ = 	snop  }
0x4: {  	_ = 	snop  }
0x5: {  	_ = 	snop  }
0x6: {  	_ = 	snop  }
0x7: {  	_ = 	snop  }
__scs_overlays_trampoline_lowered:
0x8: {  	[smem:$0x3FAA] =	sst s0  }
0x9: {  	[smem:$0x3FAB] =	sst s1  }
0xa: {  	[smem:$0x3FAC] =	sst s2  }
0xb: {  	[smem:$0x3FAD] =	sst s3  }
0xc: {  	[smem:$0x3FAE] =	sst s4  }
0xd: {  	[smem:$0x3FAF] =	sst s5  }
0xe: {  	[smem:$0x3FB0] =	sst s6  }
0xf: {  	[smem:$0x3FB1] =	sst s7  }
0x10: {  	[smem:$0x3FB2] =	sst s8  }
0x11: {  	[smem:$0x3FB3] =	sst s9;
	s0 =	simm.s32 @!p0 $0x0  }
0x12: {  	s1 =	sld [smem:$0x3F99];
	s0 =	simm.s32 @p0 $0x1  }
0x13: {  	[smem:$0x3FB4] =	sst s0;
	s0 =	simm.s32 @!p1 $0x0  }
0x14: {  	s2 =	sld [smem:$0x3F98];
	s0 =	simm.s32 @p1 $0x1  }
0x15: {  	[smem:$0x3FB5] =	sst s0;
	s0 =	simm.s32 @!p2 $0x0  }
0x16: {  	s3 =	sld [smem:$0x3FDB];
	s0 =	simm.s32 @p2 $0x1  }
0x17: {  	s4 =	simm.s32 $0x1BF5;
	[smem:$0x3FB7] =	sst s0  }
0x18: {  	s0 =	sld [smem:$0x3F9A];
	_ =	swait.ge [sflag:s4], $0x0  }
0x19: {  	s7 =	sld [smem:$0x3F9B]  }
0x1a: {  	s8 =	sadd.s32 $0xFFFFE003, lr  }
0x1b: {  	s9 =	sadd.s32 $0xFFFFFEF7, lr;
	s5 =	simm.s32 $0xFFFFFFFF;
	p2 =	slt.u32 s8, $0xFFFFF086  }
0x1c: {  	p1 =	slt.u32 s9, $0xF7A;
	s5 =	simm.s32 @!p2 $0x0  }
0x1d: {  	s5 =	simm.s32 @p1 $0x1;
	p0 =	seq.s32 s7, s2  }
0x1e: {  	s7 =	smul.u32 @!p0 $0xF7A, s2;
	p2 =	seq.s32 @!p0 s5, $0x0  }
0x1f: {  	s9 =	smul.u32 $0xF7A, s1;
	s8 =	simm.s32 @!p0 $0x1BF5;
	p2 =	por !p2, p0  }
0x20: {  	[sflag:s8] =	ssyncset.s32 @!p0 $0xFFFFF086;
	s6 =	sadd.s32 @!p0 s3, s7;
	s7 =	simm.s32 @!p0 $0x108  }
0x21: {  	s3 =	sadd.s32 s3, s9;
	s6 =	sadd.s32 @!p0 $0x88, s6;
	s7 =	simm.s32 @p2 $0x1082  }
0x22: {  	[simem:s7], [sflag:s8] =	dma.local @!p0 [hbm:s6], $0xF7A  }
0x23: {  	s9 =	sor.u32 $0xD0000000, s2;
	s6 =	simm.s32 $0x108;
	_ =	swait.ge @!p0 [sflag:s8], $0x0  }
0x24: {  	s3 =	sadd.s32 $0x88, s3;
	s6 =	simm.s32 @!p1 $0x1082;
	[sflag:s4] =	ssyncset.s32 $0xFFFFF086  }
0x25: {  	[simem:s6], [sflag:s4] =	dma.local [hbm:s3], $0xF7A  }
0x26: {  	[smem:$0x3F9B] =	sst s1;
	(tag) =	ssettag s2;
	_ =	strace s9  }
0x27: {  	s1 =	sld [smem:$0x3FAB]  }
0x28: {  	s2 =	sld [smem:$0x3FAC]  }
0x29: {  	s4 =	sld [smem:$0x3FAE]  }
0x2a: {  	p0 =	seq.s32 s5, $0x0;
	s5 =	sld [smem:$0x3FAF]  }
0x2b: {  	s6 =	sld [smem:$0x3FB0]  }
0x2c: {  	s7 =	sld [smem:$0x3FB1]  }
0x2d: {  	s3 =	simm.s32 $0x108;
	s8 =	sld [smem:$0x3FB2]  }
0x2e: {  	s3 =	simm.s32 @!p0 $0x1082;
	s9 =	sld [smem:$0x3FB3]  }
0x2f: {  	lr =	sadd.s32 s0, s3;
	s0 =	sld [smem:$0x3FAA]  }
0x30: {  	s3 =	sld [smem:$0x3FAD]  }
0x31: {  	[smem:$0x3FB6] =	sst s10  }
0x32: {  	s10 =	sld [smem:$0x3FB4];
	_ =	sdelay $0x3  }
0x33: {  	p0 =	seq.s32 s10, $0x1;
	s10 =	sld [smem:$0x3FB6];
	_ =	sdelay $0x3  }
0x34: {  	[smem:$0x3FB6] =	sst s10  }
0x35: {  	s10 =	sld [smem:$0x3FB5];
	_ =	sdelay $0x3  }
0x36: {  	p1 =	seq.s32 s10, $0x1;
	s10 =	sld [smem:$0x3FB6];
	_ =	sdelay $0x3  }
0x37: {  	[smem:$0x3FB6] =	sst s10  }
0x38: {  	s10 =	sld [smem:$0x3FB7]  }
0x39: {  	_ = 	snop;
	(pc) =	sbr.ind lr, $3  }
0x3a: {  	_ = 	snop  }
0x3b: {  	_ = 	snop  }
0x3c: {  	p2 =	seq.s32 s10, $0x1;
	s10 =	sld [smem:$0x3FB6]  }
0x3d: {  	_ =	shalt  }
0x3e: {  	_ =	shalt  }
0x3f: {  	_ =	shalt  }
0x40: {  	_ =	shalt  }
0x41: {  	_ =	shalt  }
0x42: {  	_ =	shalt  }
0x43: {  	_ =	shalt  }
0x44: {  	_ =	shalt  }
0x45: {  	_ =	shalt  }
0x46: {  	_ =	shalt  }
0x47: {  	_ =	shalt  }
0x48: {  	_ =	shalt  }
0x49: {  	_ =	shalt  }
0x4a: {  	_ =	shalt  }
0x4b: {  	_ =	shalt  }
0x4c: {  	_ =	shalt  }
0x4d: {  	_ =	shalt  }
0x4e: {  	_ =	shalt  }
0x4f: {  	_ =	shalt  }
0x50: {  	_ =	shalt  }
0x51: {  	_ =	shalt  }
0x52: {  	_ =	shalt  }
0x53: {  	_ =	shalt  }
0x54: {  	_ =	shalt  }
0x55: {  	_ =	shalt  }
0x56: {  	_ =	shalt  }
0x57: {  	_ =	shalt  }
0x58: {  	_ =	shalt  }
0x59: {  	_ =	shalt  }
0x5a: {  	_ =	shalt  }
0x5b: {  	_ =	shalt  }
0x5c: {  	_ =	shalt  }
0x5d: {  	_ =	shalt  }
0x5e: {  	_ =	shalt  }
0x5f: {  	_ =	shalt  }
0x60: {  	_ =	shalt  }
0x61: {  	_ =	shalt  }
0x62: {  	_ =	shalt  }
0x63: {  	_ =	shalt  }
0x64: {  	_ =	shalt  }
0x65: {  	_ =	shalt  }
0x66: {  	_ =	shalt  }
0x67: {  	_ =	shalt  }
0x68: {  	_ =	shalt  }
0x69: {  	_ =	shalt  }
0x6a: {  	_ =	shalt  }
0x6b: {  	_ =	shalt  }
0x6c: {  	_ =	shalt  }
0x6d: {  	_ =	shalt  }
0x6e: {  	_ =	shalt  }
0x6f: {  	_ =	shalt  }
0x70: {  	_ =	shalt  }
0x71: {  	_ =	shalt  }
0x72: {  	_ =	shalt  }
0x73: {  	_ =	shalt  }
0x74: {  	_ =	shalt  }
0x75: {  	_ =	shalt  }
0x76: {  	_ =	shalt  }
0x77: {  	_ =	shalt  }
0x78: {  	_ =	shalt  }
0x79: {  	_ =	shalt  }
0x7a: {  	_ =	shalt  }
0x7b: {  	_ =	shalt  }
0x7c: {  	_ =	shalt  }
0x7d: {  	_ =	shalt  }
0x7e: {  	_ =	shalt  }
0x7f: {  	_ =	shalt  }
0x80: {  	_ =	shalt  }
0x81: {  	_ =	shalt  }
0x82: {  	_ =	shalt  }
0x83: {  	_ =	shalt  }
0x84: {  	_ =	shalt  }
0x85: {  	_ =	shalt  }
0x86: {  	_ =	shalt  }
0x87: {  	_ =	shalt  }
.Lfunc_end0:
.L_simem_size_0:
called_computation_lowered:
.L_overlay_start_0:
0x88: {  	s2 =	sld [smem:$0x3FD9]  }
0x89: {  	s3 =	sld [smem:$0x3FFE];
	_ =	sdelay $0x1  }
0x8a: {  	s1 =	srdreg.scid  }
0x8b: {  	s0 =	sand.u32 $0x1, s1  }
0x8c: {  	s17 =	sshll.u32 s0, $0xA;
	s2 =	sadd.s32 s3, s2  }
0x8d: {  	s2 =	sadd.s32 s2, s17  }
0x8e: {  	[smem:$0x3FC2] =	sst s2  }
0x8f: {  	_ = 	snop  }
0x90: {  	s2 =	sld [smem:$0x3FD0];
	(tm) =	ssettm $0x1  }
0x91: {  	s18 =	sld [smem:$0x3FFB];
	_ =	sdelay $0x3  }
0x92: {  	_ =	strace s18  }
0x93: {  	s3 =	sld [smem:$0x3FFC];
	_ =	sdelay $0x3  }
0x94: {  	_ =	strace s3  }
0x95: {  	s3 =	sld [smem:$0x3FFD];
	_ =	sdelay $0x3  }
0x96: {  	_ =	strace s3  }
0x97: {  	_ =	strace $0x8FFFFFFF  }
0x98: {  	s19 =	sld [smem:$0x3FDB];
	_ =	sdelay $0x1  }
0x99: {  	s4 =	simm.s32 $_scs_section_size  }
0x9a: {  	s5 =	simm.s32 $_size__tile_overlayer_lowered;
	s6 =	simm.s32 $_tile_overlayer_lowered  }
0x9b: {  	s22 =	simm.s32 $0x1BFF;
	s21 =	sshll.u32 s6, $0x1;
	s3 =	sadd.s32 s4, s19  }
0x9c: {  	s7 =	simm.s32 $0x0;
	s20 =	sshll.u32 s5, $0x1;
	s5 =	sadd.s32 s21, s3  }
0x9d: {  	[timem:s7], [sflag:s22] =	dma.local [hbm:s5], s20  }
0x9e: {  	_ =	swait.ge [sflag:s22], s20  }
0x9f: {  	s4 =	ssub.s32 $0x0, s20;
	[sflag:s22] =	ssyncset.done $0x0  }
0xa0: {  	[sflag:s22] =	ssyncadd.s32 s4;
	_ =	sdelay $0x1  }
0xa1: {  	s23 =	simm.s32 $0x1B8B  }
0xa2: {  	_ =	swait.ge [sflag:s23], $0x1  }
0xa3: {  	[sflag:s23] =	ssyncset.done $0x0  }
0xa4: {  	s25 =	simm.s32 $0x1B8E;
	s24 =	sld [smem:$0x3FFE];
	[sflag:s23] =	ssyncadd.s32 $0xFFFFFFFF  }
0xa5: {  	s26 =	simm.s32 $execute0_lowered;
	[smem:$0x3FD2] =	sst s25  }
0xa6: {  	s5 =	sshll.u32 s26, $0x1;
	_ =	strace $0x80000046;
	[dreg:$0x1] =	wrdreg $0xFFFFFFFF  }
0xa7: {  	s28 =	simm.s32 $_size_execute0_lowered;
	s3 =	sadd.s32 s3, s5;
	[dreg:$0x0] =	wrdreg $0x0  }
0xa8: {  	s5 =	sshll.u32 s28, $0x1;
	[dreg:$0x2] =	wrdreg s3  }
0xa9: {  	[dreg:$0x3] =	wrdreg s5  }
0xaa: {  	[dreg:$0x4] =	wrdreg $0xC0  }
0xab: {  	_ =	task [dreg:s7], $0x5FFFF  }
0xac: {  	[dreg:$0x1] =	wrdreg $0xFFFFFFFF  }
0xad: {  	[dreg:$0x0] =	wrdreg $0x60  }
0xae: {  	[dreg:$0x2] =	wrdreg s2  }
0xaf: {  	[dreg:$0x3] =	wrdreg s24  }
0xb0: {  	[dreg:$0x4] =	wrdreg $0x9  }
0xb1: {  	_ =	task.clear_ibuf [dreg:s7], $0x5FFFF;
	_ =	strace $0x90000046  }
0xb2: {  	s29 =	simm.s32 $0x9;
	_ =	strace $0x80000048  }
0xb3: {  	_ =	swait.ge [sflag:s29], $0x1  }
0xb4: {  	[sflag:s29] =	ssyncadd.s32 $0xFFFFFFFF  }
0xb5: {  	_ =	strace $0x90000048  }
0xb6: {  	_ =	sfence  }
0xb7: {  	s30 =	sld [smem:$0x0];
	_ =	sdelay $0x2  }
0xb8: {  	s31 =	sshll.u32 s1, $0xD;
	s1 =	sshrl.u32 s1, $0x2  }
0xb9: {  	s3 =	sand.u32 $0x4000, s31;
	s1 =	sadd.s32 s1, s30  }
0xba: {  	s0 =	sor.u32 s3, s0;
	s1 =	sshll.u32 s1, $0x11  }
0xbb: {  	s0 =	sor.u32 s1, s0  }
0xbc: {  	s0 =	sadd.s32 $0x8F2B, s0  }
0xbd: {  	[sflag:s0] =	ssyncadd.remote.s32 $0x1  }
0xbe: {  	_ =	sfence.sel $0xFFFF  }
0xbf: {  	[dreg:$0x0] =	wrdreg $0xFFFFFFFF;
	(pc) =	sbr.abs _section_cstart, $3  }
0xc0: {  	[dreg:$0x1] =	wrdreg $0xFFFFFFFF  }
0xc1: {  	_ =	task.clear_ibuf [dreg:s7], $0x2FFFF;
	_ =	strace $0x9FFFFFFF  }
0xc2: {  	(tm) =	ssettm $0x7FFFFFFF  }
0xc3: {  	_ =	shalt  }
tec
execute0_lowered:
.L_overlay_start_1:
0x0: {  	(tag) =	ssettag $0x1  }
0x1: {  	s0 =	rddreg [dreg:$0x0]  }
0x2: {  	s2 =	rddreg [dreg:$0x1];
	s1 =	simm.s32 $0x0;
	v0 =	vimm.s32 $0x65432100;
	v1 =	vimm.s32 $0xEDCBA987;
	s3 =	srdreg.scid  }
0x3: {  	s4 =	stileid.u32;
	v6 =	vimm.s32 $0xDCBA9876;
	v7 =	vimm.s32 $0xBA987654;
	s14 =	simm.s32 $0x3;
	s15 =	simm.s32 $0x2710  }
0x4: {  	v2 =	vlaneseq.u32;
	v5 =	vimm.s32 $0x54321000;
	v9 =	vimm.s32 $0xFFEDCBA9;
	s17 =	simm.s32 $0x1AE60;
	s18 =	simm.s32 $0x1BE00;
	s19 =	simm.s32 $0x1CDA0  }
0x5: {  	v8 =	vimm.s32 $0xE40000;
	v10 =	vimm.s32 $0x87654321;
	s20 =	simm.s32 $0x1;
	vm0 =	vcmask $0x3F04;
	s28 =	simm.s32 $0x111C0;
	s29 =	simm.s32 $0x111D0  }
0x6: {  	vm1 =	vcmask $0x3F08;
	vm3 =	vcmask $0x3F30;
	s30 =	simm.s32 $0x2;
	v4 =	vunpack.c.l.s4.s8 v1;
	s5 =	sand.u32 $0x1, s3;
	s4 =	sshll.u32 s4, $0x1  }
0x7: {  	vm2 =	vcmask $0x3F10;
	vm4 =	vcmask $0x3F3C;
	s31 =	simm.s32 $0xEAA0;
	[smem:$0x7FF] =	sst s1;
	v3 =	vunpack.c.l.s4.s8 v0;
	s6 =	sor.u32 s5, s4  }
0x8: {  	s3 =	sadd.s32 $0xAC00, s2;
	v5 =	vunpack.c.l.s4.s8 v5;
	s8 =	sadd.s32 $0x28400, s2;
	v6 =	vunpack.c.l.s4.s8 v6;
	v4 =	vunpack.c.0.s8.s32 v4;
	s7 =	smul.u32 $0x4E20, s6  }
0x9: {  	v7 =	vunpack.c.l.s4.s8 v7;
	s9 =	sadd.s32 $0x14A00, s2;
	v8 =	vunpack.c.l.s2.s4 v8;
	s5 =	ssub.s32 $0x2, s5;
	v3 =	vunpack.c.0.s8.s32 v3;
	s10 =	smul.u32 $0x4E2, s6  }
0xa: {  	v9 =	vunpack.c.l.s4.s8 v9;
	v10 =	vunpack.c.l.s4.s8 v10;
	_ =	strace $0x80000047;
	s11 =	sshrl.u32 s5, $0x1;
	s12 =	smul.u32 $0x9C4, s6;
	v4 =	vand.u32 $0xF, v4  }
0xb: {  	s4 =	sadd.s32 $0xE00, s2;
	s5 =	ssub.s32 s5, s11;
	s7 =	sshrl.u32 s7, $0x3;
	v3 =	vcombine.low v3, v4;
	v4 =	vunpack.c.0.s8.s32 v5;
	v5 =	vimm.s32 $0x32100000  }
0xc: {  	v6 =	vunpack.c.0.s8.s32 v6;
	v7 =	vunpack.c.0.s8.s32 v7;
	s2 =	sadd.s32 s10, s2;
	s22 =	sadd.s32 s0, s12;
	s23 =	sadd.s32 s8, s12;
	v5 =	vunpack.c.l.s4.s8 v5  }
0xd: {  	v8 =	vunpack.c.l.s4.s8 v8;
	v9 =	vunpack.c.0.s8.s32 v9;
	v10 =	vunpack.c.0.s8.s32 v10;
	s25 =	sadd.s32 s9, s12;
	s13 =	smax.u32 s5, $0x1;
	[dreg:$0x3] =	wrdreg s22  }
0xe: {  	v0 =	vimm.f32 $0.0e+00;
	v6 =	vand.u32 $0xF, v6;
	s21 =	sadd.s32 $0x4E2, s7;
	s7 =	smul.u32 $0x2710, s6;
	[dreg:$0x5] =	wrdreg s23;
	v11 =	vunpack.c.0.s8.s32 v5  }
0xf: {  	v7 =	vand.u32 $0xF, v7;
	v8 =	vunpack.c.0.s8.s32 v8;
	v9 =	vcombine.low v10, v9;
	[dreg:$0x7] =	wrdreg s25;
	s12 =	sadd.s32 $0x3BE00, s2;
	s0 =	sadd.s32 s0, s21  }
0x10: {  	s22 =	simm.s32 $0x4E20;
	s24 =	sadd.s32 s8, s21;
	[dreg:$0x4] =	wrdreg s0;
	v4 =	vcombine.low v4, v6;
	v6 =	vcombine.low v11, v7;
	v11 =	vimm.s32 $0x7060504  }
0x11: {  	v1 =	vimm.f32 $-3.399999950e+38;
	s23 =	simm.s32 $0x9C60;
	s26 =	sadd.s32 s9, s21;
	v8 =	vand.u32 $0x3, v8;
	[dreg:$0x6] =	wrdreg s24;
	v10 =	vunpack.c.0.s8.s32 v11  }
0x12: {  	s25 =	simm.s32 $0xC380;
	s21 =	simm.s32 $0x111E0;
	v9 =	vand.u32 $0xF, v9;
	[dreg:$0x8] =	wrdreg s26;
	v5 =	vimm.s32 $0x0;
	v7 =	vimm.s32 $0x2710  }
0x13: {  	s24 =	simm.s32 $0x7540;
	s26 =	simm.s32 $0x15850;
	s0 =	simm.s32 $0x0;
	v8 =	vsel vm3, v10, v8;
	vm3 =	vcmask $0x3F20;
	v10 =	vimm.f32 $1.000000000e+00  }
.LBB2_1:
0x14: {  	s2 =	rddreg [dreg:$0x3]  }
0x15: {  	[tilespmem:s1], [sflag:$0x3] =	stream.linear.gather [hbm4b:s2+s1], $0x2710, $0x38;
	[tilespmem:$0x1DD40] =	vst v63  }
0x16: {  	_ =	swait.ge [sflag:s14], $0x2710  }
0x17: {  	[sflag:s14] =	ssyncset.done $0x0  }
0x18: {  	s16 =	rddreg [dreg:$0x4];
	[sflag:s14] =	ssyncadd.s32 $0xFFFFD8F0  }
0x19: {  	[tilespmem:s15], [sflag:$0x3] =	stream.linear.gather [hbm4b:s16+s1], $0x2710, $0x38;
	[tilespmem:$0x1DD40] =	vst v63  }
0x1a: {  	_ =	swait.ge [sflag:s14], $0x2710  }
0x1b: {  	[sflag:s14] =	ssyncset.done $0x0  }
0x1c: {  	s5 =	simm.s32 $0x40;
	s2 =	simm.s32 $0x0;
	[sflag:s14] =	ssyncadd.s32 $0xFFFFD8F0  }
.LBB2_2:
0x1d: {  	p0 =	sne.s32 s5, $0x9C40;
	[tilespmem:s2+$0xEAA0] =	vst v0;
	s6 =	smov.u32 s5;
	s5 =	sadd.s32 $0x40, s5  }
.Ltmp0:
0x1e: {  	[tilespmem:s2+$0xC380] =	vst v1;
	(pc) =	sbr.rel @p0 .LBB2_2-.Ltmp0, $4  }
0x1f: {  	[tilespmem:s2+$0x9C60] =	vst v1  }
0x20: {  	[tilespmem:s2+$0x4E20] =	vst v0  }
0x21: {  	[tilespmem:s2+$0x7540] =	vst v0  }
0x22: {  	s2 =	sshra.s32 s6, $0x2  }
0x23: {  	[tilespmem:s2+$0xEAA0] =	vst v0  }
0x24: {  	[tilespmem:s2+$0xC380] =	vst v1  }
0x25: {  	[tilespmem:s2+$0x9C60] =	vst v1  }
.Ltmp1:
0x26: {  	[tilespmem:s2+$0x4E20] =	vst v0;
	(pc) =	sbr.rel .LBB2_4-.Ltmp1, $4  }
0x27: {  	[tilespmem:s2+$0x7540] =	vst v0;
	s2 =	simm.s32 $0x0;
	s5 =	simm.s32 $0x19EC0  }
0x28: {  	[tilespmem:s5], [sflag:$0x1] =	stream.linear.gather [hbm4b:s3+s2], $0xFA0, $0x38;
	[tilespmem:$0x1DD40] =	vst v63  }
0x29: {  	s16 =	simm.s32 $0x0  }
0x2a: {  	[tilespmem:s17], [sflag:$0x1] =	stream.linear.gather [hbm4b:s4+s2], $0xFA0, $0x38;
	[tilespmem:$0x1DD40] =	vst v63  }
.LBB2_20:
0x2b: {  	s16 =	sadd.s32 $0x1, s16  }
0x2c: {  	p0 =	sne.s32 s16, $0x28  }
.Ltmp2:
0x2d: {  	_ = 	snop;
	(pc) =	sbr.rel @!p0 .LBB2_21-.Ltmp2, $2  }
0x2e: {  	_ =	sdelay $0x2  }
0x2f: {  	s5 =	simm.s32 $0x0  }
.LBB2_4:
0x30: {  	s5 =	smul.u32 $0x1F40, s16;
	_ =	sdelay $0x1  }
0x31: {  	s6 =	sshrl.u32 s5, $0x3  }
0x32: {  	s6 =	sadd.s32 $0x1F4, s6  }
0x33: {  	s8 =	sadd.s32 s3, s6  }
0x34: {  	[tilespmem:s18], [sflag:$0x2] =	stream.linear.gather [hbm4b:s8+s2], $0xFA0, $0x38;
	[tilespmem:$0x1DD40] =	vst v63  }
0x35: {  	s6 =	sadd.s32 s4, s6  }
0x36: {  	[tilespmem:s19], [sflag:$0x2] =	stream.linear.gather [hbm4b:s6+s2], $0xFA0, $0x38;
	[tilespmem:$0x1DD40] =	vst v63  }
0x37: {  	_ =	swait.ge [sflag:s20], $0xFA0  }
0x38: {  	[sflag:s20] =	ssyncset.done $0x0  }
0x39: {  	[sflag:s20] =	ssyncadd.s32 $0xFFFFF060  }
0x3a: {  	_ =	swait.ge [sflag:s20], $0xFA0  }
0x3b: {  	s9 =	simm.s32 $0x0;
	[sflag:s20] =	ssyncset.done $0x0  }
0x3c: {  	s8 =	simm.s32 $0x0;
	s6 =	simm.s32 $0x0;
	[sflag:s20] =	ssyncadd.s32 $0xFFFFF060  }
.LBB2_5:
0x3d: {  	s10 =	sshra.s32 s8, $0x2  }
0x3e: {  	v11 =	vld [tilespmem:s10+$0x1AE60];
	_ =	sdelay $0x7  }
0x3f: {  	v12 =	vld [tilespmem:s10+$0x19EC0];
	[tilespmem:v11+s21+$0x0] =	vst.idx.msk $0xffff, v2  }
0x40: {  	v13 =	vld.idx.msk [tilespmem:v11+s21+$0x0], $0xffff;
	_ =	sdelay $0x4  }
0x41: {  	vm5 =	vne.s32 v13, v2  }
0x42: {  	v13 =	vsel vm5, $0x2710, v11;
	_ =	sdelay $0x3  }
0x43: {  	v14 =	vld.idx.msk [tilespmem:v12+s1+$0x0], $0xffff  }
0x44: {  	v15 =	vld.idx.msk [tilespmem:v13+s22+$0x0], $0xffff;
	_ =	sdelay $0x4  }
0x45: {  	v15 =	vadd.f32 v15, v14;
	_ =	sdelay $0x1  }
0x46: {  	[tilespmem:v13+s22+$0x0] =	vst.idx.msk $0xffff, v15  }
0x47: {  	v15 =	vld.idx.msk [tilespmem:v13+s23+$0x0], $0xffff;
	_ =	sdelay $0x4  }
0x48: {  	v14 =	vmax.f32 v15, v14  }
0x49: {  	[tilespmem:v13+s23+$0x0] =	vst.idx.msk $0xffff, v14  }
0x4a: {  	v14 =	vld.idx.msk [tilespmem:v12+s15+$0x0], $0xffff  }
0x4b: {  	v56 =	vld.idx.msk [tilespmem:v13+s24+$0x0], $0xffff;
	_ =	sdelay $0x4  }
0x4c: {  	v15 =	vadd.f32 v56, v14;
	_ =	sdelay $0x1  }
0x4d: {  	[tilespmem:v13+s24+$0x0] =	vst.idx.msk $0xffff, v15  }
0x4e: {  	v15 =	vld.idx.msk [tilespmem:v13+s25+$0x0], $0xffff;
	_ =	sdelay $0x4  }
0x4f: {  	v14 =	vmax.f32 v15, v14  }
0x50: {  	[tilespmem:v13+s25+$0x0] =	vst.idx.msk $0xffff, v14  }
0x51: {  	[tilespmem:s9+$0x138F0] =	vst.msk vm5, v12  }
0x52: {  	[tilespmem:s9+$0x148A0] =	vst.msk vm5, v11  }
0x53: {  	v11 =	vld [tilespmem:s10+$0x1AE70];
	_ =	sdelay $0x7  }
0x54: {  	v12 =	vld [tilespmem:s10+$0x19ED0];
	[tilespmem:v11+s26+$0x0] =	vst.idx.msk $0xffff, v2  }
0x55: {  	v13 =	vld.idx.msk [tilespmem:v11+s26+$0x0], $0xffff;
	_ =	sdelay $0x4  }
0x56: {  	vm6 =	vne.s32 v13, v2  }
0x57: {  	v13 =	vsel vm6, $0x2710, v11;
	_ =	sdelay $0x3  }
0x58: {  	v14 =	vld.idx.msk [tilespmem:v12+s1+$0x0], $0xffff  }
0x59: {  	v57 =	vld.idx.msk [tilespmem:v13+s22+$0x0], $0xffff;
	_ =	sdelay $0x4  }
0x5a: {  	v15 =	vadd.f32 v57, v14;
	_ =	sdelay $0x1  }
0x5b: {  	v58 =	vsel vm5, $0x1, v5;
	[tilespmem:v13+s22+$0x0] =	vst.idx.msk $0xffff, v15  }
0x5c: {  	(xrf0) =	vadd.scan.msk.s32 $0xffff, v58;
	v59 =	vsel vm6, $0x1, v5;
	v16 =	vld.idx.msk [tilespmem:v13+s23+$0x0], $0xffff  }
0x5d: {  	(xrf0) =	vadd.scan.msk.s32 $0xffff, v59;
	_ =	sdelay $0x3  }
0x5e: {  	v14 =	vmax.f32 v16, v14  }
0x5f: {  	v60, _, _ =	vpop (xrf0);
	[tilespmem:v13+s23+$0x0] =	vst.idx.msk $0xffff, v14  }
0x60: {  	(v2sf) =	vpush v60, $0xF;
	v63, _, _ =	vpop (xrf0);
	v61 =	vld.idx.msk [tilespmem:v12+s15+$0x0], $0xffff  }
0x61: {  	(v2sf) =	vpush v63, $0xF;
	v62 =	vld.idx.msk [tilespmem:v13+s24+$0x0], $0xffff;
	_ =	sdelay $0x4  }
0x62: {  	v14 =	vadd.f32 v62, v61;
	_ =	sdelay $0x1  }
0x63: {  	[tilespmem:v13+s24+$0x0] =	vst.idx.msk $0xffff, v14  }
0x64: {  	v14 =	vld.idx.msk [tilespmem:v13+s25+$0x0], $0xffff;
	_ =	sdelay $0x2  }
0x65: {  	p0 =	sne.s32 s8, $0x3E00  }
.Ltmp3:
0x66: {  	_ = 	snop;
	(pc) =	sbr.rel @p0 .LBB2_5-.Ltmp3, $4  }
0x67: {  	v14 =	vmax.f32 v14, v61  }
0x68: {  	s10 =	spop (v2sf);
	[tilespmem:v13+s25+$0x0] =	vst.idx.msk $0xffff, v14  }
0x69: {  	s11 =	spop (v2sf);
	[tilespmem:s6+$0x17F60] =	vst.msk vm6, v12  }
0x6a: {  	s8 =	sadd.s32 $0x80, s8;
	s9 =	sadd.s32 s9, s10;
	[tilespmem:s6+$0x18F10] =	vst.msk vm6, v11;
	s6 =	sadd.s32 s6, s11  }
0x6b: {  	s8 =	sadd.s32 $0xF, s9  }
0x6c: {  	s10 =	sand.u32 $0xF, s8  }
0x6d: {  	s11 =	sshra.s32 s8, $0x1F;
	p1 =	slt.s32 s8, $0x1;
	p0 =	sne.s32 s10, $0x0  }
0x6e: {  	s10 =	sshrl.u32 s11, $0x1C;
	p0 =	por !p1, !p0  }
0x6f: {  	s8 =	sadd.s32 s10, s8;
	s10 =	simm.s32 $0x1;
	p0 =	por !p0, !p0  }
0x70: {  	s8 =	sshra.s32 s8, $0x4;
	s10 =	simm.s32 @!p0 $0x0  }
0x71: {  	s8 =	ssub.s32 s8, s10  }
0x72: {  	p0 =	slt.s32 s8, $0x1  }
.Ltmp4:
0x73: {  	_ = 	snop;
	(pc) =	sbr.rel @p0 .LBB2_9-.Ltmp4, $3  }
0x74: {  	_ =	sdelay $0x1  }
0x75: {  	[tilespmem:s9+$0x138F0] =	vst v5  }
0x76: {  	[tilespmem:s9+$0x148A0] =	vst v7  }
0x77: {  	s9 =	simm.s32 $0x138F0;
	s10 =	simm.s32 $0x148A0  }
.LBB2_8:
0x78: {  	v11 =	vld [tilespmem:s10+$0x0];
	_ =	sdelay $0x4  }
0x79: {  	v11 =	vxor.u32 $0x80000000, v11  }
0x7a: {  	(xrf1) =	vsort.ascd.msk.u32 $0xffff, v11, v2;
	_ =	sdelay $0xb  }
0x7b: {  	v11 =	vld [tilespmem:s9+$0x0];
	_ =	sdelay $0x1  }
0x7c: {  	v12, v13, _ =	vpop (xrf1);
	_ =	sdelay $0x2  }
0x7d: {  	[tilespmem:$0x111C0] =	vst v11  }
0x7e: {  	v11 =	vld.idx.msk [tilespmem:v13+s28+$0x0], $0xffff;
	_ =	sdelay $0x5  }
0x7f: {  	v12 =	vxor.u32 $0x80000000, v12  }
0x80: {  	[tilespmem:$0x111C0] =	vst v12  }
0x81: {  	v14 =	vld.idx.msk [tilespmem:v11+s1+$0x0], $0xffff  }
0x82: {  	v40 =	vld.idx.msk [tilespmem:v3+s28+$0x0], $0xffff  }
0x83: {  	v15 =	vld.idx.msk [tilespmem:v4+s28+$0x0], $0xffff  }
0x84: {  	v16 =	vld.idx.msk [tilespmem:v6+s28+$0x0], $0xffff  }
0x85: {  	v17 =	vld.idx.msk [tilespmem:v8+s28+$0x0], $0xffff  }
0x86: {  	v18 =	vld.idx.msk [tilespmem:v9+s28+$0x0], $0xffff;
	[tilespmem:$0x111D0] =	vst v14  }
0x87: {  	v19 =	vld.idx.msk [tilespmem:v3+s29+$0x0], $0xffff;
	_ =	sdelay $0x2  }
0x88: {  	vm5 =	veq.s32 v12, v40  }
0x89: {  	vm5 =	vmand vm5, vm0  }
0x8a: {  	v41 =	vmax.f32 v14, v19;
	v19 =	vnsel vm5, $0x0, v19  }
0x8b: {  	v13 =	vsel vm5, v41, v14;
	v14 =	vadd.f32 v19, v14  }
0x8c: {  	[tilespmem:$0x111D0] =	vst v13  }
0x8d: {  	v42 =	vld.idx.msk [tilespmem:v4+s29+$0x0], $0xffff;
	[tilespmem:$0x111D0] =	vst v14  }
0x8e: {  	v20 =	vld.idx.msk [tilespmem:v4+s29+$0x0], $0xffff;
	_ =	sdelay $0x2  }
0x8f: {  	vm6 =	veq.s32 v12, v15  }
0x90: {  	vm6 =	vmand vm6, vm1  }
0x91: {  	v43 =	vmax.f32 v13, v42;
	v44 =	vnsel vm6, $0x0, v20  }
0x92: {  	v13 =	vsel vm6, v43, v13;
	v14 =	vadd.f32 v44, v14  }
0x93: {  	[tilespmem:$0x111D0] =	vst v13  }
0x94: {  	v45 =	vld.idx.msk [tilespmem:v6+s29+$0x0], $0xffff;
	[tilespmem:$0x111D0] =	vst v14  }
0x95: {  	v46 =	vld.idx.msk [tilespmem:v6+s29+$0x0], $0xffff;
	_ =	sdelay $0x2  }
0x96: {  	vm7 =	veq.s32 v12, v16  }
0x97: {  	vm7 =	vmand vm7, vm2  }
0x98: {  	vm8 =	vne.s32 v12, v18;
	v15 =	vmax.f32 v13, v45;
	v47 =	vnsel vm7, $0x0, v46  }
0x99: {  	vm8 =	vmor vm8, vm4;
	v13 =	vsel vm7, v15, v13;
	v14 =	vadd.f32 v47, v14  }
0x9a: {  	v48 =	vnsel vm8, $0x2710, v12;
	[tilespmem:$0x111D0] =	vst v13  }
0x9b: {  	v49 =	vld.idx.msk [tilespmem:v8+s29+$0x0], $0xffff;
	[tilespmem:$0x111D0] =	vst v14  }
0x9c: {  	v50 =	vld.idx.msk [tilespmem:v8+s29+$0x0], $0xffff;
	_ =	sdelay $0x2  }
0x9d: {  	vm15 =	veq.s32 v12, v17;
	v51 =	vld.idx.msk [tilespmem:v48+s22+$0x0], $0xffff  }
0x9e: {  	vm8 =	vmand vm15, vm3  }
0x9f: {  	v52 =	vnsel vm8, $0x0, v50  }
0xa0: {  	v14 =	vadd.f32 v52, v14;
	_ =	sdelay $0x1  }
0xa1: {  	v12 =	vadd.f32 v14, v51;
	_ =	sdelay $0x1  }
0xa2: {  	[tilespmem:v48+s22+$0x0] =	vst.idx.msk $0xffff, v12  }
0xa3: {  	v12 =	vld.idx.msk [tilespmem:v48+s23+$0x0], $0xffff;
	_ =	sdelay $0x2  }
0xa4: {  	v53 =	vmax.f32 v13, v49  }
0xa5: {  	v13 =	vsel vm8, v53, v13  }
0xa6: {  	v12 =	vmax.f32 v12, v13  }
0xa7: {  	[tilespmem:v48+s23+$0x0] =	vst.idx.msk $0xffff, v12  }
0xa8: {  	v11 =	vld.idx.msk [tilespmem:v11+s15+$0x0], $0xffff;
	_ =	sdelay $0x4  }
0xa9: {  	[tilespmem:$0x111D0] =	vst v11  }
0xaa: {  	v12 =	vld.idx.msk [tilespmem:v3+s29+$0x0], $0xffff;
	_ =	sdelay $0x4  }
0xab: {  	v54 =	vmax.f32 v11, v12;
	v12 =	vnsel vm5, $0x0, v12  }
0xac: {  	v13 =	vsel vm5, v54, v11;
	v11 =	vadd.f32 v12, v11  }
0xad: {  	[tilespmem:$0x111D0] =	vst v13  }
0xae: {  	v55 =	vld.idx.msk [tilespmem:v4+s29+$0x0], $0xffff;
	[tilespmem:$0x111D0] =	vst v11  }
0xaf: {  	v56 =	vld.idx.msk [tilespmem:v4+s29+$0x0], $0xffff;
	_ =	sdelay $0x4  }
0xb0: {  	v12 =	vmax.f32 v13, v55;
	v57 =	vnsel vm6, $0x0, v56  }
0xb1: {  	v12 =	vsel vm6, v12, v13;
	v11 =	vadd.f32 v57, v11  }
0xb2: {  	[tilespmem:$0x111D0] =	vst v12  }
0xb3: {  	v58 =	vld.idx.msk [tilespmem:v6+s29+$0x0], $0xffff;
	[tilespmem:$0x111D0] =	vst v11  }
0xb4: {  	v59 =	vld.idx.msk [tilespmem:v6+s29+$0x0], $0xffff;
	_ =	sdelay $0x4  }
0xb5: {  	v13 =	vmax.f32 v12, v58;
	v60 =	vnsel vm7, $0x0, v59  }
0xb6: {  	v12 =	vsel vm7, v13, v12;
	v11 =	vadd.f32 v60, v11  }
0xb7: {  	[tilespmem:$0x111D0] =	vst v12  }
0xb8: {  	v61 =	vld.idx.msk [tilespmem:v8+s29+$0x0], $0xffff;
	[tilespmem:$0x111D0] =	vst v11  }
0xb9: {  	v62 =	vld.idx.msk [tilespmem:v8+s29+$0x0], $0xffff;
	_ =	sdelay $0x2  }
0xba: {  	v63 =	vld.idx.msk [tilespmem:v48+s24+$0x0], $0xffff;
	_ =	sdelay $0x1  }
0xbb: {  	v14 =	vnsel vm8, $0x0, v62  }
0xbc: {  	v11 =	vadd.f32 v14, v11;
	_ =	sdelay $0x1  }
0xbd: {  	v11 =	vadd.f32 v11, v63;
	_ =	sdelay $0x1  }
0xbe: {  	[tilespmem:v48+s24+$0x0] =	vst.idx.msk $0xffff, v11  }
0xbf: {  	v11 =	vld.idx.msk [tilespmem:v48+s25+$0x0], $0xffff  }
0xc0: {  	p0 =	sne.s32 s8, $0x1  }
.Ltmp5:
0xc1: {  	_ = 	snop;
	(pc) =	sbr.rel @p0 .LBB2_8-.Ltmp5, $4  }
0xc2: {  	v13 =	vmax.f32 v12, v61  }
0xc3: {  	v12 =	vsel vm8, v13, v12  }
0xc4: {  	v11 =	vmax.f32 v11, v12  }
0xc5: {  	s10 =	sadd.s32 $0x10, s10;
	s8 =	sadd.s32 $0xFFFFFFFF, s8;
	s9 =	sadd.s32 $0x10, s9;
	[tilespmem:v48+s25+$0x0] =	vst.idx.msk $0xffff, v11  }
.LBB2_9:
0xc6: {  	s8 =	sadd.s32 $0xF, s6  }
0xc7: {  	s9 =	sand.u32 $0xF, s8  }
0xc8: {  	s11 =	sshra.s32 s8, $0x1F;
	p1 =	slt.s32 s8, $0x1;
	p0 =	sne.s32 s9, $0x0  }
0xc9: {  	s9 =	sshrl.u32 s11, $0x1C;
	p0 =	por !p1, !p0  }
0xca: {  	s8 =	sadd.s32 s9, s8;
	s9 =	simm.s32 $0x1;
	p0 =	por !p0, !p0  }
0xcb: {  	s8 =	sshra.s32 s8, $0x4;
	s9 =	simm.s32 @!p0 $0x0  }
0xcc: {  	s8 =	ssub.s32 s8, s9  }
0xcd: {  	p0 =	slt.s32 s8, $0x1  }
.Ltmp6:
0xce: {  	_ = 	snop;
	(pc) =	sbr.rel @p0 .LBB2_12-.Ltmp6, $3  }
0xcf: {  	_ =	sdelay $0x1  }
0xd0: {  	[tilespmem:s6+$0x17F60] =	vst v5  }
0xd1: {  	[tilespmem:s6+$0x18F10] =	vst v7  }
0xd2: {  	s6 =	simm.s32 $0x17F60;
	s9 =	simm.s32 $0x18F10  }
.LBB2_11:
0xd3: {  	v11 =	vld [tilespmem:s9+$0x0];
	_ =	sdelay $0x4  }
0xd4: {  	v11 =	vxor.u32 $0x80000000, v11  }
0xd5: {  	(xrf1) =	vsort.ascd.msk.u32 $0xffff, v11, v2;
	_ =	sdelay $0xb  }
0xd6: {  	v11 =	vld [tilespmem:s6+$0x0];
	_ =	sdelay $0x1  }
0xd7: {  	v12, v13, _ =	vpop (xrf1);
	_ =	sdelay $0x2  }
0xd8: {  	[tilespmem:$0x111C0] =	vst v11  }
0xd9: {  	v11 =	vld.idx.msk [tilespmem:v13+s28+$0x0], $0xffff;
	_ =	sdelay $0x5  }
0xda: {  	v12 =	vxor.u32 $0x80000000, v12  }
0xdb: {  	[tilespmem:$0x111C0] =	vst v12  }
0xdc: {  	v14 =	vld.idx.msk [tilespmem:v11+s1+$0x0], $0xffff  }
0xdd: {  	v40 =	vld.idx.msk [tilespmem:v3+s28+$0x0], $0xffff  }
0xde: {  	v15 =	vld.idx.msk [tilespmem:v4+s28+$0x0], $0xffff  }
0xdf: {  	v16 =	vld.idx.msk [tilespmem:v6+s28+$0x0], $0xffff  }
0xe0: {  	v17 =	vld.idx.msk [tilespmem:v8+s28+$0x0], $0xffff  }
0xe1: {  	v18 =	vld.idx.msk [tilespmem:v9+s28+$0x0], $0xffff;
	[tilespmem:$0x111D0] =	vst v14  }
0xe2: {  	v19 =	vld.idx.msk [tilespmem:v3+s29+$0x0], $0xffff;
	_ =	sdelay $0x2  }
0xe3: {  	vm5 =	veq.s32 v12, v40  }
0xe4: {  	vm5 =	vmand vm5, vm0  }
0xe5: {  	v41 =	vmax.f32 v14, v19;
	v19 =	vnsel vm5, $0x0, v19  }
0xe6: {  	v13 =	vsel vm5, v41, v14;
	v14 =	vadd.f32 v19, v14  }
0xe7: {  	[tilespmem:$0x111D0] =	vst v13  }
0xe8: {  	v42 =	vld.idx.msk [tilespmem:v4+s29+$0x0], $0xffff;
	[tilespmem:$0x111D0] =	vst v14  }
0xe9: {  	v20 =	vld.idx.msk [tilespmem:v4+s29+$0x0], $0xffff;
	_ =	sdelay $0x2  }
0xea: {  	vm6 =	veq.s32 v12, v15  }
0xeb: {  	vm6 =	vmand vm6, vm1  }
0xec: {  	v43 =	vmax.f32 v13, v42;
	v44 =	vnsel vm6, $0x0, v20  }
0xed: {  	v13 =	vsel vm6, v43, v13;
	v14 =	vadd.f32 v44, v14  }
0xee: {  	[tilespmem:$0x111D0] =	vst v13  }
0xef: {  	v45 =	vld.idx.msk [tilespmem:v6+s29+$0x0], $0xffff;
	[tilespmem:$0x111D0] =	vst v14  }
0xf0: {  	v46 =	vld.idx.msk [tilespmem:v6+s29+$0x0], $0xffff;
	_ =	sdelay $0x2  }
0xf1: {  	vm7 =	veq.s32 v12, v16  }
0xf2: {  	vm7 =	vmand vm7, vm2  }
0xf3: {  	vm8 =	vne.s32 v12, v18;
	v15 =	vmax.f32 v13, v45;
	v47 =	vnsel vm7, $0x0, v46  }
0xf4: {  	vm8 =	vmor vm8, vm4;
	v13 =	vsel vm7, v15, v13;
	v14 =	vadd.f32 v47, v14  }
0xf5: {  	v48 =	vnsel vm8, $0x2710, v12;
	[tilespmem:$0x111D0] =	vst v13  }
0xf6: {  	v49 =	vld.idx.msk [tilespmem:v8+s29+$0x0], $0xffff;
	[tilespmem:$0x111D0] =	vst v14  }
0xf7: {  	v50 =	vld.idx.msk [tilespmem:v8+s29+$0x0], $0xffff;
	_ =	sdelay $0x2  }
0xf8: {  	vm15 =	veq.s32 v12, v17;
	v51 =	vld.idx.msk [tilespmem:v48+s22+$0x0], $0xffff  }
0xf9: {  	vm8 =	vmand vm15, vm3  }
0xfa: {  	v52 =	vnsel vm8, $0x0, v50  }
0xfb: {  	v14 =	vadd.f32 v52, v14;
	_ =	sdelay $0x1  }
0xfc: {  	v12 =	vadd.f32 v14, v51;
	_ =	sdelay $0x1  }
0xfd: {  	[tilespmem:v48+s22+$0x0] =	vst.idx.msk $0xffff, v12  }
0xfe: {  	v12 =	vld.idx.msk [tilespmem:v48+s23+$0x0], $0xffff;
	_ =	sdelay $0x2  }
0xff: {  	v53 =	vmax.f32 v13, v49  }
0x100: {  	v13 =	vsel vm8, v53, v13  }
0x101: {  	v12 =	vmax.f32 v12, v13  }
0x102: {  	[tilespmem:v48+s23+$0x0] =	vst.idx.msk $0xffff, v12  }
0x103: {  	v11 =	vld.idx.msk [tilespmem:v11+s15+$0x0], $0xffff;
	_ =	sdelay $0x4  }
0x104: {  	[tilespmem:$0x111D0] =	vst v11  }
0x105: {  	v12 =	vld.idx.msk [tilespmem:v3+s29+$0x0], $0xffff;
	_ =	sdelay $0x4  }
0x106: {  	v54 =	vmax.f32 v11, v12;
	v12 =	vnsel vm5, $0x0, v12  }
0x107: {  	v13 =	vsel vm5, v54, v11;
	v11 =	vadd.f32 v12, v11  }
0x108: {  	[tilespmem:$0x111D0] =	vst v13  }
0x109: {  	v55 =	vld.idx.msk [tilespmem:v4+s29+$0x0], $0xffff;
	[tilespmem:$0x111D0] =	vst v11  }
0x10a: {  	v56 =	vld.idx.msk [tilespmem:v4+s29+$0x0], $0xffff;
	_ =	sdelay $0x4  }
0x10b: {  	v12 =	vmax.f32 v13, v55;
	v57 =	vnsel vm6, $0x0, v56  }
0x10c: {  	v12 =	vsel vm6, v12, v13;
	v11 =	vadd.f32 v57, v11  }
0x10d: {  	[tilespmem:$0x111D0] =	vst v12  }
0x10e: {  	v58 =	vld.idx.msk [tilespmem:v6+s29+$0x0], $0xffff;
	[tilespmem:$0x111D0] =	vst v11  }
0x10f: {  	v59 =	vld.idx.msk [tilespmem:v6+s29+$0x0], $0xffff;
	_ =	sdelay $0x4  }
0x110: {  	v13 =	vmax.f32 v12, v58;
	v60 =	vnsel vm7, $0x0, v59  }
0x111: {  	v12 =	vsel vm7, v13, v12;
	v11 =	vadd.f32 v60, v11  }
0x112: {  	[tilespmem:$0x111D0] =	vst v12  }
0x113: {  	v61 =	vld.idx.msk [tilespmem:v8+s29+$0x0], $0xffff;
	[tilespmem:$0x111D0] =	vst v11  }
0x114: {  	v62 =	vld.idx.msk [tilespmem:v8+s29+$0x0], $0xffff;
	_ =	sdelay $0x2  }
0x115: {  	v63 =	vld.idx.msk [tilespmem:v48+s24+$0x0], $0xffff;
	_ =	sdelay $0x1  }
0x116: {  	v14 =	vnsel vm8, $0x0, v62  }
0x117: {  	v11 =	vadd.f32 v14, v11;
	_ =	sdelay $0x1  }
0x118: {  	v11 =	vadd.f32 v11, v63;
	_ =	sdelay $0x1  }
0x119: {  	[tilespmem:v48+s24+$0x0] =	vst.idx.msk $0xffff, v11  }
0x11a: {  	v11 =	vld.idx.msk [tilespmem:v48+s25+$0x0], $0xffff  }
0x11b: {  	p0 =	sne.s32 s8, $0x1  }
.Ltmp7:
0x11c: {  	_ = 	snop;
	(pc) =	sbr.rel @p0 .LBB2_11-.Ltmp7, $4  }
0x11d: {  	v13 =	vmax.f32 v12, v61  }
0x11e: {  	v12 =	vsel vm8, v13, v12  }
0x11f: {  	v11 =	vmax.f32 v11, v12  }
0x120: {  	s9 =	sadd.s32 $0x10, s9;
	s8 =	sadd.s32 $0xFFFFFFFF, s8;
	s6 =	sadd.s32 $0x10, s6;
	[tilespmem:v48+s25+$0x0] =	vst.idx.msk $0xffff, v11  }
.LBB2_12:
0x121: {  	p0 =	seq.s32 s16, $0x27  }
0x122: {  	s5 =	sshrl.u32 @!p0 s5, $0x3  }
0x123: {  	s5 =	sadd.s32 @!p0 $0x3E8, s5  }
0x124: {  	s8 =	simm.s32 @!p0 $0x0;
	s9 =	simm.s32 @!p0 $0x19EC0;
	s6 =	sadd.s32 @!p0 s3, s5  }
0x125: {  	[tilespmem:s9], [sflag:$0x1] =	stream.linear.gather @!p0 [hbm4b:s6+s8], $0xFA0, $0x38;
	[tilespmem:$0x1DD40] =	vst v63  }
0x126: {  	s5 =	sadd.s32 @!p0 s4, s5;
	s6 =	simm.s32 @!p0 $0x1AE60  }
0x127: {  	[tilespmem:s6], [sflag:$0x1] =	stream.linear.gather @!p0 [hbm4b:s5+s8], $0xFA0, $0x38;
	[tilespmem:$0x1DD40] =	vst v63  }
0x128: {  	_ =	swait.ge [sflag:s30], $0xFA0  }
0x129: {  	[sflag:s30] =	ssyncset.done $0x0  }
0x12a: {  	[sflag:s30] =	ssyncadd.s32 $0xFFFFF060  }
0x12b: {  	_ =	swait.ge [sflag:s30], $0xFA0  }
0x12c: {  	s6 =	simm.s32 $0x0;
	[sflag:s30] =	ssyncset.done $0x0  }
0x12d: {  	s5 =	simm.s32 $0x0;
	s8 =	simm.s32 $0x0;
	[sflag:s30] =	ssyncadd.s32 $0xFFFFF060  }
.LBB2_13:
0x12e: {  	s9 =	sshra.s32 s6, $0x2  }
0x12f: {  	v11 =	vld [tilespmem:s9+$0x1CDA0];
	_ =	sdelay $0x7  }
0x130: {  	v12 =	vld [tilespmem:s9+$0x1BE00];
	[tilespmem:v11+s21+$0x0] =	vst.idx.msk $0xffff, v2  }
0x131: {  	v13 =	vld.idx.msk [tilespmem:v11+s21+$0x0], $0xffff;
	_ =	sdelay $0x4  }
0x132: {  	vm5 =	vne.s32 v13, v2  }
0x133: {  	v13 =	vsel vm5, $0x2710, v11;
	_ =	sdelay $0x3  }
0x134: {  	v14 =	vld.idx.msk [tilespmem:v12+s1+$0x0], $0xffff  }
0x135: {  	v15 =	vld.idx.msk [tilespmem:v13+s22+$0x0], $0xffff;
	_ =	sdelay $0x4  }
0x136: {  	v15 =	vadd.f32 v15, v14;
	_ =	sdelay $0x1  }
0x137: {  	[tilespmem:v13+s22+$0x0] =	vst.idx.msk $0xffff, v15  }
0x138: {  	v15 =	vld.idx.msk [tilespmem:v13+s23+$0x0], $0xffff;
	_ =	sdelay $0x4  }
0x139: {  	v14 =	vmax.f32 v15, v14  }
0x13a: {  	[tilespmem:v13+s23+$0x0] =	vst.idx.msk $0xffff, v14  }
0x13b: {  	v14 =	vld.idx.msk [tilespmem:v12+s15+$0x0], $0xffff  }
0x13c: {  	v56 =	vld.idx.msk [tilespmem:v13+s24+$0x0], $0xffff;
	_ =	sdelay $0x4  }
0x13d: {  	v15 =	vadd.f32 v56, v14;
	_ =	sdelay $0x1  }
0x13e: {  	[tilespmem:v13+s24+$0x0] =	vst.idx.msk $0xffff, v15  }
0x13f: {  	v15 =	vld.idx.msk [tilespmem:v13+s25+$0x0], $0xffff;
	_ =	sdelay $0x4  }
0x140: {  	v14 =	vmax.f32 v15, v14  }
0x141: {  	[tilespmem:v13+s25+$0x0] =	vst.idx.msk $0xffff, v14  }
0x142: {  	[tilespmem:s8+$0x138F0] =	vst.msk vm5, v12  }
0x143: {  	[tilespmem:s8+$0x148A0] =	vst.msk vm5, v11  }
0x144: {  	v11 =	vld [tilespmem:s9+$0x1CDB0];
	_ =	sdelay $0x7  }
0x145: {  	v12 =	vld [tilespmem:s9+$0x1BE10];
	[tilespmem:v11+s26+$0x0] =	vst.idx.msk $0xffff, v2  }
0x146: {  	v13 =	vld.idx.msk [tilespmem:v11+s26+$0x0], $0xffff;
	_ =	sdelay $0x4  }
0x147: {  	vm6 =	vne.s32 v13, v2  }
0x148: {  	v13 =	vsel vm6, $0x2710, v11;
	_ =	sdelay $0x3  }
0x149: {  	v14 =	vld.idx.msk [tilespmem:v12+s1+$0x0], $0xffff  }
0x14a: {  	v57 =	vld.idx.msk [tilespmem:v13+s22+$0x0], $0xffff;
	_ =	sdelay $0x4  }
0x14b: {  	v15 =	vadd.f32 v57, v14;
	_ =	sdelay $0x1  }
0x14c: {  	v58 =	vsel vm5, $0x1, v5;
	[tilespmem:v13+s22+$0x0] =	vst.idx.msk $0xffff, v15  }
0x14d: {  	(xrf0) =	vadd.scan.msk.s32 $0xffff, v58;
	v59 =	vsel vm6, $0x1, v5;
	v16 =	vld.idx.msk [tilespmem:v13+s23+$0x0], $0xffff  }
0x14e: {  	(xrf0) =	vadd.scan.msk.s32 $0xffff, v59;
	_ =	sdelay $0x3  }
0x14f: {  	v14 =	vmax.f32 v16, v14  }
0x150: {  	v60, _, _ =	vpop (xrf0);
	[tilespmem:v13+s23+$0x0] =	vst.idx.msk $0xffff, v14  }
0x151: {  	(v2sf) =	vpush v60, $0xF;
	v63, _, _ =	vpop (xrf0);
	v61 =	vld.idx.msk [tilespmem:v12+s15+$0x0], $0xffff  }
0x152: {  	(v2sf) =	vpush v63, $0xF;
	v62 =	vld.idx.msk [tilespmem:v13+s24+$0x0], $0xffff;
	_ =	sdelay $0x4  }
0x153: {  	v14 =	vadd.f32 v62, v61;
	_ =	sdelay $0x1  }
0x154: {  	[tilespmem:v13+s24+$0x0] =	vst.idx.msk $0xffff, v14  }
0x155: {  	v14 =	vld.idx.msk [tilespmem:v13+s25+$0x0], $0xffff;
	_ =	sdelay $0x2  }
0x156: {  	p0 =	sne.s32 s6, $0x3E00  }
.Ltmp8:
0x157: {  	_ = 	snop;
	(pc) =	sbr.rel @p0 .LBB2_13-.Ltmp8, $4  }
0x158: {  	v14 =	vmax.f32 v14, v61  }
0x159: {  	s11 =	spop (v2sf);
	[tilespmem:v13+s25+$0x0] =	vst.idx.msk $0xffff, v14  }
0x15a: {  	s10 =	spop (v2sf);
	[tilespmem:s5+$0x17F60] =	vst.msk vm6, v12  }
0x15b: {  	s6 =	sadd.s32 $0x80, s6;
	s8 =	sadd.s32 s8, s11;
	[tilespmem:s5+$0x18F10] =	vst.msk vm6, v11;
	s5 =	sadd.s32 s5, s10  }
0x15c: {  	s6 =	sadd.s32 $0xF, s8  }
0x15d: {  	s9 =	sand.u32 $0xF, s6  }
0x15e: {  	s11 =	sshra.s32 s6, $0x1F;
	p1 =	slt.s32 s6, $0x1;
	p0 =	sne.s32 s9, $0x0  }
0x15f: {  	s9 =	sshrl.u32 s11, $0x1C;
	p0 =	por !p1, !p0  }
0x160: {  	s6 =	sadd.s32 s9, s6;
	s9 =	simm.s32 $0x1;
	p0 =	por !p0, !p0  }
0x161: {  	s6 =	sshra.s32 s6, $0x4;
	s9 =	simm.s32 @!p0 $0x0  }
0x162: {  	s6 =	ssub.s32 s6, s9  }
0x163: {  	p0 =	slt.s32 s6, $0x1  }
.Ltmp9:
0x164: {  	_ = 	snop;
	(pc) =	sbr.rel @p0 .LBB2_17-.Ltmp9, $3  }
0x165: {  	_ =	sdelay $0x1  }
0x166: {  	[tilespmem:s8+$0x138F0] =	vst v5  }
0x167: {  	[tilespmem:s8+$0x148A0] =	vst v7  }
0x168: {  	s8 =	simm.s32 $0x138F0;
	s9 =	simm.s32 $0x148A0  }
.LBB2_16:
0x169: {  	v11 =	vld [tilespmem:s9+$0x0];
	_ =	sdelay $0x4  }
0x16a: {  	v11 =	vxor.u32 $0x80000000, v11  }
0x16b: {  	(xrf1) =	vsort.ascd.msk.u32 $0xffff, v11, v2;
	_ =	sdelay $0xb  }
0x16c: {  	v11 =	vld [tilespmem:s8+$0x0];
	_ =	sdelay $0x1  }
0x16d: {  	v12, v13, _ =	vpop (xrf1);
	_ =	sdelay $0x2  }
0x16e: {  	[tilespmem:$0x111C0] =	vst v11  }
0x16f: {  	v11 =	vld.idx.msk [tilespmem:v13+s28+$0x0], $0xffff;
	_ =	sdelay $0x5  }
0x170: {  	v12 =	vxor.u32 $0x80000000, v12  }
0x171: {  	[tilespmem:$0x111C0] =	vst v12  }
0x172: {  	v14 =	vld.idx.msk [tilespmem:v11+s1+$0x0], $0xffff  }
0x173: {  	v40 =	vld.idx.msk [tilespmem:v3+s28+$0x0], $0xffff  }
0x174: {  	v15 =	vld.idx.msk [tilespmem:v4+s28+$0x0], $0xffff  }
0x175: {  	v16 =	vld.idx.msk [tilespmem:v6+s28+$0x0], $0xffff  }
0x176: {  	v17 =	vld.idx.msk [tilespmem:v8+s28+$0x0], $0xffff  }
0x177: {  	v18 =	vld.idx.msk [tilespmem:v9+s28+$0x0], $0xffff;
	[tilespmem:$0x111D0] =	vst v14  }
0x178: {  	v19 =	vld.idx.msk [tilespmem:v3+s29+$0x0], $0xffff;
	_ =	sdelay $0x2  }
0x179: {  	vm5 =	veq.s32 v12, v40  }
0x17a: {  	vm5 =	vmand vm5, vm0  }
0x17b: {  	v41 =	vmax.f32 v14, v19;
	v19 =	vnsel vm5, $0x0, v19  }
0x17c: {  	v13 =	vsel vm5, v41, v14;
	v14 =	vadd.f32 v19, v14  }
0x17d: {  	[tilespmem:$0x111D0] =	vst v13  }
0x17e: {  	v42 =	vld.idx.msk [tilespmem:v4+s29+$0x0], $0xffff;
	[tilespmem:$0x111D0] =	vst v14  }
0x17f: {  	v20 =	vld.idx.msk [tilespmem:v4+s29+$0x0], $0xffff;
	_ =	sdelay $0x2  }
0x180: {  	vm6 =	veq.s32 v12, v15  }
0x181: {  	vm6 =	vmand vm6, vm1  }
0x182: {  	v43 =	vmax.f32 v13, v42;
	v44 =	vnsel vm6, $0x0, v20  }
0x183: {  	v13 =	vsel vm6, v43, v13;
	v14 =	vadd.f32 v44, v14  }
0x184: {  	[tilespmem:$0x111D0] =	vst v13  }
0x185: {  	v45 =	vld.idx.msk [tilespmem:v6+s29+$0x0], $0xffff;
	[tilespmem:$0x111D0] =	vst v14  }
0x186: {  	v46 =	vld.idx.msk [tilespmem:v6+s29+$0x0], $0xffff;
	_ =	sdelay $0x2  }
0x187: {  	vm7 =	veq.s32 v12, v16  }
0x188: {  	vm7 =	vmand vm7, vm2  }
0x189: {  	vm8 =	vne.s32 v12, v18;
	v15 =	vmax.f32 v13, v45;
	v47 =	vnsel vm7, $0x0, v46  }
0x18a: {  	vm8 =	vmor vm8, vm4;
	v13 =	vsel vm7, v15, v13;
	v14 =	vadd.f32 v47, v14  }
0x18b: {  	v48 =	vnsel vm8, $0x2710, v12;
	[tilespmem:$0x111D0] =	vst v13  }
0x18c: {  	v49 =	vld.idx.msk [tilespmem:v8+s29+$0x0], $0xffff;
	[tilespmem:$0x111D0] =	vst v14  }
0x18d: {  	v50 =	vld.idx.msk [tilespmem:v8+s29+$0x0], $0xffff;
	_ =	sdelay $0x2  }
0x18e: {  	vm15 =	veq.s32 v12, v17;
	v51 =	vld.idx.msk [tilespmem:v48+s22+$0x0], $0xffff  }
0x18f: {  	vm8 =	vmand vm15, vm3  }
0x190: {  	v52 =	vnsel vm8, $0x0, v50  }
0x191: {  	v14 =	vadd.f32 v52, v14;
	_ =	sdelay $0x1  }
0x192: {  	v12 =	vadd.f32 v14, v51;
	_ =	sdelay $0x1  }
0x193: {  	[tilespmem:v48+s22+$0x0] =	vst.idx.msk $0xffff, v12  }
0x194: {  	v12 =	vld.idx.msk [tilespmem:v48+s23+$0x0], $0xffff;
	_ =	sdelay $0x2  }
0x195: {  	v53 =	vmax.f32 v13, v49  }
0x196: {  	v13 =	vsel vm8, v53, v13  }
0x197: {  	v12 =	vmax.f32 v12, v13  }
0x198: {  	[tilespmem:v48+s23+$0x0] =	vst.idx.msk $0xffff, v12  }
0x199: {  	v11 =	vld.idx.msk [tilespmem:v11+s15+$0x0], $0xffff;
	_ =	sdelay $0x4  }
0x19a: {  	[tilespmem:$0x111D0] =	vst v11  }
0x19b: {  	v12 =	vld.idx.msk [tilespmem:v3+s29+$0x0], $0xffff;
	_ =	sdelay $0x4  }
0x19c: {  	v54 =	vmax.f32 v11, v12;
	v12 =	vnsel vm5, $0x0, v12  }
0x19d: {  	v13 =	vsel vm5, v54, v11;
	v11 =	vadd.f32 v12, v11  }
0x19e: {  	[tilespmem:$0x111D0] =	vst v13  }
0x19f: {  	v55 =	vld.idx.msk [tilespmem:v4+s29+$0x0], $0xffff;
	[tilespmem:$0x111D0] =	vst v11  }
0x1a0: {  	v56 =	vld.idx.msk [tilespmem:v4+s29+$0x0], $0xffff;
	_ =	sdelay $0x4  }
0x1a1: {  	v12 =	vmax.f32 v13, v55;
	v57 =	vnsel vm6, $0x0, v56  }
0x1a2: {  	v12 =	vsel vm6, v12, v13;
	v11 =	vadd.f32 v57, v11  }
0x1a3: {  	[tilespmem:$0x111D0] =	vst v12  }
0x1a4: {  	v58 =	vld.idx.msk [tilespmem:v6+s29+$0x0], $0xffff;
	[tilespmem:$0x111D0] =	vst v11  }
0x1a5: {  	v59 =	vld.idx.msk [tilespmem:v6+s29+$0x0], $0xffff;
	_ =	sdelay $0x4  }
0x1a6: {  	v13 =	vmax.f32 v12, v58;
	v60 =	vnsel vm7, $0x0, v59  }
0x1a7: {  	v12 =	vsel vm7, v13, v12;
	v11 =	vadd.f32 v60, v11  }
0x1a8: {  	[tilespmem:$0x111D0] =	vst v12  }
0x1a9: {  	v61 =	vld.idx.msk [tilespmem:v8+s29+$0x0], $0xffff;
	[tilespmem:$0x111D0] =	vst v11  }
0x1aa: {  	v62 =	vld.idx.msk [tilespmem:v8+s29+$0x0], $0xffff;
	_ =	sdelay $0x2  }
0x1ab: {  	v63 =	vld.idx.msk [tilespmem:v48+s24+$0x0], $0xffff;
	_ =	sdelay $0x1  }
0x1ac: {  	v14 =	vnsel vm8, $0x0, v62  }
0x1ad: {  	v11 =	vadd.f32 v14, v11;
	_ =	sdelay $0x1  }
0x1ae: {  	v11 =	vadd.f32 v11, v63;
	_ =	sdelay $0x1  }
0x1af: {  	[tilespmem:v48+s24+$0x0] =	vst.idx.msk $0xffff, v11  }
0x1b0: {  	v11 =	vld.idx.msk [tilespmem:v48+s25+$0x0], $0xffff  }
0x1b1: {  	p0 =	sne.s32 s6, $0x1  }
.Ltmp10:
0x1b2: {  	_ = 	snop;
	(pc) =	sbr.rel @p0 .LBB2_16-.Ltmp10, $4  }
0x1b3: {  	v13 =	vmax.f32 v12, v61  }
0x1b4: {  	v12 =	vsel vm8, v13, v12  }
0x1b5: {  	v11 =	vmax.f32 v11, v12  }
0x1b6: {  	s9 =	sadd.s32 $0x10, s9;
	s6 =	sadd.s32 $0xFFFFFFFF, s6;
	s8 =	sadd.s32 $0x10, s8;
	[tilespmem:v48+s25+$0x0] =	vst.idx.msk $0xffff, v11  }
.LBB2_17:
0x1b7: {  	s6 =	sadd.s32 $0xF, s5  }
0x1b8: {  	s8 =	sand.u32 $0xF, s6  }
0x1b9: {  	s11 =	sshra.s32 s6, $0x1F;
	p1 =	slt.s32 s6, $0x1;
	p0 =	sne.s32 s8, $0x0  }
0x1ba: {  	s8 =	sshrl.u32 s11, $0x1C;
	p0 =	por !p1, !p0  }
0x1bb: {  	s6 =	sadd.s32 s8, s6;
	s8 =	simm.s32 $0x1;
	p0 =	por !p0, !p0  }
0x1bc: {  	s6 =	sshra.s32 s6, $0x4;
	s8 =	simm.s32 @!p0 $0x0  }
0x1bd: {  	s6 =	ssub.s32 s6, s8  }
0x1be: {  	p0 =	slt.s32 s6, $0x1  }
.Ltmp11:
0x1bf: {  	_ = 	snop;
	(pc) =	sbr.rel @p0 .LBB2_20-.Ltmp11, $3  }
0x1c0: {  	_ =	sdelay $0x1  }
0x1c1: {  	[tilespmem:s5+$0x17F60] =	vst v5  }
0x1c2: {  	[tilespmem:s5+$0x18F10] =	vst v7  }
0x1c3: {  	s5 =	simm.s32 $0x17F60;
	s8 =	simm.s32 $0x18F10  }
.LBB2_19:
0x1c4: {  	v11 =	vld [tilespmem:s8+$0x0];
	_ =	sdelay $0x4  }
0x1c5: {  	v11 =	vxor.u32 $0x80000000, v11  }
0x1c6: {  	(xrf1) =	vsort.ascd.msk.u32 $0xffff, v11, v2;
	_ =	sdelay $0xb  }
0x1c7: {  	v11 =	vld [tilespmem:s5+$0x0];
	_ =	sdelay $0x1  }
0x1c8: {  	v12, v13, _ =	vpop (xrf1);
	_ =	sdelay $0x2  }
0x1c9: {  	[tilespmem:$0x111C0] =	vst v11  }
0x1ca: {  	v11 =	vld.idx.msk [tilespmem:v13+s28+$0x0], $0xffff;
	_ =	sdelay $0x5  }
0x1cb: {  	v12 =	vxor.u32 $0x80000000, v12  }
0x1cc: {  	[tilespmem:$0x111C0] =	vst v12  }
0x1cd: {  	v14 =	vld.idx.msk [tilespmem:v11+s1+$0x0], $0xffff  }
0x1ce: {  	v40 =	vld.idx.msk [tilespmem:v3+s28+$0x0], $0xffff  }
0x1cf: {  	v15 =	vld.idx.msk [tilespmem:v4+s28+$0x0], $0xffff  }
0x1d0: {  	v16 =	vld.idx.msk [tilespmem:v6+s28+$0x0], $0xffff  }
0x1d1: {  	v17 =	vld.idx.msk [tilespmem:v8+s28+$0x0], $0xffff  }
0x1d2: {  	v18 =	vld.idx.msk [tilespmem:v9+s28+$0x0], $0xffff;
	[tilespmem:$0x111D0] =	vst v14  }
0x1d3: {  	v19 =	vld.idx.msk [tilespmem:v3+s29+$0x0], $0xffff;
	_ =	sdelay $0x2  }
0x1d4: {  	vm5 =	veq.s32 v12, v40  }
0x1d5: {  	vm5 =	vmand vm5, vm0  }
0x1d6: {  	v41 =	vmax.f32 v14, v19;
	v19 =	vnsel vm5, $0x0, v19  }
0x1d7: {  	v13 =	vsel vm5, v41, v14;
	v14 =	vadd.f32 v19, v14  }
0x1d8: {  	[tilespmem:$0x111D0] =	vst v13  }
0x1d9: {  	v42 =	vld.idx.msk [tilespmem:v4+s29+$0x0], $0xffff;
	[tilespmem:$0x111D0] =	vst v14  }
0x1da: {  	v20 =	vld.idx.msk [tilespmem:v4+s29+$0x0], $0xffff;
	_ =	sdelay $0x2  }
0x1db: {  	vm6 =	veq.s32 v12, v15  }
0x1dc: {  	vm6 =	vmand vm6, vm1  }
0x1dd: {  	v43 =	vmax.f32 v13, v42;
	v44 =	vnsel vm6, $0x0, v20  }
0x1de: {  	v13 =	vsel vm6, v43, v13;
	v14 =	vadd.f32 v44, v14  }
0x1df: {  	[tilespmem:$0x111D0] =	vst v13  }
0x1e0: {  	v45 =	vld.idx.msk [tilespmem:v6+s29+$0x0], $0xffff;
	[tilespmem:$0x111D0] =	vst v14  }
0x1e1: {  	v46 =	vld.idx.msk [tilespmem:v6+s29+$0x0], $0xffff;
	_ =	sdelay $0x2  }
0x1e2: {  	vm7 =	veq.s32 v12, v16  }
0x1e3: {  	vm7 =	vmand vm7, vm2  }
0x1e4: {  	vm8 =	vne.s32 v12, v18;
	v15 =	vmax.f32 v13, v45;
	v47 =	vnsel vm7, $0x0, v46  }
0x1e5: {  	vm8 =	vmor vm8, vm4;
	v13 =	vsel vm7, v15, v13;
	v14 =	vadd.f32 v47, v14  }
0x1e6: {  	v48 =	vnsel vm8, $0x2710, v12;
	[tilespmem:$0x111D0] =	vst v13  }
0x1e7: {  	v49 =	vld.idx.msk [tilespmem:v8+s29+$0x0], $0xffff;
	[tilespmem:$0x111D0] =	vst v14  }
0x1e8: {  	v50 =	vld.idx.msk [tilespmem:v8+s29+$0x0], $0xffff;
	_ =	sdelay $0x2  }
0x1e9: {  	vm15 =	veq.s32 v12, v17;
	v51 =	vld.idx.msk [tilespmem:v48+s22+$0x0], $0xffff  }
0x1ea: {  	vm8 =	vmand vm15, vm3  }
0x1eb: {  	v52 =	vnsel vm8, $0x0, v50  }
0x1ec: {  	v14 =	vadd.f32 v52, v14;
	_ =	sdelay $0x1  }
0x1ed: {  	v12 =	vadd.f32 v14, v51;
	_ =	sdelay $0x1  }
0x1ee: {  	[tilespmem:v48+s22+$0x0] =	vst.idx.msk $0xffff, v12  }
0x1ef: {  	v12 =	vld.idx.msk [tilespmem:v48+s23+$0x0], $0xffff;
	_ =	sdelay $0x2  }
0x1f0: {  	v53 =	vmax.f32 v13, v49  }
0x1f1: {  	v13 =	vsel vm8, v53, v13  }
0x1f2: {  	v12 =	vmax.f32 v12, v13  }
0x1f3: {  	[tilespmem:v48+s23+$0x0] =	vst.idx.msk $0xffff, v12  }
0x1f4: {  	v11 =	vld.idx.msk [tilespmem:v11+s15+$0x0], $0xffff;
	_ =	sdelay $0x4  }
0x1f5: {  	[tilespmem:$0x111D0] =	vst v11  }
0x1f6: {  	v12 =	vld.idx.msk [tilespmem:v3+s29+$0x0], $0xffff;
	_ =	sdelay $0x4  }
0x1f7: {  	v54 =	vmax.f32 v11, v12;
	v12 =	vnsel vm5, $0x0, v12  }
0x1f8: {  	v13 =	vsel vm5, v54, v11;
	v11 =	vadd.f32 v12, v11  }
0x1f9: {  	[tilespmem:$0x111D0] =	vst v13  }
0x1fa: {  	v55 =	vld.idx.msk [tilespmem:v4+s29+$0x0], $0xffff;
	[tilespmem:$0x111D0] =	vst v11  }
0x1fb: {  	v56 =	vld.idx.msk [tilespmem:v4+s29+$0x0], $0xffff;
	_ =	sdelay $0x4  }
0x1fc: {  	v12 =	vmax.f32 v13, v55;
	v57 =	vnsel vm6, $0x0, v56  }
0x1fd: {  	v12 =	vsel vm6, v12, v13;
	v11 =	vadd.f32 v57, v11  }
0x1fe: {  	[tilespmem:$0x111D0] =	vst v12  }
0x1ff: {  	v58 =	vld.idx.msk [tilespmem:v6+s29+$0x0], $0xffff;
	[tilespmem:$0x111D0] =	vst v11  }
0x200: {  	v59 =	vld.idx.msk [tilespmem:v6+s29+$0x0], $0xffff;
	_ =	sdelay $0x4  }
0x201: {  	v13 =	vmax.f32 v12, v58;
	v60 =	vnsel vm7, $0x0, v59  }
0x202: {  	v12 =	vsel vm7, v13, v12;
	v11 =	vadd.f32 v60, v11  }
0x203: {  	[tilespmem:$0x111D0] =	vst v12  }
0x204: {  	v61 =	vld.idx.msk [tilespmem:v8+s29+$0x0], $0xffff;
	[tilespmem:$0x111D0] =	vst v11  }
0x205: {  	v62 =	vld.idx.msk [tilespmem:v8+s29+$0x0], $0xffff;
	_ =	sdelay $0x2  }
0x206: {  	v63 =	vld.idx.msk [tilespmem:v48+s24+$0x0], $0xffff;
	_ =	sdelay $0x1  }
0x207: {  	v14 =	vnsel vm8, $0x0, v62  }
0x208: {  	v11 =	vadd.f32 v14, v11;
	_ =	sdelay $0x1  }
0x209: {  	v11 =	vadd.f32 v11, v63;
	_ =	sdelay $0x1  }
0x20a: {  	[tilespmem:v48+s24+$0x0] =	vst.idx.msk $0xffff, v11  }
0x20b: {  	v11 =	vld.idx.msk [tilespmem:v48+s25+$0x0], $0xffff  }
0x20c: {  	p0 =	sne.s32 s6, $0x1  }
.Ltmp12:
0x20d: {  	_ = 	snop;
	(pc) =	sbr.rel @p0 .LBB2_19-.Ltmp12, $4  }
0x20e: {  	v13 =	vmax.f32 v12, v61  }
0x20f: {  	v12 =	vsel vm8, v13, v12  }
0x210: {  	v11 =	vmax.f32 v11, v12  }
0x211: {  	s8 =	sadd.s32 $0x10, s8;
	s6 =	sadd.s32 $0xFFFFFFFF, s6;
	s5 =	sadd.s32 $0x10, s5;
	[tilespmem:v48+s25+$0x0] =	vst.idx.msk $0xffff, v11  }
.Ltmp13:
0x212: {  	_ = 	snop;
	(pc) =	sbr.rel .LBB2_20-.Ltmp13, $1  }
0x213: {  	_ =	sdelay $0x3  }
.LBB2_21:
0x214: {  	s2 =	simm.s32 $0x0  }
.LBB2_22:
0x215: {  	s6 =	smul.u32 $0x7D0, s2;
	_ =	sdelay $0x1  }
0x216: {  	s6 =	sadd.s32 s7, s6  }
0x217: {  	s6 =	sshrl.u32 s6, $0x3  }
0x218: {  	s6 =	sadd.s32 s4, s6  }
0x219: {  	[tilespmem:s17], [sflag:$0x3] =	stream.linear.gather [hbm4b:s6+s5], $0x7D0, $0x38;
	[tilespmem:$0x1DD40] =	vst v63  }
0x21a: {  	_ =	swait.ge [sflag:s14], $0x7D0  }
0x21b: {  	[sflag:s14] =	ssyncset.done $0x0  }
0x21c: {  	s16 =	simm.s32 $0x0;
	[sflag:s14] =	ssyncadd.s32 $0xFFFFF830  }
0x21d: {  	v11 =	vld [tilespmem:s16+$0x1AE60];
	_ =	sdelay $0x4  }
0x21e: {  	v11 =	vxor.u32 $0x80000000, v11  }
0x21f: {  	(xrf1) =	vsort.ascd.msk.u32 $0xffff, v11, v2;
	_ =	sdelay $0xd  }
0x220: {  	v11, _, _ =	vpop (xrf1)  }
0x221: {  	v13 =	vxor.u32 $0x80000000, v11  }
0x222: {  	[tilespmem:$0x111C0] =	vst v13  }
0x223: {  	v11 =	vld.idx.msk [tilespmem:v9+s28+$0x0], $0xffff  }
0x224: {  	v14 =	vld.idx.msk [tilespmem:v8+s28+$0x0], $0xffff  }
0x225: {  	v12 =	vld.idx.msk [tilespmem:v6+s28+$0x0], $0xffff  }
0x226: {  	v15 =	vld.idx.msk [tilespmem:v3+s28+$0x0], $0xffff  }
0x227: {  	v16 =	vld.idx.msk [tilespmem:v4+s28+$0x0], $0xffff;
	[tilespmem:$0x111D0] =	vst v10  }
0x228: {  	v17 =	vld.idx.msk [tilespmem:v3+s29+$0x0], $0xffff;
	_ =	sdelay $0x4  }
0x229: {  	vm5 =	veq.s32 v13, v15;
	v15 =	vadd.f32 $1.000000000e+00, v17  }
0x22a: {  	vm5 =	vmand vm5, vm0  }
0x22b: {  	v15 =	vnsel vm5, $0x3F800000, v15  }
0x22c: {  	[tilespmem:$0x111D0] =	vst v15  }
0x22d: {  	v61 =	vld.idx.msk [tilespmem:v4+s29+$0x0], $0xffff;
	_ =	sdelay $0x2  }
0x22e: {  	vm5 =	veq.s32 v13, v16  }
0x22f: {  	vm5 =	vmand vm5, vm1  }
0x230: {  	v62 =	vnsel vm5, $0x0, v61  }
0x231: {  	v15 =	vadd.f32 v62, v15;
	_ =	sdelay $0x1  }
0x232: {  	[tilespmem:$0x111D0] =	vst v15  }
0x233: {  	v63 =	vld.idx.msk [tilespmem:v6+s29+$0x0], $0xffff;
	_ =	sdelay $0x2  }
0x234: {  	vm5 =	veq.s32 v13, v12  }
0x235: {  	vm5 =	vmand vm5, vm2  }
0x236: {  	v12 =	vnsel vm5, $0x0, v63;
	vm5 =	vne.s32 v13, v11  }
0x237: {  	v12 =	vadd.f32 v12, v15;
	vm5 =	vmor vm5, vm4  }
0x238: {  	v11 =	vnsel vm5, $0x2710, v13  }
0x239: {  	[tilespmem:$0x111D0] =	vst v12  }
0x23a: {  	v15 =	vld.idx.msk [tilespmem:v8+s29+$0x0], $0xffff;
	_ =	sdelay $0x2  }
0x23b: {  	vm5 =	veq.s32 v13, v14;
	v13 =	vld.idx.msk [tilespmem:v11+s31+$0x0], $0xffff  }
0x23c: {  	vm5 =	vmand vm5, vm3  }
0x23d: {  	s6 =	simm.s32 $0x40;
	v14 =	vnsel vm5, $0x0, v15  }
.LBB2_23:
0x23e: {  	p0 =	sne.s32 s6, $0x1F00;
	v12 =	vadd.f32 v14, v12;
	s8 =	smov.u32 s6;
	s6 =	sadd.s32 $0x40, s6  }
0x23f: {  	_ = 	snop  }
0x240: {  	v12 =	vadd.f32 v12, v13;
	_ =	sdelay $0x1  }
0x241: {  	s8 =	sshra.s32 s8, $0x2;
	[tilespmem:v11+s31+$0x0] =	vst.idx.msk $0xffff, v12  }
0x242: {  	v11 =	vld [tilespmem:s8+$0x1AE60];
	_ =	sdelay $0x4  }
0x243: {  	v11 =	vxor.u32 $0x80000000, v11  }
0x244: {  	(xrf1) =	vsort.ascd.msk.u32 $0xffff, v11, v2;
	_ =	sdelay $0xd  }
0x245: {  	v11, _, _ =	vpop (xrf1)  }
0x246: {  	v11 =	vxor.u32 $0x80000000, v11  }
0x247: {  	[tilespmem:$0x111C0] =	vst v11  }
0x248: {  	v12 =	vld.idx.msk [tilespmem:v9+s28+$0x0], $0xffff  }
0x249: {  	v13 =	vld.idx.msk [tilespmem:v8+s28+$0x0], $0xffff  }
0x24a: {  	v14 =	vld.idx.msk [tilespmem:v6+s28+$0x0], $0xffff  }
0x24b: {  	v15 =	vld.idx.msk [tilespmem:v3+s28+$0x0], $0xffff  }
0x24c: {  	v16 =	vld.idx.msk [tilespmem:v4+s28+$0x0], $0xffff  }
0x24d: {  	[tilespmem:$0x111D0] =	vst v10  }
0x24e: {  	vm6 =	vne.s32 v11, v12;
	v12 =	vld.idx.msk [tilespmem:v3+s29+$0x0], $0xffff  }
0x24f: {  	vm5 =	veq.s32 v11, v13;
	vm6 =	vmor vm6, vm4  }
0x250: {  	vm7 =	veq.s32 v11, v14  }
0x251: {  	vm8 =	veq.s32 v11, v15  }
0x252: {  	vm9 =	veq.s32 v11, v16;
	_ =	sdelay $0x1  }
0x253: {  	vm8 =	vmand vm8, vm0;
	v12 =	vadd.f32 $1.000000000e+00, v12;
	_ =	sdelay $0x1  }
0x254: {  	v12 =	vnsel vm8, $0x3F800000, v12  }
0x255: {  	[tilespmem:$0x111D0] =	vst v12  }
0x256: {  	v13 =	vld.idx.msk [tilespmem:v4+s29+$0x0], $0xffff;
	_ =	sdelay $0x3  }
0x257: {  	vm8 =	vmand vm9, vm1;
	_ =	sdelay $0x1  }
0x258: {  	v13 =	vnsel vm8, $0x0, v13  }
0x259: {  	v12 =	vadd.f32 v13, v12;
	_ =	sdelay $0x1  }
0x25a: {  	[tilespmem:$0x111D0] =	vst v12  }
0x25b: {  	v13 =	vld.idx.msk [tilespmem:v6+s29+$0x0], $0xffff;
	_ =	sdelay $0x3  }
0x25c: {  	vm7 =	vmand vm7, vm2;
	_ =	sdelay $0x1  }
0x25d: {  	v11 =	vnsel vm6, $0x2710, v11;
	v13 =	vnsel vm7, $0x0, v13  }
0x25e: {  	v12 =	vadd.f32 v13, v12;
	_ =	sdelay $0x1  }
0x25f: {  	[tilespmem:$0x111D0] =	vst v12  }
0x260: {  	v14 =	vld.idx.msk [tilespmem:v8+s29+$0x0], $0xffff  }
0x261: {  	v13 =	vld.idx.msk [tilespmem:v11+s31+$0x0], $0xffff  }
.Ltmp14:
0x262: {  	(pc) =	sbr.rel @p0 .LBB2_23-.Ltmp14, $3  }
0x263: {  	_ = 	snop  }
0x264: {  	vm5 =	vmand vm5, vm3;
	_ =	sdelay $0x1  }
0x265: {  	v14 =	vnsel vm5, $0x0, v14  }
0x266: {  	s2 =	sadd.s32 $0x1, s2  }
0x267: {  	p0 =	sne.s32 s2, $0x5  }
.Ltmp15:
0x268: {  	v12 =	vadd.f32 v14, v12;
	(pc) =	sbr.rel @p0 .LBB2_22-.Ltmp15, $3  }
0x269: {  	_ = 	snop  }
0x26a: {  	v12 =	vadd.f32 v12, v13;
	_ =	sdelay $0x1  }
0x26b: {  	[tilespmem:v11+s31+$0x0] =	vst.idx.msk $0xffff, v12  }
0x26c: {  	s2 =	rddreg [dreg:$0x5]  }
0x26d: {  	[hbm4b:s2+s1] =	stream.linear.scatter [tilespmem:s22], [sflag:$0x3], $0x2710, $0x38;
	[tilespmem:$0x1DD40] =	vst v63  }
0x26e: {  	_ =	swait.ge [sflag:s14], $0x2710  }
0x26f: {  	[sflag:s14] =	ssyncset.done $0x0  }
0x270: {  	s10 =	rddreg [dreg:$0x6];
	[sflag:s14] =	ssyncadd.s32 $0xFFFFD8F0  }
0x271: {  	[hbm4b:s10+s1] =	stream.linear.scatter [tilespmem:s24], [sflag:$0x3], $0x2710, $0x38;
	[tilespmem:$0x1DD40] =	vst v63  }
0x272: {  	_ =	swait.ge [sflag:s14], $0x2710  }
0x273: {  	[sflag:s14] =	ssyncset.done $0x0  }
0x274: {  	s11 =	rddreg [dreg:$0x7];
	[sflag:s14] =	ssyncadd.s32 $0xFFFFD8F0  }
0x275: {  	[hbm4b:s11+s1] =	stream.linear.scatter [tilespmem:s23], [sflag:$0x3], $0x2710, $0x38;
	[tilespmem:$0x1DD40] =	vst v63  }
0x276: {  	_ =	swait.ge [sflag:s14], $0x2710  }
0x277: {  	[sflag:s14] =	ssyncset.done $0x0  }
0x278: {  	s16 =	rddreg [dreg:$0x8];
	[sflag:s14] =	ssyncadd.s32 $0xFFFFD8F0  }
0x279: {  	[hbm4b:s16+s1] =	stream.linear.scatter [tilespmem:s25], [sflag:$0x3], $0x2710, $0x38;
	[tilespmem:$0x1DD40] =	vst v63  }
0x27a: {  	s0 =	sadd.s32 $0x1, s0;
	_ =	swait.ge [sflag:s14], $0x2710  }
0x27b: {  	p0 =	sne.s32 s0, s13;
	[sflag:s14] =	ssyncset.done $0x0  }
.Ltmp16:
0x27c: {  	[sflag:s14] =	ssyncadd.s32 $0xFFFFD8F0;
	(pc) =	sbr.rel @p0 .LBB2_1-.Ltmp16, $4  }
0x27d: {  	[hbm4b:s12+s1] =	stream.linear.scatter [tilespmem:s31], [sflag:$0x3], $0x2710, $0x38;
	[tilespmem:$0x1DD40] =	vst v63  }
0x27e: {  	_ =	swait.ge [sflag:s14], $0x2710  }
0x27f: {  	[sflag:s14] =	ssyncset.done $0x0  }
0x280: {  	[sflag:s14] =	ssyncadd.s32 $0xFFFFD8F0  }
0x281: {  	_ =	sfence.sel $0x180000  }
0x282: {  	[bflag:$0x0] =	sbarrier.arrive $0xFFFF  }
0x283: {  	_ =	strace $0x90000047  }
0x284: {  	s0 =	stileid.u32;
	[bflag:$0x2] =	sbarrier.arrive $0xFFFF  }
0x285: {  	p0 =	sne.s32 s0, $0x0;
	s0 =	rddreg [dreg:$0x2]  }
0x286: {  	s0 =	sadd.s32 @!p0 $0x100000, s0  }
0x287: {  	[sflag:s0] =	ssyncadd.tile.s32 @!p0 $0x1;
	_ =	shalt  }
.Lfunc_end2:
_tile_overlayer_lowered:
.L_overlay_start_2:
0x288: {  	(tag) =	ssettag $0x2  }
0x289: {  	s0 =	rddreg [dreg:$0x0];
	s2 =	stileid.u32  }
0x28a: {  	s1 =	rddreg [dreg:$0x1];
	p0 =	sne.s32 s2, $0x0  }
0x28b: {  	s3 =	rddreg [dreg:$0x2];
	[bflag:$0x3] =	sbarrier.arrive $0xFFFF;
	s2 =	simm.s32 @!p0 $0x1C03  }
0x28c: {  	[timem:s3], [sflag:s2] =	dma.local @!p0 [hbm:s0], s1  }
0x28d: {  	s0 =	simm.s32 @!p0 $0x3  }
0x28e: {  	_ =	swait.ge @!p0 [sflag:s0], s1  }
0x28f: {  	s1 =	ssub.s32 @!p0 $0x0, s1;
	[sflag:s0] =	ssyncset.done @!p0 $0x0  }
0x290: {  	[sflag:s0] =	ssyncadd.s32 @!p0 s1  }
0x291: {  	[bflag:$0x3] =	sbarrier.arrive $0xFFFF  }
0x292: {  	_ =	shalt  }

</sc_bundles>
